<compile_context>
chip_gen: v7x
topology: tpu7x:2x2x1
jax: 0.10.2.dev20260603
libtpu: 0.0.44.dev20260713+nightly
codegen_flags: <defaults>
</compile_context>

<pallas_src>
import functools

import jax
import jax.numpy as jnp
from jax import lax
from jax.experimental import pallas as pl
from jax.experimental.pallas import tpu as pltpu
from jax.experimental.pallas import tpu_sc as plsc

N_USERS = 25000
N_NODES = 50000
D = 64
H = 32
E = 800000
CH = 128
N_TILES = 16
PTE = 50176
EP = PTE * N_TILES
NCH = PTE // CH
RA = 50176
PTR = RA // N_TILES
ZR = 196
NSLOT = 4
TRASH = 50000

_mesh = plsc.VectorSubcoreMesh(core_axis_name="c", subcore_axis_name="s")


@functools.partial(
    pl.kernel,
    mesh=_mesh,
    compiler_params=pltpu.CompilerParams(use_tc_tiling_on_sc=False),
    out_type=pltpu.HBM((2 * RA, H), jnp.float32),
    scratch_types=[
        pltpu.VMEM_SHARED((RA, H), jnp.float32),
        pltpu.VMEM((ZR, H), jnp.float32),
    ] + [pltpu.VMEM((CH,), jnp.int32) for _ in range(NSLOT)]
      + [pltpu.VMEM((CH,), jnp.int32) for _ in range(NSLOT)]
      + [pltpu.VMEM((CH, H), jnp.float32) for _ in range(NSLOT)]
      + [pltpu.SemaphoreType.DMA for _ in range(NSLOT)],
)
def _propagate(y2, rowp, col2p, zrows, out, acc, zbuf, *slots):
    rowvs = slots[0:NSLOT]
    colvs = slots[NSLOT:2 * NSLOT]
    rowsvs = slots[2 * NSLOT:3 * NSLOT]
    sems = slots[3 * NSLOT:4 * NSLOT]
    c = lax.axis_index("c")
    s = lax.axis_index("s")

    pltpu.sync_copy(zrows, zbuf)
    for i in range(PTR // ZR):
        pltpu.sync_copy(zbuf, acc.at[pl.ds(s * PTR + i * ZR, ZR), :])
    plsc.subcore_barrier()

    def chunk(j, carry):
        copies = []
        for k in range(NSLOT):
            ebase = s * PTE + (j * NSLOT + k) * CH
            pltpu.sync_copy(rowp.at[pl.ds(ebase, CH)], rowvs[k])
            pltpu.sync_copy(col2p.at[pl.ds(c * EP + ebase, CH)], colvs[k])
            copies.append(
                pltpu.async_copy(y2.at[colvs[k]], rowsvs[k], sems[k]))
        for k in range(NSLOT):
            copies[k].wait()
            pltpu.sync_copy(rowsvs[k], acc.at[rowvs[k]], add=True)
        return carry

    lax.fori_loop(0, NCH // NSLOT, chunk, 0)
    plsc.subcore_barrier()

    for i in range(PTR // ZR):
        pltpu.sync_copy(acc.at[pl.ds(s * PTR + i * ZR, ZR), :], zbuf)
        pltpu.sync_copy(
            zbuf, out.at[pl.ds(c * RA + s * PTR + i * ZR, ZR), :])


def kernel(user_emb_weight, item_emb_weight, edge_index):
    row = edge_index[0].astype(jnp.int32)
    col = edge_index[1].astype(jnp.int32)

    deg = jnp.bincount(row, length=N_NODES).astype(jnp.float32) + 1e-07
    dis = jnp.power(deg, -0.5)

    rowp = jnp.concatenate([row, jnp.full((EP - E,), TRASH, jnp.int32)])
    colp = jnp.concatenate([col, jnp.zeros((EP - E,), jnp.int32)])
    col2p = jnp.concatenate([colp, colp + N_NODES])
    zrows = jnp.zeros((ZR, H), jnp.float32)

    x = jnp.concatenate([user_emb_weight, item_emb_weight], axis=0)
    acc = x
    y = x * dis[:, None]
    for _ in range(3):
        y2 = jnp.concatenate([y[:, :H], y[:, H:]], axis=0)
        o = _propagate(y2, rowp, col2p, zrows)
        o = jax.device_put(o, jax.memory.Space.Device)
        seg = jnp.concatenate(
            [o[:N_NODES, :], o[RA:RA + N_NODES, :]], axis=1)
        x = seg * dis[:, None]
        acc = acc + x
        y = x * dis[:, None]

    mean = acc * 0.25
    return mean[:N_USERS], mean[N_USERS:]

# --- scband reference (transcript-rebuilt; emitter-appended) ---
"""Pipeline reference for scband-light-gcn-24910810317344 (READ-ONLY COPY).

The authoritative reference and input builder live on the scoring server;
editing this copy changes nothing except your own understanding.
"""

import jax, jax.numpy as jnp
import numpy as np

USER_COUNT = 25000
ITEM_COUNT = 25000
N = USER_COUNT + ITEM_COUNT
EMB_DIM = 64
N_EDGES = 800000
N_LAYERS = 3


def setup_inputs(seed: int = 0) -> dict:
    key = jax.random.key(seed)
    k1, k2, k3 = jax.random.split(key, 3)
    user_emb_weight = jax.random.normal(k1, (USER_COUNT, EMB_DIM), dtype=jnp.float32)
    item_emb_weight = jax.random.normal(k2, (ITEM_COUNT, EMB_DIM), dtype=jnp.float32)
    edge_index = jax.random.randint(k3, (2, N_EDGES), 0, N, dtype=jnp.int64)
    return {
        "user_emb_weight": user_emb_weight,
        "item_emb_weight": item_emb_weight,
        "edge_index": edge_index,
    }


def reference(user_emb_weight, item_emb_weight, edge_index):
    row = edge_index[0]
    col = edge_index[1]
    # degree = row-sums of the binary adjacency A (as in scipy A.sum(axis=1))
    deg = jnp.bincount(row, length=N).astype(jnp.float32) + 1e-07
    d_inv_sqrt = jnp.power(deg, -0.5)
    # normalized edge values: D^-1/2 A D^-1/2
    vals = d_inv_sqrt[row] * d_inv_sqrt[col]

    all_embeddings = jnp.concatenate([user_emb_weight, item_emb_weight], axis=0)
    embeddings_list = [all_embeddings]
    emb = all_embeddings
    for _ in range(N_LAYERS):
        # sparse matmul: out[i] = sum_{(i,j) in E} vals_ij * emb[j]
        gathered = emb[col] * vals[:, None]
        emb = jax.ops.segment_sum(gathered, row, num_segments=N)
        embeddings_list.append(emb)
    stacked = jnp.stack(embeddings_list, axis=1)  # [N, L+1, d]
    mean_emb = jnp.mean(stacked, axis=1)          # [N, d]
    user_all = mean_emb[:USER_COUNT]
    item_all = mean_emb[USER_COUNT:]
    return (user_all, item_all)

if __name__ == "__main__":
    import jax
    _d = setup_inputs()
    print(jax.jit(kernel)(*tuple(_d.values())))

</pallas_src>

<mosaic_0001>
#map = affine_map<(d0, d1) -> (0, 0)>
#map1 = affine_map<(d0, d1) -> (0)>
module attributes {stable_mosaic.version = 14 : i64} {
  func.func @_propagate(%arg0: i32, %arg1: i32, %arg2: memref<100000x32xf32, #tpu.memory_space<hbm>>, %arg3: memref<802816xi32, #tpu.memory_space<hbm>>, %arg4: memref<1605632xi32, #tpu.memory_space<hbm>>, %arg5: memref<196x32xf32, #tpu.memory_space<hbm>>, %arg6: memref<100352x32xf32, #tpu.memory_space<hbm>>, %arg7: memref<50176x32xf32, #tpu.memory_space<vmem_shared>>, %arg8: memref<196x32xf32, #tpu.memory_space<vmem>>, %arg9: memref<128xi32, #tpu.memory_space<vmem>>, %arg10: memref<128xi32, #tpu.memory_space<vmem>>, %arg11: memref<128xi32, #tpu.memory_space<vmem>>, %arg12: memref<128xi32, #tpu.memory_space<vmem>>, %arg13: memref<128xi32, #tpu.memory_space<vmem>>, %arg14: memref<128xi32, #tpu.memory_space<vmem>>, %arg15: memref<128xi32, #tpu.memory_space<vmem>>, %arg16: memref<128xi32, #tpu.memory_space<vmem>>, %arg17: memref<128x32xf32, #tpu.memory_space<vmem>>, %arg18: memref<128x32xf32, #tpu.memory_space<vmem>>, %arg19: memref<128x32xf32, #tpu.memory_space<vmem>>, %arg20: memref<128x32xf32, #tpu.memory_space<vmem>>, %arg21: memref<!tpu.dma_semaphore, #tpu.memory_space<semaphore_mem>>, %arg22: memref<!tpu.dma_semaphore, #tpu.memory_space<semaphore_mem>>, %arg23: memref<!tpu.dma_semaphore, #tpu.memory_space<semaphore_mem>>, %arg24: memref<!tpu.dma_semaphore, #tpu.memory_space<semaphore_mem>>) attributes {dimension_semantics = [#tpu.dimension_semantics<core_parallel>, #tpu.dimension_semantics<subcore_parallel>], iteration_bounds = array<i64: 2, 16>, scalar_prefetch = 0 : i64, scratch_operands = 18 : i64, tpu.core_type = #tpu.core_type<sc_vector_subcore>, window_params = [{transform_indices = #map}, {transform_indices = #map1}, {transform_indices = #map1}, {transform_indices = #map}, {transform_indices = #map}]} {
    "tpu.region"() ({
      %run_scoped3A = tpu.sem_alloc : memref<!tpu.dma_semaphore, #tpu.memory_space<semaphore_mem>>
      tpu.enqueue_dma source(%arg5 : memref<196x32xf32, #tpu.memory_space<hbm>>) target(%arg8 : memref<196x32xf32, #tpu.memory_space<vmem>>) target_semaphore(%run_scoped3A : memref<!tpu.dma_semaphore, #tpu.memory_space<semaphore_mem>>)
      tpu.wait_dma2 semaphore(%run_scoped3A : memref<!tpu.dma_semaphore, #tpu.memory_space<semaphore_mem>>) src(%arg5 : memref<196x32xf32, #tpu.memory_space<hbm>>) dst(%arg8 : memref<196x32xf32, #tpu.memory_space<vmem>>)
      tpu.yield
    }) : () -> ()
    %mul3A = arith.constant 3136 : i32
    %mul3A_0 = arith.muli %arg1, %mul3A : i32
    %add3A = arith.constant 0 : i32
    %add3A_1 = arith.addi %mul3A_0, %add3A : i32
    "tpu.region"() ({
      %run_scoped3A = tpu.sem_alloc : memref<!tpu.dma_semaphore, #tpu.memory_space<semaphore_mem>>
      %dma_start3A = arith.constant 0 : i32
      %dma_start3A_244 = tpu.memref_slice %arg7[%add3A_1, %dma_start3A] : memref<50176x32xf32, #tpu.memory_space<vmem_shared>> -> memref<196x32xf32, #tpu.memory_space<vmem_shared>>
      %dma_start3A_245 = arith.constant 0 : i32
      %dma_start3A_246 = tpu.memref_slice %arg7[%add3A_1, %dma_start3A_245] : memref<50176x32xf32, #tpu.memory_space<vmem_shared>> -> memref<196x32xf32, #tpu.memory_space<vmem_shared>>
      tpu.enqueue_dma source(%arg8 : memref<196x32xf32, #tpu.memory_space<vmem>>) target(%dma_start3A_246 : memref<196x32xf32, #tpu.memory_space<vmem_shared>>) target_semaphore(%run_scoped3A : memref<!tpu.dma_semaphore, #tpu.memory_space<semaphore_mem>>)
      %dma_wait3A = arith.constant 0 : i32
      %dma_wait3A_247 = tpu.memref_slice %arg7[%add3A_1, %dma_wait3A] : memref<50176x32xf32, #tpu.memory_space<vmem_shared>> -> memref<196x32xf32, #tpu.memory_space<vmem_shared>>
      %dma_wait3A_248 = arith.constant 0 : i32
      %dma_wait3A_249 = tpu.memref_slice %arg7[%add3A_1, %dma_wait3A_248] : memref<50176x32xf32, #tpu.memory_space<vmem_shared>> -> memref<196x32xf32, #tpu.memory_space<vmem_shared>>
      tpu.wait_dma2 semaphore(%run_scoped3A : memref<!tpu.dma_semaphore, #tpu.memory_space<semaphore_mem>>) src(%arg8 : memref<196x32xf32, #tpu.memory_space<vmem>>) dst(%dma_wait3A_249 : memref<196x32xf32, #tpu.memory_space<vmem_shared>>)
      tpu.yield
    }) : () -> ()
    %mul3A_2 = arith.constant 3136 : i32
    %mul3A_3 = arith.muli %arg1, %mul3A_2 : i32
    %add3A_4 = arith.constant 196 : i32
    %add3A_5 = arith.addi %mul3A_3, %add3A_4 : i32
    "tpu.region"() ({
      %run_scoped3A = tpu.sem_alloc : memref<!tpu.dma_semaphore, #tpu.memory_space<semaphore_mem>>
      %dma_start3A = arith.constant 0 : i32
      %dma_start3A_244 = tpu.memref_slice %arg7[%add3A_5, %dma_start3A] : memref<50176x32xf32, #tpu.memory_space<vmem_shared>> -> memref<196x32xf32, #tpu.memory_space<vmem_shared>>
      %dma_start3A_245 = arith.constant 0 : i32
      %dma_start3A_246 = tpu.memref_slice %arg7[%add3A_5, %dma_start3A_245] : memref<50176x32xf32, #tpu.memory_space<vmem_shared>> -> memref<196x32xf32, #tpu.memory_space<vmem_shared>>
      tpu.enqueue_dma source(%arg8 : memref<196x32xf32, #tpu.memory_space<vmem>>) target(%dma_start3A_246 : memref<196x32xf32, #tpu.memory_space<vmem_shared>>) target_semaphore(%run_scoped3A : memref<!tpu.dma_semaphore, #tpu.memory_space<semaphore_mem>>)
      %dma_wait3A = arith.constant 0 : i32
      %dma_wait3A_247 = tpu.memref_slice %arg7[%add3A_5, %dma_wait3A] : memref<50176x32xf32, #tpu.memory_space<vmem_shared>> -> memref<196x32xf32, #tpu.memory_space<vmem_shared>>
      %dma_wait3A_248 = arith.constant 0 : i32
      %dma_wait3A_249 = tpu.memref_slice %arg7[%add3A_5, %dma_wait3A_248] : memref<50176x32xf32, #tpu.memory_space<vmem_shared>> -> memref<196x32xf32, #tpu.memory_space<vmem_shared>>
      tpu.wait_dma2 semaphore(%run_scoped3A : memref<!tpu.dma_semaphore, #tpu.memory_space<semaphore_mem>>) src(%arg8 : memref<196x32xf32, #tpu.memory_space<vmem>>) dst(%dma_wait3A_249 : memref<196x32xf32, #tpu.memory_space<vmem_shared>>)
      tpu.yield
    }) : () -> ()
    %mul3A_6 = arith.constant 3136 : i32
    %mul3A_7 = arith.muli %arg1, %mul3A_6 : i32
    %add3A_8 = arith.constant 392 : i32
    %add3A_9 = arith.addi %mul3A_7, %add3A_8 : i32
    "tpu.region"() ({
      %run_scoped3A = tpu.sem_alloc : memref<!tpu.dma_semaphore, #tpu.memory_space<semaphore_mem>>
      %dma_start3A = arith.constant 0 : i32
      %dma_start3A_244 = tpu.memref_slice %arg7[%add3A_9, %dma_start3A] : memref<50176x32xf32, #tpu.memory_space<vmem_shared>> -> memref<196x32xf32, #tpu.memory_space<vmem_shared>>
      %dma_start3A_245 = arith.constant 0 : i32
      %dma_start3A_246 = tpu.memref_slice %arg7[%add3A_9, %dma_start3A_245] : memref<50176x32xf32, #tpu.memory_space<vmem_shared>> -> memref<196x32xf32, #tpu.memory_space<vmem_shared>>
      tpu.enqueue_dma source(%arg8 : memref<196x32xf32, #tpu.memory_space<vmem>>) target(%dma_start3A_246 : memref<196x32xf32, #tpu.memory_space<vmem_shared>>) target_semaphore(%run_scoped3A : memref<!tpu.dma_semaphore, #tpu.memory_space<semaphore_mem>>)
      %dma_wait3A = arith.constant 0 : i32
      %dma_wait3A_247 = tpu.memref_slice %arg7[%add3A_9, %dma_wait3A] : memref<50176x32xf32, #tpu.memory_space<vmem_shared>> -> memref<196x32xf32, #tpu.memory_space<vmem_shared>>
      %dma_wait3A_248 = arith.constant 0 : i32
      %dma_wait3A_249 = tpu.memref_slice %arg7[%add3A_9, %dma_wait3A_248] : memref<50176x32xf32, #tpu.memory_space<vmem_shared>> -> memref<196x32xf32, #tpu.memory_space<vmem_shared>>
      tpu.wait_dma2 semaphore(%run_scoped3A : memref<!tpu.dma_semaphore, #tpu.memory_space<semaphore_mem>>) src(%arg8 : memref<196x32xf32, #tpu.memory_space<vmem>>) dst(%dma_wait3A_249 : memref<196x32xf32, #tpu.memory_space<vmem_shared>>)
      tpu.yield
    }) : () -> ()
    %mul3A_10 = arith.constant 3136 : i32
    %mul3A_11 = arith.muli %arg1, %mul3A_10 : i32
    %add3A_12 = arith.constant 588 : i32
    %add3A_13 = arith.addi %mul3A_11, %add3A_12 : i32
    "tpu.region"() ({
      %run_scoped3A = tpu.sem_alloc : memref<!tpu.dma_semaphore, #tpu.memory_space<semaphore_mem>>
      %dma_start3A = arith.constant 0 : i32
      %dma_start3A_244 = tpu.memref_slice %arg7[%add3A_13, %dma_start3A] : memref<50176x32xf32, #tpu.memory_space<vmem_shared>> -> memref<196x32xf32, #tpu.memory_space<vmem_shared>>
      %dma_start3A_245 = arith.constant 0 : i32
      %dma_start3A_246 = tpu.memref_slice %arg7[%add3A_13, %dma_start3A_245] : memref<50176x32xf32, #tpu.memory_space<vmem_shared>> -> memref<196x32xf32, #tpu.memory_space<vmem_shared>>
      tpu.enqueue_dma source(%arg8 : memref<196x32xf32, #tpu.memory_space<vmem>>) target(%dma_start3A_246 : memref<196x32xf32, #tpu.memory_space<vmem_shared>>) target_semaphore(%run_scoped3A : memref<!tpu.dma_semaphore, #tpu.memory_space<semaphore_mem>>)
      %dma_wait3A = arith.constant 0 : i32
      %dma_wait3A_247 = tpu.memref_slice %arg7[%add3A_13, %dma_wait3A] : memref<50176x32xf32, #tpu.memory_space<vmem_shared>> -> memref<196x32xf32, #tpu.memory_space<vmem_shared>>
      %dma_wait3A_248 = arith.constant 0 : i32
      %dma_wait3A_249 = tpu.memref_slice %arg7[%add3A_13, %dma_wait3A_248] : memref<50176x32xf32, #tpu.memory_space<vmem_shared>> -> memref<196x32xf32, #tpu.memory_space<vmem_shared>>
      tpu.wait_dma2 semaphore(%run_scoped3A : memref<!tpu.dma_semaphore, #tpu.memory_space<semaphore_mem>>) src(%arg8 : memref<196x32xf32, #tpu.memory_space<vmem>>) dst(%dma_wait3A_249 : memref<196x32xf32, #tpu.memory_space<vmem_shared>>)
      tpu.yield
    }) : () -> ()
    %mul3A_14 = arith.constant 3136 : i32
    %mul3A_15 = arith.muli %arg1, %mul3A_14 : i32
    %add3A_16 = arith.constant 784 : i32
    %add3A_17 = arith.addi %mul3A_15, %add3A_16 : i32
    "tpu.region"() ({
      %run_scoped3A = tpu.sem_alloc : memref<!tpu.dma_semaphore, #tpu.memory_space<semaphore_mem>>
      %dma_start3A = arith.constant 0 : i32
      %dma_start3A_244 = tpu.memref_slice %arg7[%add3A_17, %dma_start3A] : memref<50176x32xf32, #tpu.memory_space<vmem_shared>> -> memref<196x32xf32, #tpu.memory_space<vmem_shared>>
      %dma_start3A_245 = arith.constant 0 : i32
      %dma_start3A_246 = tpu.memref_slice %arg7[%add3A_17, %dma_start3A_245] : memref<50176x32xf32, #tpu.memory_space<vmem_shared>> -> memref<196x32xf32, #tpu.memory_space<vmem_shared>>
      tpu.enqueue_dma source(%arg8 : memref<196x32xf32, #tpu.memory_space<vmem>>) target(%dma_start3A_246 : memref<196x32xf32, #tpu.memory_space<vmem_shared>>) target_semaphore(%run_scoped3A : memref<!tpu.dma_semaphore, #tpu.memory_space<semaphore_mem>>)
      %dma_wait3A = arith.constant 0 : i32
      %dma_wait3A_247 = tpu.memref_slice %arg7[%add3A_17, %dma_wait3A] : memref<50176x32xf32, #tpu.memory_space<vmem_shared>> -> memref<196x32xf32, #tpu.memory_space<vmem_shared>>
      %dma_wait3A_248 = arith.constant 0 : i32
      %dma_wait3A_249 = tpu.memref_slice %arg7[%add3A_17, %dma_wait3A_248] : memref<50176x32xf32, #tpu.memory_space<vmem_shared>> -> memref<196x32xf32, #tpu.memory_space<vmem_shared>>
      tpu.wait_dma2 semaphore(%run_scoped3A : memref<!tpu.dma_semaphore, #tpu.memory_space<semaphore_mem>>) src(%arg8 : memref<196x32xf32, #tpu.memory_space<vmem>>) dst(%dma_wait3A_249 : memref<196x32xf32, #tpu.memory_space<vmem_shared>>)
      tpu.yield
    }) : () -> ()
    %mul3A_18 = arith.constant 3136 : i32
    %mul3A_19 = arith.muli %arg1, %mul3A_18 : i32
    %add3A_20 = arith.constant 980 : i32
    %add3A_21 = arith.addi %mul3A_19, %add3A_20 : i32
    "tpu.region"() ({
      %run_scoped3A = tpu.sem_alloc : memref<!tpu.dma_semaphore, #tpu.memory_space<semaphore_mem>>
      %dma_start3A = arith.constant 0 : i32
      %dma_start3A_244 = tpu.memref_slice %arg7[%add3A_21, %dma_start3A] : memref<50176x32xf32, #tpu.memory_space<vmem_shared>> -> memref<196x32xf32, #tpu.memory_space<vmem_shared>>
      %dma_start3A_245 = arith.constant 0 : i32
      %dma_start3A_246 = tpu.memref_slice %arg7[%add3A_21, %dma_start3A_245] : memref<50176x32xf32, #tpu.memory_space<vmem_shared>> -> memref<196x32xf32, #tpu.memory_space<vmem_shared>>
      tpu.enqueue_dma source(%arg8 : memref<196x32xf32, #tpu.memory_space<vmem>>) target(%dma_start3A_246 : memref<196x32xf32, #tpu.memory_space<vmem_shared>>) target_semaphore(%run_scoped3A : memref<!tpu.dma_semaphore, #tpu.memory_space<semaphore_mem>>)
      %dma_wait3A = arith.constant 0 : i32
      %dma_wait3A_247 = tpu.memref_slice %arg7[%add3A_21, %dma_wait3A] : memref<50176x32xf32, #tpu.memory_space<vmem_shared>> -> memref<196x32xf32, #tpu.memory_space<vmem_shared>>
      %dma_wait3A_248 = arith.constant 0 : i32
      %dma_wait3A_249 = tpu.memref_slice %arg7[%add3A_21, %dma_wait3A_248] : memref<50176x32xf32, #tpu.memory_space<vmem_shared>> -> memref<196x32xf32, #tpu.memory_space<vmem_shared>>
      tpu.wait_dma2 semaphore(%run_scoped3A : memref<!tpu.dma_semaphore, #tpu.memory_space<semaphore_mem>>) src(%arg8 : memref<196x32xf32, #tpu.memory_space<vmem>>) dst(%dma_wait3A_249 : memref<196x32xf32, #tpu.memory_space<vmem_shared>>)
      tpu.yield
    }) : () -> ()
    %mul3A_22 = arith.constant 3136 : i32
    %mul3A_23 = arith.muli %arg1, %mul3A_22 : i32
    %add3A_24 = arith.constant 1176 : i32
    %add3A_25 = arith.addi %mul3A_23, %add3A_24 : i32
    "tpu.region"() ({
      %run_scoped3A = tpu.sem_alloc : memref<!tpu.dma_semaphore, #tpu.memory_space<semaphore_mem>>
      %dma_start3A = arith.constant 0 : i32
      %dma_start3A_244 = tpu.memref_slice %arg7[%add3A_25, %dma_start3A] : memref<50176x32xf32, #tpu.memory_space<vmem_shared>> -> memref<196x32xf32, #tpu.memory_space<vmem_shared>>
      %dma_start3A_245 = arith.constant 0 : i32
      %dma_start3A_246 = tpu.memref_slice %arg7[%add3A_25, %dma_start3A_245] : memref<50176x32xf32, #tpu.memory_space<vmem_shared>> -> memref<196x32xf32, #tpu.memory_space<vmem_shared>>
      tpu.enqueue_dma source(%arg8 : memref<196x32xf32, #tpu.memory_space<vmem>>) target(%dma_start3A_246 : memref<196x32xf32, #tpu.memory_space<vmem_shared>>) target_semaphore(%run_scoped3A : memref<!tpu.dma_semaphore, #tpu.memory_space<semaphore_mem>>)
      %dma_wait3A = arith.constant 0 : i32
      %dma_wait3A_247 = tpu.memref_slice %arg7[%add3A_25, %dma_wait3A] : memref<50176x32xf32, #tpu.memory_space<vmem_shared>> -> memref<196x32xf32, #tpu.memory_space<vmem_shared>>
      %dma_wait3A_248 = arith.constant 0 : i32
      %dma_wait3A_249 = tpu.memref_slice %arg7[%add3A_25, %dma_wait3A_248] : memref<50176x32xf32, #tpu.memory_space<vmem_shared>> -> memref<196x32xf32, #tpu.memory_space<vmem_shared>>
      tpu.wait_dma2 semaphore(%run_scoped3A : memref<!tpu.dma_semaphore, #tpu.memory_space<semaphore_mem>>) src(%arg8 : memref<196x32xf32, #tpu.memory_space<vmem>>) dst(%dma_wait3A_249 : memref<196x32xf32, #tpu.memory_space<vmem_shared>>)
      tpu.yield
    }) : () -> ()
    %mul3A_26 = arith.constant 3136 : i32
    %mul3A_27 = arith.muli %arg1, %mul3A_26 : i32
    %add3A_28 = arith.constant 1372 : i32
    %add3A_29 = arith.addi %mul3A_27, %add3A_28 : i32
    "tpu.region"() ({
      %run_scoped3A = tpu.sem_alloc : memref<!tpu.dma_semaphore, #tpu.memory_space<semaphore_mem>>
      %dma_start3A = arith.constant 0 : i32
      %dma_start3A_244 = tpu.memref_slice %arg7[%add3A_29, %dma_start3A] : memref<50176x32xf32, #tpu.memory_space<vmem_shared>> -> memref<196x32xf32, #tpu.memory_space<vmem_shared>>
      %dma_start3A_245 = arith.constant 0 : i32
      %dma_start3A_246 = tpu.memref_slice %arg7[%add3A_29, %dma_start3A_245] : memref<50176x32xf32, #tpu.memory_space<vmem_shared>> -> memref<196x32xf32, #tpu.memory_space<vmem_shared>>
      tpu.enqueue_dma source(%arg8 : memref<196x32xf32, #tpu.memory_space<vmem>>) target(%dma_start3A_246 : memref<196x32xf32, #tpu.memory_space<vmem_shared>>) target_semaphore(%run_scoped3A : memref<!tpu.dma_semaphore, #tpu.memory_space<semaphore_mem>>)
      %dma_wait3A = arith.constant 0 : i32
      %dma_wait3A_247 = tpu.memref_slice %arg7[%add3A_29, %dma_wait3A] : memref<50176x32xf32, #tpu.memory_space<vmem_shared>> -> memref<196x32xf32, #tpu.memory_space<vmem_shared>>
      %dma_wait3A_248 = arith.constant 0 : i32
      %dma_wait3A_249 = tpu.memref_slice %arg7[%add3A_29, %dma_wait3A_248] : memref<50176x32xf32, #tpu.memory_space<vmem_shared>> -> memref<196x32xf32, #tpu.memory_space<vmem_shared>>
      tpu.wait_dma2 semaphore(%run_scoped3A : memref<!tpu.dma_semaphore, #tpu.memory_space<semaphore_mem>>) src(%arg8 : memref<196x32xf32, #tpu.memory_space<vmem>>) dst(%dma_wait3A_249 : memref<196x32xf32, #tpu.memory_space<vmem_shared>>)
      tpu.yield
    }) : () -> ()
    %mul3A_30 = arith.constant 3136 : i32
    %mul3A_31 = arith.muli %arg1, %mul3A_30 : i32
    %add3A_32 = arith.constant 1568 : i32
    %add3A_33 = arith.addi %mul3A_31, %add3A_32 : i32
    "tpu.region"() ({
      %run_scoped3A = tpu.sem_alloc : memref<!tpu.dma_semaphore, #tpu.memory_space<semaphore_mem>>
      %dma_start3A = arith.constant 0 : i32
      %dma_start3A_244 = tpu.memref_slice %arg7[%add3A_33, %dma_start3A] : memref<50176x32xf32, #tpu.memory_space<vmem_shared>> -> memref<196x32xf32, #tpu.memory_space<vmem_shared>>
      %dma_start3A_245 = arith.constant 0 : i32
      %dma_start3A_246 = tpu.memref_slice %arg7[%add3A_33, %dma_start3A_245] : memref<50176x32xf32, #tpu.memory_space<vmem_shared>> -> memref<196x32xf32, #tpu.memory_space<vmem_shared>>
      tpu.enqueue_dma source(%arg8 : memref<196x32xf32, #tpu.memory_space<vmem>>) target(%dma_start3A_246 : memref<196x32xf32, #tpu.memory_space<vmem_shared>>) target_semaphore(%run_scoped3A : memref<!tpu.dma_semaphore, #tpu.memory_space<semaphore_mem>>)
      %dma_wait3A = arith.constant 0 : i32
      %dma_wait3A_247 = tpu.memref_slice %arg7[%add3A_33, %dma_wait3A] : memref<50176x32xf32, #tpu.memory_space<vmem_shared>> -> memref<196x32xf32, #tpu.memory_space<vmem_shared>>
      %dma_wait3A_248 = arith.constant 0 : i32
      %dma_wait3A_249 = tpu.memref_slice %arg7[%add3A_33, %dma_wait3A_248] : memref<50176x32xf32, #tpu.memory_space<vmem_shared>> -> memref<196x32xf32, #tpu.memory_space<vmem_shared>>
      tpu.wait_dma2 semaphore(%run_scoped3A : memref<!tpu.dma_semaphore, #tpu.memory_space<semaphore_mem>>) src(%arg8 : memref<196x32xf32, #tpu.memory_space<vmem>>) dst(%dma_wait3A_249 : memref<196x32xf32, #tpu.memory_space<vmem_shared>>)
      tpu.yield
    }) : () -> ()
    %mul3A_34 = arith.constant 3136 : i32
    %mul3A_35 = arith.muli %arg1, %mul3A_34 : i32
    %add3A_36 = arith.constant 1764 : i32
    %add3A_37 = arith.addi %mul3A_35, %add3A_36 : i32
    "tpu.region"() ({
      %run_scoped3A = tpu.sem_alloc : memref<!tpu.dma_semaphore, #tpu.memory_space<semaphore_mem>>
      %dma_start3A = arith.constant 0 : i32
      %dma_start3A_244 = tpu.memref_slice %arg7[%add3A_37, %dma_start3A] : memref<50176x32xf32, #tpu.memory_space<vmem_shared>> -> memref<196x32xf32, #tpu.memory_space<vmem_shared>>
      %dma_start3A_245 = arith.constant 0 : i32
      %dma_start3A_246 = tpu.memref_slice %arg7[%add3A_37, %dma_start3A_245] : memref<50176x32xf32, #tpu.memory_space<vmem_shared>> -> memref<196x32xf32, #tpu.memory_space<vmem_shared>>
      tpu.enqueue_dma source(%arg8 : memref<196x32xf32, #tpu.memory_space<vmem>>) target(%dma_start3A_246 : memref<196x32xf32, #tpu.memory_space<vmem_shared>>) target_semaphore(%run_scoped3A : memref<!tpu.dma_semaphore, #tpu.memory_space<semaphore_mem>>)
      %dma_wait3A = arith.constant 0 : i32
      %dma_wait3A_247 = tpu.memref_slice %arg7[%add3A_37, %dma_wait3A] : memref<50176x32xf32, #tpu.memory_space<vmem_shared>> -> memref<196x32xf32, #tpu.memory_space<vmem_shared>>
      %dma_wait3A_248 = arith.constant 0 : i32
      %dma_wait3A_249 = tpu.memref_slice %arg7[%add3A_37, %dma_wait3A_248] : memref<50176x32xf32, #tpu.memory_space<vmem_shared>> -> memref<196x32xf32, #tpu.memory_space<vmem_shared>>
      tpu.wait_dma2 semaphore(%run_scoped3A : memref<!tpu.dma_semaphore, #tpu.memory_space<semaphore_mem>>) src(%arg8 : memref<196x32xf32, #tpu.memory_space<vmem>>) dst(%dma_wait3A_249 : memref<196x32xf32, #tpu.memory_space<vmem_shared>>)
      tpu.yield
    }) : () -> ()
    %mul3A_38 = arith.constant 3136 : i32
    %mul3A_39 = arith.muli %arg1, %mul3A_38 : i32
    %add3A_40 = arith.constant 1960 : i32
    %add3A_41 = arith.addi %mul3A_39, %add3A_40 : i32
    "tpu.region"() ({
      %run_scoped3A = tpu.sem_alloc : memref<!tpu.dma_semaphore, #tpu.memory_space<semaphore_mem>>
      %dma_start3A = arith.constant 0 : i32
      %dma_start3A_244 = tpu.memref_slice %arg7[%add3A_41, %dma_start3A] : memref<50176x32xf32, #tpu.memory_space<vmem_shared>> -> memref<196x32xf32, #tpu.memory_space<vmem_shared>>
      %dma_start3A_245 = arith.constant 0 : i32
      %dma_start3A_246 = tpu.memref_slice %arg7[%add3A_41, %dma_start3A_245] : memref<50176x32xf32, #tpu.memory_space<vmem_shared>> -> memref<196x32xf32, #tpu.memory_space<vmem_shared>>
      tpu.enqueue_dma source(%arg8 : memref<196x32xf32, #tpu.memory_space<vmem>>) target(%dma_start3A_246 : memref<196x32xf32, #tpu.memory_space<vmem_shared>>) target_semaphore(%run_scoped3A : memref<!tpu.dma_semaphore, #tpu.memory_space<semaphore_mem>>)
      %dma_wait3A = arith.constant 0 : i32
      %dma_wait3A_247 = tpu.memref_slice %arg7[%add3A_41, %dma_wait3A] : memref<50176x32xf32, #tpu.memory_space<vmem_shared>> -> memref<196x32xf32, #tpu.memory_space<vmem_shared>>
      %dma_wait3A_248 = arith.constant 0 : i32
      %dma_wait3A_249 = tpu.memref_slice %arg7[%add3A_41, %dma_wait3A_248] : memref<50176x32xf32, #tpu.memory_space<vmem_shared>> -> memref<196x32xf32, #tpu.memory_space<vmem_shared>>
      tpu.wait_dma2 semaphore(%run_scoped3A : memref<!tpu.dma_semaphore, #tpu.memory_space<semaphore_mem>>) src(%arg8 : memref<196x32xf32, #tpu.memory_space<vmem>>) dst(%dma_wait3A_249 : memref<196x32xf32, #tpu.memory_space<vmem_shared>>)
      tpu.yield
    }) : () -> ()
    %mul3A_42 = arith.constant 3136 : i32
    %mul3A_43 = arith.muli %arg1, %mul3A_42 : i32
    %add3A_44 = arith.constant 2156 : i32
    %add3A_45 = arith.addi %mul3A_43, %add3A_44 : i32
    "tpu.region"() ({
      %run_scoped3A = tpu.sem_alloc : memref<!tpu.dma_semaphore, #tpu.memory_space<semaphore_mem>>
      %dma_start3A = arith.constant 0 : i32
      %dma_start3A_244 = tpu.memref_slice %arg7[%add3A_45, %dma_start3A] : memref<50176x32xf32, #tpu.memory_space<vmem_shared>> -> memref<196x32xf32, #tpu.memory_space<vmem_shared>>
      %dma_start3A_245 = arith.constant 0 : i32
      %dma_start3A_246 = tpu.memref_slice %arg7[%add3A_45, %dma_start3A_245] : memref<50176x32xf32, #tpu.memory_space<vmem_shared>> -> memref<196x32xf32, #tpu.memory_space<vmem_shared>>
      tpu.enqueue_dma source(%arg8 : memref<196x32xf32, #tpu.memory_space<vmem>>) target(%dma_start3A_246 : memref<196x32xf32, #tpu.memory_space<vmem_shared>>) target_semaphore(%run_scoped3A : memref<!tpu.dma_semaphore, #tpu.memory_space<semaphore_mem>>)
      %dma_wait3A = arith.constant 0 : i32
      %dma_wait3A_247 = tpu.memref_slice %arg7[%add3A_45, %dma_wait3A] : memref<50176x32xf32, #tpu.memory_space<vmem_shared>> -> memref<196x32xf32, #tpu.memory_space<vmem_shared>>
      %dma_wait3A_248 = arith.constant 0 : i32
      %dma_wait3A_249 = tpu.memref_slice %arg7[%add3A_45, %dma_wait3A_248] : memref<50176x32xf32, #tpu.memory_space<vmem_shared>> -> memref<196x32xf32, #tpu.memory_space<vmem_shared>>
      tpu.wait_dma2 semaphore(%run_scoped3A : memref<!tpu.dma_semaphore, #tpu.memory_space<semaphore_mem>>) src(%arg8 : memref<196x32xf32, #tpu.memory_space<vmem>>) dst(%dma_wait3A_249 : memref<196x32xf32, #tpu.memory_space<vmem_shared>>)
      tpu.yield
    }) : () -> ()
    %mul3A_46 = arith.constant 3136 : i32
    %mul3A_47 = arith.muli %arg1, %mul3A_46 : i32
    %add3A_48 = arith.constant 2352 : i32
    %add3A_49 = arith.addi %mul3A_47, %add3A_48 : i32
    "tpu.region"() ({
      %run_scoped3A = tpu.sem_alloc : memref<!tpu.dma_semaphore, #tpu.memory_space<semaphore_mem>>
      %dma_start3A = arith.constant 0 : i32
      %dma_start3A_244 = tpu.memref_slice %arg7[%add3A_49, %dma_start3A] : memref<50176x32xf32, #tpu.memory_space<vmem_shared>> -> memref<196x32xf32, #tpu.memory_space<vmem_shared>>
      %dma_start3A_245 = arith.constant 0 : i32
      %dma_start3A_246 = tpu.memref_slice %arg7[%add3A_49, %dma_start3A_245] : memref<50176x32xf32, #tpu.memory_space<vmem_shared>> -> memref<196x32xf32, #tpu.memory_space<vmem_shared>>
      tpu.enqueue_dma source(%arg8 : memref<196x32xf32, #tpu.memory_space<vmem>>) target(%dma_start3A_246 : memref<196x32xf32, #tpu.memory_space<vmem_shared>>) target_semaphore(%run_scoped3A : memref<!tpu.dma_semaphore, #tpu.memory_space<semaphore_mem>>)
      %dma_wait3A = arith.constant 0 : i32
      %dma_wait3A_247 = tpu.memref_slice %arg7[%add3A_49, %dma_wait3A] : memref<50176x32xf32, #tpu.memory_space<vmem_shared>> -> memref<196x32xf32, #tpu.memory_space<vmem_shared>>
      %dma_wait3A_248 = arith.constant 0 : i32
      %dma_wait3A_249 = tpu.memref_slice %arg7[%add3A_49, %dma_wait3A_248] : memref<50176x32xf32, #tpu.memory_space<vmem_shared>> -> memref<196x32xf32, #tpu.memory_space<vmem_shared>>
      tpu.wait_dma2 semaphore(%run_scoped3A : memref<!tpu.dma_semaphore, #tpu.memory_space<semaphore_mem>>) src(%arg8 : memref<196x32xf32, #tpu.memory_space<vmem>>) dst(%dma_wait3A_249 : memref<196x32xf32, #tpu.memory_space<vmem_shared>>)
      tpu.yield
    }) : () -> ()
    %mul3A_50 = arith.constant 3136 : i32
    %mul3A_51 = arith.muli %arg1, %mul3A_50 : i32
    %add3A_52 = arith.constant 2548 : i32
    %add3A_53 = arith.addi %mul3A_51, %add3A_52 : i32
    "tpu.region"() ({
      %run_scoped3A = tpu.sem_alloc : memref<!tpu.dma_semaphore, #tpu.memory_space<semaphore_mem>>
      %dma_start3A = arith.constant 0 : i32
      %dma_start3A_244 = tpu.memref_slice %arg7[%add3A_53, %dma_start3A] : memref<50176x32xf32, #tpu.memory_space<vmem_shared>> -> memref<196x32xf32, #tpu.memory_space<vmem_shared>>
      %dma_start3A_245 = arith.constant 0 : i32
      %dma_start3A_246 = tpu.memref_slice %arg7[%add3A_53, %dma_start3A_245] : memref<50176x32xf32, #tpu.memory_space<vmem_shared>> -> memref<196x32xf32, #tpu.memory_space<vmem_shared>>
      tpu.enqueue_dma source(%arg8 : memref<196x32xf32, #tpu.memory_space<vmem>>) target(%dma_start3A_246 : memref<196x32xf32, #tpu.memory_space<vmem_shared>>) target_semaphore(%run_scoped3A : memref<!tpu.dma_semaphore, #tpu.memory_space<semaphore_mem>>)
      %dma_wait3A = arith.constant 0 : i32
      %dma_wait3A_247 = tpu.memref_slice %arg7[%add3A_53, %dma_wait3A] : memref<50176x32xf32, #tpu.memory_space<vmem_shared>> -> memref<196x32xf32, #tpu.memory_space<vmem_shared>>
      %dma_wait3A_248 = arith.constant 0 : i32
      %dma_wait3A_249 = tpu.memref_slice %arg7[%add3A_53, %dma_wait3A_248] : memref<50176x32xf32, #tpu.memory_space<vmem_shared>> -> memref<196x32xf32, #tpu.memory_space<vmem_shared>>
      tpu.wait_dma2 semaphore(%run_scoped3A : memref<!tpu.dma_semaphore, #tpu.memory_space<semaphore_mem>>) src(%arg8 : memref<196x32xf32, #tpu.memory_space<vmem>>) dst(%dma_wait3A_249 : memref<196x32xf32, #tpu.memory_space<vmem_shared>>)
      tpu.yield
    }) : () -> ()
    %mul3A_54 = arith.constant 3136 : i32
    %mul3A_55 = arith.muli %arg1, %mul3A_54 : i32
    %add3A_56 = arith.constant 2744 : i32
    %add3A_57 = arith.addi %mul3A_55, %add3A_56 : i32
    "tpu.region"() ({
      %run_scoped3A = tpu.sem_alloc : memref<!tpu.dma_semaphore, #tpu.memory_space<semaphore_mem>>
      %dma_start3A = arith.constant 0 : i32
      %dma_start3A_244 = tpu.memref_slice %arg7[%add3A_57, %dma_start3A] : memref<50176x32xf32, #tpu.memory_space<vmem_shared>> -> memref<196x32xf32, #tpu.memory_space<vmem_shared>>
      %dma_start3A_245 = arith.constant 0 : i32
      %dma_start3A_246 = tpu.memref_slice %arg7[%add3A_57, %dma_start3A_245] : memref<50176x32xf32, #tpu.memory_space<vmem_shared>> -> memref<196x32xf32, #tpu.memory_space<vmem_shared>>
      tpu.enqueue_dma source(%arg8 : memref<196x32xf32, #tpu.memory_space<vmem>>) target(%dma_start3A_246 : memref<196x32xf32, #tpu.memory_space<vmem_shared>>) target_semaphore(%run_scoped3A : memref<!tpu.dma_semaphore, #tpu.memory_space<semaphore_mem>>)
      %dma_wait3A = arith.constant 0 : i32
      %dma_wait3A_247 = tpu.memref_slice %arg7[%add3A_57, %dma_wait3A] : memref<50176x32xf32, #tpu.memory_space<vmem_shared>> -> memref<196x32xf32, #tpu.memory_space<vmem_shared>>
      %dma_wait3A_248 = arith.constant 0 : i32
      %dma_wait3A_249 = tpu.memref_slice %arg7[%add3A_57, %dma_wait3A_248] : memref<50176x32xf32, #tpu.memory_space<vmem_shared>> -> memref<196x32xf32, #tpu.memory_space<vmem_shared>>
      tpu.wait_dma2 semaphore(%run_scoped3A : memref<!tpu.dma_semaphore, #tpu.memory_space<semaphore_mem>>) src(%arg8 : memref<196x32xf32, #tpu.memory_space<vmem>>) dst(%dma_wait3A_249 : memref<196x32xf32, #tpu.memory_space<vmem_shared>>)
      tpu.yield
    }) : () -> ()
    %mul3A_58 = arith.constant 3136 : i32
    %mul3A_59 = arith.muli %arg1, %mul3A_58 : i32
    %add3A_60 = arith.constant 2940 : i32
    %add3A_61 = arith.addi %mul3A_59, %add3A_60 : i32
    "tpu.region"() ({
      %run_scoped3A = tpu.sem_alloc : memref<!tpu.dma_semaphore, #tpu.memory_space<semaphore_mem>>
      %dma_start3A = arith.constant 0 : i32
      %dma_start3A_244 = tpu.memref_slice %arg7[%add3A_61, %dma_start3A] : memref<50176x32xf32, #tpu.memory_space<vmem_shared>> -> memref<196x32xf32, #tpu.memory_space<vmem_shared>>
      %dma_start3A_245 = arith.constant 0 : i32
      %dma_start3A_246 = tpu.memref_slice %arg7[%add3A_61, %dma_start3A_245] : memref<50176x32xf32, #tpu.memory_space<vmem_shared>> -> memref<196x32xf32, #tpu.memory_space<vmem_shared>>
      tpu.enqueue_dma source(%arg8 : memref<196x32xf32, #tpu.memory_space<vmem>>) target(%dma_start3A_246 : memref<196x32xf32, #tpu.memory_space<vmem_shared>>) target_semaphore(%run_scoped3A : memref<!tpu.dma_semaphore, #tpu.memory_space<semaphore_mem>>)
      %dma_wait3A = arith.constant 0 : i32
      %dma_wait3A_247 = tpu.memref_slice %arg7[%add3A_61, %dma_wait3A] : memref<50176x32xf32, #tpu.memory_space<vmem_shared>> -> memref<196x32xf32, #tpu.memory_space<vmem_shared>>
      %dma_wait3A_248 = arith.constant 0 : i32
      %dma_wait3A_249 = tpu.memref_slice %arg7[%add3A_61, %dma_wait3A_248] : memref<50176x32xf32, #tpu.memory_space<vmem_shared>> -> memref<196x32xf32, #tpu.memory_space<vmem_shared>>
      tpu.wait_dma2 semaphore(%run_scoped3A : memref<!tpu.dma_semaphore, #tpu.memory_space<semaphore_mem>>) src(%arg8 : memref<196x32xf32, #tpu.memory_space<vmem>>) dst(%dma_wait3A_249 : memref<196x32xf32, #tpu.memory_space<vmem_shared>>)
      tpu.yield
    }) : () -> ()
    %barrier3A = arith.constant 0 : index
    tpu.barrier barrier_id(%barrier3A)
    %scan3A = arith.constant 0 : i32
    %scan3A_62 = arith.constant 0 : i32
    %scan3A_63 = arith.constant 98 : i32
    %scan3A_64 = arith.addi %scan3A_62, %scan3A_63 : i32
    %scan3A_65 = arith.constant 1 : i32
    scf.for %scan3A_244 = %scan3A_62 to %scan3A_64 step %scan3A_65  : i32 {
      %mul3A_245 = arith.constant 50176 : i32
      %mul3A_246 = arith.muli %arg1, %mul3A_245 : i32
      %mul3A_247 = arith.constant 4 : i32
      %mul3A_248 = arith.muli %scan3A_244, %mul3A_247 : i32
      %add3A_249 = arith.constant 0 : i32
      %add3A_250 = arith.addi %mul3A_248, %add3A_249 : i32
      %mul3A_251 = arith.constant 128 : i32
      %mul3A_252 = arith.muli %add3A_250, %mul3A_251 : i32
      %add3A_253 = arith.addi %mul3A_246, %mul3A_252 : i32
      "tpu.region"() ({
        %run_scoped3A = tpu.sem_alloc : memref<!tpu.dma_semaphore, #tpu.memory_space<semaphore_mem>>
        %dma_start3A_315 = tpu.memref_slice %arg3[%add3A_253] : memref<802816xi32, #tpu.memory_space<hbm>> -> memref<128xi32, #tpu.memory_space<hbm>>
        %dma_start3A_316 = tpu.memref_slice %arg3[%add3A_253] : memref<802816xi32, #tpu.memory_space<hbm>> -> memref<128xi32, #tpu.memory_space<hbm>>
        tpu.enqueue_dma source(%dma_start3A_316 : memref<128xi32, #tpu.memory_space<hbm>>) target(%arg9 : memref<128xi32, #tpu.memory_space<vmem>>) target_semaphore(%run_scoped3A : memref<!tpu.dma_semaphore, #tpu.memory_space<semaphore_mem>>)
        %dma_wait3A_317 = tpu.memref_slice %arg3[%add3A_253] : memref<802816xi32, #tpu.memory_space<hbm>> -> memref<128xi32, #tpu.memory_space<hbm>>
        %dma_wait3A_318 = tpu.memref_slice %arg3[%add3A_253] : memref<802816xi32, #tpu.memory_space<hbm>> -> memref<128xi32, #tpu.memory_space<hbm>>
        tpu.wait_dma2 semaphore(%run_scoped3A : memref<!tpu.dma_semaphore, #tpu.memory_space<semaphore_mem>>) src(%dma_wait3A_318 : memref<128xi32, #tpu.memory_space<hbm>>) dst(%arg9 : memref<128xi32, #tpu.memory_space<vmem>>)
        tpu.yield
      }) : () -> ()
      %mul3A_254 = arith.constant 802816 : i32
      %mul3A_255 = arith.muli %arg0, %mul3A_254 : i32
      %add3A_256 = arith.addi %mul3A_255, %add3A_253 : i32
      "tpu.region"() ({
        %run_scoped3A = tpu.sem_alloc : memref<!tpu.dma_semaphore, #tpu.memory_space<semaphore_mem>>
        %dma_start3A_315 = tpu.memref_slice %arg4[%add3A_256] : memref<1605632xi32, #tpu.memory_space<hbm>> -> memref<128xi32, #tpu.memory_space<hbm>>
        %dma_start3A_316 = tpu.memref_slice %arg4[%add3A_256] : memref<1605632xi32, #tpu.memory_space<hbm>> -> memref<128xi32, #tpu.memory_space<hbm>>
        tpu.enqueue_dma source(%dma_start3A_316 : memref<128xi32, #tpu.memory_space<hbm>>) target(%arg13 : memref<128xi32, #tpu.memory_space<vmem>>) target_semaphore(%run_scoped3A : memref<!tpu.dma_semaphore, #tpu.memory_space<semaphore_mem>>)
        %dma_wait3A_317 = tpu.memref_slice %arg4[%add3A_256] : memref<1605632xi32, #tpu.memory_space<hbm>> -> memref<128xi32, #tpu.memory_space<hbm>>
        %dma_wait3A_318 = tpu.memref_slice %arg4[%add3A_256] : memref<1605632xi32, #tpu.memory_space<hbm>> -> memref<128xi32, #tpu.memory_space<hbm>>
        tpu.wait_dma2 semaphore(%run_scoped3A : memref<!tpu.dma_semaphore, #tpu.memory_space<semaphore_mem>>) src(%dma_wait3A_318 : memref<128xi32, #tpu.memory_space<hbm>>) dst(%arg13 : memref<128xi32, #tpu.memory_space<vmem>>)
        tpu.yield
      }) : () -> ()
      %dma_start3A = arith.constant 0 : i32
      %dma_start3A_257 = arith.constant 0 : i32
      %dma_start3A_258 = tpu.memref_slice %arg2[%dma_start3A, %dma_start3A_257] : memref<100000x32xf32, #tpu.memory_space<hbm>> -> memref<100000x32xf32, #tpu.memory_space<hbm>>
      tpu.enqueue_indirect_dma source(%dma_start3A_258 : memref<100000x32xf32, #tpu.memory_space<hbm>>) target(%arg17 : memref<128x32xf32, #tpu.memory_space<vmem>>) offsets(%arg13 : memref<128xi32, #tpu.memory_space<vmem>>) semaphore(%arg21 : memref<!tpu.dma_semaphore, #tpu.memory_space<semaphore_mem>>)
      %mul3A_259 = arith.constant 50176 : i32
      %mul3A_260 = arith.muli %arg1, %mul3A_259 : i32
      %mul3A_261 = arith.constant 4 : i32
      %mul3A_262 = arith.muli %scan3A_244, %mul3A_261 : i32
      %add3A_263 = arith.constant 1 : i32
      %add3A_264 = arith.addi %mul3A_262, %add3A_263 : i32
      %mul3A_265 = arith.constant 128 : i32
      %mul3A_266 = arith.muli %add3A_264, %mul3A_265 : i32
      %add3A_267 = arith.addi %mul3A_260, %mul3A_266 : i32
      "tpu.region"() ({
        %run_scoped3A = tpu.sem_alloc : memref<!tpu.dma_semaphore, #tpu.memory_space<semaphore_mem>>
        %dma_start3A_315 = tpu.memref_slice %arg3[%add3A_267] : memref<802816xi32, #tpu.memory_space<hbm>> -> memref<128xi32, #tpu.memory_space<hbm>>
        %dma_start3A_316 = tpu.memref_slice %arg3[%add3A_267] : memref<802816xi32, #tpu.memory_space<hbm>> -> memref<128xi32, #tpu.memory_space<hbm>>
        tpu.enqueue_dma source(%dma_start3A_316 : memref<128xi32, #tpu.memory_space<hbm>>) target(%arg10 : memref<128xi32, #tpu.memory_space<vmem>>) target_semaphore(%run_scoped3A : memref<!tpu.dma_semaphore, #tpu.memory_space<semaphore_mem>>)
        %dma_wait3A_317 = tpu.memref_slice %arg3[%add3A_267] : memref<802816xi32, #tpu.memory_space<hbm>> -> memref<128xi32, #tpu.memory_space<hbm>>
        %dma_wait3A_318 = tpu.memref_slice %arg3[%add3A_267] : memref<802816xi32, #tpu.memory_space<hbm>> -> memref<128xi32, #tpu.memory_space<hbm>>
        tpu.wait_dma2 semaphore(%run_scoped3A : memref<!tpu.dma_semaphore, #tpu.memory_space<semaphore_mem>>) src(%dma_wait3A_318 : memref<128xi32, #tpu.memory_space<hbm>>) dst(%arg10 : memref<128xi32, #tpu.memory_space<vmem>>)
        tpu.yield
      }) : () -> ()
      %mul3A_268 = arith.constant 802816 : i32
      %mul3A_269 = arith.muli %arg0, %mul3A_268 : i32
      %add3A_270 = arith.addi %mul3A_269, %add3A_267 : i32
      "tpu.region"() ({
        %run_scoped3A = tpu.sem_alloc : memref<!tpu.dma_semaphore, #tpu.memory_space<semaphore_mem>>
        %dma_start3A_315 = tpu.memref_slice %arg4[%add3A_270] : memref<1605632xi32, #tpu.memory_space<hbm>> -> memref<128xi32, #tpu.memory_space<hbm>>
        %dma_start3A_316 = tpu.memref_slice %arg4[%add3A_270] : memref<1605632xi32, #tpu.memory_space<hbm>> -> memref<128xi32, #tpu.memory_space<hbm>>
        tpu.enqueue_dma source(%dma_start3A_316 : memref<128xi32, #tpu.memory_space<hbm>>) target(%arg14 : memref<128xi32, #tpu.memory_space<vmem>>) target_semaphore(%run_scoped3A : memref<!tpu.dma_semaphore, #tpu.memory_space<semaphore_mem>>)
        %dma_wait3A_317 = tpu.memref_slice %arg4[%add3A_270] : memref<1605632xi32, #tpu.memory_space<hbm>> -> memref<128xi32, #tpu.memory_space<hbm>>
        %dma_wait3A_318 = tpu.memref_slice %arg4[%add3A_270] : memref<1605632xi32, #tpu.memory_space<hbm>> -> memref<128xi32, #tpu.memory_space<hbm>>
        tpu.wait_dma2 semaphore(%run_scoped3A : memref<!tpu.dma_semaphore, #tpu.memory_space<semaphore_mem>>) src(%dma_wait3A_318 : memref<128xi32, #tpu.memory_space<hbm>>) dst(%arg14 : memref<128xi32, #tpu.memory_space<vmem>>)
        tpu.yield
      }) : () -> ()
      %dma_start3A_271 = arith.constant 0 : i32
      %dma_start3A_272 = arith.constant 0 : i32
      %dma_start3A_273 = tpu.memref_slice %arg2[%dma_start3A_271, %dma_start3A_272] : memref<100000x32xf32, #tpu.memory_space<hbm>> -> memref<100000x32xf32, #tpu.memory_space<hbm>>
      tpu.enqueue_indirect_dma source(%dma_start3A_273 : memref<100000x32xf32, #tpu.memory_space<hbm>>) target(%arg18 : memref<128x32xf32, #tpu.memory_space<vmem>>) offsets(%arg14 : memref<128xi32, #tpu.memory_space<vmem>>) semaphore(%arg22 : memref<!tpu.dma_semaphore, #tpu.memory_space<semaphore_mem>>)
      %mul3A_274 = arith.constant 50176 : i32
      %mul3A_275 = arith.muli %arg1, %mul3A_274 : i32
      %mul3A_276 = arith.constant 4 : i32
      %mul3A_277 = arith.muli %scan3A_244, %mul3A_276 : i32
      %add3A_278 = arith.constant 2 : i32
      %add3A_279 = arith.addi %mul3A_277, %add3A_278 : i32
      %mul3A_280 = arith.constant 128 : i32
      %mul3A_281 = arith.muli %add3A_279, %mul3A_280 : i32
      %add3A_282 = arith.addi %mul3A_275, %mul3A_281 : i32
      "tpu.region"() ({
        %run_scoped3A = tpu.sem_alloc : memref<!tpu.dma_semaphore, #tpu.memory_space<semaphore_mem>>
        %dma_start3A_315 = tpu.memref_slice %arg3[%add3A_282] : memref<802816xi32, #tpu.memory_space<hbm>> -> memref<128xi32, #tpu.memory_space<hbm>>
        %dma_start3A_316 = tpu.memref_slice %arg3[%add3A_282] : memref<802816xi32, #tpu.memory_space<hbm>> -> memref<128xi32, #tpu.memory_space<hbm>>
        tpu.enqueue_dma source(%dma_start3A_316 : memref<128xi32, #tpu.memory_space<hbm>>) target(%arg11 : memref<128xi32, #tpu.memory_space<vmem>>) target_semaphore(%run_scoped3A : memref<!tpu.dma_semaphore, #tpu.memory_space<semaphore_mem>>)
        %dma_wait3A_317 = tpu.memref_slice %arg3[%add3A_282] : memref<802816xi32, #tpu.memory_space<hbm>> -> memref<128xi32, #tpu.memory_space<hbm>>
        %dma_wait3A_318 = tpu.memref_slice %arg3[%add3A_282] : memref<802816xi32, #tpu.memory_space<hbm>> -> memref<128xi32, #tpu.memory_space<hbm>>
        tpu.wait_dma2 semaphore(%run_scoped3A : memref<!tpu.dma_semaphore, #tpu.memory_space<semaphore_mem>>) src(%dma_wait3A_318 : memref<128xi32, #tpu.memory_space<hbm>>) dst(%arg11 : memref<128xi32, #tpu.memory_space<vmem>>)
        tpu.yield
      }) : () -> ()
      %mul3A_283 = arith.constant 802816 : i32
      %mul3A_284 = arith.muli %arg0, %mul3A_283 : i32
      %add3A_285 = arith.addi %mul3A_284, %add3A_282 : i32
      "tpu.region"() ({
        %run_scoped3A = tpu.sem_alloc : memref<!tpu.dma_semaphore, #tpu.memory_space<semaphore_mem>>
        %dma_start3A_315 = tpu.memref_slice %arg4[%add3A_285] : memref<1605632xi32, #tpu.memory_space<hbm>> -> memref<128xi32, #tpu.memory_space<hbm>>
        %dma_start3A_316 = tpu.memref_slice %arg4[%add3A_285] : memref<1605632xi32, #tpu.memory_space<hbm>> -> memref<128xi32, #tpu.memory_space<hbm>>
        tpu.enqueue_dma source(%dma_start3A_316 : memref<128xi32, #tpu.memory_space<hbm>>) target(%arg15 : memref<128xi32, #tpu.memory_space<vmem>>) target_semaphore(%run_scoped3A : memref<!tpu.dma_semaphore, #tpu.memory_space<semaphore_mem>>)
        %dma_wait3A_317 = tpu.memref_slice %arg4[%add3A_285] : memref<1605632xi32, #tpu.memory_space<hbm>> -> memref<128xi32, #tpu.memory_space<hbm>>
        %dma_wait3A_318 = tpu.memref_slice %arg4[%add3A_285] : memref<1605632xi32, #tpu.memory_space<hbm>> -> memref<128xi32, #tpu.memory_space<hbm>>
        tpu.wait_dma2 semaphore(%run_scoped3A : memref<!tpu.dma_semaphore, #tpu.memory_space<semaphore_mem>>) src(%dma_wait3A_318 : memref<128xi32, #tpu.memory_space<hbm>>) dst(%arg15 : memref<128xi32, #tpu.memory_space<vmem>>)
        tpu.yield
      }) : () -> ()
      %dma_start3A_286 = arith.constant 0 : i32
      %dma_start3A_287 = arith.constant 0 : i32
      %dma_start3A_288 = tpu.memref_slice %arg2[%dma_start3A_286, %dma_start3A_287] : memref<100000x32xf32, #tpu.memory_space<hbm>> -> memref<100000x32xf32, #tpu.memory_space<hbm>>
      tpu.enqueue_indirect_dma source(%dma_start3A_288 : memref<100000x32xf32, #tpu.memory_space<hbm>>) target(%arg19 : memref<128x32xf32, #tpu.memory_space<vmem>>) offsets(%arg15 : memref<128xi32, #tpu.memory_space<vmem>>) semaphore(%arg23 : memref<!tpu.dma_semaphore, #tpu.memory_space<semaphore_mem>>)
      %mul3A_289 = arith.constant 50176 : i32
      %mul3A_290 = arith.muli %arg1, %mul3A_289 : i32
      %mul3A_291 = arith.constant 4 : i32
      %mul3A_292 = arith.muli %scan3A_244, %mul3A_291 : i32
      %add3A_293 = arith.constant 3 : i32
      %add3A_294 = arith.addi %mul3A_292, %add3A_293 : i32
      %mul3A_295 = arith.constant 128 : i32
      %mul3A_296 = arith.muli %add3A_294, %mul3A_295 : i32
      %add3A_297 = arith.addi %mul3A_290, %mul3A_296 : i32
      "tpu.region"() ({
        %run_scoped3A = tpu.sem_alloc : memref<!tpu.dma_semaphore, #tpu.memory_space<semaphore_mem>>
        %dma_start3A_315 = tpu.memref_slice %arg3[%add3A_297] : memref<802816xi32, #tpu.memory_space<hbm>> -> memref<128xi32, #tpu.memory_space<hbm>>
        %dma_start3A_316 = tpu.memref_slice %arg3[%add3A_297] : memref<802816xi32, #tpu.memory_space<hbm>> -> memref<128xi32, #tpu.memory_space<hbm>>
        tpu.enqueue_dma source(%dma_start3A_316 : memref<128xi32, #tpu.memory_space<hbm>>) target(%arg12 : memref<128xi32, #tpu.memory_space<vmem>>) target_semaphore(%run_scoped3A : memref<!tpu.dma_semaphore, #tpu.memory_space<semaphore_mem>>)
        %dma_wait3A_317 = tpu.memref_slice %arg3[%add3A_297] : memref<802816xi32, #tpu.memory_space<hbm>> -> memref<128xi32, #tpu.memory_space<hbm>>
        %dma_wait3A_318 = tpu.memref_slice %arg3[%add3A_297] : memref<802816xi32, #tpu.memory_space<hbm>> -> memref<128xi32, #tpu.memory_space<hbm>>
        tpu.wait_dma2 semaphore(%run_scoped3A : memref<!tpu.dma_semaphore, #tpu.memory_space<semaphore_mem>>) src(%dma_wait3A_318 : memref<128xi32, #tpu.memory_space<hbm>>) dst(%arg12 : memref<128xi32, #tpu.memory_space<vmem>>)
        tpu.yield
      }) : () -> ()
      %mul3A_298 = arith.constant 802816 : i32
      %mul3A_299 = arith.muli %arg0, %mul3A_298 : i32
      %add3A_300 = arith.addi %mul3A_299, %add3A_297 : i32
      "tpu.region"() ({
        %run_scoped3A = tpu.sem_alloc : memref<!tpu.dma_semaphore, #tpu.memory_space<semaphore_mem>>
        %dma_start3A_315 = tpu.memref_slice %arg4[%add3A_300] : memref<1605632xi32, #tpu.memory_space<hbm>> -> memref<128xi32, #tpu.memory_space<hbm>>
        %dma_start3A_316 = tpu.memref_slice %arg4[%add3A_300] : memref<1605632xi32, #tpu.memory_space<hbm>> -> memref<128xi32, #tpu.memory_space<hbm>>
        tpu.enqueue_dma source(%dma_start3A_316 : memref<128xi32, #tpu.memory_space<hbm>>) target(%arg16 : memref<128xi32, #tpu.memory_space<vmem>>) target_semaphore(%run_scoped3A : memref<!tpu.dma_semaphore, #tpu.memory_space<semaphore_mem>>)
        %dma_wait3A_317 = tpu.memref_slice %arg4[%add3A_300] : memref<1605632xi32, #tpu.memory_space<hbm>> -> memref<128xi32, #tpu.memory_space<hbm>>
        %dma_wait3A_318 = tpu.memref_slice %arg4[%add3A_300] : memref<1605632xi32, #tpu.memory_space<hbm>> -> memref<128xi32, #tpu.memory_space<hbm>>
        tpu.wait_dma2 semaphore(%run_scoped3A : memref<!tpu.dma_semaphore, #tpu.memory_space<semaphore_mem>>) src(%dma_wait3A_318 : memref<128xi32, #tpu.memory_space<hbm>>) dst(%arg16 : memref<128xi32, #tpu.memory_space<vmem>>)
        tpu.yield
      }) : () -> ()
      %dma_start3A_301 = arith.constant 0 : i32
      %dma_start3A_302 = arith.constant 0 : i32
      %dma_start3A_303 = tpu.memref_slice %arg2[%dma_start3A_301, %dma_start3A_302] : memref<100000x32xf32, #tpu.memory_space<hbm>> -> memref<100000x32xf32, #tpu.memory_space<hbm>>
      tpu.enqueue_indirect_dma source(%dma_start3A_303 : memref<100000x32xf32, #tpu.memory_space<hbm>>) target(%arg20 : memref<128x32xf32, #tpu.memory_space<vmem>>) offsets(%arg16 : memref<128xi32, #tpu.memory_space<vmem>>) semaphore(%arg24 : memref<!tpu.dma_semaphore, #tpu.memory_space<semaphore_mem>>)
      %dma_wait3A = arith.constant 0 : i32
      %dma_wait3A_304 = arith.constant 0 : i32
      %dma_wait3A_305 = tpu.memref_slice %arg2[%dma_wait3A, %dma_wait3A_304] : memref<100000x32xf32, #tpu.memory_space<hbm>> -> memref<100000x32xf32, #tpu.memory_space<hbm>>
      tpu.wait_indirect_dma semaphore(%arg21 : memref<!tpu.dma_semaphore, #tpu.memory_space<semaphore_mem>>) src(%dma_wait3A_305 : memref<100000x32xf32, #tpu.memory_space<hbm>>) dst(%arg17 : memref<128x32xf32, #tpu.memory_space<vmem>>)
      "tpu.region"() ({
        %run_scoped3A = tpu.sem_alloc : memref<!tpu.dma_semaphore, #tpu.memory_space<semaphore_mem>>
        %dma_start3A_315 = arith.constant 0 : i32
        %dma_start3A_316 = arith.constant 0 : i32
        %dma_start3A_317 = tpu.memref_slice %arg7[%dma_start3A_315, %dma_start3A_316] : memref<50176x32xf32, #tpu.memory_space<vmem_shared>> -> memref<50176x32xf32, #tpu.memory_space<vmem_shared>>
        tpu.enqueue_indirect_dma source(%arg17 : memref<128x32xf32, #tpu.memory_space<vmem>>) target(%dma_start3A_317 : memref<50176x32xf32, #tpu.memory_space<vmem_shared>>) offsets(%arg9 : memref<128xi32, #tpu.memory_space<vmem>>) semaphore(%run_scoped3A : memref<!tpu.dma_semaphore, #tpu.memory_space<semaphore_mem>>) {add = true}
        %dma_wait3A_318 = arith.constant 0 : i32
        %dma_wait3A_319 = arith.constant 0 : i32
        %dma_wait3A_320 = tpu.memref_slice %arg7[%dma_wait3A_318, %dma_wait3A_319] : memref<50176x32xf32, #tpu.memory_space<vmem_shared>> -> memref<50176x32xf32, #tpu.memory_space<vmem_shared>>
        tpu.wait_indirect_dma semaphore(%run_scoped3A : memref<!tpu.dma_semaphore, #tpu.memory_space<semaphore_mem>>) src(%arg17 : memref<128x32xf32, #tpu.memory_space<vmem>>) dst(%dma_wait3A_320 : memref<50176x32xf32, #tpu.memory_space<vmem_shared>>)
        tpu.yield
      }) : () -> ()
      %dma_wait3A_306 = arith.constant 0 : i32
      %dma_wait3A_307 = arith.constant 0 : i32
      %dma_wait3A_308 = tpu.memref_slice %arg2[%dma_wait3A_306, %dma_wait3A_307] : memref<100000x32xf32, #tpu.memory_space<hbm>> -> memref<100000x32xf32, #tpu.memory_space<hbm>>
      tpu.wait_indirect_dma semaphore(%arg22 : memref<!tpu.dma_semaphore, #tpu.memory_space<semaphore_mem>>) src(%dma_wait3A_308 : memref<100000x32xf32, #tpu.memory_space<hbm>>) dst(%arg18 : memref<128x32xf32, #tpu.memory_space<vmem>>)
      "tpu.region"() ({
        %run_scoped3A = tpu.sem_alloc : memref<!tpu.dma_semaphore, #tpu.memory_space<semaphore_mem>>
        %dma_start3A_315 = arith.constant 0 : i32
        %dma_start3A_316 = arith.constant 0 : i32
        %dma_start3A_317 = tpu.memref_slice %arg7[%dma_start3A_315, %dma_start3A_316] : memref<50176x32xf32, #tpu.memory_space<vmem_shared>> -> memref<50176x32xf32, #tpu.memory_space<vmem_shared>>
        tpu.enqueue_indirect_dma source(%arg18 : memref<128x32xf32, #tpu.memory_space<vmem>>) target(%dma_start3A_317 : memref<50176x32xf32, #tpu.memory_space<vmem_shared>>) offsets(%arg10 : memref<128xi32, #tpu.memory_space<vmem>>) semaphore(%run_scoped3A : memref<!tpu.dma_semaphore, #tpu.memory_space<semaphore_mem>>) {add = true}
        %dma_wait3A_318 = arith.constant 0 : i32
        %dma_wait3A_319 = arith.constant 0 : i32
        %dma_wait3A_320 = tpu.memref_slice %arg7[%dma_wait3A_318, %dma_wait3A_319] : memref<50176x32xf32, #tpu.memory_space<vmem_shared>> -> memref<50176x32xf32, #tpu.memory_space<vmem_shared>>
        tpu.wait_indirect_dma semaphore(%run_scoped3A : memref<!tpu.dma_semaphore, #tpu.memory_space<semaphore_mem>>) src(%arg18 : memref<128x32xf32, #tpu.memory_space<vmem>>) dst(%dma_wait3A_320 : memref<50176x32xf32, #tpu.memory_space<vmem_shared>>)
        tpu.yield
      }) : () -> ()
      %dma_wait3A_309 = arith.constant 0 : i32
      %dma_wait3A_310 = arith.constant 0 : i32
      %dma_wait3A_311 = tpu.memref_slice %arg2[%dma_wait3A_309, %dma_wait3A_310] : memref<100000x32xf32, #tpu.memory_space<hbm>> -> memref<100000x32xf32, #tpu.memory_space<hbm>>
      tpu.wait_indirect_dma semaphore(%arg23 : memref<!tpu.dma_semaphore, #tpu.memory_space<semaphore_mem>>) src(%dma_wait3A_311 : memref<100000x32xf32, #tpu.memory_space<hbm>>) dst(%arg19 : memref<128x32xf32, #tpu.memory_space<vmem>>)
      "tpu.region"() ({
        %run_scoped3A = tpu.sem_alloc : memref<!tpu.dma_semaphore, #tpu.memory_space<semaphore_mem>>
        %dma_start3A_315 = arith.constant 0 : i32
        %dma_start3A_316 = arith.constant 0 : i32
        %dma_start3A_317 = tpu.memref_slice %arg7[%dma_start3A_315, %dma_start3A_316] : memref<50176x32xf32, #tpu.memory_space<vmem_shared>> -> memref<50176x32xf32, #tpu.memory_space<vmem_shared>>
        tpu.enqueue_indirect_dma source(%arg19 : memref<128x32xf32, #tpu.memory_space<vmem>>) target(%dma_start3A_317 : memref<50176x32xf32, #tpu.memory_space<vmem_shared>>) offsets(%arg11 : memref<128xi32, #tpu.memory_space<vmem>>) semaphore(%run_scoped3A : memref<!tpu.dma_semaphore, #tpu.memory_space<semaphore_mem>>) {add = true}
        %dma_wait3A_318 = arith.constant 0 : i32
        %dma_wait3A_319 = arith.constant 0 : i32
        %dma_wait3A_320 = tpu.memref_slice %arg7[%dma_wait3A_318, %dma_wait3A_319] : memref<50176x32xf32, #tpu.memory_space<vmem_shared>> -> memref<50176x32xf32, #tpu.memory_space<vmem_shared>>
        tpu.wait_indirect_dma semaphore(%run_scoped3A : memref<!tpu.dma_semaphore, #tpu.memory_space<semaphore_mem>>) src(%arg19 : memref<128x32xf32, #tpu.memory_space<vmem>>) dst(%dma_wait3A_320 : memref<50176x32xf32, #tpu.memory_space<vmem_shared>>)
        tpu.yield
      }) : () -> ()
      %dma_wait3A_312 = arith.constant 0 : i32
      %dma_wait3A_313 = arith.constant 0 : i32
      %dma_wait3A_314 = tpu.memref_slice %arg2[%dma_wait3A_312, %dma_wait3A_313] : memref<100000x32xf32, #tpu.memory_space<hbm>> -> memref<100000x32xf32, #tpu.memory_space<hbm>>
      tpu.wait_indirect_dma semaphore(%arg24 : memref<!tpu.dma_semaphore, #tpu.memory_space<semaphore_mem>>) src(%dma_wait3A_314 : memref<100000x32xf32, #tpu.memory_space<hbm>>) dst(%arg20 : memref<128x32xf32, #tpu.memory_space<vmem>>)
      "tpu.region"() ({
        %run_scoped3A = tpu.sem_alloc : memref<!tpu.dma_semaphore, #tpu.memory_space<semaphore_mem>>
        %dma_start3A_315 = arith.constant 0 : i32
        %dma_start3A_316 = arith.constant 0 : i32
        %dma_start3A_317 = tpu.memref_slice %arg7[%dma_start3A_315, %dma_start3A_316] : memref<50176x32xf32, #tpu.memory_space<vmem_shared>> -> memref<50176x32xf32, #tpu.memory_space<vmem_shared>>
        tpu.enqueue_indirect_dma source(%arg20 : memref<128x32xf32, #tpu.memory_space<vmem>>) target(%dma_start3A_317 : memref<50176x32xf32, #tpu.memory_space<vmem_shared>>) offsets(%arg12 : memref<128xi32, #tpu.memory_space<vmem>>) semaphore(%run_scoped3A : memref<!tpu.dma_semaphore, #tpu.memory_space<semaphore_mem>>) {add = true}
        %dma_wait3A_318 = arith.constant 0 : i32
        %dma_wait3A_319 = arith.constant 0 : i32
        %dma_wait3A_320 = tpu.memref_slice %arg7[%dma_wait3A_318, %dma_wait3A_319] : memref<50176x32xf32, #tpu.memory_space<vmem_shared>> -> memref<50176x32xf32, #tpu.memory_space<vmem_shared>>
        tpu.wait_indirect_dma semaphore(%run_scoped3A : memref<!tpu.dma_semaphore, #tpu.memory_space<semaphore_mem>>) src(%arg20 : memref<128x32xf32, #tpu.memory_space<vmem>>) dst(%dma_wait3A_320 : memref<50176x32xf32, #tpu.memory_space<vmem_shared>>)
        tpu.yield
      }) : () -> ()
    }
    %scan3A_66 = arith.constant 98 : i32
    %barrier3A_67 = arith.constant 0 : index
    tpu.barrier barrier_id(%barrier3A_67)
    %mul3A_68 = arith.constant 3136 : i32
    %mul3A_69 = arith.muli %arg1, %mul3A_68 : i32
    %add3A_70 = arith.constant 0 : i32
    %add3A_71 = arith.addi %mul3A_69, %add3A_70 : i32
    "tpu.region"() ({
      %run_scoped3A = tpu.sem_alloc : memref<!tpu.dma_semaphore, #tpu.memory_space<semaphore_mem>>
      %dma_start3A = arith.constant 0 : i32
      %dma_start3A_244 = tpu.memref_slice %arg7[%add3A_71, %dma_start3A] : memref<50176x32xf32, #tpu.memory_space<vmem_shared>> -> memref<196x32xf32, #tpu.memory_space<vmem_shared>>
      %dma_start3A_245 = arith.constant 0 : i32
      %dma_start3A_246 = tpu.memref_slice %arg7[%add3A_71, %dma_start3A_245] : memref<50176x32xf32, #tpu.memory_space<vmem_shared>> -> memref<196x32xf32, #tpu.memory_space<vmem_shared>>
      tpu.enqueue_dma source(%dma_start3A_246 : memref<196x32xf32, #tpu.memory_space<vmem_shared>>) target(%arg8 : memref<196x32xf32, #tpu.memory_space<vmem>>) target_semaphore(%run_scoped3A : memref<!tpu.dma_semaphore, #tpu.memory_space<semaphore_mem>>)
      %dma_wait3A = arith.constant 0 : i32
      %dma_wait3A_247 = tpu.memref_slice %arg7[%add3A_71, %dma_wait3A] : memref<50176x32xf32, #tpu.memory_space<vmem_shared>> -> memref<196x32xf32, #tpu.memory_space<vmem_shared>>
      %dma_wait3A_248 = arith.constant 0 : i32
      %dma_wait3A_249 = tpu.memref_slice %arg7[%add3A_71, %dma_wait3A_248] : memref<50176x32xf32, #tpu.memory_space<vmem_shared>> -> memref<196x32xf32, #tpu.memory_space<vmem_shared>>
      tpu.wait_dma2 semaphore(%run_scoped3A : memref<!tpu.dma_semaphore, #tpu.memory_space<semaphore_mem>>) src(%dma_wait3A_249 : memref<196x32xf32, #tpu.memory_space<vmem_shared>>) dst(%arg8 : memref<196x32xf32, #tpu.memory_space<vmem>>)
      tpu.yield
    }) : () -> ()
    %mul3A_72 = arith.constant 50176 : i32
    %mul3A_73 = arith.muli %arg0, %mul3A_72 : i32
    %mul3A_74 = arith.constant 3136 : i32
    %mul3A_75 = arith.muli %arg1, %mul3A_74 : i32
    %add3A_76 = arith.addi %mul3A_73, %mul3A_75 : i32
    %add3A_77 = arith.constant 0 : i32
    %add3A_78 = arith.addi %add3A_76, %add3A_77 : i32
    "tpu.region"() ({
      %run_scoped3A = tpu.sem_alloc : memref<!tpu.dma_semaphore, #tpu.memory_space<semaphore_mem>>
      %dma_start3A = arith.constant 0 : i32
      %dma_start3A_244 = tpu.memref_slice %arg6[%add3A_78, %dma_start3A] : memref<100352x32xf32, #tpu.memory_space<hbm>> -> memref<196x32xf32, #tpu.memory_space<hbm>>
      %dma_start3A_245 = arith.constant 0 : i32
      %dma_start3A_246 = tpu.memref_slice %arg6[%add3A_78, %dma_start3A_245] : memref<100352x32xf32, #tpu.memory_space<hbm>> -> memref<196x32xf32, #tpu.memory_space<hbm>>
      tpu.enqueue_dma source(%arg8 : memref<196x32xf32, #tpu.memory_space<vmem>>) target(%dma_start3A_246 : memref<196x32xf32, #tpu.memory_space<hbm>>) target_semaphore(%run_scoped3A : memref<!tpu.dma_semaphore, #tpu.memory_space<semaphore_mem>>)
      %dma_wait3A = arith.constant 0 : i32
      %dma_wait3A_247 = tpu.memref_slice %arg6[%add3A_78, %dma_wait3A] : memref<100352x32xf32, #tpu.memory_space<hbm>> -> memref<196x32xf32, #tpu.memory_space<hbm>>
      %dma_wait3A_248 = arith.constant 0 : i32
      %dma_wait3A_249 = tpu.memref_slice %arg6[%add3A_78, %dma_wait3A_248] : memref<100352x32xf32, #tpu.memory_space<hbm>> -> memref<196x32xf32, #tpu.memory_space<hbm>>
      tpu.wait_dma2 semaphore(%run_scoped3A : memref<!tpu.dma_semaphore, #tpu.memory_space<semaphore_mem>>) src(%arg8 : memref<196x32xf32, #tpu.memory_space<vmem>>) dst(%dma_wait3A_249 : memref<196x32xf32, #tpu.memory_space<hbm>>)
      tpu.yield
    }) : () -> ()
    %mul3A_79 = arith.constant 3136 : i32
    %mul3A_80 = arith.muli %arg1, %mul3A_79 : i32
    %add3A_81 = arith.constant 196 : i32
    %add3A_82 = arith.addi %mul3A_80, %add3A_81 : i32
    "tpu.region"() ({
      %run_scoped3A = tpu.sem_alloc : memref<!tpu.dma_semaphore, #tpu.memory_space<semaphore_mem>>
      %dma_start3A = arith.constant 0 : i32
      %dma_start3A_244 = tpu.memref_slice %arg7[%add3A_82, %dma_start3A] : memref<50176x32xf32, #tpu.memory_space<vmem_shared>> -> memref<196x32xf32, #tpu.memory_space<vmem_shared>>
      %dma_start3A_245 = arith.constant 0 : i32
      %dma_start3A_246 = tpu.memref_slice %arg7[%add3A_82, %dma_start3A_245] : memref<50176x32xf32, #tpu.memory_space<vmem_shared>> -> memref<196x32xf32, #tpu.memory_space<vmem_shared>>
      tpu.enqueue_dma source(%dma_start3A_246 : memref<196x32xf32, #tpu.memory_space<vmem_shared>>) target(%arg8 : memref<196x32xf32, #tpu.memory_space<vmem>>) target_semaphore(%run_scoped3A : memref<!tpu.dma_semaphore, #tpu.memory_space<semaphore_mem>>)
      %dma_wait3A = arith.constant 0 : i32
      %dma_wait3A_247 = tpu.memref_slice %arg7[%add3A_82, %dma_wait3A] : memref<50176x32xf32, #tpu.memory_space<vmem_shared>> -> memref<196x32xf32, #tpu.memory_space<vmem_shared>>
      %dma_wait3A_248 = arith.constant 0 : i32
      %dma_wait3A_249 = tpu.memref_slice %arg7[%add3A_82, %dma_wait3A_248] : memref<50176x32xf32, #tpu.memory_space<vmem_shared>> -> memref<196x32xf32, #tpu.memory_space<vmem_shared>>
      tpu.wait_dma2 semaphore(%run_scoped3A : memref<!tpu.dma_semaphore, #tpu.memory_space<semaphore_mem>>) src(%dma_wait3A_249 : memref<196x32xf32, #tpu.memory_space<vmem_shared>>) dst(%arg8 : memref<196x32xf32, #tpu.memory_space<vmem>>)
      tpu.yield
    }) : () -> ()
    %mul3A_83 = arith.constant 50176 : i32
    %mul3A_84 = arith.muli %arg0, %mul3A_83 : i32
    %mul3A_85 = arith.constant 3136 : i32
    %mul3A_86 = arith.muli %arg1, %mul3A_85 : i32
    %add3A_87 = arith.addi %mul3A_84, %mul3A_86 : i32
    %add3A_88 = arith.constant 196 : i32
    %add3A_89 = arith.addi %add3A_87, %add3A_88 : i32
    "tpu.region"() ({
      %run_scoped3A = tpu.sem_alloc : memref<!tpu.dma_semaphore, #tpu.memory_space<semaphore_mem>>
      %dma_start3A = arith.constant 0 : i32
      %dma_start3A_244 = tpu.memref_slice %arg6[%add3A_89, %dma_start3A] : memref<100352x32xf32, #tpu.memory_space<hbm>> -> memref<196x32xf32, #tpu.memory_space<hbm>>
      %dma_start3A_245 = arith.constant 0 : i32
      %dma_start3A_246 = tpu.memref_slice %arg6[%add3A_89, %dma_start3A_245] : memref<100352x32xf32, #tpu.memory_space<hbm>> -> memref<196x32xf32, #tpu.memory_space<hbm>>
      tpu.enqueue_dma source(%arg8 : memref<196x32xf32, #tpu.memory_space<vmem>>) target(%dma_start3A_246 : memref<196x32xf32, #tpu.memory_space<hbm>>) target_semaphore(%run_scoped3A : memref<!tpu.dma_semaphore, #tpu.memory_space<semaphore_mem>>)
      %dma_wait3A = arith.constant 0 : i32
      %dma_wait3A_247 = tpu.memref_slice %arg6[%add3A_89, %dma_wait3A] : memref<100352x32xf32, #tpu.memory_space<hbm>> -> memref<196x32xf32, #tpu.memory_space<hbm>>
      %dma_wait3A_248 = arith.constant 0 : i32
      %dma_wait3A_249 = tpu.memref_slice %arg6[%add3A_89, %dma_wait3A_248] : memref<100352x32xf32, #tpu.memory_space<hbm>> -> memref<196x32xf32, #tpu.memory_space<hbm>>
      tpu.wait_dma2 semaphore(%run_scoped3A : memref<!tpu.dma_semaphore, #tpu.memory_space<semaphore_mem>>) src(%arg8 : memref<196x32xf32, #tpu.memory_space<vmem>>) dst(%dma_wait3A_249 : memref<196x32xf32, #tpu.memory_space<hbm>>)
      tpu.yield
    }) : () -> ()
    %mul3A_90 = arith.constant 3136 : i32
    %mul3A_91 = arith.muli %arg1, %mul3A_90 : i32
    %add3A_92 = arith.constant 392 : i32
    %add3A_93 = arith.addi %mul3A_91, %add3A_92 : i32
    "tpu.region"() ({
      %run_scoped3A = tpu.sem_alloc : memref<!tpu.dma_semaphore, #tpu.memory_space<semaphore_mem>>
      %dma_start3A = arith.constant 0 : i32
      %dma_start3A_244 = tpu.memref_slice %arg7[%add3A_93, %dma_start3A] : memref<50176x32xf32, #tpu.memory_space<vmem_shared>> -> memref<196x32xf32, #tpu.memory_space<vmem_shared>>
      %dma_start3A_245 = arith.constant 0 : i32
      %dma_start3A_246 = tpu.memref_slice %arg7[%add3A_93, %dma_start3A_245] : memref<50176x32xf32, #tpu.memory_space<vmem_shared>> -> memref<196x32xf32, #tpu.memory_space<vmem_shared>>
      tpu.enqueue_dma source(%dma_start3A_246 : memref<196x32xf32, #tpu.memory_space<vmem_shared>>) target(%arg8 : memref<196x32xf32, #tpu.memory_space<vmem>>) target_semaphore(%run_scoped3A : memref<!tpu.dma_semaphore, #tpu.memory_space<semaphore_mem>>)
      %dma_wait3A = arith.constant 0 : i32
      %dma_wait3A_247 = tpu.memref_slice %arg7[%add3A_93, %dma_wait3A] : memref<50176x32xf32, #tpu.memory_space<vmem_shared>> -> memref<196x32xf32, #tpu.memory_space<vmem_shared>>
      %dma_wait3A_248 = arith.constant 0 : i32
      %dma_wait3A_249 = tpu.memref_slice %arg7[%add3A_93, %dma_wait3A_248] : memref<50176x32xf32, #tpu.memory_space<vmem_shared>> -> memref<196x32xf32, #tpu.memory_space<vmem_shared>>
      tpu.wait_dma2 semaphore(%run_scoped3A : memref<!tpu.dma_semaphore, #tpu.memory_space<semaphore_mem>>) src(%dma_wait3A_249 : memref<196x32xf32, #tpu.memory_space<vmem_shared>>) dst(%arg8 : memref<196x32xf32, #tpu.memory_space<vmem>>)
      tpu.yield
    }) : () -> ()
    %mul3A_94 = arith.constant 50176 : i32
    %mul3A_95 = arith.muli %arg0, %mul3A_94 : i32
    %mul3A_96 = arith.constant 3136 : i32
    %mul3A_97 = arith.muli %arg1, %mul3A_96 : i32
    %add3A_98 = arith.addi %mul3A_95, %mul3A_97 : i32
    %add3A_99 = arith.constant 392 : i32
    %add3A_100 = arith.addi %add3A_98, %add3A_99 : i32
    "tpu.region"() ({
      %run_scoped3A = tpu.sem_alloc : memref<!tpu.dma_semaphore, #tpu.memory_space<semaphore_mem>>
      %dma_start3A = arith.constant 0 : i32
      %dma_start3A_244 = tpu.memref_slice %arg6[%add3A_100, %dma_start3A] : memref<100352x32xf32, #tpu.memory_space<hbm>> -> memref<196x32xf32, #tpu.memory_space<hbm>>
      %dma_start3A_245 = arith.constant 0 : i32
      %dma_start3A_246 = tpu.memref_slice %arg6[%add3A_100, %dma_start3A_245] : memref<100352x32xf32, #tpu.memory_space<hbm>> -> memref<196x32xf32, #tpu.memory_space<hbm>>
      tpu.enqueue_dma source(%arg8 : memref<196x32xf32, #tpu.memory_space<vmem>>) target(%dma_start3A_246 : memref<196x32xf32, #tpu.memory_space<hbm>>) target_semaphore(%run_scoped3A : memref<!tpu.dma_semaphore, #tpu.memory_space<semaphore_mem>>)
      %dma_wait3A = arith.constant 0 : i32
      %dma_wait3A_247 = tpu.memref_slice %arg6[%add3A_100, %dma_wait3A] : memref<100352x32xf32, #tpu.memory_space<hbm>> -> memref<196x32xf32, #tpu.memory_space<hbm>>
      %dma_wait3A_248 = arith.constant 0 : i32
      %dma_wait3A_249 = tpu.memref_slice %arg6[%add3A_100, %dma_wait3A_248] : memref<100352x32xf32, #tpu.memory_space<hbm>> -> memref<196x32xf32, #tpu.memory_space<hbm>>
      tpu.wait_dma2 semaphore(%run_scoped3A : memref<!tpu.dma_semaphore, #tpu.memory_space<semaphore_mem>>) src(%arg8 : memref<196x32xf32, #tpu.memory_space<vmem>>) dst(%dma_wait3A_249 : memref<196x32xf32, #tpu.memory_space<hbm>>)
      tpu.yield
    }) : () -> ()
    %mul3A_101 = arith.constant 3136 : i32
    %mul3A_102 = arith.muli %arg1, %mul3A_101 : i32
    %add3A_103 = arith.constant 588 : i32
    %add3A_104 = arith.addi %mul3A_102, %add3A_103 : i32
    "tpu.region"() ({
      %run_scoped3A = tpu.sem_alloc : memref<!tpu.dma_semaphore, #tpu.memory_space<semaphore_mem>>
      %dma_start3A = arith.constant 0 : i32
      %dma_start3A_244 = tpu.memref_slice %arg7[%add3A_104, %dma_start3A] : memref<50176x32xf32, #tpu.memory_space<vmem_shared>> -> memref<196x32xf32, #tpu.memory_space<vmem_shared>>
      %dma_start3A_245 = arith.constant 0 : i32
      %dma_start3A_246 = tpu.memref_slice %arg7[%add3A_104, %dma_start3A_245] : memref<50176x32xf32, #tpu.memory_space<vmem_shared>> -> memref<196x32xf32, #tpu.memory_space<vmem_shared>>
      tpu.enqueue_dma source(%dma_start3A_246 : memref<196x32xf32, #tpu.memory_space<vmem_shared>>) target(%arg8 : memref<196x32xf32, #tpu.memory_space<vmem>>) target_semaphore(%run_scoped3A : memref<!tpu.dma_semaphore, #tpu.memory_space<semaphore_mem>>)
      %dma_wait3A = arith.constant 0 : i32
      %dma_wait3A_247 = tpu.memref_slice %arg7[%add3A_104, %dma_wait3A] : memref<50176x32xf32, #tpu.memory_space<vmem_shared>> -> memref<196x32xf32, #tpu.memory_space<vmem_shared>>
      %dma_wait3A_248 = arith.constant 0 : i32
      %dma_wait3A_249 = tpu.memref_slice %arg7[%add3A_104, %dma_wait3A_248] : memref<50176x32xf32, #tpu.memory_space<vmem_shared>> -> memref<196x32xf32, #tpu.memory_space<vmem_shared>>
      tpu.wait_dma2 semaphore(%run_scoped3A : memref<!tpu.dma_semaphore, #tpu.memory_space<semaphore_mem>>) src(%dma_wait3A_249 : memref<196x32xf32, #tpu.memory_space<vmem_shared>>) dst(%arg8 : memref<196x32xf32, #tpu.memory_space<vmem>>)
      tpu.yield
    }) : () -> ()
    %mul3A_105 = arith.constant 50176 : i32
    %mul3A_106 = arith.muli %arg0, %mul3A_105 : i32
    %mul3A_107 = arith.constant 3136 : i32
    %mul3A_108 = arith.muli %arg1, %mul3A_107 : i32
    %add3A_109 = arith.addi %mul3A_106, %mul3A_108 : i32
    %add3A_110 = arith.constant 588 : i32
    %add3A_111 = arith.addi %add3A_109, %add3A_110 : i32
    "tpu.region"() ({
      %run_scoped3A = tpu.sem_alloc : memref<!tpu.dma_semaphore, #tpu.memory_space<semaphore_mem>>
      %dma_start3A = arith.constant 0 : i32
      %dma_start3A_244 = tpu.memref_slice %arg6[%add3A_111, %dma_start3A] : memref<100352x32xf32, #tpu.memory_space<hbm>> -> memref<196x32xf32, #tpu.memory_space<hbm>>
      %dma_start3A_245 = arith.constant 0 : i32
      %dma_start3A_246 = tpu.memref_slice %arg6[%add3A_111, %dma_start3A_245] : memref<100352x32xf32, #tpu.memory_space<hbm>> -> memref<196x32xf32, #tpu.memory_space<hbm>>
      tpu.enqueue_dma source(%arg8 : memref<196x32xf32, #tpu.memory_space<vmem>>) target(%dma_start3A_246 : memref<196x32xf32, #tpu.memory_space<hbm>>) target_semaphore(%run_scoped3A : memref<!tpu.dma_semaphore, #tpu.memory_space<semaphore_mem>>)
      %dma_wait3A = arith.constant 0 : i32
      %dma_wait3A_247 = tpu.memref_slice %arg6[%add3A_111, %dma_wait3A] : memref<100352x32xf32, #tpu.memory_space<hbm>> -> memref<196x32xf32, #tpu.memory_space<hbm>>
      %dma_wait3A_248 = arith.constant 0 : i32
      %dma_wait3A_249 = tpu.memref_slice %arg6[%add3A_111, %dma_wait3A_248] : memref<100352x32xf32, #tpu.memory_space<hbm>> -> memref<196x32xf32, #tpu.memory_space<hbm>>
      tpu.wait_dma2 semaphore(%run_scoped3A : memref<!tpu.dma_semaphore, #tpu.memory_space<semaphore_mem>>) src(%arg8 : memref<196x32xf32, #tpu.memory_space<vmem>>) dst(%dma_wait3A_249 : memref<196x32xf32, #tpu.memory_space<hbm>>)
      tpu.yield
    }) : () -> ()
    %mul3A_112 = arith.constant 3136 : i32
    %mul3A_113 = arith.muli %arg1, %mul3A_112 : i32
    %add3A_114 = arith.constant 784 : i32
    %add3A_115 = arith.addi %mul3A_113, %add3A_114 : i32
    "tpu.region"() ({
      %run_scoped3A = tpu.sem_alloc : memref<!tpu.dma_semaphore, #tpu.memory_space<semaphore_mem>>
      %dma_start3A = arith.constant 0 : i32
      %dma_start3A_244 = tpu.memref_slice %arg7[%add3A_115, %dma_start3A] : memref<50176x32xf32, #tpu.memory_space<vmem_shared>> -> memref<196x32xf32, #tpu.memory_space<vmem_shared>>
      %dma_start3A_245 = arith.constant 0 : i32
      %dma_start3A_246 = tpu.memref_slice %arg7[%add3A_115, %dma_start3A_245] : memref<50176x32xf32, #tpu.memory_space<vmem_shared>> -> memref<196x32xf32, #tpu.memory_space<vmem_shared>>
      tpu.enqueue_dma source(%dma_start3A_246 : memref<196x32xf32, #tpu.memory_space<vmem_shared>>) target(%arg8 : memref<196x32xf32, #tpu.memory_space<vmem>>) target_semaphore(%run_scoped3A : memref<!tpu.dma_semaphore, #tpu.memory_space<semaphore_mem>>)
      %dma_wait3A = arith.constant 0 : i32
      %dma_wait3A_247 = tpu.memref_slice %arg7[%add3A_115, %dma_wait3A] : memref<50176x32xf32, #tpu.memory_space<vmem_shared>> -> memref<196x32xf32, #tpu.memory_space<vmem_shared>>
      %dma_wait3A_248 = arith.constant 0 : i32
      %dma_wait3A_249 = tpu.memref_slice %arg7[%add3A_115, %dma_wait3A_248] : memref<50176x32xf32, #tpu.memory_space<vmem_shared>> -> memref<196x32xf32, #tpu.memory_space<vmem_shared>>
      tpu.wait_dma2 semaphore(%run_scoped3A : memref<!tpu.dma_semaphore, #tpu.memory_space<semaphore_mem>>) src(%dma_wait3A_249 : memref<196x32xf32, #tpu.memory_space<vmem_shared>>) dst(%arg8 : memref<196x32xf32, #tpu.memory_space<vmem>>)
      tpu.yield
    }) : () -> ()
    %mul3A_116 = arith.constant 50176 : i32
    %mul3A_117 = arith.muli %arg0, %mul3A_116 : i32
    %mul3A_118 = arith.constant 3136 : i32
    %mul3A_119 = arith.muli %arg1, %mul3A_118 : i32
    %add3A_120 = arith.addi %mul3A_117, %mul3A_119 : i32
    %add3A_121 = arith.constant 784 : i32
    %add3A_122 = arith.addi %add3A_120, %add3A_121 : i32
    "tpu.region"() ({
      %run_scoped3A = tpu.sem_alloc : memref<!tpu.dma_semaphore, #tpu.memory_space<semaphore_mem>>
      %dma_start3A = arith.constant 0 : i32
      %dma_start3A_244 = tpu.memref_slice %arg6[%add3A_122, %dma_start3A] : memref<100352x32xf32, #tpu.memory_space<hbm>> -> memref<196x32xf32, #tpu.memory_space<hbm>>
      %dma_start3A_245 = arith.constant 0 : i32
      %dma_start3A_246 = tpu.memref_slice %arg6[%add3A_122, %dma_start3A_245] : memref<100352x32xf32, #tpu.memory_space<hbm>> -> memref<196x32xf32, #tpu.memory_space<hbm>>
      tpu.enqueue_dma source(%arg8 : memref<196x32xf32, #tpu.memory_space<vmem>>) target(%dma_start3A_246 : memref<196x32xf32, #tpu.memory_space<hbm>>) target_semaphore(%run_scoped3A : memref<!tpu.dma_semaphore, #tpu.memory_space<semaphore_mem>>)
      %dma_wait3A = arith.constant 0 : i32
      %dma_wait3A_247 = tpu.memref_slice %arg6[%add3A_122, %dma_wait3A] : memref<100352x32xf32, #tpu.memory_space<hbm>> -> memref<196x32xf32, #tpu.memory_space<hbm>>
      %dma_wait3A_248 = arith.constant 0 : i32
      %dma_wait3A_249 = tpu.memref_slice %arg6[%add3A_122, %dma_wait3A_248] : memref<100352x32xf32, #tpu.memory_space<hbm>> -> memref<196x32xf32, #tpu.memory_space<hbm>>
      tpu.wait_dma2 semaphore(%run_scoped3A : memref<!tpu.dma_semaphore, #tpu.memory_space<semaphore_mem>>) src(%arg8 : memref<196x32xf32, #tpu.memory_space<vmem>>) dst(%dma_wait3A_249 : memref<196x32xf32, #tpu.memory_space<hbm>>)
      tpu.yield
    }) : () -> ()
    %mul3A_123 = arith.constant 3136 : i32
    %mul3A_124 = arith.muli %arg1, %mul3A_123 : i32
    %add3A_125 = arith.constant 980 : i32
    %add3A_126 = arith.addi %mul3A_124, %add3A_125 : i32
    "tpu.region"() ({
      %run_scoped3A = tpu.sem_alloc : memref<!tpu.dma_semaphore, #tpu.memory_space<semaphore_mem>>
      %dma_start3A = arith.constant 0 : i32
      %dma_start3A_244 = tpu.memref_slice %arg7[%add3A_126, %dma_start3A] : memref<50176x32xf32, #tpu.memory_space<vmem_shared>> -> memref<196x32xf32, #tpu.memory_space<vmem_shared>>
      %dma_start3A_245 = arith.constant 0 : i32
      %dma_start3A_246 = tpu.memref_slice %arg7[%add3A_126, %dma_start3A_245] : memref<50176x32xf32, #tpu.memory_space<vmem_shared>> -> memref<196x32xf32, #tpu.memory_space<vmem_shared>>
      tpu.enqueue_dma source(%dma_start3A_246 : memref<196x32xf32, #tpu.memory_space<vmem_shared>>) target(%arg8 : memref<196x32xf32, #tpu.memory_space<vmem>>) target_semaphore(%run_scoped3A : memref<!tpu.dma_semaphore, #tpu.memory_space<semaphore_mem>>)
      %dma_wait3A = arith.constant 0 : i32
      %dma_wait3A_247 = tpu.memref_slice %arg7[%add3A_126, %dma_wait3A] : memref<50176x32xf32, #tpu.memory_space<vmem_shared>> -> memref<196x32xf32, #tpu.memory_space<vmem_shared>>
      %dma_wait3A_248 = arith.constant 0 : i32
      %dma_wait3A_249 = tpu.memref_slice %arg7[%add3A_126, %dma_wait3A_248] : memref<50176x32xf32, #tpu.memory_space<vmem_shared>> -> memref<196x32xf32, #tpu.memory_space<vmem_shared>>
      tpu.wait_dma2 semaphore(%run_scoped3A : memref<!tpu.dma_semaphore, #tpu.memory_space<semaphore_mem>>) src(%dma_wait3A_249 : memref<196x32xf32, #tpu.memory_space<vmem_shared>>) dst(%arg8 : memref<196x32xf32, #tpu.memory_space<vmem>>)
      tpu.yield
    }) : () -> ()
    %mul3A_127 = arith.constant 50176 : i32
    %mul3A_128 = arith.muli %arg0, %mul3A_127 : i32
    %mul3A_129 = arith.constant 3136 : i32
    %mul3A_130 = arith.muli %arg1, %mul3A_129 : i32
    %add3A_131 = arith.addi %mul3A_128, %mul3A_130 : i32
    %add3A_132 = arith.constant 980 : i32
    %add3A_133 = arith.addi %add3A_131, %add3A_132 : i32
    "tpu.region"() ({
      %run_scoped3A = tpu.sem_alloc : memref<!tpu.dma_semaphore, #tpu.memory_space<semaphore_mem>>
      %dma_start3A = arith.constant 0 : i32
      %dma_start3A_244 = tpu.memref_slice %arg6[%add3A_133, %dma_start3A] : memref<100352x32xf32, #tpu.memory_space<hbm>> -> memref<196x32xf32, #tpu.memory_space<hbm>>
      %dma_start3A_245 = arith.constant 0 : i32
      %dma_start3A_246 = tpu.memref_slice %arg6[%add3A_133, %dma_start3A_245] : memref<100352x32xf32, #tpu.memory_space<hbm>> -> memref<196x32xf32, #tpu.memory_space<hbm>>
      tpu.enqueue_dma source(%arg8 : memref<196x32xf32, #tpu.memory_space<vmem>>) target(%dma_start3A_246 : memref<196x32xf32, #tpu.memory_space<hbm>>) target_semaphore(%run_scoped3A : memref<!tpu.dma_semaphore, #tpu.memory_space<semaphore_mem>>)
      %dma_wait3A = arith.constant 0 : i32
      %dma_wait3A_247 = tpu.memref_slice %arg6[%add3A_133, %dma_wait3A] : memref<100352x32xf32, #tpu.memory_space<hbm>> -> memref<196x32xf32, #tpu.memory_space<hbm>>
      %dma_wait3A_248 = arith.constant 0 : i32
      %dma_wait3A_249 = tpu.memref_slice %arg6[%add3A_133, %dma_wait3A_248] : memref<100352x32xf32, #tpu.memory_space<hbm>> -> memref<196x32xf32, #tpu.memory_space<hbm>>
      tpu.wait_dma2 semaphore(%run_scoped3A : memref<!tpu.dma_semaphore, #tpu.memory_space<semaphore_mem>>) src(%arg8 : memref<196x32xf32, #tpu.memory_space<vmem>>) dst(%dma_wait3A_249 : memref<196x32xf32, #tpu.memory_space<hbm>>)
      tpu.yield
    }) : () -> ()
    %mul3A_134 = arith.constant 3136 : i32
    %mul3A_135 = arith.muli %arg1, %mul3A_134 : i32
    %add3A_136 = arith.constant 1176 : i32
    %add3A_137 = arith.addi %mul3A_135, %add3A_136 : i32
    "tpu.region"() ({
      %run_scoped3A = tpu.sem_alloc : memref<!tpu.dma_semaphore, #tpu.memory_space<semaphore_mem>>
      %dma_start3A = arith.constant 0 : i32
      %dma_start3A_244 = tpu.memref_slice %arg7[%add3A_137, %dma_start3A] : memref<50176x32xf32, #tpu.memory_space<vmem_shared>> -> memref<196x32xf32, #tpu.memory_space<vmem_shared>>
      %dma_start3A_245 = arith.constant 0 : i32
      %dma_start3A_246 = tpu.memref_slice %arg7[%add3A_137, %dma_start3A_245] : memref<50176x32xf32, #tpu.memory_space<vmem_shared>> -> memref<196x32xf32, #tpu.memory_space<vmem_shared>>
      tpu.enqueue_dma source(%dma_start3A_246 : memref<196x32xf32, #tpu.memory_space<vmem_shared>>) target(%arg8 : memref<196x32xf32, #tpu.memory_space<vmem>>) target_semaphore(%run_scoped3A : memref<!tpu.dma_semaphore, #tpu.memory_space<semaphore_mem>>)
      %dma_wait3A = arith.constant 0 : i32
      %dma_wait3A_247 = tpu.memref_slice %arg7[%add3A_137, %dma_wait3A] : memref<50176x32xf32, #tpu.memory_space<vmem_shared>> -> memref<196x32xf32, #tpu.memory_space<vmem_shared>>
      %dma_wait3A_248 = arith.constant 0 : i32
      %dma_wait3A_249 = tpu.memref_slice %arg7[%add3A_137, %dma_wait3A_248] : memref<50176x32xf32, #tpu.memory_space<vmem_shared>> -> memref<196x32xf32, #tpu.memory_space<vmem_shared>>
      tpu.wait_dma2 semaphore(%run_scoped3A : memref<!tpu.dma_semaphore, #tpu.memory_space<semaphore_mem>>) src(%dma_wait3A_249 : memref<196x32xf32, #tpu.memory_space<vmem_shared>>) dst(%arg8 : memref<196x32xf32, #tpu.memory_space<vmem>>)
      tpu.yield
    }) : () -> ()
    %mul3A_138 = arith.constant 50176 : i32
    %mul3A_139 = arith.muli %arg0, %mul3A_138 : i32
    %mul3A_140 = arith.constant 3136 : i32
    %mul3A_141 = arith.muli %arg1, %mul3A_140 : i32
    %add3A_142 = arith.addi %mul3A_139, %mul3A_141 : i32
    %add3A_143 = arith.constant 1176 : i32
    %add3A_144 = arith.addi %add3A_142, %add3A_143 : i32
    "tpu.region"() ({
      %run_scoped3A = tpu.sem_alloc : memref<!tpu.dma_semaphore, #tpu.memory_space<semaphore_mem>>
      %dma_start3A = arith.constant 0 : i32
      %dma_start3A_244 = tpu.memref_slice %arg6[%add3A_144, %dma_start3A] : memref<100352x32xf32, #tpu.memory_space<hbm>> -> memref<196x32xf32, #tpu.memory_space<hbm>>
      %dma_start3A_245 = arith.constant 0 : i32
      %dma_start3A_246 = tpu.memref_slice %arg6[%add3A_144, %dma_start3A_245] : memref<100352x32xf32, #tpu.memory_space<hbm>> -> memref<196x32xf32, #tpu.memory_space<hbm>>
      tpu.enqueue_dma source(%arg8 : memref<196x32xf32, #tpu.memory_space<vmem>>) target(%dma_start3A_246 : memref<196x32xf32, #tpu.memory_space<hbm>>) target_semaphore(%run_scoped3A : memref<!tpu.dma_semaphore, #tpu.memory_space<semaphore_mem>>)
      %dma_wait3A = arith.constant 0 : i32
      %dma_wait3A_247 = tpu.memref_slice %arg6[%add3A_144, %dma_wait3A] : memref<100352x32xf32, #tpu.memory_space<hbm>> -> memref<196x32xf32, #tpu.memory_space<hbm>>
      %dma_wait3A_248 = arith.constant 0 : i32
      %dma_wait3A_249 = tpu.memref_slice %arg6[%add3A_144, %dma_wait3A_248] : memref<100352x32xf32, #tpu.memory_space<hbm>> -> memref<196x32xf32, #tpu.memory_space<hbm>>
      tpu.wait_dma2 semaphore(%run_scoped3A : memref<!tpu.dma_semaphore, #tpu.memory_space<semaphore_mem>>) src(%arg8 : memref<196x32xf32, #tpu.memory_space<vmem>>) dst(%dma_wait3A_249 : memref<196x32xf32, #tpu.memory_space<hbm>>)
      tpu.yield
    }) : () -> ()
    %mul3A_145 = arith.constant 3136 : i32
    %mul3A_146 = arith.muli %arg1, %mul3A_145 : i32
    %add3A_147 = arith.constant 1372 : i32
    %add3A_148 = arith.addi %mul3A_146, %add3A_147 : i32
    "tpu.region"() ({
      %run_scoped3A = tpu.sem_alloc : memref<!tpu.dma_semaphore, #tpu.memory_space<semaphore_mem>>
      %dma_start3A = arith.constant 0 : i32
      %dma_start3A_244 = tpu.memref_slice %arg7[%add3A_148, %dma_start3A] : memref<50176x32xf32, #tpu.memory_space<vmem_shared>> -> memref<196x32xf32, #tpu.memory_space<vmem_shared>>
      %dma_start3A_245 = arith.constant 0 : i32
      %dma_start3A_246 = tpu.memref_slice %arg7[%add3A_148, %dma_start3A_245] : memref<50176x32xf32, #tpu.memory_space<vmem_shared>> -> memref<196x32xf32, #tpu.memory_space<vmem_shared>>
      tpu.enqueue_dma source(%dma_start3A_246 : memref<196x32xf32, #tpu.memory_space<vmem_shared>>) target(%arg8 : memref<196x32xf32, #tpu.memory_space<vmem>>) target_semaphore(%run_scoped3A : memref<!tpu.dma_semaphore, #tpu.memory_space<semaphore_mem>>)
      %dma_wait3A = arith.constant 0 : i32
      %dma_wait3A_247 = tpu.memref_slice %arg7[%add3A_148, %dma_wait3A] : memref<50176x32xf32, #tpu.memory_space<vmem_shared>> -> memref<196x32xf32, #tpu.memory_space<vmem_shared>>
      %dma_wait3A_248 = arith.constant 0 : i32
      %dma_wait3A_249 = tpu.memref_slice %arg7[%add3A_148, %dma_wait3A_248] : memref<50176x32xf32, #tpu.memory_space<vmem_shared>> -> memref<196x32xf32, #tpu.memory_space<vmem_shared>>
      tpu.wait_dma2 semaphore(%run_scoped3A : memref<!tpu.dma_semaphore, #tpu.memory_space<semaphore_mem>>) src(%dma_wait3A_249 : memref<196x32xf32, #tpu.memory_space<vmem_shared>>) dst(%arg8 : memref<196x32xf32, #tpu.memory_space<vmem>>)
      tpu.yield
    }) : () -> ()
    %mul3A_149 = arith.constant 50176 : i32
    %mul3A_150 = arith.muli %arg0, %mul3A_149 : i32
    %mul3A_151 = arith.constant 3136 : i32
    %mul3A_152 = arith.muli %arg1, %mul3A_151 : i32
    %add3A_153 = arith.addi %mul3A_150, %mul3A_152 : i32
    %add3A_154 = arith.constant 1372 : i32
    %add3A_155 = arith.addi %add3A_153, %add3A_154 : i32
    "tpu.region"() ({
      %run_scoped3A = tpu.sem_alloc : memref<!tpu.dma_semaphore, #tpu.memory_space<semaphore_mem>>
      %dma_start3A = arith.constant 0 : i32
      %dma_start3A_244 = tpu.memref_slice %arg6[%add3A_155, %dma_start3A] : memref<100352x32xf32, #tpu.memory_space<hbm>> -> memref<196x32xf32, #tpu.memory_space<hbm>>
      %dma_start3A_245 = arith.constant 0 : i32
      %dma_start3A_246 = tpu.memref_slice %arg6[%add3A_155, %dma_start3A_245] : memref<100352x32xf32, #tpu.memory_space<hbm>> -> memref<196x32xf32, #tpu.memory_space<hbm>>
      tpu.enqueue_dma source(%arg8 : memref<196x32xf32, #tpu.memory_space<vmem>>) target(%dma_start3A_246 : memref<196x32xf32, #tpu.memory_space<hbm>>) target_semaphore(%run_scoped3A : memref<!tpu.dma_semaphore, #tpu.memory_space<semaphore_mem>>)
      %dma_wait3A = arith.constant 0 : i32
      %dma_wait3A_247 = tpu.memref_slice %arg6[%add3A_155, %dma_wait3A] : memref<100352x32xf32, #tpu.memory_space<hbm>> -> memref<196x32xf32, #tpu.memory_space<hbm>>
      %dma_wait3A_248 = arith.constant 0 : i32
      %dma_wait3A_249 = tpu.memref_slice %arg6[%add3A_155, %dma_wait3A_248] : memref<100352x32xf32, #tpu.memory_space<hbm>> -> memref<196x32xf32, #tpu.memory_space<hbm>>
      tpu.wait_dma2 semaphore(%run_scoped3A : memref<!tpu.dma_semaphore, #tpu.memory_space<semaphore_mem>>) src(%arg8 : memref<196x32xf32, #tpu.memory_space<vmem>>) dst(%dma_wait3A_249 : memref<196x32xf32, #tpu.memory_space<hbm>>)
      tpu.yield
    }) : () -> ()
    %mul3A_156 = arith.constant 3136 : i32
    %mul3A_157 = arith.muli %arg1, %mul3A_156 : i32
    %add3A_158 = arith.constant 1568 : i32
    %add3A_159 = arith.addi %mul3A_157, %add3A_158 : i32
    "tpu.region"() ({
      %run_scoped3A = tpu.sem_alloc : memref<!tpu.dma_semaphore, #tpu.memory_space<semaphore_mem>>
      %dma_start3A = arith.constant 0 : i32
      %dma_start3A_244 = tpu.memref_slice %arg7[%add3A_159, %dma_start3A] : memref<50176x32xf32, #tpu.memory_space<vmem_shared>> -> memref<196x32xf32, #tpu.memory_space<vmem_shared>>
      %dma_start3A_245 = arith.constant 0 : i32
      %dma_start3A_246 = tpu.memref_slice %arg7[%add3A_159, %dma_start3A_245] : memref<50176x32xf32, #tpu.memory_space<vmem_shared>> -> memref<196x32xf32, #tpu.memory_space<vmem_shared>>
      tpu.enqueue_dma source(%dma_start3A_246 : memref<196x32xf32, #tpu.memory_space<vmem_shared>>) target(%arg8 : memref<196x32xf32, #tpu.memory_space<vmem>>) target_semaphore(%run_scoped3A : memref<!tpu.dma_semaphore, #tpu.memory_space<semaphore_mem>>)
      %dma_wait3A = arith.constant 0 : i32
      %dma_wait3A_247 = tpu.memref_slice %arg7[%add3A_159, %dma_wait3A] : memref<50176x32xf32, #tpu.memory_space<vmem_shared>> -> memref<196x32xf32, #tpu.memory_space<vmem_shared>>
      %dma_wait3A_248 = arith.constant 0 : i32
      %dma_wait3A_249 = tpu.memref_slice %arg7[%add3A_159, %dma_wait3A_248] : memref<50176x32xf32, #tpu.memory_space<vmem_shared>> -> memref<196x32xf32, #tpu.memory_space<vmem_shared>>
      tpu.wait_dma2 semaphore(%run_scoped3A : memref<!tpu.dma_semaphore, #tpu.memory_space<semaphore_mem>>) src(%dma_wait3A_249 : memref<196x32xf32, #tpu.memory_space<vmem_shared>>) dst(%arg8 : memref<196x32xf32, #tpu.memory_space<vmem>>)
      tpu.yield
    }) : () -> ()
    %mul3A_160 = arith.constant 50176 : i32
    %mul3A_161 = arith.muli %arg0, %mul3A_160 : i32
    %mul3A_162 = arith.constant 3136 : i32
    %mul3A_163 = arith.muli %arg1, %mul3A_162 : i32
    %add3A_164 = arith.addi %mul3A_161, %mul3A_163 : i32
    %add3A_165 = arith.constant 1568 : i32
    %add3A_166 = arith.addi %add3A_164, %add3A_165 : i32
    "tpu.region"() ({
      %run_scoped3A = tpu.sem_alloc : memref<!tpu.dma_semaphore, #tpu.memory_space<semaphore_mem>>
      %dma_start3A = arith.constant 0 : i32
      %dma_start3A_244 = tpu.memref_slice %arg6[%add3A_166, %dma_start3A] : memref<100352x32xf32, #tpu.memory_space<hbm>> -> memref<196x32xf32, #tpu.memory_space<hbm>>
      %dma_start3A_245 = arith.constant 0 : i32
      %dma_start3A_246 = tpu.memref_slice %arg6[%add3A_166, %dma_start3A_245] : memref<100352x32xf32, #tpu.memory_space<hbm>> -> memref<196x32xf32, #tpu.memory_space<hbm>>
      tpu.enqueue_dma source(%arg8 : memref<196x32xf32, #tpu.memory_space<vmem>>) target(%dma_start3A_246 : memref<196x32xf32, #tpu.memory_space<hbm>>) target_semaphore(%run_scoped3A : memref<!tpu.dma_semaphore, #tpu.memory_space<semaphore_mem>>)
      %dma_wait3A = arith.constant 0 : i32
      %dma_wait3A_247 = tpu.memref_slice %arg6[%add3A_166, %dma_wait3A] : memref<100352x32xf32, #tpu.memory_space<hbm>> -> memref<196x32xf32, #tpu.memory_space<hbm>>
      %dma_wait3A_248 = arith.constant 0 : i32
      %dma_wait3A_249 = tpu.memref_slice %arg6[%add3A_166, %dma_wait3A_248] : memref<100352x32xf32, #tpu.memory_space<hbm>> -> memref<196x32xf32, #tpu.memory_space<hbm>>
      tpu.wait_dma2 semaphore(%run_scoped3A : memref<!tpu.dma_semaphore, #tpu.memory_space<semaphore_mem>>) src(%arg8 : memref<196x32xf32, #tpu.memory_space<vmem>>) dst(%dma_wait3A_249 : memref<196x32xf32, #tpu.memory_space<hbm>>)
      tpu.yield
    }) : () -> ()
    %mul3A_167 = arith.constant 3136 : i32
    %mul3A_168 = arith.muli %arg1, %mul3A_167 : i32
    %add3A_169 = arith.constant 1764 : i32
    %add3A_170 = arith.addi %mul3A_168, %add3A_169 : i32
    "tpu.region"() ({
      %run_scoped3A = tpu.sem_alloc : memref<!tpu.dma_semaphore, #tpu.memory_space<semaphore_mem>>
      %dma_start3A = arith.constant 0 : i32
      %dma_start3A_244 = tpu.memref_slice %arg7[%add3A_170, %dma_start3A] : memref<50176x32xf32, #tpu.memory_space<vmem_shared>> -> memref<196x32xf32, #tpu.memory_space<vmem_shared>>
      %dma_start3A_245 = arith.constant 0 : i32
      %dma_start3A_246 = tpu.memref_slice %arg7[%add3A_170, %dma_start3A_245] : memref<50176x32xf32, #tpu.memory_space<vmem_shared>> -> memref<196x32xf32, #tpu.memory_space<vmem_shared>>
      tpu.enqueue_dma source(%dma_start3A_246 : memref<196x32xf32, #tpu.memory_space<vmem_shared>>) target(%arg8 : memref<196x32xf32, #tpu.memory_space<vmem>>) target_semaphore(%run_scoped3A : memref<!tpu.dma_semaphore, #tpu.memory_space<semaphore_mem>>)
      %dma_wait3A = arith.constant 0 : i32
      %dma_wait3A_247 = tpu.memref_slice %arg7[%add3A_170, %dma_wait3A] : memref<50176x32xf32, #tpu.memory_space<vmem_shared>> -> memref<196x32xf32, #tpu.memory_space<vmem_shared>>
      %dma_wait3A_248 = arith.constant 0 : i32
      %dma_wait3A_249 = tpu.memref_slice %arg7[%add3A_170, %dma_wait3A_248] : memref<50176x32xf32, #tpu.memory_space<vmem_shared>> -> memref<196x32xf32, #tpu.memory_space<vmem_shared>>
      tpu.wait_dma2 semaphore(%run_scoped3A : memref<!tpu.dma_semaphore, #tpu.memory_space<semaphore_mem>>) src(%dma_wait3A_249 : memref<196x32xf32, #tpu.memory_space<vmem_shared>>) dst(%arg8 : memref<196x32xf32, #tpu.memory_space<vmem>>)
      tpu.yield
    }) : () -> ()
    %mul3A_171 = arith.constant 50176 : i32
    %mul3A_172 = arith.muli %arg0, %mul3A_171 : i32
    %mul3A_173 = arith.constant 3136 : i32
    %mul3A_174 = arith.muli %arg1, %mul3A_173 : i32
    %add3A_175 = arith.addi %mul3A_172, %mul3A_174 : i32
    %add3A_176 = arith.constant 1764 : i32
    %add3A_177 = arith.addi %add3A_175, %add3A_176 : i32
    "tpu.region"() ({
      %run_scoped3A = tpu.sem_alloc : memref<!tpu.dma_semaphore, #tpu.memory_space<semaphore_mem>>
      %dma_start3A = arith.constant 0 : i32
      %dma_start3A_244 = tpu.memref_slice %arg6[%add3A_177, %dma_start3A] : memref<100352x32xf32, #tpu.memory_space<hbm>> -> memref<196x32xf32, #tpu.memory_space<hbm>>
      %dma_start3A_245 = arith.constant 0 : i32
      %dma_start3A_246 = tpu.memref_slice %arg6[%add3A_177, %dma_start3A_245] : memref<100352x32xf32, #tpu.memory_space<hbm>> -> memref<196x32xf32, #tpu.memory_space<hbm>>
      tpu.enqueue_dma source(%arg8 : memref<196x32xf32, #tpu.memory_space<vmem>>) target(%dma_start3A_246 : memref<196x32xf32, #tpu.memory_space<hbm>>) target_semaphore(%run_scoped3A : memref<!tpu.dma_semaphore, #tpu.memory_space<semaphore_mem>>)
      %dma_wait3A = arith.constant 0 : i32
      %dma_wait3A_247 = tpu.memref_slice %arg6[%add3A_177, %dma_wait3A] : memref<100352x32xf32, #tpu.memory_space<hbm>> -> memref<196x32xf32, #tpu.memory_space<hbm>>
      %dma_wait3A_248 = arith.constant 0 : i32
      %dma_wait3A_249 = tpu.memref_slice %arg6[%add3A_177, %dma_wait3A_248] : memref<100352x32xf32, #tpu.memory_space<hbm>> -> memref<196x32xf32, #tpu.memory_space<hbm>>
      tpu.wait_dma2 semaphore(%run_scoped3A : memref<!tpu.dma_semaphore, #tpu.memory_space<semaphore_mem>>) src(%arg8 : memref<196x32xf32, #tpu.memory_space<vmem>>) dst(%dma_wait3A_249 : memref<196x32xf32, #tpu.memory_space<hbm>>)
      tpu.yield
    }) : () -> ()
    %mul3A_178 = arith.constant 3136 : i32
    %mul3A_179 = arith.muli %arg1, %mul3A_178 : i32
    %add3A_180 = arith.constant 1960 : i32
    %add3A_181 = arith.addi %mul3A_179, %add3A_180 : i32
    "tpu.region"() ({
      %run_scoped3A = tpu.sem_alloc : memref<!tpu.dma_semaphore, #tpu.memory_space<semaphore_mem>>
      %dma_start3A = arith.constant 0 : i32
      %dma_start3A_244 = tpu.memref_slice %arg7[%add3A_181, %dma_start3A] : memref<50176x32xf32, #tpu.memory_space<vmem_shared>> -> memref<196x32xf32, #tpu.memory_space<vmem_shared>>
      %dma_start3A_245 = arith.constant 0 : i32
      %dma_start3A_246 = tpu.memref_slice %arg7[%add3A_181, %dma_start3A_245] : memref<50176x32xf32, #tpu.memory_space<vmem_shared>> -> memref<196x32xf32, #tpu.memory_space<vmem_shared>>
      tpu.enqueue_dma source(%dma_start3A_246 : memref<196x32xf32, #tpu.memory_space<vmem_shared>>) target(%arg8 : memref<196x32xf32, #tpu.memory_space<vmem>>) target_semaphore(%run_scoped3A : memref<!tpu.dma_semaphore, #tpu.memory_space<semaphore_mem>>)
      %dma_wait3A = arith.constant 0 : i32
      %dma_wait3A_247 = tpu.memref_slice %arg7[%add3A_181, %dma_wait3A] : memref<50176x32xf32, #tpu.memory_space<vmem_shared>> -> memref<196x32xf32, #tpu.memory_space<vmem_shared>>
      %dma_wait3A_248 = arith.constant 0 : i32
      %dma_wait3A_249 = tpu.memref_slice %arg7[%add3A_181, %dma_wait3A_248] : memref<50176x32xf32, #tpu.memory_space<vmem_shared>> -> memref<196x32xf32, #tpu.memory_space<vmem_shared>>
      tpu.wait_dma2 semaphore(%run_scoped3A : memref<!tpu.dma_semaphore, #tpu.memory_space<semaphore_mem>>) src(%dma_wait3A_249 : memref<196x32xf32, #tpu.memory_space<vmem_shared>>) dst(%arg8 : memref<196x32xf32, #tpu.memory_space<vmem>>)
      tpu.yield
    }) : () -> ()
    %mul3A_182 = arith.constant 50176 : i32
    %mul3A_183 = arith.muli %arg0, %mul3A_182 : i32
    %mul3A_184 = arith.constant 3136 : i32
    %mul3A_185 = arith.muli %arg1, %mul3A_184 : i32
    %add3A_186 = arith.addi %mul3A_183, %mul3A_185 : i32
    %add3A_187 = arith.constant 1960 : i32
    %add3A_188 = arith.addi %add3A_186, %add3A_187 : i32
    "tpu.region"() ({
      %run_scoped3A = tpu.sem_alloc : memref<!tpu.dma_semaphore, #tpu.memory_space<semaphore_mem>>
      %dma_start3A = arith.constant 0 : i32
      %dma_start3A_244 = tpu.memref_slice %arg6[%add3A_188, %dma_start3A] : memref<100352x32xf32, #tpu.memory_space<hbm>> -> memref<196x32xf32, #tpu.memory_space<hbm>>
      %dma_start3A_245 = arith.constant 0 : i32
      %dma_start3A_246 = tpu.memref_slice %arg6[%add3A_188, %dma_start3A_245] : memref<100352x32xf32, #tpu.memory_space<hbm>> -> memref<196x32xf32, #tpu.memory_space<hbm>>
      tpu.enqueue_dma source(%arg8 : memref<196x32xf32, #tpu.memory_space<vmem>>) target(%dma_start3A_246 : memref<196x32xf32, #tpu.memory_space<hbm>>) target_semaphore(%run_scoped3A : memref<!tpu.dma_semaphore, #tpu.memory_space<semaphore_mem>>)
      %dma_wait3A = arith.constant 0 : i32
      %dma_wait3A_247 = tpu.memref_slice %arg6[%add3A_188, %dma_wait3A] : memref<100352x32xf32, #tpu.memory_space<hbm>> -> memref<196x32xf32, #tpu.memory_space<hbm>>
      %dma_wait3A_248 = arith.constant 0 : i32
      %dma_wait3A_249 = tpu.memref_slice %arg6[%add3A_188, %dma_wait3A_248] : memref<100352x32xf32, #tpu.memory_space<hbm>> -> memref<196x32xf32, #tpu.memory_space<hbm>>
      tpu.wait_dma2 semaphore(%run_scoped3A : memref<!tpu.dma_semaphore, #tpu.memory_space<semaphore_mem>>) src(%arg8 : memref<196x32xf32, #tpu.memory_space<vmem>>) dst(%dma_wait3A_249 : memref<196x32xf32, #tpu.memory_space<hbm>>)
      tpu.yield
    }) : () -> ()
    %mul3A_189 = arith.constant 3136 : i32
    %mul3A_190 = arith.muli %arg1, %mul3A_189 : i32
    %add3A_191 = arith.constant 2156 : i32
    %add3A_192 = arith.addi %mul3A_190, %add3A_191 : i32
    "tpu.region"() ({
      %run_scoped3A = tpu.sem_alloc : memref<!tpu.dma_semaphore, #tpu.memory_space<semaphore_mem>>
      %dma_start3A = arith.constant 0 : i32
      %dma_start3A_244 = tpu.memref_slice %arg7[%add3A_192, %dma_start3A] : memref<50176x32xf32, #tpu.memory_space<vmem_shared>> -> memref<196x32xf32, #tpu.memory_space<vmem_shared>>
      %dma_start3A_245 = arith.constant 0 : i32
      %dma_start3A_246 = tpu.memref_slice %arg7[%add3A_192, %dma_start3A_245] : memref<50176x32xf32, #tpu.memory_space<vmem_shared>> -> memref<196x32xf32, #tpu.memory_space<vmem_shared>>
      tpu.enqueue_dma source(%dma_start3A_246 : memref<196x32xf32, #tpu.memory_space<vmem_shared>>) target(%arg8 : memref<196x32xf32, #tpu.memory_space<vmem>>) target_semaphore(%run_scoped3A : memref<!tpu.dma_semaphore, #tpu.memory_space<semaphore_mem>>)
      %dma_wait3A = arith.constant 0 : i32
      %dma_wait3A_247 = tpu.memref_slice %arg7[%add3A_192, %dma_wait3A] : memref<50176x32xf32, #tpu.memory_space<vmem_shared>> -> memref<196x32xf32, #tpu.memory_space<vmem_shared>>
      %dma_wait3A_248 = arith.constant 0 : i32
      %dma_wait3A_249 = tpu.memref_slice %arg7[%add3A_192, %dma_wait3A_248] : memref<50176x32xf32, #tpu.memory_space<vmem_shared>> -> memref<196x32xf32, #tpu.memory_space<vmem_shared>>
      tpu.wait_dma2 semaphore(%run_scoped3A : memref<!tpu.dma_semaphore, #tpu.memory_space<semaphore_mem>>) src(%dma_wait3A_249 : memref<196x32xf32, #tpu.memory_space<vmem_shared>>) dst(%arg8 : memref<196x32xf32, #tpu.memory_space<vmem>>)
      tpu.yield
    }) : () -> ()
    %mul3A_193 = arith.constant 50176 : i32
    %mul3A_194 = arith.muli %arg0, %mul3A_193 : i32
    %mul3A_195 = arith.constant 3136 : i32
    %mul3A_196 = arith.muli %arg1, %mul3A_195 : i32
    %add3A_197 = arith.addi %mul3A_194, %mul3A_196 : i32
    %add3A_198 = arith.constant 2156 : i32
    %add3A_199 = arith.addi %add3A_197, %add3A_198 : i32
    "tpu.region"() ({
      %run_scoped3A = tpu.sem_alloc : memref<!tpu.dma_semaphore, #tpu.memory_space<semaphore_mem>>
      %dma_start3A = arith.constant 0 : i32
      %dma_start3A_244 = tpu.memref_slice %arg6[%add3A_199, %dma_start3A] : memref<100352x32xf32, #tpu.memory_space<hbm>> -> memref<196x32xf32, #tpu.memory_space<hbm>>
      %dma_start3A_245 = arith.constant 0 : i32
      %dma_start3A_246 = tpu.memref_slice %arg6[%add3A_199, %dma_start3A_245] : memref<100352x32xf32, #tpu.memory_space<hbm>> -> memref<196x32xf32, #tpu.memory_space<hbm>>
      tpu.enqueue_dma source(%arg8 : memref<196x32xf32, #tpu.memory_space<vmem>>) target(%dma_start3A_246 : memref<196x32xf32, #tpu.memory_space<hbm>>) target_semaphore(%run_scoped3A : memref<!tpu.dma_semaphore, #tpu.memory_space<semaphore_mem>>)
      %dma_wait3A = arith.constant 0 : i32
      %dma_wait3A_247 = tpu.memref_slice %arg6[%add3A_199, %dma_wait3A] : memref<100352x32xf32, #tpu.memory_space<hbm>> -> memref<196x32xf32, #tpu.memory_space<hbm>>
      %dma_wait3A_248 = arith.constant 0 : i32
      %dma_wait3A_249 = tpu.memref_slice %arg6[%add3A_199, %dma_wait3A_248] : memref<100352x32xf32, #tpu.memory_space<hbm>> -> memref<196x32xf32, #tpu.memory_space<hbm>>
      tpu.wait_dma2 semaphore(%run_scoped3A : memref<!tpu.dma_semaphore, #tpu.memory_space<semaphore_mem>>) src(%arg8 : memref<196x32xf32, #tpu.memory_space<vmem>>) dst(%dma_wait3A_249 : memref<196x32xf32, #tpu.memory_space<hbm>>)
      tpu.yield
    }) : () -> ()
    %mul3A_200 = arith.constant 3136 : i32
    %mul3A_201 = arith.muli %arg1, %mul3A_200 : i32
    %add3A_202 = arith.constant 2352 : i32
    %add3A_203 = arith.addi %mul3A_201, %add3A_202 : i32
    "tpu.region"() ({
      %run_scoped3A = tpu.sem_alloc : memref<!tpu.dma_semaphore, #tpu.memory_space<semaphore_mem>>
      %dma_start3A = arith.constant 0 : i32
      %dma_start3A_244 = tpu.memref_slice %arg7[%add3A_203, %dma_start3A] : memref<50176x32xf32, #tpu.memory_space<vmem_shared>> -> memref<196x32xf32, #tpu.memory_space<vmem_shared>>
      %dma_start3A_245 = arith.constant 0 : i32
      %dma_start3A_246 = tpu.memref_slice %arg7[%add3A_203, %dma_start3A_245] : memref<50176x32xf32, #tpu.memory_space<vmem_shared>> -> memref<196x32xf32, #tpu.memory_space<vmem_shared>>
      tpu.enqueue_dma source(%dma_start3A_246 : memref<196x32xf32, #tpu.memory_space<vmem_shared>>) target(%arg8 : memref<196x32xf32, #tpu.memory_space<vmem>>) target_semaphore(%run_scoped3A : memref<!tpu.dma_semaphore, #tpu.memory_space<semaphore_mem>>)
      %dma_wait3A = arith.constant 0 : i32
      %dma_wait3A_247 = tpu.memref_slice %arg7[%add3A_203, %dma_wait3A] : memref<50176x32xf32, #tpu.memory_space<vmem_shared>> -> memref<196x32xf32, #tpu.memory_space<vmem_shared>>
      %dma_wait3A_248 = arith.constant 0 : i32
      %dma_wait3A_249 = tpu.memref_slice %arg7[%add3A_203, %dma_wait3A_248] : memref<50176x32xf32, #tpu.memory_space<vmem_shared>> -> memref<196x32xf32, #tpu.memory_space<vmem_shared>>
      tpu.wait_dma2 semaphore(%run_scoped3A : memref<!tpu.dma_semaphore, #tpu.memory_space<semaphore_mem>>) src(%dma_wait3A_249 : memref<196x32xf32, #tpu.memory_space<vmem_shared>>) dst(%arg8 : memref<196x32xf32, #tpu.memory_space<vmem>>)
      tpu.yield
    }) : () -> ()
    %mul3A_204 = arith.constant 50176 : i32
    %mul3A_205 = arith.muli %arg0, %mul3A_204 : i32
    %mul3A_206 = arith.constant 3136 : i32
    %mul3A_207 = arith.muli %arg1, %mul3A_206 : i32
    %add3A_208 = arith.addi %mul3A_205, %mul3A_207 : i32
    %add3A_209 = arith.constant 2352 : i32
    %add3A_210 = arith.addi %add3A_208, %add3A_209 : i32
    "tpu.region"() ({
      %run_scoped3A = tpu.sem_alloc : memref<!tpu.dma_semaphore, #tpu.memory_space<semaphore_mem>>
      %dma_start3A = arith.constant 0 : i32
      %dma_start3A_244 = tpu.memref_slice %arg6[%add3A_210, %dma_start3A] : memref<100352x32xf32, #tpu.memory_space<hbm>> -> memref<196x32xf32, #tpu.memory_space<hbm>>
      %dma_start3A_245 = arith.constant 0 : i32
      %dma_start3A_246 = tpu.memref_slice %arg6[%add3A_210, %dma_start3A_245] : memref<100352x32xf32, #tpu.memory_space<hbm>> -> memref<196x32xf32, #tpu.memory_space<hbm>>
      tpu.enqueue_dma source(%arg8 : memref<196x32xf32, #tpu.memory_space<vmem>>) target(%dma_start3A_246 : memref<196x32xf32, #tpu.memory_space<hbm>>) target_semaphore(%run_scoped3A : memref<!tpu.dma_semaphore, #tpu.memory_space<semaphore_mem>>)
      %dma_wait3A = arith.constant 0 : i32
      %dma_wait3A_247 = tpu.memref_slice %arg6[%add3A_210, %dma_wait3A] : memref<100352x32xf32, #tpu.memory_space<hbm>> -> memref<196x32xf32, #tpu.memory_space<hbm>>
      %dma_wait3A_248 = arith.constant 0 : i32
      %dma_wait3A_249 = tpu.memref_slice %arg6[%add3A_210, %dma_wait3A_248] : memref<100352x32xf32, #tpu.memory_space<hbm>> -> memref<196x32xf32, #tpu.memory_space<hbm>>
      tpu.wait_dma2 semaphore(%run_scoped3A : memref<!tpu.dma_semaphore, #tpu.memory_space<semaphore_mem>>) src(%arg8 : memref<196x32xf32, #tpu.memory_space<vmem>>) dst(%dma_wait3A_249 : memref<196x32xf32, #tpu.memory_space<hbm>>)
      tpu.yield
    }) : () -> ()
    %mul3A_211 = arith.constant 3136 : i32
    %mul3A_212 = arith.muli %arg1, %mul3A_211 : i32
    %add3A_213 = arith.constant 2548 : i32
    %add3A_214 = arith.addi %mul3A_212, %add3A_213 : i32
    "tpu.region"() ({
      %run_scoped3A = tpu.sem_alloc : memref<!tpu.dma_semaphore, #tpu.memory_space<semaphore_mem>>
      %dma_start3A = arith.constant 0 : i32
      %dma_start3A_244 = tpu.memref_slice %arg7[%add3A_214, %dma_start3A] : memref<50176x32xf32, #tpu.memory_space<vmem_shared>> -> memref<196x32xf32, #tpu.memory_space<vmem_shared>>
      %dma_start3A_245 = arith.constant 0 : i32
      %dma_start3A_246 = tpu.memref_slice %arg7[%add3A_214, %dma_start3A_245] : memref<50176x32xf32, #tpu.memory_space<vmem_shared>> -> memref<196x32xf32, #tpu.memory_space<vmem_shared>>
      tpu.enqueue_dma source(%dma_start3A_246 : memref<196x32xf32, #tpu.memory_space<vmem_shared>>) target(%arg8 : memref<196x32xf32, #tpu.memory_space<vmem>>) target_semaphore(%run_scoped3A : memref<!tpu.dma_semaphore, #tpu.memory_space<semaphore_mem>>)
      %dma_wait3A = arith.constant 0 : i32
      %dma_wait3A_247 = tpu.memref_slice %arg7[%add3A_214, %dma_wait3A] : memref<50176x32xf32, #tpu.memory_space<vmem_shared>> -> memref<196x32xf32, #tpu.memory_space<vmem_shared>>
      %dma_wait3A_248 = arith.constant 0 : i32
      %dma_wait3A_249 = tpu.memref_slice %arg7[%add3A_214, %dma_wait3A_248] : memref<50176x32xf32, #tpu.memory_space<vmem_shared>> -> memref<196x32xf32, #tpu.memory_space<vmem_shared>>
      tpu.wait_dma2 semaphore(%run_scoped3A : memref<!tpu.dma_semaphore, #tpu.memory_space<semaphore_mem>>) src(%dma_wait3A_249 : memref<196x32xf32, #tpu.memory_space<vmem_shared>>) dst(%arg8 : memref<196x32xf32, #tpu.memory_space<vmem>>)
      tpu.yield
    }) : () -> ()
    %mul3A_215 = arith.constant 50176 : i32
    %mul3A_216 = arith.muli %arg0, %mul3A_215 : i32
    %mul3A_217 = arith.constant 3136 : i32
    %mul3A_218 = arith.muli %arg1, %mul3A_217 : i32
    %add3A_219 = arith.addi %mul3A_216, %mul3A_218 : i32
    %add3A_220 = arith.constant 2548 : i32
    %add3A_221 = arith.addi %add3A_219, %add3A_220 : i32
    "tpu.region"() ({
      %run_scoped3A = tpu.sem_alloc : memref<!tpu.dma_semaphore, #tpu.memory_space<semaphore_mem>>
      %dma_start3A = arith.constant 0 : i32
      %dma_start3A_244 = tpu.memref_slice %arg6[%add3A_221, %dma_start3A] : memref<100352x32xf32, #tpu.memory_space<hbm>> -> memref<196x32xf32, #tpu.memory_space<hbm>>
      %dma_start3A_245 = arith.constant 0 : i32
      %dma_start3A_246 = tpu.memref_slice %arg6[%add3A_221, %dma_start3A_245] : memref<100352x32xf32, #tpu.memory_space<hbm>> -> memref<196x32xf32, #tpu.memory_space<hbm>>
      tpu.enqueue_dma source(%arg8 : memref<196x32xf32, #tpu.memory_space<vmem>>) target(%dma_start3A_246 : memref<196x32xf32, #tpu.memory_space<hbm>>) target_semaphore(%run_scoped3A : memref<!tpu.dma_semaphore, #tpu.memory_space<semaphore_mem>>)
      %dma_wait3A = arith.constant 0 : i32
      %dma_wait3A_247 = tpu.memref_slice %arg6[%add3A_221, %dma_wait3A] : memref<100352x32xf32, #tpu.memory_space<hbm>> -> memref<196x32xf32, #tpu.memory_space<hbm>>
      %dma_wait3A_248 = arith.constant 0 : i32
      %dma_wait3A_249 = tpu.memref_slice %arg6[%add3A_221, %dma_wait3A_248] : memref<100352x32xf32, #tpu.memory_space<hbm>> -> memref<196x32xf32, #tpu.memory_space<hbm>>
      tpu.wait_dma2 semaphore(%run_scoped3A : memref<!tpu.dma_semaphore, #tpu.memory_space<semaphore_mem>>) src(%arg8 : memref<196x32xf32, #tpu.memory_space<vmem>>) dst(%dma_wait3A_249 : memref<196x32xf32, #tpu.memory_space<hbm>>)
      tpu.yield
    }) : () -> ()
    %mul3A_222 = arith.constant 3136 : i32
    %mul3A_223 = arith.muli %arg1, %mul3A_222 : i32
    %add3A_224 = arith.constant 2744 : i32
    %add3A_225 = arith.addi %mul3A_223, %add3A_224 : i32
    "tpu.region"() ({
      %run_scoped3A = tpu.sem_alloc : memref<!tpu.dma_semaphore, #tpu.memory_space<semaphore_mem>>
      %dma_start3A = arith.constant 0 : i32
      %dma_start3A_244 = tpu.memref_slice %arg7[%add3A_225, %dma_start3A] : memref<50176x32xf32, #tpu.memory_space<vmem_shared>> -> memref<196x32xf32, #tpu.memory_space<vmem_shared>>
      %dma_start3A_245 = arith.constant 0 : i32
      %dma_start3A_246 = tpu.memref_slice %arg7[%add3A_225, %dma_start3A_245] : memref<50176x32xf32, #tpu.memory_space<vmem_shared>> -> memref<196x32xf32, #tpu.memory_space<vmem_shared>>
      tpu.enqueue_dma source(%dma_start3A_246 : memref<196x32xf32, #tpu.memory_space<vmem_shared>>) target(%arg8 : memref<196x32xf32, #tpu.memory_space<vmem>>) target_semaphore(%run_scoped3A : memref<!tpu.dma_semaphore, #tpu.memory_space<semaphore_mem>>)
      %dma_wait3A = arith.constant 0 : i32
      %dma_wait3A_247 = tpu.memref_slice %arg7[%add3A_225, %dma_wait3A] : memref<50176x32xf32, #tpu.memory_space<vmem_shared>> -> memref<196x32xf32, #tpu.memory_space<vmem_shared>>
      %dma_wait3A_248 = arith.constant 0 : i32
      %dma_wait3A_249 = tpu.memref_slice %arg7[%add3A_225, %dma_wait3A_248] : memref<50176x32xf32, #tpu.memory_space<vmem_shared>> -> memref<196x32xf32, #tpu.memory_space<vmem_shared>>
      tpu.wait_dma2 semaphore(%run_scoped3A : memref<!tpu.dma_semaphore, #tpu.memory_space<semaphore_mem>>) src(%dma_wait3A_249 : memref<196x32xf32, #tpu.memory_space<vmem_shared>>) dst(%arg8 : memref<196x32xf32, #tpu.memory_space<vmem>>)
      tpu.yield
    }) : () -> ()
    %mul3A_226 = arith.constant 50176 : i32
    %mul3A_227 = arith.muli %arg0, %mul3A_226 : i32
    %mul3A_228 = arith.constant 3136 : i32
    %mul3A_229 = arith.muli %arg1, %mul3A_228 : i32
    %add3A_230 = arith.addi %mul3A_227, %mul3A_229 : i32
    %add3A_231 = arith.constant 2744 : i32
    %add3A_232 = arith.addi %add3A_230, %add3A_231 : i32
    "tpu.region"() ({
      %run_scoped3A = tpu.sem_alloc : memref<!tpu.dma_semaphore, #tpu.memory_space<semaphore_mem>>
      %dma_start3A = arith.constant 0 : i32
      %dma_start3A_244 = tpu.memref_slice %arg6[%add3A_232, %dma_start3A] : memref<100352x32xf32, #tpu.memory_space<hbm>> -> memref<196x32xf32, #tpu.memory_space<hbm>>
      %dma_start3A_245 = arith.constant 0 : i32
      %dma_start3A_246 = tpu.memref_slice %arg6[%add3A_232, %dma_start3A_245] : memref<100352x32xf32, #tpu.memory_space<hbm>> -> memref<196x32xf32, #tpu.memory_space<hbm>>
      tpu.enqueue_dma source(%arg8 : memref<196x32xf32, #tpu.memory_space<vmem>>) target(%dma_start3A_246 : memref<196x32xf32, #tpu.memory_space<hbm>>) target_semaphore(%run_scoped3A : memref<!tpu.dma_semaphore, #tpu.memory_space<semaphore_mem>>)
      %dma_wait3A = arith.constant 0 : i32
      %dma_wait3A_247 = tpu.memref_slice %arg6[%add3A_232, %dma_wait3A] : memref<100352x32xf32, #tpu.memory_space<hbm>> -> memref<196x32xf32, #tpu.memory_space<hbm>>
      %dma_wait3A_248 = arith.constant 0 : i32
      %dma_wait3A_249 = tpu.memref_slice %arg6[%add3A_232, %dma_wait3A_248] : memref<100352x32xf32, #tpu.memory_space<hbm>> -> memref<196x32xf32, #tpu.memory_space<hbm>>
      tpu.wait_dma2 semaphore(%run_scoped3A : memref<!tpu.dma_semaphore, #tpu.memory_space<semaphore_mem>>) src(%arg8 : memref<196x32xf32, #tpu.memory_space<vmem>>) dst(%dma_wait3A_249 : memref<196x32xf32, #tpu.memory_space<hbm>>)
      tpu.yield
    }) : () -> ()
    %mul3A_233 = arith.constant 3136 : i32
    %mul3A_234 = arith.muli %arg1, %mul3A_233 : i32
    %add3A_235 = arith.constant 2940 : i32
    %add3A_236 = arith.addi %mul3A_234, %add3A_235 : i32
    "tpu.region"() ({
      %run_scoped3A = tpu.sem_alloc : memref<!tpu.dma_semaphore, #tpu.memory_space<semaphore_mem>>
      %dma_start3A = arith.constant 0 : i32
      %dma_start3A_244 = tpu.memref_slice %arg7[%add3A_236, %dma_start3A] : memref<50176x32xf32, #tpu.memory_space<vmem_shared>> -> memref<196x32xf32, #tpu.memory_space<vmem_shared>>
      %dma_start3A_245 = arith.constant 0 : i32
      %dma_start3A_246 = tpu.memref_slice %arg7[%add3A_236, %dma_start3A_245] : memref<50176x32xf32, #tpu.memory_space<vmem_shared>> -> memref<196x32xf32, #tpu.memory_space<vmem_shared>>
      tpu.enqueue_dma source(%dma_start3A_246 : memref<196x32xf32, #tpu.memory_space<vmem_shared>>) target(%arg8 : memref<196x32xf32, #tpu.memory_space<vmem>>) target_semaphore(%run_scoped3A : memref<!tpu.dma_semaphore, #tpu.memory_space<semaphore_mem>>)
      %dma_wait3A = arith.constant 0 : i32
      %dma_wait3A_247 = tpu.memref_slice %arg7[%add3A_236, %dma_wait3A] : memref<50176x32xf32, #tpu.memory_space<vmem_shared>> -> memref<196x32xf32, #tpu.memory_space<vmem_shared>>
      %dma_wait3A_248 = arith.constant 0 : i32
      %dma_wait3A_249 = tpu.memref_slice %arg7[%add3A_236, %dma_wait3A_248] : memref<50176x32xf32, #tpu.memory_space<vmem_shared>> -> memref<196x32xf32, #tpu.memory_space<vmem_shared>>
      tpu.wait_dma2 semaphore(%run_scoped3A : memref<!tpu.dma_semaphore, #tpu.memory_space<semaphore_mem>>) src(%dma_wait3A_249 : memref<196x32xf32, #tpu.memory_space<vmem_shared>>) dst(%arg8 : memref<196x32xf32, #tpu.memory_space<vmem>>)
      tpu.yield
    }) : () -> ()
    %mul3A_237 = arith.constant 50176 : i32
    %mul3A_238 = arith.muli %arg0, %mul3A_237 : i32
    %mul3A_239 = arith.constant 3136 : i32
    %mul3A_240 = arith.muli %arg1, %mul3A_239 : i32
    %add3A_241 = arith.addi %mul3A_238, %mul3A_240 : i32
    %add3A_242 = arith.constant 2940 : i32
    %add3A_243 = arith.addi %add3A_241, %add3A_242 : i32
    "tpu.region"() ({
      %run_scoped3A = tpu.sem_alloc : memref<!tpu.dma_semaphore, #tpu.memory_space<semaphore_mem>>
      %dma_start3A = arith.constant 0 : i32
      %dma_start3A_244 = tpu.memref_slice %arg6[%add3A_243, %dma_start3A] : memref<100352x32xf32, #tpu.memory_space<hbm>> -> memref<196x32xf32, #tpu.memory_space<hbm>>
      %dma_start3A_245 = arith.constant 0 : i32
      %dma_start3A_246 = tpu.memref_slice %arg6[%add3A_243, %dma_start3A_245] : memref<100352x32xf32, #tpu.memory_space<hbm>> -> memref<196x32xf32, #tpu.memory_space<hbm>>
      tpu.enqueue_dma source(%arg8 : memref<196x32xf32, #tpu.memory_space<vmem>>) target(%dma_start3A_246 : memref<196x32xf32, #tpu.memory_space<hbm>>) target_semaphore(%run_scoped3A : memref<!tpu.dma_semaphore, #tpu.memory_space<semaphore_mem>>)
      %dma_wait3A = arith.constant 0 : i32
      %dma_wait3A_247 = tpu.memref_slice %arg6[%add3A_243, %dma_wait3A] : memref<100352x32xf32, #tpu.memory_space<hbm>> -> memref<196x32xf32, #tpu.memory_space<hbm>>
      %dma_wait3A_248 = arith.constant 0 : i32
      %dma_wait3A_249 = tpu.memref_slice %arg6[%add3A_243, %dma_wait3A_248] : memref<100352x32xf32, #tpu.memory_space<hbm>> -> memref<196x32xf32, #tpu.memory_space<hbm>>
      tpu.wait_dma2 semaphore(%run_scoped3A : memref<!tpu.dma_semaphore, #tpu.memory_space<semaphore_mem>>) src(%arg8 : memref<196x32xf32, #tpu.memory_space<vmem>>) dst(%dma_wait3A_249 : memref<196x32xf32, #tpu.memory_space<hbm>>)
      tpu.yield
    }) : () -> ()
    return
  }
}

#map = affine_map<(d0, d1) -> (0, 0)>
#map1 = affine_map<(d0, d1) -> (0)>
module attributes {stable_mosaic.version = 14 : i64} {
  func.func @_propagate(%arg0: i32, %arg1: i32, %arg2: memref<100000x32xf32, #tpu.memory_space<hbm>>, %arg3: memref<802816xi32, #tpu.memory_space<hbm>>, %arg4: memref<1605632xi32, #tpu.memory_space<hbm>>, %arg5: memref<196x32xf32, #tpu.memory_space<hbm>>, %arg6: memref<100352x32xf32, #tpu.memory_space<hbm>>, %arg7: memref<50176x32xf32, #tpu.memory_space<vmem_shared>>, %arg8: memref<196x32xf32, #tpu.memory_space<vmem>>, %arg9: memref<128xi32, #tpu.memory_space<vmem>>, %arg10: memref<128xi32, #tpu.memory_space<vmem>>, %arg11: memref<128xi32, #tpu.memory_space<vmem>>, %arg12: memref<128xi32, #tpu.memory_space<vmem>>, %arg13: memref<128xi32, #tpu.memory_space<vmem>>, %arg14: memref<128xi32, #tpu.memory_space<vmem>>, %arg15: memref<128xi32, #tpu.memory_space<vmem>>, %arg16: memref<128xi32, #tpu.memory_space<vmem>>, %arg17: memref<128x32xf32, #tpu.memory_space<vmem>>, %arg18: memref<128x32xf32, #tpu.memory_space<vmem>>, %arg19: memref<128x32xf32, #tpu.memory_space<vmem>>, %arg20: memref<128x32xf32, #tpu.memory_space<vmem>>, %arg21: memref<!tpu.dma_semaphore, #tpu.memory_space<semaphore_mem>>, %arg22: memref<!tpu.dma_semaphore, #tpu.memory_space<semaphore_mem>>, %arg23: memref<!tpu.dma_semaphore, #tpu.memory_space<semaphore_mem>>, %arg24: memref<!tpu.dma_semaphore, #tpu.memory_space<semaphore_mem>>) attributes {dimension_semantics = [#tpu.dimension_semantics<core_parallel>, #tpu.dimension_semantics<subcore_parallel>], iteration_bounds = array<i64: 2, 16>, scalar_prefetch = 0 : i64, scratch_operands = 18 : i64, tpu.core_type = #tpu.core_type<sc_vector_subcore>, window_params = [{transform_indices = #map}, {transform_indices = #map1}, {transform_indices = #map1}, {transform_indices = #map}, {transform_indices = #map}]} {
    "tpu.region"() ({
      %run_scoped3A = tpu.sem_alloc : memref<!tpu.dma_semaphore, #tpu.memory_space<semaphore_mem>>
      tpu.enqueue_dma source(%arg5 : memref<196x32xf32, #tpu.memory_space<hbm>>) target(%arg8 : memref<196x32xf32, #tpu.memory_space<vmem>>) target_semaphore(%run_scoped3A : memref<!tpu.dma_semaphore, #tpu.memory_space<semaphore_mem>>)
      tpu.wait_dma2 semaphore(%run_scoped3A : memref<!tpu.dma_semaphore, #tpu.memory_space<semaphore_mem>>) src(%arg5 : memref<196x32xf32, #tpu.memory_space<hbm>>) dst(%arg8 : memref<196x32xf32, #tpu.memory_space<vmem>>)
      tpu.yield
    }) : () -> ()
    %mul3A = arith.constant 3136 : i32
    %mul3A_0 = arith.muli %arg1, %mul3A : i32
    %add3A = arith.constant 0 : i32
    %add3A_1 = arith.addi %mul3A_0, %add3A : i32
    "tpu.region"() ({
      %run_scoped3A = tpu.sem_alloc : memref<!tpu.dma_semaphore, #tpu.memory_space<semaphore_mem>>
      %dma_start3A = arith.constant 0 : i32
      %dma_start3A_244 = tpu.memref_slice %arg7[%add3A_1, %dma_start3A] : memref<50176x32xf32, #tpu.memory_space<vmem_shared>> -> memref<196x32xf32, #tpu.memory_space<vmem_shared>>
      %dma_start3A_245 = arith.constant 0 : i32
      %dma_start3A_246 = tpu.memref_slice %arg7[%add3A_1, %dma_start3A_245] : memref<50176x32xf32, #tpu.memory_space<vmem_shared>> -> memref<196x32xf32, #tpu.memory_space<vmem_shared>>
      tpu.enqueue_dma source(%arg8 : memref<196x32xf32, #tpu.memory_space<vmem>>) target(%dma_start3A_246 : memref<196x32xf32, #tpu.memory_space<vmem_shared>>) target_semaphore(%run_scoped3A : memref<!tpu.dma_semaphore, #tpu.memory_space<semaphore_mem>>)
      %dma_wait3A = arith.constant 0 : i32
      %dma_wait3A_247 = tpu.memref_slice %arg7[%add3A_1, %dma_wait3A] : memref<50176x32xf32, #tpu.memory_space<vmem_shared>> -> memref<196x32xf32, #tpu.memory_space<vmem_shared>>
      %dma_wait3A_248 = arith.constant 0 : i32
      %dma_wait3A_249 = tpu.memref_slice %arg7[%add3A_1, %dma_wait3A_248] : memref<50176x32xf32, #tpu.memory_space<vmem_shared>> -> memref<196x32xf32, #tpu.memory_space<vmem_shared>>
      tpu.wait_dma2 semaphore(%run_scoped3A : memref<!tpu.dma_semaphore, #tpu.memory_space<semaphore_mem>>) src(%arg8 : memref<196x32xf32, #tpu.memory_space<vmem>>) dst(%dma_wait3A_249 : memref<196x32xf32, #tpu.memory_space<vmem_shared>>)
      tpu.yield
    }) : () -> ()
    %mul3A_2 = arith.constant 3136 : i32
    %mul3A_3 = arith.muli %arg1, %mul3A_2 : i32
    %add3A_4 = arith.constant 196 : i32
    %add3A_5 = arith.addi %mul3A_3, %add3A_4 : i32
    "tpu.region"() ({
      %run_scoped3A = tpu.sem_alloc : memref<!tpu.dma_semaphore, #tpu.memory_space<semaphore_mem>>
      %dma_start3A = arith.constant 0 : i32
      %dma_start3A_244 = tpu.memref_slice %arg7[%add3A_5, %dma_start3A] : memref<50176x32xf32, #tpu.memory_space<vmem_shared>> -> memref<196x32xf32, #tpu.memory_space<vmem_shared>>
      %dma_start3A_245 = arith.constant 0 : i32
      %dma_start3A_246 = tpu.memref_slice %arg7[%add3A_5, %dma_start3A_245] : memref<50176x32xf32, #tpu.memory_space<vmem_shared>> -> memref<196x32xf32, #tpu.memory_space<vmem_shared>>
      tpu.enqueue_dma source(%arg8 : memref<196x32xf32, #tpu.memory_space<vmem>>) target(%dma_start3A_246 : memref<196x32xf32, #tpu.memory_space<vmem_shared>>) target_semaphore(%run_scoped3A : memref<!tpu.dma_semaphore, #tpu.memory_space<semaphore_mem>>)
      %dma_wait3A = arith.constant 0 : i32
      %dma_wait3A_247 = tpu.memref_slice %arg7[%add3A_5, %dma_wait3A] : memref<50176x32xf32, #tpu.memory_space<vmem_shared>> -> memref<196x32xf32, #tpu.memory_space<vmem_shared>>
      %dma_wait3A_248 = arith.constant 0 : i32
      %dma_wait3A_249 = tpu.memref_slice %arg7[%add3A_5, %dma_wait3A_248] : memref<50176x32xf32, #tpu.memory_space<vmem_shared>> -> memref<196x32xf32, #tpu.memory_space<vmem_shared>>
      tpu.wait_dma2 semaphore(%run_scoped3A : memref<!tpu.dma_semaphore, #tpu.memory_space<semaphore_mem>>) src(%arg8 : memref<196x32xf32, #tpu.memory_space<vmem>>) dst(%dma_wait3A_249 : memref<196x32xf32, #tpu.memory_space<vmem_shared>>)
      tpu.yield
    }) : () -> ()
    %mul3A_6 = arith.constant 3136 : i32
    %mul3A_7 = arith.muli %arg1, %mul3A_6 : i32
    %add3A_8 = arith.constant 392 : i32
    %add3A_9 = arith.addi %mul3A_7, %add3A_8 : i32
    "tpu.region"() ({
      %run_scoped3A = tpu.sem_alloc : memref<!tpu.dma_semaphore, #tpu.memory_space<semaphore_mem>>
      %dma_start3A = arith.constant 0 : i32
      %dma_start3A_244 = tpu.memref_slice %arg7[%add3A_9, %dma_start3A] : memref<50176x32xf32, #tpu.memory_space<vmem_shared>> -> memref<196x32xf32, #tpu.memory_space<vmem_shared>>
      %dma_start3A_245 = arith.constant 0 : i32
      %dma_start3A_246 = tpu.memref_slice %arg7[%add3A_9, %dma_start3A_245] : memref<50176x32xf32, #tpu.memory_space<vmem_shared>> -> memref<196x32xf32, #tpu.memory_space<vmem_shared>>
      tpu.enqueue_dma source(%arg8 : memref<196x32xf32, #tpu.memory_space<vmem>>) target(%dma_start3A_246 : memref<196x32xf32, #tpu.memory_space<vmem_shared>>) target_semaphore(%run_scoped3A : memref<!tpu.dma_semaphore, #tpu.memory_space<semaphore_mem>>)
      %dma_wait3A = arith.constant 0 : i32
      %dma_wait3A_247 = tpu.memref_slice %arg7[%add3A_9, %dma_wait3A] : memref<50176x32xf32, #tpu.memory_space<vmem_shared>> -> memref<196x32xf32, #tpu.memory_space<vmem_shared>>
      %dma_wait3A_248 = arith.constant 0 : i32
      %dma_wait3A_249 = tpu.memref_slice %arg7[%add3A_9, %dma_wait3A_248] : memref<50176x32xf32, #tpu.memory_space<vmem_shared>> -> memref<196x32xf32, #tpu.memory_space<vmem_shared>>
      tpu.wait_dma2 semaphore(%run_scoped3A : memref<!tpu.dma_semaphore, #tpu.memory_space<semaphore_mem>>) src(%arg8 : memref<196x32xf32, #tpu.memory_space<vmem>>) dst(%dma_wait3A_249 : memref<196x32xf32, #tpu.memory_space<vmem_shared>>)
      tpu.yield
    }) : () -> ()
    %mul3A_10 = arith.constant 3136 : i32
    %mul3A_11 = arith.muli %arg1, %mul3A_10 : i32
    %add3A_12 = arith.constant 588 : i32
    %add3A_13 = arith.addi %mul3A_11, %add3A_12 : i32
    "tpu.region"() ({
      %run_scoped3A = tpu.sem_alloc : memref<!tpu.dma_semaphore, #tpu.memory_space<semaphore_mem>>
      %dma_start3A = arith.constant 0 : i32
      %dma_start3A_244 = tpu.memref_slice %arg7[%add3A_13, %dma_start3A] : memref<50176x32xf32, #tpu.memory_space<vmem_shared>> -> memref<196x32xf32, #tpu.memory_space<vmem_shared>>
      %dma_start3A_245 = arith.constant 0 : i32
      %dma_start3A_246 = tpu.memref_slice %arg7[%add3A_13, %dma_start3A_245] : memref<50176x32xf32, #tpu.memory_space<vmem_shared>> -> memref<196x32xf32, #tpu.memory_space<vmem_shared>>
      tpu.enqueue_dma source(%arg8 : memref<196x32xf32, #tpu.memory_space<vmem>>) target(%dma_start3A_246 : memref<196x32xf32, #tpu.memory_space<vmem_shared>>) target_semaphore(%run_scoped3A : memref<!tpu.dma_semaphore, #tpu.memory_space<semaphore_mem>>)
      %dma_wait3A = arith.constant 0 : i32
      %dma_wait3A_247 = tpu.memref_slice %arg7[%add3A_13, %dma_wait3A] : memref<50176x32xf32, #tpu.memory_space<vmem_shared>> -> memref<196x32xf32, #tpu.memory_space<vmem_shared>>
      %dma_wait3A_248 = arith.constant 0 : i32
      %dma_wait3A_249 = tpu.memref_slice %arg7[%add3A_13, %dma_wait3A_248] : memref<50176x32xf32, #tpu.memory_space<vmem_shared>> -> memref<196x32xf32, #tpu.memory_space<vmem_shared>>
      tpu.wait_dma2 semaphore(%run_scoped3A : memref<!tpu.dma_semaphore, #tpu.memory_space<semaphore_mem>>) src(%arg8 : memref<196x32xf32, #tpu.memory_space<vmem>>) dst(%dma_wait3A_249 : memref<196x32xf32, #tpu.memory_space<vmem_shared>>)
      tpu.yield
    }) : () -> ()
    %mul3A_14 = arith.constant 3136 : i32
    %mul3A_15 = arith.muli %arg1, %mul3A_14 : i32
    %add3A_16 = arith.constant 784 : i32
    %add3A_17 = arith.addi %mul3A_15, %add3A_16 : i32
    "tpu.region"() ({
      %run_scoped3A = tpu.sem_alloc : memref<!tpu.dma_semaphore, #tpu.memory_space<semaphore_mem>>
      %dma_start3A = arith.constant 0 : i32
      %dma_start3A_244 = tpu.memref_slice %arg7[%add3A_17, %dma_start3A] : memref<50176x32xf32, #tpu.memory_space<vmem_shared>> -> memref<196x32xf32, #tpu.memory_space<vmem_shared>>
      %dma_start3A_245 = arith.constant 0 : i32
      %dma_start3A_246 = tpu.memref_slice %arg7[%add3A_17, %dma_start3A_245] : memref<50176x32xf32, #tpu.memory_space<vmem_shared>> -> memref<196x32xf32, #tpu.memory_space<vmem_shared>>
      tpu.enqueue_dma source(%arg8 : memref<196x32xf32, #tpu.memory_space<vmem>>) target(%dma_start3A_246 : memref<196x32xf32, #tpu.memory_space<vmem_shared>>) target_semaphore(%run_scoped3A : memref<!tpu.dma_semaphore, #tpu.memory_space<semaphore_mem>>)
      %dma_wait3A = arith.constant 0 : i32
      %dma_wait3A_247 = tpu.memref_slice %arg7[%add3A_17, %dma_wait3A] : memref<50176x32xf32, #tpu.memory_space<vmem_shared>> -> memref<196x32xf32, #tpu.memory_space<vmem_shared>>
      %dma_wait3A_248 = arith.constant 0 : i32
      %dma_wait3A_249 = tpu.memref_slice %arg7[%add3A_17, %dma_wait3A_248] : memref<50176x32xf32, #tpu.memory_space<vmem_shared>> -> memref<196x32xf32, #tpu.memory_space<vmem_shared>>
      tpu.wait_dma2 semaphore(%run_scoped3A : memref<!tpu.dma_semaphore, #tpu.memory_space<semaphore_mem>>) src(%arg8 : memref<196x32xf32, #tpu.memory_space<vmem>>) dst(%dma_wait3A_249 : memref<196x32xf32, #tpu.memory_space<vmem_shared>>)
      tpu.yield
    }) : () -> ()
    %mul3A_18 = arith.constant 3136 : i32
    %mul3A_19 = arith.muli %arg1, %mul3A_18 : i32
    %add3A_20 = arith.constant 980 : i32
    %add3A_21 = arith.addi %mul3A_19, %add3A_20 : i32
    "tpu.region"() ({
      %run_scoped3A = tpu.sem_alloc : memref<!tpu.dma_semaphore, #tpu.memory_space<semaphore_mem>>
      %dma_start3A = arith.constant 0 : i32
      %dma_start3A_244 = tpu.memref_slice %arg7[%add3A_21, %dma_start3A] : memref<50176x32xf32, #tpu.memory_space<vmem_shared>> -> memref<196x32xf32, #tpu.memory_space<vmem_shared>>
      %dma_start3A_245 = arith.constant 0 : i32
      %dma_start3A_246 = tpu.memref_slice %arg7[%add3A_21, %dma_start3A_245] : memref<50176x32xf32, #tpu.memory_space<vmem_shared>> -> memref<196x32xf32, #tpu.memory_space<vmem_shared>>
      tpu.enqueue_dma source(%arg8 : memref<196x32xf32, #tpu.memory_space<vmem>>) target(%dma_start3A_246 : memref<196x32xf32, #tpu.memory_space<vmem_shared>>) target_semaphore(%run_scoped3A : memref<!tpu.dma_semaphore, #tpu.memory_space<semaphore_mem>>)
      %dma_wait3A = arith.constant 0 : i32
      %dma_wait3A_247 = tpu.memref_slice %arg7[%add3A_21, %dma_wait3A] : memref<50176x32xf32, #tpu.memory_space<vmem_shared>> -> memref<196x32xf32, #tpu.memory_space<vmem_shared>>
      %dma_wait3A_248 = arith.constant 0 : i32
      %dma_wait3A_249 = tpu.memref_slice %arg7[%add3A_21, %dma_wait3A_248] : memref<50176x32xf32, #tpu.memory_space<vmem_shared>> -> memref<196x32xf32, #tpu.memory_space<vmem_shared>>
      tpu.wait_dma2 semaphore(%run_scoped3A : memref<!tpu.dma_semaphore, #tpu.memory_space<semaphore_mem>>) src(%arg8 : memref<196x32xf32, #tpu.memory_space<vmem>>) dst(%dma_wait3A_249 : memref<196x32xf32, #tpu.memory_space<vmem_shared>>)
      tpu.yield
    }) : () -> ()
    %mul3A_22 = arith.constant 3136 : i32
    %mul3A_23 = arith.muli %arg1, %mul3A_22 : i32
    %add3A_24 = arith.constant 1176 : i32
    %add3A_25 = arith.addi %mul3A_23, %add3A_24 : i32
    "tpu.region"() ({
      %run_scoped3A = tpu.sem_alloc : memref<!tpu.dma_semaphore, #tpu.memory_space<semaphore_mem>>
      %dma_start3A = arith.constant 0 : i32
      %dma_start3A_244 = tpu.memref_slice %arg7[%add3A_25, %dma_start3A] : memref<50176x32xf32, #tpu.memory_space<vmem_shared>> -> memref<196x32xf32, #tpu.memory_space<vmem_shared>>
      %dma_start3A_245 = arith.constant 0 : i32
      %dma_start3A_246 = tpu.memref_slice %arg7[%add3A_25, %dma_start3A_245] : memref<50176x32xf32, #tpu.memory_space<vmem_shared>> -> memref<196x32xf32, #tpu.memory_space<vmem_shared>>
      tpu.enqueue_dma source(%arg8 : memref<196x32xf32, #tpu.memory_space<vmem>>) target(%dma_start3A_246 : memref<196x32xf32, #tpu.memory_space<vmem_shared>>) target_semaphore(%run_scoped3A : memref<!tpu.dma_semaphore, #tpu.memory_space<semaphore_mem>>)
      %dma_wait3A = arith.constant 0 : i32
      %dma_wait3A_247 = tpu.memref_slice %arg7[%add3A_25, %dma_wait3A] : memref<50176x32xf32, #tpu.memory_space<vmem_shared>> -> memref<196x32xf32, #tpu.memory_space<vmem_shared>>
      %dma_wait3A_248 = arith.constant 0 : i32
      %dma_wait3A_249 = tpu.memref_slice %arg7[%add3A_25, %dma_wait3A_248] : memref<50176x32xf32, #tpu.memory_space<vmem_shared>> -> memref<196x32xf32, #tpu.memory_space<vmem_shared>>
      tpu.wait_dma2 semaphore(%run_scoped3A : memref<!tpu.dma_semaphore, #tpu.memory_space<semaphore_mem>>) src(%arg8 : memref<196x32xf32, #tpu.memory_space<vmem>>) dst(%dma_wait3A_249 : memref<196x32xf32, #tpu.memory_space<vmem_shared>>)
      tpu.yield
    }) : () -> ()
    %mul3A_26 = arith.constant 3136 : i32
    %mul3A_27 = arith.muli %arg1, %mul3A_26 : i32
    %add3A_28 = arith.constant 1372 : i32
    %add3A_29 = arith.addi %mul3A_27, %add3A_28 : i32
    "tpu.region"() ({
      %run_scoped3A = tpu.sem_alloc : memref<!tpu.dma_semaphore, #tpu.memory_space<semaphore_mem>>
      %dma_start3A = arith.constant 0 : i32
      %dma_start3A_244 = tpu.memref_slice %arg7[%add3A_29, %dma_start3A] : memref<50176x32xf32, #tpu.memory_space<vmem_shared>> -> memref<196x32xf32, #tpu.memory_space<vmem_shared>>
      %dma_start3A_245 = arith.constant 0 : i32
      %dma_start3A_246 = tpu.memref_slice %arg7[%add3A_29, %dma_start3A_245] : memref<50176x32xf32, #tpu.memory_space<vmem_shared>> -> memref<196x32xf32, #tpu.memory_space<vmem_shared>>
      tpu.enqueue_dma source(%arg8 : memref<196x32xf32, #tpu.memory_space<vmem>>) target(%dma_start3A_246 : memref<196x32xf32, #tpu.memory_space<vmem_shared>>) target_semaphore(%run_scoped3A : memref<!tpu.dma_semaphore, #tpu.memory_space<semaphore_mem>>)
      %dma_wait3A = arith.constant 0 : i32
      %dma_wait3A_247 = tpu.memref_slice %arg7[%add3A_29, %dma_wait3A] : memref<50176x32xf32, #tpu.memory_space<vmem_shared>> -> memref<196x32xf32, #tpu.memory_space<vmem_shared>>
      %dma_wait3A_248 = arith.constant 0 : i32
      %dma_wait3A_249 = tpu.memref_slice %arg7[%add3A_29, %dma_wait3A_248] : memref<50176x32xf32, #tpu.memory_space<vmem_shared>> -> memref<196x32xf32, #tpu.memory_space<vmem_shared>>
      tpu.wait_dma2 semaphore(%run_scoped3A : memref<!tpu.dma_semaphore, #tpu.memory_space<semaphore_mem>>) src(%arg8 : memref<196x32xf32, #tpu.memory_space<vmem>>) dst(%dma_wait3A_249 : memref<196x32xf32, #tpu.memory_space<vmem_shared>>)
      tpu.yield
    }) : () -> ()
    %mul3A_30 = arith.constant 3136 : i32
    %mul3A_31 = arith.muli %arg1, %mul3A_30 : i32
    %add3A_32 = arith.constant 1568 : i32
    %add3A_33 = arith.addi %mul3A_31, %add3A_32 : i32
    "tpu.region"() ({
      %run_scoped3A = tpu.sem_alloc : memref<!tpu.dma_semaphore, #tpu.memory_space<semaphore_mem>>
      %dma_start3A = arith.constant 0 : i32
      %dma_start3A_244 = tpu.memref_slice %arg7[%add3A_33, %dma_start3A] : memref<50176x32xf32, #tpu.memory_space<vmem_shared>> -> memref<196x32xf32, #tpu.memory_space<vmem_shared>>
      %dma_start3A_245 = arith.constant 0 : i32
      %dma_start3A_246 = tpu.memref_slice %arg7[%add3A_33, %dma_start3A_245] : memref<50176x32xf32, #tpu.memory_space<vmem_shared>> -> memref<196x32xf32, #tpu.memory_space<vmem_shared>>
      tpu.enqueue_dma source(%arg8 : memref<196x32xf32, #tpu.memory_space<vmem>>) target(%dma_start3A_246 : memref<196x32xf32, #tpu.memory_space<vmem_shared>>) target_semaphore(%run_scoped3A : memref<!tpu.dma_semaphore, #tpu.memory_space<semaphore_mem>>)
      %dma_wait3A = arith.constant 0 : i32
      %dma_wait3A_247 = tpu.memref_slice %arg7[%add3A_33, %dma_wait3A] : memref<50176x32xf32, #tpu.memory_space<vmem_shared>> -> memref<196x32xf32, #tpu.memory_space<vmem_shared>>
      %dma_wait3A_248 = arith.constant 0 : i32
      %dma_wait3A_249 = tpu.memref_slice %arg7[%add3A_33, %dma_wait3A_248] : memref<50176x32xf32, #tpu.memory_space<vmem_shared>> -> memref<196x32xf32, #tpu.memory_space<vmem_shared>>
      tpu.wait_dma2 semaphore(%run_scoped3A : memref<!tpu.dma_semaphore, #tpu.memory_space<semaphore_mem>>) src(%arg8 : memref<196x32xf32, #tpu.memory_space<vmem>>) dst(%dma_wait3A_249 : memref<196x32xf32, #tpu.memory_space<vmem_shared>>)
      tpu.yield
    }) : () -> ()
    %mul3A_34 = arith.constant 3136 : i32
    %mul3A_35 = arith.muli %arg1, %mul3A_34 : i32
    %add3A_36 = arith.constant 1764 : i32
    %add3A_37 = arith.addi %mul3A_35, %add3A_36 : i32
    "tpu.region"() ({
      %run_scoped3A = tpu.sem_alloc : memref<!tpu.dma_semaphore, #tpu.memory_space<semaphore_mem>>
      %dma_start3A = arith.constant 0 : i32
      %dma_start3A_244 = tpu.memref_slice %arg7[%add3A_37, %dma_start3A] : memref<50176x32xf32, #tpu.memory_space<vmem_shared>> -> memref<196x32xf32, #tpu.memory_space<vmem_shared>>
      %dma_start3A_245 = arith.constant 0 : i32
      %dma_start3A_246 = tpu.memref_slice %arg7[%add3A_37, %dma_start3A_245] : memref<50176x32xf32, #tpu.memory_space<vmem_shared>> -> memref<196x32xf32, #tpu.memory_space<vmem_shared>>
      tpu.enqueue_dma source(%arg8 : memref<196x32xf32, #tpu.memory_space<vmem>>) target(%dma_start3A_246 : memref<196x32xf32, #tpu.memory_space<vmem_shared>>) target_semaphore(%run_scoped3A : memref<!tpu.dma_semaphore, #tpu.memory_space<semaphore_mem>>)
      %dma_wait3A = arith.constant 0 : i32
      %dma_wait3A_247 = tpu.memref_slice %arg7[%add3A_37, %dma_wait3A] : memref<50176x32xf32, #tpu.memory_space<vmem_shared>> -> memref<196x32xf32, #tpu.memory_space<vmem_shared>>
      %dma_wait3A_248 = arith.constant 0 : i32
      %dma_wait3A_249 = tpu.memref_slice %arg7[%add3A_37, %dma_wait3A_248] : memref<50176x32xf32, #tpu.memory_space<vmem_shared>> -> memref<196x32xf32, #tpu.memory_space<vmem_shared>>
      tpu.wait_dma2 semaphore(%run_scoped3A : memref<!tpu.dma_semaphore, #tpu.memory_space<semaphore_mem>>) src(%arg8 : memref<196x32xf32, #tpu.memory_space<vmem>>) dst(%dma_wait3A_249 : memref<196x32xf32, #tpu.memory_space<vmem_shared>>)
      tpu.yield
    }) : () -> ()
    %mul3A_38 = arith.constant 3136 : i32
    %mul3A_39 = arith.muli %arg1, %mul3A_38 : i32
    %add3A_40 = arith.constant 1960 : i32
    %add3A_41 = arith.addi %mul3A_39, %add3A_40 : i32
    "tpu.region"() ({
      %run_scoped3A = tpu.sem_alloc : memref<!tpu.dma_semaphore, #tpu.memory_space<semaphore_mem>>
      %dma_start3A = arith.constant 0 : i32
      %dma_start3A_244 = tpu.memref_slice %arg7[%add3A_41, %dma_start3A] : memref<50176x32xf32, #tpu.memory_space<vmem_shared>> -> memref<196x32xf32, #tpu.memory_space<vmem_shared>>
      %dma_start3A_245 = arith.constant 0 : i32
      %dma_start3A_246 = tpu.memref_slice %arg7[%add3A_41, %dma_start3A_245] : memref<50176x32xf32, #tpu.memory_space<vmem_shared>> -> memref<196x32xf32, #tpu.memory_space<vmem_shared>>
      tpu.enqueue_dma source(%arg8 : memref<196x32xf32, #tpu.memory_space<vmem>>) target(%dma_start3A_246 : memref<196x32xf32, #tpu.memory_space<vmem_shared>>) target_semaphore(%run_scoped3A : memref<!tpu.dma_semaphore, #tpu.memory_space<semaphore_mem>>)
      %dma_wait3A = arith.constant 0 : i32
      %dma_wait3A_247 = tpu.memref_slice %arg7[%add3A_41, %dma_wait3A] : memref<50176x32xf32, #tpu.memory_space<vmem_shared>> -> memref<196x32xf32, #tpu.memory_space<vmem_shared>>
      %dma_wait3A_248 = arith.constant 0 : i32
      %dma_wait3A_249 = tpu.memref_slice %arg7[%add3A_41, %dma_wait3A_248] : memref<50176x32xf32, #tpu.memory_space<vmem_shared>> -> memref<196x32xf32, #tpu.memory_space<vmem_shared>>
      tpu.wait_dma2 semaphore(%run_scoped3A : memref<!tpu.dma_semaphore, #tpu.memory_space<semaphore_mem>>) src(%arg8 : memref<196x32xf32, #tpu.memory_space<vmem>>) dst(%dma_wait3A_249 : memref<196x32xf32, #tpu.memory_space<vmem_shared>>)
      tpu.yield
    }) : () -> ()
    %mul3A_42 = arith.constant 3136 : i32
    %mul3A_43 = arith.muli %arg1, %mul3A_42 : i32
    %add3A_44 = arith.constant 2156 : i32
    %add3A_45 = arith.addi %mul3A_43, %add3A_44 : i32
    "tpu.region"() ({
      %run_scoped3A = tpu.sem_alloc : memref<!tpu.dma_semaphore, #tpu.memory_space<semaphore_mem>>
      %dma_start3A = arith.constant 0 : i32
      %dma_start3A_244 = tpu.memref_slice %arg7[%add3A_45, %dma_start3A] : memref<50176x32xf32, #tpu.memory_space<vmem_shared>> -> memref<196x32xf32, #tpu.memory_space<vmem_shared>>
      %dma_start3A_245 = arith.constant 0 : i32
      %dma_start3A_246 = tpu.memref_slice %arg7[%add3A_45, %dma_start3A_245] : memref<50176x32xf32, #tpu.memory_space<vmem_shared>> -> memref<196x32xf32, #tpu.memory_space<vmem_shared>>
      tpu.enqueue_dma source(%arg8 : memref<196x32xf32, #tpu.memory_space<vmem>>) target(%dma_start3A_246 : memref<196x32xf32, #tpu.memory_space<vmem_shared>>) target_semaphore(%run_scoped3A : memref<!tpu.dma_semaphore, #tpu.memory_space<semaphore_mem>>)
      %dma_wait3A = arith.constant 0 : i32
      %dma_wait3A_247 = tpu.memref_slice %arg7[%add3A_45, %dma_wait3A] : memref<50176x32xf32, #tpu.memory_space<vmem_shared>> -> memref<196x32xf32, #tpu.memory_space<vmem_shared>>
      %dma_wait3A_248 = arith.constant 0 : i32
      %dma_wait3A_249 = tpu.memref_slice %arg7[%add3A_45, %dma_wait3A_248] : memref<50176x32xf32, #tpu.memory_space<vmem_shared>> -> memref<196x32xf32, #tpu.memory_space<vmem_shared>>
      tpu.wait_dma2 semaphore(%run_scoped3A : memref<!tpu.dma_semaphore, #tpu.memory_space<semaphore_mem>>) src(%arg8 : memref<196x32xf32, #tpu.memory_space<vmem>>) dst(%dma_wait3A_249 : memref<196x32xf32, #tpu.memory_space<vmem_shared>>)
      tpu.yield
    }) : () -> ()
    %mul3A_46 = arith.constant 3136 : i32
    %mul3A_47 = arith.muli %arg1, %mul3A_46 : i32
    %add3A_48 = arith.constant 2352 : i32
    %add3A_49 = arith.addi %mul3A_47, %add3A_48 : i32
    "tpu.region"() ({
      %run_scoped3A = tpu.sem_alloc : memref<!tpu.dma_semaphore, #tpu.memory_space<semaphore_mem>>
      %dma_start3A = arith.constant 0 : i32
      %dma_start3A_244 = tpu.memref_slice %arg7[%add3A_49, %dma_start3A] : memref<50176x32xf32, #tpu.memory_space<vmem_shared>> -> memref<196x32xf32, #tpu.memory_space<vmem_shared>>
      %dma_start3A_245 = arith.constant 0 : i32
      %dma_start3A_246 = tpu.memref_slice %arg7[%add3A_49, %dma_start3A_245] : memref<50176x32xf32, #tpu.memory_space<vmem_shared>> -> memref<196x32xf32, #tpu.memory_space<vmem_shared>>
      tpu.enqueue_dma source(%arg8 : memref<196x32xf32, #tpu.memory_space<vmem>>) target(%dma_start3A_246 : memref<196x32xf32, #tpu.memory_space<vmem_shared>>) target_semaphore(%run_scoped3A : memref<!tpu.dma_semaphore, #tpu.memory_space<semaphore_mem>>)
      %dma_wait3A = arith.constant 0 : i32
      %dma_wait3A_247 = tpu.memref_slice %arg7[%add3A_49, %dma_wait3A] : memref<50176x32xf32, #tpu.memory_space<vmem_shared>> -> memref<196x32xf32, #tpu.memory_space<vmem_shared>>
      %dma_wait3A_248 = arith.constant 0 : i32
      %dma_wait3A_249 = tpu.memref_slice %arg7[%add3A_49, %dma_wait3A_248] : memref<50176x32xf32, #tpu.memory_space<vmem_shared>> -> memref<196x32xf32, #tpu.memory_space<vmem_shared>>
      tpu.wait_dma2 semaphore(%run_scoped3A : memref<!tpu.dma_semaphore, #tpu.memory_space<semaphore_mem>>) src(%arg8 : memref<196x32xf32, #tpu.memory_space<vmem>>) dst(%dma_wait3A_249 : memref<196x32xf32, #tpu.memory_space<vmem_shared>>)
      tpu.yield
    }) : () -> ()
    %mul3A_50 = arith.constant 3136 : i32
    %mul3A_51 = arith.muli %arg1, %mul3A_50 : i32
    %add3A_52 = arith.constant 2548 : i32
    %add3A_53 = arith.addi %mul3A_51, %add3A_52 : i32
    "tpu.region"() ({
      %run_scoped3A = tpu.sem_alloc : memref<!tpu.dma_semaphore, #tpu.memory_space<semaphore_mem>>
      %dma_start3A = arith.constant 0 : i32
      %dma_start3A_244 = tpu.memref_slice %arg7[%add3A_53, %dma_start3A] : memref<50176x32xf32, #tpu.memory_space<vmem_shared>> -> memref<196x32xf32, #tpu.memory_space<vmem_shared>>
      %dma_start3A_245 = arith.constant 0 : i32
      %dma_start3A_246 = tpu.memref_slice %arg7[%add3A_53, %dma_start3A_245] : memref<50176x32xf32, #tpu.memory_space<vmem_shared>> -> memref<196x32xf32, #tpu.memory_space<vmem_shared>>
      tpu.enqueue_dma source(%arg8 : memref<196x32xf32, #tpu.memory_space<vmem>>) target(%dma_start3A_246 : memref<196x32xf32, #tpu.memory_space<vmem_shared>>) target_semaphore(%run_scoped3A : memref<!tpu.dma_semaphore, #tpu.memory_space<semaphore_mem>>)
      %dma_wait3A = arith.constant 0 : i32
      %dma_wait3A_247 = tpu.memref_slice %arg7[%add3A_53, %dma_wait3A] : memref<50176x32xf32, #tpu.memory_space<vmem_shared>> -> memref<196x32xf32, #tpu.memory_space<vmem_shared>>
      %dma_wait3A_248 = arith.constant 0 : i32
      %dma_wait3A_249 = tpu.memref_slice %arg7[%add3A_53, %dma_wait3A_248] : memref<50176x32xf32, #tpu.memory_space<vmem_shared>> -> memref<196x32xf32, #tpu.memory_space<vmem_shared>>
      tpu.wait_dma2 semaphore(%run_scoped3A : memref<!tpu.dma_semaphore, #tpu.memory_space<semaphore_mem>>) src(%arg8 : memref<196x32xf32, #tpu.memory_space<vmem>>) dst(%dma_wait3A_249 : memref<196x32xf32, #tpu.memory_space<vmem_shared>>)
      tpu.yield
    }) : () -> ()
    %mul3A_54 = arith.constant 3136 : i32
    %mul3A_55 = arith.muli %arg1, %mul3A_54 : i32
    %add3A_56 = arith.constant 2744 : i32
    %add3A_57 = arith.addi %mul3A_55, %add3A_56 : i32
    "tpu.region"() ({
      %run_scoped3A = tpu.sem_alloc : memref<!tpu.dma_semaphore, #tpu.memory_space<semaphore_mem>>
      %dma_start3A = arith.constant 0 : i32
      %dma_start3A_244 = tpu.memref_slice %arg7[%add3A_57, %dma_start3A] : memref<50176x32xf32, #tpu.memory_space<vmem_shared>> -> memref<196x32xf32, #tpu.memory_space<vmem_shared>>
      %dma_start3A_245 = arith.constant 0 : i32
      %dma_start3A_246 = tpu.memref_slice %arg7[%add3A_57, %dma_start3A_245] : memref<50176x32xf32, #tpu.memory_space<vmem_shared>> -> memref<196x32xf32, #tpu.memory_space<vmem_shared>>
      tpu.enqueue_dma source(%arg8 : memref<196x32xf32, #tpu.memory_space<vmem>>) target(%dma_start3A_246 : memref<196x32xf32, #tpu.memory_space<vmem_shared>>) target_semaphore(%run_scoped3A : memref<!tpu.dma_semaphore, #tpu.memory_space<semaphore_mem>>)
      %dma_wait3A = arith.constant 0 : i32
      %dma_wait3A_247 = tpu.memref_slice %arg7[%add3A_57, %dma_wait3A] : memref<50176x32xf32, #tpu.memory_space<vmem_shared>> -> memref<196x32xf32, #tpu.memory_space<vmem_shared>>
      %dma_wait3A_248 = arith.constant 0 : i32
      %dma_wait3A_249 = tpu.memref_slice %arg7[%add3A_57, %dma_wait3A_248] : memref<50176x32xf32, #tpu.memory_space<vmem_shared>> -> memref<196x32xf32, #tpu.memory_space<vmem_shared>>
      tpu.wait_dma2 semaphore(%run_scoped3A : memref<!tpu.dma_semaphore, #tpu.memory_space<semaphore_mem>>) src(%arg8 : memref<196x32xf32, #tpu.memory_space<vmem>>) dst(%dma_wait3A_249 : memref<196x32xf32, #tpu.memory_space<vmem_shared>>)
      tpu.yield
    }) : () -> ()
    %mul3A_58 = arith.constant 3136 : i32
    %mul3A_59 = arith.muli %arg1, %mul3A_58 : i32
    %add3A_60 = arith.constant 2940 : i32
    %add3A_61 = arith.addi %mul3A_59, %add3A_60 : i32
    "tpu.region"() ({
      %run_scoped3A = tpu.sem_alloc : memref<!tpu.dma_semaphore, #tpu.memory_space<semaphore_mem>>
      %dma_start3A = arith.constant 0 : i32
      %dma_start3A_244 = tpu.memref_slice %arg7[%add3A_61, %dma_start3A] : memref<50176x32xf32, #tpu.memory_space<vmem_shared>> -> memref<196x32xf32, #tpu.memory_space<vmem_shared>>
      %dma_start3A_245 = arith.constant 0 : i32
      %dma_start3A_246 = tpu.memref_slice %arg7[%add3A_61, %dma_start3A_245] : memref<50176x32xf32, #tpu.memory_space<vmem_shared>> -> memref<196x32xf32, #tpu.memory_space<vmem_shared>>
      tpu.enqueue_dma source(%arg8 : memref<196x32xf32, #tpu.memory_space<vmem>>) target(%dma_start3A_246 : memref<196x32xf32, #tpu.memory_space<vmem_shared>>) target_semaphore(%run_scoped3A : memref<!tpu.dma_semaphore, #tpu.memory_space<semaphore_mem>>)
      %dma_wait3A = arith.constant 0 : i32
      %dma_wait3A_247 = tpu.memref_slice %arg7[%add3A_61, %dma_wait3A] : memref<50176x32xf32, #tpu.memory_space<vmem_shared>> -> memref<196x32xf32, #tpu.memory_space<vmem_shared>>
      %dma_wait3A_248 = arith.constant 0 : i32
      %dma_wait3A_249 = tpu.memref_slice %arg7[%add3A_61, %dma_wait3A_248] : memref<50176x32xf32, #tpu.memory_space<vmem_shared>> -> memref<196x32xf32, #tpu.memory_space<vmem_shared>>
      tpu.wait_dma2 semaphore(%run_scoped3A : memref<!tpu.dma_semaphore, #tpu.memory_space<semaphore_mem>>) src(%arg8 : memref<196x32xf32, #tpu.memory_space<vmem>>) dst(%dma_wait3A_249 : memref<196x32xf32, #tpu.memory_space<vmem_shared>>)
      tpu.yield
    }) : () -> ()
    %barrier3A = arith.constant 0 : index
    tpu.barrier barrier_id(%barrier3A)
    %scan3A = arith.constant 0 : i32
    %scan3A_62 = arith.constant 0 : i32
    %scan3A_63 = arith.constant 98 : i32
    %scan3A_64 = arith.addi %scan3A_62, %scan3A_63 : i32
    %scan3A_65 = arith.constant 1 : i32
    scf.for %scan3A_244 = %scan3A_62 to %scan3A_64 step %scan3A_65  : i32 {
      %mul3A_245 = arith.constant 50176 : i32
      %mul3A_246 = arith.muli %arg1, %mul3A_245 : i32
      %mul3A_247 = arith.constant 4 : i32
      %mul3A_248 = arith.muli %scan3A_244, %mul3A_247 : i32
      %add3A_249 = arith.constant 0 : i32
      %add3A_250 = arith.addi %mul3A_248, %add3A_249 : i32
      %mul3A_251 = arith.constant 128 : i32
      %mul3A_252 = arith.muli %add3A_250, %mul3A_251 : i32
      %add3A_253 = arith.addi %mul3A_246, %mul3A_252 : i32
      "tpu.region"() ({
        %run_scoped3A = tpu.sem_alloc : memref<!tpu.dma_semaphore, #tpu.memory_space<semaphore_mem>>
        %dma_start3A_315 = tpu.memref_slice %arg3[%add3A_253] : memref<802816xi32, #tpu.memory_space<hbm>> -> memref<128xi32, #tpu.memory_space<hbm>>
        %dma_start3A_316 = tpu.memref_slice %arg3[%add3A_253] : memref<802816xi32, #tpu.memory_space<hbm>> -> memref<128xi32, #tpu.memory_space<hbm>>
        tpu.enqueue_dma source(%dma_start3A_316 : memref<128xi32, #tpu.memory_space<hbm>>) target(%arg9 : memref<128xi32, #tpu.memory_space<vmem>>) target_semaphore(%run_scoped3A : memref<!tpu.dma_semaphore, #tpu.memory_space<semaphore_mem>>)
        %dma_wait3A_317 = tpu.memref_slice %arg3[%add3A_253] : memref<802816xi32, #tpu.memory_space<hbm>> -> memref<128xi32, #tpu.memory_space<hbm>>
        %dma_wait3A_318 = tpu.memref_slice %arg3[%add3A_253] : memref<802816xi32, #tpu.memory_space<hbm>> -> memref<128xi32, #tpu.memory_space<hbm>>
        tpu.wait_dma2 semaphore(%run_scoped3A : memref<!tpu.dma_semaphore, #tpu.memory_space<semaphore_mem>>) src(%dma_wait3A_318 : memref<128xi32, #tpu.memory_space<hbm>>) dst(%arg9 : memref<128xi32, #tpu.memory_space<vmem>>)
        tpu.yield
      }) : () -> ()
      %mul3A_254 = arith.constant 802816 : i32
      %mul3A_255 = arith.muli %arg0, %mul3A_254 : i32
      %add3A_256 = arith.addi %mul3A_255, %add3A_253 : i32
      "tpu.region"() ({
        %run_scoped3A = tpu.sem_alloc : memref<!tpu.dma_semaphore, #tpu.memory_space<semaphore_mem>>
        %dma_start3A_315 = tpu.memref_slice %arg4[%add3A_256] : memref<1605632xi32, #tpu.memory_space<hbm>> -> memref<128xi32, #tpu.memory_space<hbm>>
        %dma_start3A_316 = tpu.memref_slice %arg4[%add3A_256] : memref<1605632xi32, #tpu.memory_space<hbm>> -> memref<128xi32, #tpu.memory_space<hbm>>
        tpu.enqueue_dma source(%dma_start3A_316 : memref<128xi32, #tpu.memory_space<hbm>>) target(%arg13 : memref<128xi32, #tpu.memory_space<vmem>>) target_semaphore(%run_scoped3A : memref<!tpu.dma_semaphore, #tpu.memory_space<semaphore_mem>>)
        %dma_wait3A_317 = tpu.memref_slice %arg4[%add3A_256] : memref<1605632xi32, #tpu.memory_space<hbm>> -> memref<128xi32, #tpu.memory_space<hbm>>
        %dma_wait3A_318 = tpu.memref_slice %arg4[%add3A_256] : memref<1605632xi32, #tpu.memory_space<hbm>> -> memref<128xi32, #tpu.memory_space<hbm>>
        tpu.wait_dma2 semaphore(%run_scoped3A : memref<!tpu.dma_semaphore, #tpu.memory_space<semaphore_mem>>) src(%dma_wait3A_318 : memref<128xi32, #tpu.memory_space<hbm>>) dst(%arg13 : memref<128xi32, #tpu.memory_space<vmem>>)
        tpu.yield
      }) : () -> ()
      %dma_start3A = arith.constant 0 : i32
      %dma_start3A_257 = arith.constant 0 : i32
      %dma_start3A_258 = tpu.memref_slice %arg2[%dma_start3A, %dma_start3A_257] : memref<100000x32xf32, #tpu.memory_space<hbm>> -> memref<100000x32xf32, #tpu.memory_space<hbm>>
      tpu.enqueue_indirect_dma source(%dma_start3A_258 : memref<100000x32xf32, #tpu.memory_space<hbm>>) target(%arg17 : memref<128x32xf32, #tpu.memory_space<vmem>>) offsets(%arg13 : memref<128xi32, #tpu.memory_space<vmem>>) semaphore(%arg21 : memref<!tpu.dma_semaphore, #tpu.memory_space<semaphore_mem>>)
      %mul3A_259 = arith.constant 50176 : i32
      %mul3A_260 = arith.muli %arg1, %mul3A_259 : i32
      %mul3A_261 = arith.constant 4 : i32
      %mul3A_262 = arith.muli %scan3A_244, %mul3A_261 : i32
      %add3A_263 = arith.constant 1 : i32
      %add3A_264 = arith.addi %mul3A_262, %add3A_263 : i32
      %mul3A_265 = arith.constant 128 : i32
      %mul3A_266 = arith.muli %add3A_264, %mul3A_265 : i32
      %add3A_267 = arith.addi %mul3A_260, %mul3A_266 : i32
      "tpu.region"() ({
        %run_scoped3A = tpu.sem_alloc : memref<!tpu.dma_semaphore, #tpu.memory_space<semaphore_mem>>
        %dma_start3A_315 = tpu.memref_slice %arg3[%add3A_267] : memref<802816xi32, #tpu.memory_space<hbm>> -> memref<128xi32, #tpu.memory_space<hbm>>
        %dma_start3A_316 = tpu.memref_slice %arg3[%add3A_267] : memref<802816xi32, #tpu.memory_space<hbm>> -> memref<128xi32, #tpu.memory_space<hbm>>
        tpu.enqueue_dma source(%dma_start3A_316 : memref<128xi32, #tpu.memory_space<hbm>>) target(%arg10 : memref<128xi32, #tpu.memory_space<vmem>>) target_semaphore(%run_scoped3A : memref<!tpu.dma_semaphore, #tpu.memory_space<semaphore_mem>>)
        %dma_wait3A_317 = tpu.memref_slice %arg3[%add3A_267] : memref<802816xi32, #tpu.memory_space<hbm>> -> memref<128xi32, #tpu.memory_space<hbm>>
        %dma_wait3A_318 = tpu.memref_slice %arg3[%add3A_267] : memref<802816xi32, #tpu.memory_space<hbm>> -> memref<128xi32, #tpu.memory_space<hbm>>
        tpu.wait_dma2 semaphore(%run_scoped3A : memref<!tpu.dma_semaphore, #tpu.memory_space<semaphore_mem>>) src(%dma_wait3A_318 : memref<128xi32, #tpu.memory_space<hbm>>) dst(%arg10 : memref<128xi32, #tpu.memory_space<vmem>>)
        tpu.yield
      }) : () -> ()
      %mul3A_268 = arith.constant 802816 : i32
      %mul3A_269 = arith.muli %arg0, %mul3A_268 : i32
      %add3A_270 = arith.addi %mul3A_269, %add3A_267 : i32
      "tpu.region"() ({
        %run_scoped3A = tpu.sem_alloc : memref<!tpu.dma_semaphore, #tpu.memory_space<semaphore_mem>>
        %dma_start3A_315 = tpu.memref_slice %arg4[%add3A_270] : memref<1605632xi32, #tpu.memory_space<hbm>> -> memref<128xi32, #tpu.memory_space<hbm>>
        %dma_start3A_316 = tpu.memref_slice %arg4[%add3A_270] : memref<1605632xi32, #tpu.memory_space<hbm>> -> memref<128xi32, #tpu.memory_space<hbm>>
        tpu.enqueue_dma source(%dma_start3A_316 : memref<128xi32, #tpu.memory_space<hbm>>) target(%arg14 : memref<128xi32, #tpu.memory_space<vmem>>) target_semaphore(%run_scoped3A : memref<!tpu.dma_semaphore, #tpu.memory_space<semaphore_mem>>)
        %dma_wait3A_317 = tpu.memref_slice %arg4[%add3A_270] : memref<1605632xi32, #tpu.memory_space<hbm>> -> memref<128xi32, #tpu.memory_space<hbm>>
        %dma_wait3A_318 = tpu.memref_slice %arg4[%add3A_270] : memref<1605632xi32, #tpu.memory_space<hbm>> -> memref<128xi32, #tpu.memory_space<hbm>>
        tpu.wait_dma2 semaphore(%run_scoped3A : memref<!tpu.dma_semaphore, #tpu.memory_space<semaphore_mem>>) src(%dma_wait3A_318 : memref<128xi32, #tpu.memory_space<hbm>>) dst(%arg14 : memref<128xi32, #tpu.memory_space<vmem>>)
        tpu.yield
      }) : () -> ()
      %dma_start3A_271 = arith.constant 0 : i32
      %dma_start3A_272 = arith.constant 0 : i32
      %dma_start3A_273 = tpu.memref_slice %arg2[%dma_start3A_271, %dma_start3A_272] : memref<100000x32xf32, #tpu.memory_space<hbm>> -> memref<100000x32xf32, #tpu.memory_space<hbm>>
      tpu.enqueue_indirect_dma source(%dma_start3A_273 : memref<100000x32xf32, #tpu.memory_space<hbm>>) target(%arg18 : memref<128x32xf32, #tpu.memory_space<vmem>>) offsets(%arg14 : memref<128xi32, #tpu.memory_space<vmem>>) semaphore(%arg22 : memref<!tpu.dma_semaphore, #tpu.memory_space<semaphore_mem>>)
      %mul3A_274 = arith.constant 50176 : i32
      %mul3A_275 = arith.muli %arg1, %mul3A_274 : i32
      %mul3A_276 = arith.constant 4 : i32
      %mul3A_277 = arith.muli %scan3A_244, %mul3A_276 : i32
      %add3A_278 = arith.constant 2 : i32
      %add3A_279 = arith.addi %mul3A_277, %add3A_278 : i32
      %mul3A_280 = arith.constant 128 : i32
      %mul3A_281 = arith.muli %add3A_279, %mul3A_280 : i32
      %add3A_282 = arith.addi %mul3A_275, %mul3A_281 : i32
      "tpu.region"() ({
        %run_scoped3A = tpu.sem_alloc : memref<!tpu.dma_semaphore, #tpu.memory_space<semaphore_mem>>
        %dma_start3A_315 = tpu.memref_slice %arg3[%add3A_282] : memref<802816xi32, #tpu.memory_space<hbm>> -> memref<128xi32, #tpu.memory_space<hbm>>
        %dma_start3A_316 = tpu.memref_slice %arg3[%add3A_282] : memref<802816xi32, #tpu.memory_space<hbm>> -> memref<128xi32, #tpu.memory_space<hbm>>
        tpu.enqueue_dma source(%dma_start3A_316 : memref<128xi32, #tpu.memory_space<hbm>>) target(%arg11 : memref<128xi32, #tpu.memory_space<vmem>>) target_semaphore(%run_scoped3A : memref<!tpu.dma_semaphore, #tpu.memory_space<semaphore_mem>>)
        %dma_wait3A_317 = tpu.memref_slice %arg3[%add3A_282] : memref<802816xi32, #tpu.memory_space<hbm>> -> memref<128xi32, #tpu.memory_space<hbm>>
        %dma_wait3A_318 = tpu.memref_slice %arg3[%add3A_282] : memref<802816xi32, #tpu.memory_space<hbm>> -> memref<128xi32, #tpu.memory_space<hbm>>
        tpu.wait_dma2 semaphore(%run_scoped3A : memref<!tpu.dma_semaphore, #tpu.memory_space<semaphore_mem>>) src(%dma_wait3A_318 : memref<128xi32, #tpu.memory_space<hbm>>) dst(%arg11 : memref<128xi32, #tpu.memory_space<vmem>>)
        tpu.yield
      }) : () -> ()
      %mul3A_283 = arith.constant 802816 : i32
      %mul3A_284 = arith.muli %arg0, %mul3A_283 : i32
      %add3A_285 = arith.addi %mul3A_284, %add3A_282 : i32
      "tpu.region"() ({
        %run_scoped3A = tpu.sem_alloc : memref<!tpu.dma_semaphore, #tpu.memory_space<semaphore_mem>>
        %dma_start3A_315 = tpu.memref_slice %arg4[%add3A_285] : memref<1605632xi32, #tpu.memory_space<hbm>> -> memref<128xi32, #tpu.memory_space<hbm>>
        %dma_start3A_316 = tpu.memref_slice %arg4[%add3A_285] : memref<1605632xi32, #tpu.memory_space<hbm>> -> memref<128xi32, #tpu.memory_space<hbm>>
        tpu.enqueue_dma source(%dma_start3A_316 : memref<128xi32, #tpu.memory_space<hbm>>) target(%arg15 : memref<128xi32, #tpu.memory_space<vmem>>) target_semaphore(%run_scoped3A : memref<!tpu.dma_semaphore, #tpu.memory_space<semaphore_mem>>)
        %dma_wait3A_317 = tpu.memref_slice %arg4[%add3A_285] : memref<1605632xi32, #tpu.memory_space<hbm>> -> memref<128xi32, #tpu.memory_space<hbm>>
        %dma_wait3A_318 = tpu.memref_slice %arg4[%add3A_285] : memref<1605632xi32, #tpu.memory_space<hbm>> -> memref<128xi32, #tpu.memory_space<hbm>>
        tpu.wait_dma2 semaphore(%run_scoped3A : memref<!tpu.dma_semaphore, #tpu.memory_space<semaphore_mem>>) src(%dma_wait3A_318 : memref<128xi32, #tpu.memory_space<hbm>>) dst(%arg15 : memref<128xi32, #tpu.memory_space<vmem>>)
        tpu.yield
      }) : () -> ()
      %dma_start3A_286 = arith.constant 0 : i32
      %dma_start3A_287 = arith.constant 0 : i32
      %dma_start3A_288 = tpu.memref_slice %arg2[%dma_start3A_286, %dma_start3A_287] : memref<100000x32xf32, #tpu.memory_space<hbm>> -> memref<100000x32xf32, #tpu.memory_space<hbm>>
      tpu.enqueue_indirect_dma source(%dma_start3A_288 : memref<100000x32xf32, #tpu.memory_space<hbm>>) target(%arg19 : memref<128x32xf32, #tpu.memory_space<vmem>>) offsets(%arg15 : memref<128xi32, #tpu.memory_space<vmem>>) semaphore(%arg23 : memref<!tpu.dma_semaphore, #tpu.memory_space<semaphore_mem>>)
      %mul3A_289 = arith.constant 50176 : i32
      %mul3A_290 = arith.muli %arg1, %mul3A_289 : i32
      %mul3A_291 = arith.constant 4 : i32
      %mul3A_292 = arith.muli %scan3A_244, %mul3A_291 : i32
      %add3A_293 = arith.constant 3 : i32
      %add3A_294 = arith.addi %mul3A_292, %add3A_293 : i32
      %mul3A_295 = arith.constant 128 : i32
      %mul3A_296 = arith.muli %add3A_294, %mul3A_295 : i32
      %add3A_297 = arith.addi %mul3A_290, %mul3A_296 : i32
      "tpu.region"() ({
        %run_scoped3A = tpu.sem_alloc : memref<!tpu.dma_semaphore, #tpu.memory_space<semaphore_mem>>
        %dma_start3A_315 = tpu.memref_slice %arg3[%add3A_297] : memref<802816xi32, #tpu.memory_space<hbm>> -> memref<128xi32, #tpu.memory_space<hbm>>
        %dma_start3A_316 = tpu.memref_slice %arg3[%add3A_297] : memref<802816xi32, #tpu.memory_space<hbm>> -> memref<128xi32, #tpu.memory_space<hbm>>
        tpu.enqueue_dma source(%dma_start3A_316 : memref<128xi32, #tpu.memory_space<hbm>>) target(%arg12 : memref<128xi32, #tpu.memory_space<vmem>>) target_semaphore(%run_scoped3A : memref<!tpu.dma_semaphore, #tpu.memory_space<semaphore_mem>>)
        %dma_wait3A_317 = tpu.memref_slice %arg3[%add3A_297] : memref<802816xi32, #tpu.memory_space<hbm>> -> memref<128xi32, #tpu.memory_space<hbm>>
        %dma_wait3A_318 = tpu.memref_slice %arg3[%add3A_297] : memref<802816xi32, #tpu.memory_space<hbm>> -> memref<128xi32, #tpu.memory_space<hbm>>
        tpu.wait_dma2 semaphore(%run_scoped3A : memref<!tpu.dma_semaphore, #tpu.memory_space<semaphore_mem>>) src(%dma_wait3A_318 : memref<128xi32, #tpu.memory_space<hbm>>) dst(%arg12 : memref<128xi32, #tpu.memory_space<vmem>>)
        tpu.yield
      }) : () -> ()
      %mul3A_298 = arith.constant 802816 : i32
      %mul3A_299 = arith.muli %arg0, %mul3A_298 : i32
      %add3A_300 = arith.addi %mul3A_299, %add3A_297 : i32
      "tpu.region"() ({
        %run_scoped3A = tpu.sem_alloc : memref<!tpu.dma_semaphore, #tpu.memory_space<semaphore_mem>>
        %dma_start3A_315 = tpu.memref_slice %arg4[%add3A_300] : memref<1605632xi32, #tpu.memory_space<hbm>> -> memref<128xi32, #tpu.memory_space<hbm>>
        %dma_start3A_316 = tpu.memref_slice %arg4[%add3A_300] : memref<1605632xi32, #tpu.memory_space<hbm>> -> memref<128xi32, #tpu.memory_space<hbm>>
        tpu.enqueue_dma source(%dma_start3A_316 : memref<128xi32, #tpu.memory_space<hbm>>) target(%arg16 : memref<128xi32, #tpu.memory_space<vmem>>) target_semaphore(%run_scoped3A : memref<!tpu.dma_semaphore, #tpu.memory_space<semaphore_mem>>)
        %dma_wait3A_317 = tpu.memref_slice %arg4[%add3A_300] : memref<1605632xi32, #tpu.memory_space<hbm>> -> memref<128xi32, #tpu.memory_space<hbm>>
        %dma_wait3A_318 = tpu.memref_slice %arg4[%add3A_300] : memref<1605632xi32, #tpu.memory_space<hbm>> -> memref<128xi32, #tpu.memory_space<hbm>>
        tpu.wait_dma2 semaphore(%run_scoped3A : memref<!tpu.dma_semaphore, #tpu.memory_space<semaphore_mem>>) src(%dma_wait3A_318 : memref<128xi32, #tpu.memory_space<hbm>>) dst(%arg16 : memref<128xi32, #tpu.memory_space<vmem>>)
        tpu.yield
      }) : () -> ()
      %dma_start3A_301 = arith.constant 0 : i32
      %dma_start3A_302 = arith.constant 0 : i32
      %dma_start3A_303 = tpu.memref_slice %arg2[%dma_start3A_301, %dma_start3A_302] : memref<100000x32xf32, #tpu.memory_space<hbm>> -> memref<100000x32xf32, #tpu.memory_space<hbm>>
      tpu.enqueue_indirect_dma source(%dma_start3A_303 : memref<100000x32xf32, #tpu.memory_space<hbm>>) target(%arg20 : memref<128x32xf32, #tpu.memory_space<vmem>>) offsets(%arg16 : memref<128xi32, #tpu.memory_space<vmem>>) semaphore(%arg24 : memref<!tpu.dma_semaphore, #tpu.memory_space<semaphore_mem>>)
      %dma_wait3A = arith.constant 0 : i32
      %dma_wait3A_304 = arith.constant 0 : i32
      %dma_wait3A_305 = tpu.memref_slice %arg2[%dma_wait3A, %dma_wait3A_304] : memref<100000x32xf32, #tpu.memory_space<hbm>> -> memref<100000x32xf32, #tpu.memory_space<hbm>>
      tpu.wait_indirect_dma semaphore(%arg21 : memref<!tpu.dma_semaphore, #tpu.memory_space<semaphore_mem>>) src(%dma_wait3A_305 : memref<100000x32xf32, #tpu.memory_space<hbm>>) dst(%arg17 : memref<128x32xf32, #tpu.memory_space<vmem>>)
      "tpu.region"() ({
        %run_scoped3A = tpu.sem_alloc : memref<!tpu.dma_semaphore, #tpu.memory_space<semaphore_mem>>
        %dma_start3A_315 = arith.constant 0 : i32
        %dma_start3A_316 = arith.constant 0 : i32
        %dma_start3A_317 = tpu.memref_slice %arg7[%dma_start3A_315, %dma_start3A_316] : memref<50176x32xf32, #tpu.memory_space<vmem_shared>> -> memref<50176x32xf32, #tpu.memory_space<vmem_shared>>
        tpu.enqueue_indirect_dma source(%arg17 : memref<128x32xf32, #tpu.memory_space<vmem>>) target(%dma_start3A_317 : memref<50176x32xf32, #tpu.memory_space<vmem_shared>>) offsets(%arg9 : memref<128xi32, #tpu.memory_space<vmem>>) semaphore(%run_scoped3A : memref<!tpu.dma_semaphore, #tpu.memory_space<semaphore_mem>>) {add = true}
        %dma_wait3A_318 = arith.constant 0 : i32
        %dma_wait3A_319 = arith.constant 0 : i32
        %dma_wait3A_320 = tpu.memref_slice %arg7[%dma_wait3A_318, %dma_wait3A_319] : memref<50176x32xf32, #tpu.memory_space<vmem_shared>> -> memref<50176x32xf32, #tpu.memory_space<vmem_shared>>
        tpu.wait_indirect_dma semaphore(%run_scoped3A : memref<!tpu.dma_semaphore, #tpu.memory_space<semaphore_mem>>) src(%arg17 : memref<128x32xf32, #tpu.memory_space<vmem>>) dst(%dma_wait3A_320 : memref<50176x32xf32, #tpu.memory_space<vmem_shared>>)
        tpu.yield
      }) : () -> ()
      %dma_wait3A_306 = arith.constant 0 : i32
      %dma_wait3A_307 = arith.constant 0 : i32
      %dma_wait3A_308 = tpu.memref_slice %arg2[%dma_wait3A_306, %dma_wait3A_307] : memref<100000x32xf32, #tpu.memory_space<hbm>> -> memref<100000x32xf32, #tpu.memory_space<hbm>>
      tpu.wait_indirect_dma semaphore(%arg22 : memref<!tpu.dma_semaphore, #tpu.memory_space<semaphore_mem>>) src(%dma_wait3A_308 : memref<100000x32xf32, #tpu.memory_space<hbm>>) dst(%arg18 : memref<128x32xf32, #tpu.memory_space<vmem>>)
      "tpu.region"() ({
        %run_scoped3A = tpu.sem_alloc : memref<!tpu.dma_semaphore, #tpu.memory_space<semaphore_mem>>
        %dma_start3A_315 = arith.constant 0 : i32
        %dma_start3A_316 = arith.constant 0 : i32
        %dma_start3A_317 = tpu.memref_slice %arg7[%dma_start3A_315, %dma_start3A_316] : memref<50176x32xf32, #tpu.memory_space<vmem_shared>> -> memref<50176x32xf32, #tpu.memory_space<vmem_shared>>
        tpu.enqueue_indirect_dma source(%arg18 : memref<128x32xf32, #tpu.memory_space<vmem>>) target(%dma_start3A_317 : memref<50176x32xf32, #tpu.memory_space<vmem_shared>>) offsets(%arg10 : memref<128xi32, #tpu.memory_space<vmem>>) semaphore(%run_scoped3A : memref<!tpu.dma_semaphore, #tpu.memory_space<semaphore_mem>>) {add = true}
        %dma_wait3A_318 = arith.constant 0 : i32
        %dma_wait3A_319 = arith.constant 0 : i32
        %dma_wait3A_320 = tpu.memref_slice %arg7[%dma_wait3A_318, %dma_wait3A_319] : memref<50176x32xf32, #tpu.memory_space<vmem_shared>> -> memref<50176x32xf32, #tpu.memory_space<vmem_shared>>
        tpu.wait_indirect_dma semaphore(%run_scoped3A : memref<!tpu.dma_semaphore, #tpu.memory_space<semaphore_mem>>) src(%arg18 : memref<128x32xf32, #tpu.memory_space<vmem>>) dst(%dma_wait3A_320 : memref<50176x32xf32, #tpu.memory_space<vmem_shared>>)
        tpu.yield
      }) : () -> ()
      %dma_wait3A_309 = arith.constant 0 : i32
      %dma_wait3A_310 = arith.constant 0 : i32
      %dma_wait3A_311 = tpu.memref_slice %arg2[%dma_wait3A_309, %dma_wait3A_310] : memref<100000x32xf32, #tpu.memory_space<hbm>> -> memref<100000x32xf32, #tpu.memory_space<hbm>>
      tpu.wait_indirect_dma semaphore(%arg23 : memref<!tpu.dma_semaphore, #tpu.memory_space<semaphore_mem>>) src(%dma_wait3A_311 : memref<100000x32xf32, #tpu.memory_space<hbm>>) dst(%arg19 : memref<128x32xf32, #tpu.memory_space<vmem>>)
      "tpu.region"() ({
        %run_scoped3A = tpu.sem_alloc : memref<!tpu.dma_semaphore, #tpu.memory_space<semaphore_mem>>
        %dma_start3A_315 = arith.constant 0 : i32
        %dma_start3A_316 = arith.constant 0 : i32
        %dma_start3A_317 = tpu.memref_slice %arg7[%dma_start3A_315, %dma_start3A_316] : memref<50176x32xf32, #tpu.memory_space<vmem_shared>> -> memref<50176x32xf32, #tpu.memory_space<vmem_shared>>
        tpu.enqueue_indirect_dma source(%arg19 : memref<128x32xf32, #tpu.memory_space<vmem>>) target(%dma_start3A_317 : memref<50176x32xf32, #tpu.memory_space<vmem_shared>>) offsets(%arg11 : memref<128xi32, #tpu.memory_space<vmem>>) semaphore(%run_scoped3A : memref<!tpu.dma_semaphore, #tpu.memory_space<semaphore_mem>>) {add = true}
        %dma_wait3A_318 = arith.constant 0 : i32
        %dma_wait3A_319 = arith.constant 0 : i32
        %dma_wait3A_320 = tpu.memref_slice %arg7[%dma_wait3A_318, %dma_wait3A_319] : memref<50176x32xf32, #tpu.memory_space<vmem_shared>> -> memref<50176x32xf32, #tpu.memory_space<vmem_shared>>
        tpu.wait_indirect_dma semaphore(%run_scoped3A : memref<!tpu.dma_semaphore, #tpu.memory_space<semaphore_mem>>) src(%arg19 : memref<128x32xf32, #tpu.memory_space<vmem>>) dst(%dma_wait3A_320 : memref<50176x32xf32, #tpu.memory_space<vmem_shared>>)
        tpu.yield
      }) : () -> ()
      %dma_wait3A_312 = arith.constant 0 : i32
      %dma_wait3A_313 = arith.constant 0 : i32
      %dma_wait3A_314 = tpu.memref_slice %arg2[%dma_wait3A_312, %dma_wait3A_313] : memref<100000x32xf32, #tpu.memory_space<hbm>> -> memref<100000x32xf32, #tpu.memory_space<hbm>>
      tpu.wait_indirect_dma semaphore(%arg24 : memref<!tpu.dma_semaphore, #tpu.memory_space<semaphore_mem>>) src(%dma_wait3A_314 : memref<100000x32xf32, #tpu.memory_space<hbm>>) dst(%arg20 : memref<128x32xf32, #tpu.memory_space<vmem>>)
      "tpu.region"() ({
        %run_scoped3A = tpu.sem_alloc : memref<!tpu.dma_semaphore, #tpu.memory_space<semaphore_mem>>
        %dma_start3A_315 = arith.constant 0 : i32
        %dma_start3A_316 = arith.constant 0 : i32
        %dma_start3A_317 = tpu.memref_slice %arg7[%dma_start3A_315, %dma_start3A_316] : memref<50176x32xf32, #tpu.memory_space<vmem_shared>> -> memref<50176x32xf32, #tpu.memory_space<vmem_shared>>
        tpu.enqueue_indirect_dma source(%arg20 : memref<128x32xf32, #tpu.memory_space<vmem>>) target(%dma_start3A_317 : memref<50176x32xf32, #tpu.memory_space<vmem_shared>>) offsets(%arg12 : memref<128xi32, #tpu.memory_space<vmem>>) semaphore(%run_scoped3A : memref<!tpu.dma_semaphore, #tpu.memory_space<semaphore_mem>>) {add = true}
        %dma_wait3A_318 = arith.constant 0 : i32
        %dma_wait3A_319 = arith.constant 0 : i32
        %dma_wait3A_320 = tpu.memref_slice %arg7[%dma_wait3A_318, %dma_wait3A_319] : memref<50176x32xf32, #tpu.memory_space<vmem_shared>> -> memref<50176x32xf32, #tpu.memory_space<vmem_shared>>
        tpu.wait_indirect_dma semaphore(%run_scoped3A : memref<!tpu.dma_semaphore, #tpu.memory_space<semaphore_mem>>) src(%arg20 : memref<128x32xf32, #tpu.memory_space<vmem>>) dst(%dma_wait3A_320 : memref<50176x32xf32, #tpu.memory_space<vmem_shared>>)
        tpu.yield
      }) : () -> ()
    }
    %scan3A_66 = arith.constant 98 : i32
    %barrier3A_67 = arith.constant 0 : index
    tpu.barrier barrier_id(%barrier3A_67)
    %mul3A_68 = arith.constant 3136 : i32
    %mul3A_69 = arith.muli %arg1, %mul3A_68 : i32
    %add3A_70 = arith.constant 0 : i32
    %add3A_71 = arith.addi %mul3A_69, %add3A_70 : i32
    "tpu.region"() ({
      %run_scoped3A = tpu.sem_alloc : memref<!tpu.dma_semaphore, #tpu.memory_space<semaphore_mem>>
      %dma_start3A = arith.constant 0 : i32
      %dma_start3A_244 = tpu.memref_slice %arg7[%add3A_71, %dma_start3A] : memref<50176x32xf32, #tpu.memory_space<vmem_shared>> -> memref<196x32xf32, #tpu.memory_space<vmem_shared>>
      %dma_start3A_245 = arith.constant 0 : i32
      %dma_start3A_246 = tpu.memref_slice %arg7[%add3A_71, %dma_start3A_245] : memref<50176x32xf32, #tpu.memory_space<vmem_shared>> -> memref<196x32xf32, #tpu.memory_space<vmem_shared>>
      tpu.enqueue_dma source(%dma_start3A_246 : memref<196x32xf32, #tpu.memory_space<vmem_shared>>) target(%arg8 : memref<196x32xf32, #tpu.memory_space<vmem>>) target_semaphore(%run_scoped3A : memref<!tpu.dma_semaphore, #tpu.memory_space<semaphore_mem>>)
      %dma_wait3A = arith.constant 0 : i32
      %dma_wait3A_247 = tpu.memref_slice %arg7[%add3A_71, %dma_wait3A] : memref<50176x32xf32, #tpu.memory_space<vmem_shared>> -> memref<196x32xf32, #tpu.memory_space<vmem_shared>>
      %dma_wait3A_248 = arith.constant 0 : i32
      %dma_wait3A_249 = tpu.memref_slice %arg7[%add3A_71, %dma_wait3A_248] : memref<50176x32xf32, #tpu.memory_space<vmem_shared>> -> memref<196x32xf32, #tpu.memory_space<vmem_shared>>
      tpu.wait_dma2 semaphore(%run_scoped3A : memref<!tpu.dma_semaphore, #tpu.memory_space<semaphore_mem>>) src(%dma_wait3A_249 : memref<196x32xf32, #tpu.memory_space<vmem_shared>>) dst(%arg8 : memref<196x32xf32, #tpu.memory_space<vmem>>)
      tpu.yield
    }) : () -> ()
    %mul3A_72 = arith.constant 50176 : i32
    %mul3A_73 = arith.muli %arg0, %mul3A_72 : i32
    %mul3A_74 = arith.constant 3136 : i32
    %mul3A_75 = arith.muli %arg1, %mul3A_74 : i32
    %add3A_76 = arith.addi %mul3A_73, %mul3A_75 : i32
    %add3A_77 = arith.constant 0 : i32
    %add3A_78 = arith.addi %add3A_76, %add3A_77 : i32
    "tpu.region"() ({
      %run_scoped3A = tpu.sem_alloc : memref<!tpu.dma_semaphore, #tpu.memory_space<semaphore_mem>>
      %dma_start3A = arith.constant 0 : i32
      %dma_start3A_244 = tpu.memref_slice %arg6[%add3A_78, %dma_start3A] : memref<100352x32xf32, #tpu.memory_space<hbm>> -> memref<196x32xf32, #tpu.memory_space<hbm>>
      %dma_start3A_245 = arith.constant 0 : i32
      %dma_start3A_246 = tpu.memref_slice %arg6[%add3A_78, %dma_start3A_245] : memref<100352x32xf32, #tpu.memory_space<hbm>> -> memref<196x32xf32, #tpu.memory_space<hbm>>
      tpu.enqueue_dma source(%arg8 : memref<196x32xf32, #tpu.memory_space<vmem>>) target(%dma_start3A_246 : memref<196x32xf32, #tpu.memory_space<hbm>>) target_semaphore(%run_scoped3A : memref<!tpu.dma_semaphore, #tpu.memory_space<semaphore_mem>>)
      %dma_wait3A = arith.constant 0 : i32
      %dma_wait3A_247 = tpu.memref_slice %arg6[%add3A_78, %dma_wait3A] : memref<100352x32xf32, #tpu.memory_space<hbm>> -> memref<196x32xf32, #tpu.memory_space<hbm>>
      %dma_wait3A_248 = arith.constant 0 : i32
      %dma_wait3A_249 = tpu.memref_slice %arg6[%add3A_78, %dma_wait3A_248] : memref<100352x32xf32, #tpu.memory_space<hbm>> -> memref<196x32xf32, #tpu.memory_space<hbm>>
      tpu.wait_dma2 semaphore(%run_scoped3A : memref<!tpu.dma_semaphore, #tpu.memory_space<semaphore_mem>>) src(%arg8 : memref<196x32xf32, #tpu.memory_space<vmem>>) dst(%dma_wait3A_249 : memref<196x32xf32, #tpu.memory_space<hbm>>)
      tpu.yield
    }) : () -> ()
    %mul3A_79 = arith.constant 3136 : i32
    %mul3A_80 = arith.muli %arg1, %mul3A_79 : i32
    %add3A_81 = arith.constant 196 : i32
    %add3A_82 = arith.addi %mul3A_80, %add3A_81 : i32
    "tpu.region"() ({
      %run_scoped3A = tpu.sem_alloc : memref<!tpu.dma_semaphore, #tpu.memory_space<semaphore_mem>>
      %dma_start3A = arith.constant 0 : i32
      %dma_start3A_244 = tpu.memref_slice %arg7[%add3A_82, %dma_start3A] : memref<50176x32xf32, #tpu.memory_space<vmem_shared>> -> memref<196x32xf32, #tpu.memory_space<vmem_shared>>
      %dma_start3A_245 = arith.constant 0 : i32
      %dma_start3A_246 = tpu.memref_slice %arg7[%add3A_82, %dma_start3A_245] : memref<50176x32xf32, #tpu.memory_space<vmem_shared>> -> memref<196x32xf32, #tpu.memory_space<vmem_shared>>
      tpu.enqueue_dma source(%dma_start3A_246 : memref<196x32xf32, #tpu.memory_space<vmem_shared>>) target(%arg8 : memref<196x32xf32, #tpu.memory_space<vmem>>) target_semaphore(%run_scoped3A : memref<!tpu.dma_semaphore, #tpu.memory_space<semaphore_mem>>)
      %dma_wait3A = arith.constant 0 : i32
      %dma_wait3A_247 = tpu.memref_slice %arg7[%add3A_82, %dma_wait3A] : memref<50176x32xf32, #tpu.memory_space<vmem_shared>> -> memref<196x32xf32, #tpu.memory_space<vmem_shared>>
      %dma_wait3A_248 = arith.constant 0 : i32
      %dma_wait3A_249 = tpu.memref_slice %arg7[%add3A_82, %dma_wait3A_248] : memref<50176x32xf32, #tpu.memory_space<vmem_shared>> -> memref<196x32xf32, #tpu.memory_space<vmem_shared>>
      tpu.wait_dma2 semaphore(%run_scoped3A : memref<!tpu.dma_semaphore, #tpu.memory_space<semaphore_mem>>) src(%dma_wait3A_249 : memref<196x32xf32, #tpu.memory_space<vmem_shared>>) dst(%arg8 : memref<196x32xf32, #tpu.memory_space<vmem>>)
      tpu.yield
    }) : () -> ()
    %mul3A_83 = arith.constant 50176 : i32
    %mul3A_84 = arith.muli %arg0, %mul3A_83 : i32
    %mul3A_85 = arith.constant 3136 : i32
    %mul3A_86 = arith.muli %arg1, %mul3A_85 : i32
    %add3A_87 = arith.addi %mul3A_84, %mul3A_86 : i32
    %add3A_88 = arith.constant 196 : i32
    %add3A_89 = arith.addi %add3A_87, %add3A_88 : i32
    "tpu.region"() ({
      %run_scoped3A = tpu.sem_alloc : memref<!tpu.dma_semaphore, #tpu.memory_space<semaphore_mem>>
      %dma_start3A = arith.constant 0 : i32
      %dma_start3A_244 = tpu.memref_slice %arg6[%add3A_89, %dma_start3A] : memref<100352x32xf32, #tpu.memory_space<hbm>> -> memref<196x32xf32, #tpu.memory_space<hbm>>
      %dma_start3A_245 = arith.constant 0 : i32
      %dma_start3A_246 = tpu.memref_slice %arg6[%add3A_89, %dma_start3A_245] : memref<100352x32xf32, #tpu.memory_space<hbm>> -> memref<196x32xf32, #tpu.memory_space<hbm>>
      tpu.enqueue_dma source(%arg8 : memref<196x32xf32, #tpu.memory_space<vmem>>) target(%dma_start3A_246 : memref<196x32xf32, #tpu.memory_space<hbm>>) target_semaphore(%run_scoped3A : memref<!tpu.dma_semaphore, #tpu.memory_space<semaphore_mem>>)
      %dma_wait3A = arith.constant 0 : i32
      %dma_wait3A_247 = tpu.memref_slice %arg6[%add3A_89, %dma_wait3A] : memref<100352x32xf32, #tpu.memory_space<hbm>> -> memref<196x32xf32, #tpu.memory_space<hbm>>
      %dma_wait3A_248 = arith.constant 0 : i32
      %dma_wait3A_249 = tpu.memref_slice %arg6[%add3A_89, %dma_wait3A_248] : memref<100352x32xf32, #tpu.memory_space<hbm>> -> memref<196x32xf32, #tpu.memory_space<hbm>>
      tpu.wait_dma2 semaphore(%run_scoped3A : memref<!tpu.dma_semaphore, #tpu.memory_space<semaphore_mem>>) src(%arg8 : memref<196x32xf32, #tpu.memory_space<vmem>>) dst(%dma_wait3A_249 : memref<196x32xf32, #tpu.memory_space<hbm>>)
      tpu.yield
    }) : () -> ()
    %mul3A_90 = arith.constant 3136 : i32
    %mul3A_91 = arith.muli %arg1, %mul3A_90 : i32
    %add3A_92 = arith.constant 392 : i32
    %add3A_93 = arith.addi %mul3A_91, %add3A_92 : i32
    "tpu.region"() ({
      %run_scoped3A = tpu.sem_alloc : memref<!tpu.dma_semaphore, #tpu.memory_space<semaphore_mem>>
      %dma_start3A = arith.constant 0 : i32
      %dma_start3A_244 = tpu.memref_slice %arg7[%add3A_93, %dma_start3A] : memref<50176x32xf32, #tpu.memory_space<vmem_shared>> -> memref<196x32xf32, #tpu.memory_space<vmem_shared>>
      %dma_start3A_245 = arith.constant 0 : i32
      %dma_start3A_246 = tpu.memref_slice %arg7[%add3A_93, %dma_start3A_245] : memref<50176x32xf32, #tpu.memory_space<vmem_shared>> -> memref<196x32xf32, #tpu.memory_space<vmem_shared>>
      tpu.enqueue_dma source(%dma_start3A_246 : memref<196x32xf32, #tpu.memory_space<vmem_shared>>) target(%arg8 : memref<196x32xf32, #tpu.memory_space<vmem>>) target_semaphore(%run_scoped3A : memref<!tpu.dma_semaphore, #tpu.memory_space<semaphore_mem>>)
      %dma_wait3A = arith.constant 0 : i32
      %dma_wait3A_247 = tpu.memref_slice %arg7[%add3A_93, %dma_wait3A] : memref<50176x32xf32, #tpu.memory_space<vmem_shared>> -> memref<196x32xf32, #tpu.memory_space<vmem_shared>>
      %dma_wait3A_248 = arith.constant 0 : i32
      %dma_wait3A_249 = tpu.memref_slice %arg7[%add3A_93, %dma_wait3A_248] : memref<50176x32xf32, #tpu.memory_space<vmem_shared>> -> memref<196x32xf32, #tpu.memory_space<vmem_shared>>
      tpu.wait_dma2 semaphore(%run_scoped3A : memref<!tpu.dma_semaphore, #tpu.memory_space<semaphore_mem>>) src(%dma_wait3A_249 : memref<196x32xf32, #tpu.memory_space<vmem_shared>>) dst(%arg8 : memref<196x32xf32, #tpu.memory_space<vmem>>)
      tpu.yield
    }) : () -> ()
    %mul3A_94 = arith.constant 50176 : i32
    %mul3A_95 = arith.muli %arg0, %mul3A_94 : i32
    %mul3A_96 = arith.constant 3136 : i32
    %mul3A_97 = arith.muli %arg1, %mul3A_96 : i32
    %add3A_98 = arith.addi %mul3A_95, %mul3A_97 : i32
    %add3A_99 = arith.constant 392 : i32
    %add3A_100 = arith.addi %add3A_98, %add3A_99 : i32
    "tpu.region"() ({
      %run_scoped3A = tpu.sem_alloc : memref<!tpu.dma_semaphore, #tpu.memory_space<semaphore_mem>>
      %dma_start3A = arith.constant 0 : i32
      %dma_start3A_244 = tpu.memref_slice %arg6[%add3A_100, %dma_start3A] : memref<100352x32xf32, #tpu.memory_space<hbm>> -> memref<196x32xf32, #tpu.memory_space<hbm>>
      %dma_start3A_245 = arith.constant 0 : i32
      %dma_start3A_246 = tpu.memref_slice %arg6[%add3A_100, %dma_start3A_245] : memref<100352x32xf32, #tpu.memory_space<hbm>> -> memref<196x32xf32, #tpu.memory_space<hbm>>
      tpu.enqueue_dma source(%arg8 : memref<196x32xf32, #tpu.memory_space<vmem>>) target(%dma_start3A_246 : memref<196x32xf32, #tpu.memory_space<hbm>>) target_semaphore(%run_scoped3A : memref<!tpu.dma_semaphore, #tpu.memory_space<semaphore_mem>>)
      %dma_wait3A = arith.constant 0 : i32
      %dma_wait3A_247 = tpu.memref_slice %arg6[%add3A_100, %dma_wait3A] : memref<100352x32xf32, #tpu.memory_space<hbm>> -> memref<196x32xf32, #tpu.memory_space<hbm>>
      %dma_wait3A_248 = arith.constant 0 : i32
      %dma_wait3A_249 = tpu.memref_slice %arg6[%add3A_100, %dma_wait3A_248] : memref<100352x32xf32, #tpu.memory_space<hbm>> -> memref<196x32xf32, #tpu.memory_space<hbm>>
      tpu.wait_dma2 semaphore(%run_scoped3A : memref<!tpu.dma_semaphore, #tpu.memory_space<semaphore_mem>>) src(%arg8 : memref<196x32xf32, #tpu.memory_space<vmem>>) dst(%dma_wait3A_249 : memref<196x32xf32, #tpu.memory_space<hbm>>)
      tpu.yield
    }) : () -> ()
    %mul3A_101 = arith.constant 3136 : i32
    %mul3A_102 = arith.muli %arg1, %mul3A_101 : i32
    %add3A_103 = arith.constant 588 : i32
    %add3A_104 = arith.addi %mul3A_102, %add3A_103 : i32
    "tpu.region"() ({
      %run_scoped3A = tpu.sem_alloc : memref<!tpu.dma_semaphore, #tpu.memory_space<semaphore_mem>>
      %dma_start3A = arith.constant 0 : i32
      %dma_start3A_244 = tpu.memref_slice %arg7[%add3A_104, %dma_start3A] : memref<50176x32xf32, #tpu.memory_space<vmem_shared>> -> memref<196x32xf32, #tpu.memory_space<vmem_shared>>
      %dma_start3A_245 = arith.constant 0 : i32
      %dma_start3A_246 = tpu.memref_slice %arg7[%add3A_104, %dma_start3A_245] : memref<50176x32xf32, #tpu.memory_space<vmem_shared>> -> memref<196x32xf32, #tpu.memory_space<vmem_shared>>
      tpu.enqueue_dma source(%dma_start3A_246 : memref<196x32xf32, #tpu.memory_space<vmem_shared>>) target(%arg8 : memref<196x32xf32, #tpu.memory_space<vmem>>) target_semaphore(%run_scoped3A : memref<!tpu.dma_semaphore, #tpu.memory_space<semaphore_mem>>)
      %dma_wait3A = arith.constant 0 : i32
      %dma_wait3A_247 = tpu.memref_slice %arg7[%add3A_104, %dma_wait3A] : memref<50176x32xf32, #tpu.memory_space<vmem_shared>> -> memref<196x32xf32, #tpu.memory_space<vmem_shared>>
      %dma_wait3A_248 = arith.constant 0 : i32
      %dma_wait3A_249 = tpu.memref_slice %arg7[%add3A_104, %dma_wait3A_248] : memref<50176x32xf32, #tpu.memory_space<vmem_shared>> -> memref<196x32xf32, #tpu.memory_space<vmem_shared>>
      tpu.wait_dma2 semaphore(%run_scoped3A : memref<!tpu.dma_semaphore, #tpu.memory_space<semaphore_mem>>) src(%dma_wait3A_249 : memref<196x32xf32, #tpu.memory_space<vmem_shared>>) dst(%arg8 : memref<196x32xf32, #tpu.memory_space<vmem>>)
      tpu.yield
    }) : () -> ()
    %mul3A_105 = arith.constant 50176 : i32
    %mul3A_106 = arith.muli %arg0, %mul3A_105 : i32
    %mul3A_107 = arith.constant 3136 : i32
    %mul3A_108 = arith.muli %arg1, %mul3A_107 : i32
    %add3A_109 = arith.addi %mul3A_106, %mul3A_108 : i32
    %add3A_110 = arith.constant 588 : i32
    %add3A_111 = arith.addi %add3A_109, %add3A_110 : i32
    "tpu.region"() ({
      %run_scoped3A = tpu.sem_alloc : memref<!tpu.dma_semaphore, #tpu.memory_space<semaphore_mem>>
      %dma_start3A = arith.constant 0 : i32
      %dma_start3A_244 = tpu.memref_slice %arg6[%add3A_111, %dma_start3A] : memref<100352x32xf32, #tpu.memory_space<hbm>> -> memref<196x32xf32, #tpu.memory_space<hbm>>
      %dma_start3A_245 = arith.constant 0 : i32
      %dma_start3A_246 = tpu.memref_slice %arg6[%add3A_111, %dma_start3A_245] : memref<100352x32xf32, #tpu.memory_space<hbm>> -> memref<196x32xf32, #tpu.memory_space<hbm>>
      tpu.enqueue_dma source(%arg8 : memref<196x32xf32, #tpu.memory_space<vmem>>) target(%dma_start3A_246 : memref<196x32xf32, #tpu.memory_space<hbm>>) target_semaphore(%run_scoped3A : memref<!tpu.dma_semaphore, #tpu.memory_space<semaphore_mem>>)
      %dma_wait3A = arith.constant 0 : i32
      %dma_wait3A_247 = tpu.memref_slice %arg6[%add3A_111, %dma_wait3A] : memref<100352x32xf32, #tpu.memory_space<hbm>> -> memref<196x32xf32, #tpu.memory_space<hbm>>
      %dma_wait3A_248 = arith.constant 0 : i32
      %dma_wait3A_249 = tpu.memref_slice %arg6[%add3A_111, %dma_wait3A_248] : memref<100352x32xf32, #tpu.memory_space<hbm>> -> memref<196x32xf32, #tpu.memory_space<hbm>>
      tpu.wait_dma2 semaphore(%run_scoped3A : memref<!tpu.dma_semaphore, #tpu.memory_space<semaphore_mem>>) src(%arg8 : memref<196x32xf32, #tpu.memory_space<vmem>>) dst(%dma_wait3A_249 : memref<196x32xf32, #tpu.memory_space<hbm>>)
      tpu.yield
    }) : () -> ()
    %mul3A_112 = arith.constant 3136 : i32
    %mul3A_113 = arith.muli %arg1, %mul3A_112 : i32
    %add3A_114 = arith.constant 784 : i32
    %add3A_115 = arith.addi %mul3A_113, %add3A_114 : i32
    "tpu.region"() ({
      %run_scoped3A = tpu.sem_alloc : memref<!tpu.dma_semaphore, #tpu.memory_space<semaphore_mem>>
      %dma_start3A = arith.constant 0 : i32
      %dma_start3A_244 = tpu.memref_slice %arg7[%add3A_115, %dma_start3A] : memref<50176x32xf32, #tpu.memory_space<vmem_shared>> -> memref<196x32xf32, #tpu.memory_space<vmem_shared>>
      %dma_start3A_245 = arith.constant 0 : i32
      %dma_start3A_246 = tpu.memref_slice %arg7[%add3A_115, %dma_start3A_245] : memref<50176x32xf32, #tpu.memory_space<vmem_shared>> -> memref<196x32xf32, #tpu.memory_space<vmem_shared>>
      tpu.enqueue_dma source(%dma_start3A_246 : memref<196x32xf32, #tpu.memory_space<vmem_shared>>) target(%arg8 : memref<196x32xf32, #tpu.memory_space<vmem>>) target_semaphore(%run_scoped3A : memref<!tpu.dma_semaphore, #tpu.memory_space<semaphore_mem>>)
      %dma_wait3A = arith.constant 0 : i32
      %dma_wait3A_247 = tpu.memref_slice %arg7[%add3A_115, %dma_wait3A] : memref<50176x32xf32, #tpu.memory_space<vmem_shared>> -> memref<196x32xf32, #tpu.memory_space<vmem_shared>>
      %dma_wait3A_248 = arith.constant 0 : i32
      %dma_wait3A_249 = tpu.memref_slice %arg7[%add3A_115, %dma_wait3A_248] : memref<50176x32xf32, #tpu.memory_space<vmem_shared>> -> memref<196x32xf32, #tpu.memory_space<vmem_shared>>
      tpu.wait_dma2 semaphore(%run_scoped3A : memref<!tpu.dma_semaphore, #tpu.memory_space<semaphore_mem>>) src(%dma_wait3A_249 : memref<196x32xf32, #tpu.memory_space<vmem_shared>>) dst(%arg8 : memref<196x32xf32, #tpu.memory_space<vmem>>)
      tpu.yield
    }) : () -> ()
    %mul3A_116 = arith.constant 50176 : i32
    %mul3A_117 = arith.muli %arg0, %mul3A_116 : i32
    %mul3A_118 = arith.constant 3136 : i32
    %mul3A_119 = arith.muli %arg1, %mul3A_118 : i32
    %add3A_120 = arith.addi %mul3A_117, %mul3A_119 : i32
    %add3A_121 = arith.constant 784 : i32
    %add3A_122 = arith.addi %add3A_120, %add3A_121 : i32
    "tpu.region"() ({
      %run_scoped3A = tpu.sem_alloc : memref<!tpu.dma_semaphore, #tpu.memory_space<semaphore_mem>>
      %dma_start3A = arith.constant 0 : i32
      %dma_start3A_244 = tpu.memref_slice %arg6[%add3A_122, %dma_start3A] : memref<100352x32xf32, #tpu.memory_space<hbm>> -> memref<196x32xf32, #tpu.memory_space<hbm>>
      %dma_start3A_245 = arith.constant 0 : i32
      %dma_start3A_246 = tpu.memref_slice %arg6[%add3A_122, %dma_start3A_245] : memref<100352x32xf32, #tpu.memory_space<hbm>> -> memref<196x32xf32, #tpu.memory_space<hbm>>
      tpu.enqueue_dma source(%arg8 : memref<196x32xf32, #tpu.memory_space<vmem>>) target(%dma_start3A_246 : memref<196x32xf32, #tpu.memory_space<hbm>>) target_semaphore(%run_scoped3A : memref<!tpu.dma_semaphore, #tpu.memory_space<semaphore_mem>>)
      %dma_wait3A = arith.constant 0 : i32
      %dma_wait3A_247 = tpu.memref_slice %arg6[%add3A_122, %dma_wait3A] : memref<100352x32xf32, #tpu.memory_space<hbm>> -> memref<196x32xf32, #tpu.memory_space<hbm>>
      %dma_wait3A_248 = arith.constant 0 : i32
      %dma_wait3A_249 = tpu.memref_slice %arg6[%add3A_122, %dma_wait3A_248] : memref<100352x32xf32, #tpu.memory_space<hbm>> -> memref<196x32xf32, #tpu.memory_space<hbm>>
      tpu.wait_dma2 semaphore(%run_scoped3A : memref<!tpu.dma_semaphore, #tpu.memory_space<semaphore_mem>>) src(%arg8 : memref<196x32xf32, #tpu.memory_space<vmem>>) dst(%dma_wait3A_249 : memref<196x32xf32, #tpu.memory_space<hbm>>)
      tpu.yield
    }) : () -> ()
    %mul3A_123 = arith.constant 3136 : i32
    %mul3A_124 = arith.muli %arg1, %mul3A_123 : i32
    %add3A_125 = arith.constant 980 : i32
    %add3A_126 = arith.addi %mul3A_124, %add3A_125 : i32
    "tpu.region"() ({
      %run_scoped3A = tpu.sem_alloc : memref<!tpu.dma_semaphore, #tpu.memory_space<semaphore_mem>>
      %dma_start3A = arith.constant 0 : i32
      %dma_start3A_244 = tpu.memref_slice %arg7[%add3A_126, %dma_start3A] : memref<50176x32xf32, #tpu.memory_space<vmem_shared>> -> memref<196x32xf32, #tpu.memory_space<vmem_shared>>
      %dma_start3A_245 = arith.constant 0 : i32
      %dma_start3A_246 = tpu.memref_slice %arg7[%add3A_126, %dma_start3A_245] : memref<50176x32xf32, #tpu.memory_space<vmem_shared>> -> memref<196x32xf32, #tpu.memory_space<vmem_shared>>
      tpu.enqueue_dma source(%dma_start3A_246 : memref<196x32xf32, #tpu.memory_space<vmem_shared>>) target(%arg8 : memref<196x32xf32, #tpu.memory_space<vmem>>) target_semaphore(%run_scoped3A : memref<!tpu.dma_semaphore, #tpu.memory_space<semaphore_mem>>)
      %dma_wait3A = arith.constant 0 : i32
      %dma_wait3A_247 = tpu.memref_slice %arg7[%add3A_126, %dma_wait3A] : memref<50176x32xf32, #tpu.memory_space<vmem_shared>> -> memref<196x32xf32, #tpu.memory_space<vmem_shared>>
      %dma_wait3A_248 = arith.constant 0 : i32
      %dma_wait3A_249 = tpu.memref_slice %arg7[%add3A_126, %dma_wait3A_248] : memref<50176x32xf32, #tpu.memory_space<vmem_shared>> -> memref<196x32xf32, #tpu.memory_space<vmem_shared>>
      tpu.wait_dma2 semaphore(%run_scoped3A : memref<!tpu.dma_semaphore, #tpu.memory_space<semaphore_mem>>) src(%dma_wait3A_249 : memref<196x32xf32, #tpu.memory_space<vmem_shared>>) dst(%arg8 : memref<196x32xf32, #tpu.memory_space<vmem>>)
      tpu.yield
    }) : () -> ()
    %mul3A_127 = arith.constant 50176 : i32
    %mul3A_128 = arith.muli %arg0, %mul3A_127 : i32
    %mul3A_129 = arith.constant 3136 : i32
    %mul3A_130 = arith.muli %arg1, %mul3A_129 : i32
    %add3A_131 = arith.addi %mul3A_128, %mul3A_130 : i32
    %add3A_132 = arith.constant 980 : i32
    %add3A_133 = arith.addi %add3A_131, %add3A_132 : i32
    "tpu.region"() ({
      %run_scoped3A = tpu.sem_alloc : memref<!tpu.dma_semaphore, #tpu.memory_space<semaphore_mem>>
      %dma_start3A = arith.constant 0 : i32
      %dma_start3A_244 = tpu.memref_slice %arg6[%add3A_133, %dma_start3A] : memref<100352x32xf32, #tpu.memory_space<hbm>> -> memref<196x32xf32, #tpu.memory_space<hbm>>
      %dma_start3A_245 = arith.constant 0 : i32
      %dma_start3A_246 = tpu.memref_slice %arg6[%add3A_133, %dma_start3A_245] : memref<100352x32xf32, #tpu.memory_space<hbm>> -> memref<196x32xf32, #tpu.memory_space<hbm>>
      tpu.enqueue_dma source(%arg8 : memref<196x32xf32, #tpu.memory_space<vmem>>) target(%dma_start3A_246 : memref<196x32xf32, #tpu.memory_space<hbm>>) target_semaphore(%run_scoped3A : memref<!tpu.dma_semaphore, #tpu.memory_space<semaphore_mem>>)
      %dma_wait3A = arith.constant 0 : i32
      %dma_wait3A_247 = tpu.memref_slice %arg6[%add3A_133, %dma_wait3A] : memref<100352x32xf32, #tpu.memory_space<hbm>> -> memref<196x32xf32, #tpu.memory_space<hbm>>
      %dma_wait3A_248 = arith.constant 0 : i32
      %dma_wait3A_249 = tpu.memref_slice %arg6[%add3A_133, %dma_wait3A_248] : memref<100352x32xf32, #tpu.memory_space<hbm>> -> memref<196x32xf32, #tpu.memory_space<hbm>>
      tpu.wait_dma2 semaphore(%run_scoped3A : memref<!tpu.dma_semaphore, #tpu.memory_space<semaphore_mem>>) src(%arg8 : memref<196x32xf32, #tpu.memory_space<vmem>>) dst(%dma_wait3A_249 : memref<196x32xf32, #tpu.memory_space<hbm>>)
      tpu.yield
    }) : () -> ()
    %mul3A_134 = arith.constant 3136 : i32
    %mul3A_135 = arith.muli %arg1, %mul3A_134 : i32
    %add3A_136 = arith.constant 1176 : i32
    %add3A_137 = arith.addi %mul3A_135, %add3A_136 : i32
    "tpu.region"() ({
      %run_scoped3A = tpu.sem_alloc : memref<!tpu.dma_semaphore, #tpu.memory_space<semaphore_mem>>
      %dma_start3A = arith.constant 0 : i32
      %dma_start3A_244 = tpu.memref_slice %arg7[%add3A_137, %dma_start3A] : memref<50176x32xf32, #tpu.memory_space<vmem_shared>> -> memref<196x32xf32, #tpu.memory_space<vmem_shared>>
      %dma_start3A_245 = arith.constant 0 : i32
      %dma_start3A_246 = tpu.memref_slice %arg7[%add3A_137, %dma_start3A_245] : memref<50176x32xf32, #tpu.memory_space<vmem_shared>> -> memref<196x32xf32, #tpu.memory_space<vmem_shared>>
      tpu.enqueue_dma source(%dma_start3A_246 : memref<196x32xf32, #tpu.memory_space<vmem_shared>>) target(%arg8 : memref<196x32xf32, #tpu.memory_space<vmem>>) target_semaphore(%run_scoped3A : memref<!tpu.dma_semaphore, #tpu.memory_space<semaphore_mem>>)
      %dma_wait3A = arith.constant 0 : i32
      %dma_wait3A_247 = tpu.memref_slice %arg7[%add3A_137, %dma_wait3A] : memref<50176x32xf32, #tpu.memory_space<vmem_shared>> -> memref<196x32xf32, #tpu.memory_space<vmem_shared>>
      %dma_wait3A_248 = arith.constant 0 : i32
      %dma_wait3A_249 = tpu.memref_slice %arg7[%add3A_137, %dma_wait3A_248] : memref<50176x32xf32, #tpu.memory_space<vmem_shared>> -> memref<196x32xf32, #tpu.memory_space<vmem_shared>>
      tpu.wait_dma2 semaphore(%run_scoped3A : memref<!tpu.dma_semaphore, #tpu.memory_space<semaphore_mem>>) src(%dma_wait3A_249 : memref<196x32xf32, #tpu.memory_space<vmem_shared>>) dst(%arg8 : memref<196x32xf32, #tpu.memory_space<vmem>>)
      tpu.yield
    }) : () -> ()
    %mul3A_138 = arith.constant 50176 : i32
    %mul3A_139 = arith.muli %arg0, %mul3A_138 : i32
    %mul3A_140 = arith.constant 3136 : i32
    %mul3A_141 = arith.muli %arg1, %mul3A_140 : i32
    %add3A_142 = arith.addi %mul3A_139, %mul3A_141 : i32
    %add3A_143 = arith.constant 1176 : i32
    %add3A_144 = arith.addi %add3A_142, %add3A_143 : i32
    "tpu.region"() ({
      %run_scoped3A = tpu.sem_alloc : memref<!tpu.dma_semaphore, #tpu.memory_space<semaphore_mem>>
      %dma_start3A = arith.constant 0 : i32
      %dma_start3A_244 = tpu.memref_slice %arg6[%add3A_144, %dma_start3A] : memref<100352x32xf32, #tpu.memory_space<hbm>> -> memref<196x32xf32, #tpu.memory_space<hbm>>
      %dma_start3A_245 = arith.constant 0 : i32
      %dma_start3A_246 = tpu.memref_slice %arg6[%add3A_144, %dma_start3A_245] : memref<100352x32xf32, #tpu.memory_space<hbm>> -> memref<196x32xf32, #tpu.memory_space<hbm>>
      tpu.enqueue_dma source(%arg8 : memref<196x32xf32, #tpu.memory_space<vmem>>) target(%dma_start3A_246 : memref<196x32xf32, #tpu.memory_space<hbm>>) target_semaphore(%run_scoped3A : memref<!tpu.dma_semaphore, #tpu.memory_space<semaphore_mem>>)
      %dma_wait3A = arith.constant 0 : i32
      %dma_wait3A_247 = tpu.memref_slice %arg6[%add3A_144, %dma_wait3A] : memref<100352x32xf32, #tpu.memory_space<hbm>> -> memref<196x32xf32, #tpu.memory_space<hbm>>
      %dma_wait3A_248 = arith.constant 0 : i32
      %dma_wait3A_249 = tpu.memref_slice %arg6[%add3A_144, %dma_wait3A_248] : memref<100352x32xf32, #tpu.memory_space<hbm>> -> memref<196x32xf32, #tpu.memory_space<hbm>>
      tpu.wait_dma2 semaphore(%run_scoped3A : memref<!tpu.dma_semaphore, #tpu.memory_space<semaphore_mem>>) src(%arg8 : memref<196x32xf32, #tpu.memory_space<vmem>>) dst(%dma_wait3A_249 : memref<196x32xf32, #tpu.memory_space<hbm>>)
      tpu.yield
    }) : () -> ()
    %mul3A_145 = arith.constant 3136 : i32
    %mul3A_146 = arith.muli %arg1, %mul3A_145 : i32
    %add3A_147 = arith.constant 1372 : i32
    %add3A_148 = arith.addi %mul3A_146, %add3A_147 : i32
    "tpu.region"() ({
      %run_scoped3A = tpu.sem_alloc : memref<!tpu.dma_semaphore, #tpu.memory_space<semaphore_mem>>
      %dma_start3A = arith.constant 0 : i32
      %dma_start3A_244 = tpu.memref_slice %arg7[%add3A_148, %dma_start3A] : memref<50176x32xf32, #tpu.memory_space<vmem_shared>> -> memref<196x32xf32, #tpu.memory_space<vmem_shared>>
      %dma_start3A_245 = arith.constant 0 : i32
      %dma_start3A_246 = tpu.memref_slice %arg7[%add3A_148, %dma_start3A_245] : memref<50176x32xf32, #tpu.memory_space<vmem_shared>> -> memref<196x32xf32, #tpu.memory_space<vmem_shared>>
      tpu.enqueue_dma source(%dma_start3A_246 : memref<196x32xf32, #tpu.memory_space<vmem_shared>>) target(%arg8 : memref<196x32xf32, #tpu.memory_space<vmem>>) target_semaphore(%run_scoped3A : memref<!tpu.dma_semaphore, #tpu.memory_space<semaphore_mem>>)
      %dma_wait3A = arith.constant 0 : i32
      %dma_wait3A_247 = tpu.memref_slice %arg7[%add3A_148, %dma_wait3A] : memref<50176x32xf32, #tpu.memory_space<vmem_shared>> -> memref<196x32xf32, #tpu.memory_space<vmem_shared>>
      %dma_wait3A_248 = arith.constant 0 : i32
      %dma_wait3A_249 = tpu.memref_slice %arg7[%add3A_148, %dma_wait3A_248] : memref<50176x32xf32, #tpu.memory_space<vmem_shared>> -> memref<196x32xf32, #tpu.memory_space<vmem_shared>>
      tpu.wait_dma2 semaphore(%run_scoped3A : memref<!tpu.dma_semaphore, #tpu.memory_space<semaphore_mem>>) src(%dma_wait3A_249 : memref<196x32xf32, #tpu.memory_space<vmem_shared>>) dst(%arg8 : memref<196x32xf32, #tpu.memory_space<vmem>>)
      tpu.yield
    }) : () -> ()
    %mul3A_149 = arith.constant 50176 : i32
    %mul3A_150 = arith.muli %arg0, %mul3A_149 : i32
    %mul3A_151 = arith.constant 3136 : i32
    %mul3A_152 = arith.muli %arg1, %mul3A_151 : i32
    %add3A_153 = arith.addi %mul3A_150, %mul3A_152 : i32
    %add3A_154 = arith.constant 1372 : i32
    %add3A_155 = arith.addi %add3A_153, %add3A_154 : i32
    "tpu.region"() ({
      %run_scoped3A = tpu.sem_alloc : memref<!tpu.dma_semaphore, #tpu.memory_space<semaphore_mem>>
      %dma_start3A = arith.constant 0 : i32
      %dma_start3A_244 = tpu.memref_slice %arg6[%add3A_155, %dma_start3A] : memref<100352x32xf32, #tpu.memory_space<hbm>> -> memref<196x32xf32, #tpu.memory_space<hbm>>
      %dma_start3A_245 = arith.constant 0 : i32
      %dma_start3A_246 = tpu.memref_slice %arg6[%add3A_155, %dma_start3A_245] : memref<100352x32xf32, #tpu.memory_space<hbm>> -> memref<196x32xf32, #tpu.memory_space<hbm>>
      tpu.enqueue_dma source(%arg8 : memref<196x32xf32, #tpu.memory_space<vmem>>) target(%dma_start3A_246 : memref<196x32xf32, #tpu.memory_space<hbm>>) target_semaphore(%run_scoped3A : memref<!tpu.dma_semaphore, #tpu.memory_space<semaphore_mem>>)
      %dma_wait3A = arith.constant 0 : i32
      %dma_wait3A_247 = tpu.memref_slice %arg6[%add3A_155, %dma_wait3A] : memref<100352x32xf32, #tpu.memory_space<hbm>> -> memref<196x32xf32, #tpu.memory_space<hbm>>
      %dma_wait3A_248 = arith.constant 0 : i32
      %dma_wait3A_249 = tpu.memref_slice %arg6[%add3A_155, %dma_wait3A_248] : memref<100352x32xf32, #tpu.memory_space<hbm>> -> memref<196x32xf32, #tpu.memory_space<hbm>>
      tpu.wait_dma2 semaphore(%run_scoped3A : memref<!tpu.dma_semaphore, #tpu.memory_space<semaphore_mem>>) src(%arg8 : memref<196x32xf32, #tpu.memory_space<vmem>>) dst(%dma_wait3A_249 : memref<196x32xf32, #tpu.memory_space<hbm>>)
      tpu.yield
    }) : () -> ()
    %mul3A_156 = arith.constant 3136 : i32
    %mul3A_157 = arith.muli %arg1, %mul3A_156 : i32
    %add3A_158 = arith.constant 1568 : i32
    %add3A_159 = arith.addi %mul3A_157, %add3A_158 : i32
    "tpu.region"() ({
      %run_scoped3A = tpu.sem_alloc : memref<!tpu.dma_semaphore, #tpu.memory_space<semaphore_mem>>
      %dma_start3A = arith.constant 0 : i32
      %dma_start3A_244 = tpu.memref_slice %arg7[%add3A_159, %dma_start3A] : memref<50176x32xf32, #tpu.memory_space<vmem_shared>> -> memref<196x32xf32, #tpu.memory_space<vmem_shared>>
      %dma_start3A_245 = arith.constant 0 : i32
      %dma_start3A_246 = tpu.memref_slice %arg7[%add3A_159, %dma_start3A_245] : memref<50176x32xf32, #tpu.memory_space<vmem_shared>> -> memref<196x32xf32, #tpu.memory_space<vmem_shared>>
      tpu.enqueue_dma source(%dma_start3A_246 : memref<196x32xf32, #tpu.memory_space<vmem_shared>>) target(%arg8 : memref<196x32xf32, #tpu.memory_space<vmem>>) target_semaphore(%run_scoped3A : memref<!tpu.dma_semaphore, #tpu.memory_space<semaphore_mem>>)
      %dma_wait3A = arith.constant 0 : i32
      %dma_wait3A_247 = tpu.memref_slice %arg7[%add3A_159, %dma_wait3A] : memref<50176x32xf32, #tpu.memory_space<vmem_shared>> -> memref<196x32xf32, #tpu.memory_space<vmem_shared>>
      %dma_wait3A_248 = arith.constant 0 : i32
      %dma_wait3A_249 = tpu.memref_slice %arg7[%add3A_159, %dma_wait3A_248] : memref<50176x32xf32, #tpu.memory_space<vmem_shared>> -> memref<196x32xf32, #tpu.memory_space<vmem_shared>>
      tpu.wait_dma2 semaphore(%run_scoped3A : memref<!tpu.dma_semaphore, #tpu.memory_space<semaphore_mem>>) src(%dma_wait3A_249 : memref<196x32xf32, #tpu.memory_space<vmem_shared>>) dst(%arg8 : memref<196x32xf32, #tpu.memory_space<vmem>>)
      tpu.yield
    }) : () -> ()
    %mul3A_160 = arith.constant 50176 : i32
    %mul3A_161 = arith.muli %arg0, %mul3A_160 : i32
    %mul3A_162 = arith.constant 3136 : i32
    %mul3A_163 = arith.muli %arg1, %mul3A_162 : i32
    %add3A_164 = arith.addi %mul3A_161, %mul3A_163 : i32
    %add3A_165 = arith.constant 1568 : i32
    %add3A_166 = arith.addi %add3A_164, %add3A_165 : i32
    "tpu.region"() ({
      %run_scoped3A = tpu.sem_alloc : memref<!tpu.dma_semaphore, #tpu.memory_space<semaphore_mem>>
      %dma_start3A = arith.constant 0 : i32
      %dma_start3A_244 = tpu.memref_slice %arg6[%add3A_166, %dma_start3A] : memref<100352x32xf32, #tpu.memory_space<hbm>> -> memref<196x32xf32, #tpu.memory_space<hbm>>
      %dma_start3A_245 = arith.constant 0 : i32
      %dma_start3A_246 = tpu.memref_slice %arg6[%add3A_166, %dma_start3A_245] : memref<100352x32xf32, #tpu.memory_space<hbm>> -> memref<196x32xf32, #tpu.memory_space<hbm>>
      tpu.enqueue_dma source(%arg8 : memref<196x32xf32, #tpu.memory_space<vmem>>) target(%dma_start3A_246 : memref<196x32xf32, #tpu.memory_space<hbm>>) target_semaphore(%run_scoped3A : memref<!tpu.dma_semaphore, #tpu.memory_space<semaphore_mem>>)
      %dma_wait3A = arith.constant 0 : i32
      %dma_wait3A_247 = tpu.memref_slice %arg6[%add3A_166, %dma_wait3A] : memref<100352x32xf32, #tpu.memory_space<hbm>> -> memref<196x32xf32, #tpu.memory_space<hbm>>
      %dma_wait3A_248 = arith.constant 0 : i32
      %dma_wait3A_249 = tpu.memref_slice %arg6[%add3A_166, %dma_wait3A_248] : memref<100352x32xf32, #tpu.memory_space<hbm>> -> memref<196x32xf32, #tpu.memory_space<hbm>>
      tpu.wait_dma2 semaphore(%run_scoped3A : memref<!tpu.dma_semaphore, #tpu.memory_space<semaphore_mem>>) src(%arg8 : memref<196x32xf32, #tpu.memory_space<vmem>>) dst(%dma_wait3A_249 : memref<196x32xf32, #tpu.memory_space<hbm>>)
      tpu.yield
    }) : () -> ()
    %mul3A_167 = arith.constant 3136 : i32
    %mul3A_168 = arith.muli %arg1, %mul3A_167 : i32
    %add3A_169 = arith.constant 1764 : i32
    %add3A_170 = arith.addi %mul3A_168, %add3A_169 : i32
    "tpu.region"() ({
      %run_scoped3A = tpu.sem_alloc : memref<!tpu.dma_semaphore, #tpu.memory_space<semaphore_mem>>
      %dma_start3A = arith.constant 0 : i32
      %dma_start3A_244 = tpu.memref_slice %arg7[%add3A_170, %dma_start3A] : memref<50176x32xf32, #tpu.memory_space<vmem_shared>> -> memref<196x32xf32, #tpu.memory_space<vmem_shared>>
      %dma_start3A_245 = arith.constant 0 : i32
      %dma_start3A_246 = tpu.memref_slice %arg7[%add3A_170, %dma_start3A_245] : memref<50176x32xf32, #tpu.memory_space<vmem_shared>> -> memref<196x32xf32, #tpu.memory_space<vmem_shared>>
      tpu.enqueue_dma source(%dma_start3A_246 : memref<196x32xf32, #tpu.memory_space<vmem_shared>>) target(%arg8 : memref<196x32xf32, #tpu.memory_space<vmem>>) target_semaphore(%run_scoped3A : memref<!tpu.dma_semaphore, #tpu.memory_space<semaphore_mem>>)
      %dma_wait3A = arith.constant 0 : i32
      %dma_wait3A_247 = tpu.memref_slice %arg7[%add3A_170, %dma_wait3A] : memref<50176x32xf32, #tpu.memory_space<vmem_shared>> -> memref<196x32xf32, #tpu.memory_space<vmem_shared>>
      %dma_wait3A_248 = arith.constant 0 : i32
      %dma_wait3A_249 = tpu.memref_slice %arg7[%add3A_170, %dma_wait3A_248] : memref<50176x32xf32, #tpu.memory_space<vmem_shared>> -> memref<196x32xf32, #tpu.memory_space<vmem_shared>>
      tpu.wait_dma2 semaphore(%run_scoped3A : memref<!tpu.dma_semaphore, #tpu.memory_space<semaphore_mem>>) src(%dma_wait3A_249 : memref<196x32xf32, #tpu.memory_space<vmem_shared>>) dst(%arg8 : memref<196x32xf32, #tpu.memory_space<vmem>>)
      tpu.yield
    }) : () -> ()
    %mul3A_171 = arith.constant 50176 : i32
    %mul3A_172 = arith.muli %arg0, %mul3A_171 : i32
    %mul3A_173 = arith.constant 3136 : i32
    %mul3A_174 = arith.muli %arg1, %mul3A_173 : i32
    %add3A_175 = arith.addi %mul3A_172, %mul3A_174 : i32
    %add3A_176 = arith.constant 1764 : i32
    %add3A_177 = arith.addi %add3A_175, %add3A_176 : i32
    "tpu.region"() ({
      %run_scoped3A = tpu.sem_alloc : memref<!tpu.dma_semaphore, #tpu.memory_space<semaphore_mem>>
      %dma_start3A = arith.constant 0 : i32
      %dma_start3A_244 = tpu.memref_slice %arg6[%add3A_177, %dma_start3A] : memref<100352x32xf32, #tpu.memory_space<hbm>> -> memref<196x32xf32, #tpu.memory_space<hbm>>
      %dma_start3A_245 = arith.constant 0 : i32
      %dma_start3A_246 = tpu.memref_slice %arg6[%add3A_177, %dma_start3A_245] : memref<100352x32xf32, #tpu.memory_space<hbm>> -> memref<196x32xf32, #tpu.memory_space<hbm>>
      tpu.enqueue_dma source(%arg8 : memref<196x32xf32, #tpu.memory_space<vmem>>) target(%dma_start3A_246 : memref<196x32xf32, #tpu.memory_space<hbm>>) target_semaphore(%run_scoped3A : memref<!tpu.dma_semaphore, #tpu.memory_space<semaphore_mem>>)
      %dma_wait3A = arith.constant 0 : i32
      %dma_wait3A_247 = tpu.memref_slice %arg6[%add3A_177, %dma_wait3A] : memref<100352x32xf32, #tpu.memory_space<hbm>> -> memref<196x32xf32, #tpu.memory_space<hbm>>
      %dma_wait3A_248 = arith.constant 0 : i32
      %dma_wait3A_249 = tpu.memref_slice %arg6[%add3A_177, %dma_wait3A_248] : memref<100352x32xf32, #tpu.memory_space<hbm>> -> memref<196x32xf32, #tpu.memory_space<hbm>>
      tpu.wait_dma2 semaphore(%run_scoped3A : memref<!tpu.dma_semaphore, #tpu.memory_space<semaphore_mem>>) src(%arg8 : memref<196x32xf32, #tpu.memory_space<vmem>>) dst(%dma_wait3A_249 : memref<196x32xf32, #tpu.memory_space<hbm>>)
      tpu.yield
    }) : () -> ()
    %mul3A_178 = arith.constant 3136 : i32
    %mul3A_179 = arith.muli %arg1, %mul3A_178 : i32
    %add3A_180 = arith.constant 1960 : i32
    %add3A_181 = arith.addi %mul3A_179, %add3A_180 : i32
    "tpu.region"() ({
      %run_scoped3A = tpu.sem_alloc : memref<!tpu.dma_semaphore, #tpu.memory_space<semaphore_mem>>
      %dma_start3A = arith.constant 0 : i32
      %dma_start3A_244 = tpu.memref_slice %arg7[%add3A_181, %dma_start3A] : memref<50176x32xf32, #tpu.memory_space<vmem_shared>> -> memref<196x32xf32, #tpu.memory_space<vmem_shared>>
      %dma_start3A_245 = arith.constant 0 : i32
      %dma_start3A_246 = tpu.memref_slice %arg7[%add3A_181, %dma_start3A_245] : memref<50176x32xf32, #tpu.memory_space<vmem_shared>> -> memref<196x32xf32, #tpu.memory_space<vmem_shared>>
      tpu.enqueue_dma source(%dma_start3A_246 : memref<196x32xf32, #tpu.memory_space<vmem_shared>>) target(%arg8 : memref<196x32xf32, #tpu.memory_space<vmem>>) target_semaphore(%run_scoped3A : memref<!tpu.dma_semaphore, #tpu.memory_space<semaphore_mem>>)
      %dma_wait3A = arith.constant 0 : i32
      %dma_wait3A_247 = tpu.memref_slice %arg7[%add3A_181, %dma_wait3A] : memref<50176x32xf32, #tpu.memory_space<vmem_shared>> -> memref<196x32xf32, #tpu.memory_space<vmem_shared>>
      %dma_wait3A_248 = arith.constant 0 : i32
      %dma_wait3A_249 = tpu.memref_slice %arg7[%add3A_181, %dma_wait3A_248] : memref<50176x32xf32, #tpu.memory_space<vmem_shared>> -> memref<196x32xf32, #tpu.memory_space<vmem_shared>>
      tpu.wait_dma2 semaphore(%run_scoped3A : memref<!tpu.dma_semaphore, #tpu.memory_space<semaphore_mem>>) src(%dma_wait3A_249 : memref<196x32xf32, #tpu.memory_space<vmem_shared>>) dst(%arg8 : memref<196x32xf32, #tpu.memory_space<vmem>>)
      tpu.yield
    }) : () -> ()
    %mul3A_182 = arith.constant 50176 : i32
    %mul3A_183 = arith.muli %arg0, %mul3A_182 : i32
    %mul3A_184 = arith.constant 3136 : i32
    %mul3A_185 = arith.muli %arg1, %mul3A_184 : i32
    %add3A_186 = arith.addi %mul3A_183, %mul3A_185 : i32
    %add3A_187 = arith.constant 1960 : i32
    %add3A_188 = arith.addi %add3A_186, %add3A_187 : i32
    "tpu.region"() ({
      %run_scoped3A = tpu.sem_alloc : memref<!tpu.dma_semaphore, #tpu.memory_space<semaphore_mem>>
      %dma_start3A = arith.constant 0 : i32
      %dma_start3A_244 = tpu.memref_slice %arg6[%add3A_188, %dma_start3A] : memref<100352x32xf32, #tpu.memory_space<hbm>> -> memref<196x32xf32, #tpu.memory_space<hbm>>
      %dma_start3A_245 = arith.constant 0 : i32
      %dma_start3A_246 = tpu.memref_slice %arg6[%add3A_188, %dma_start3A_245] : memref<100352x32xf32, #tpu.memory_space<hbm>> -> memref<196x32xf32, #tpu.memory_space<hbm>>
      tpu.enqueue_dma source(%arg8 : memref<196x32xf32, #tpu.memory_space<vmem>>) target(%dma_start3A_246 : memref<196x32xf32, #tpu.memory_space<hbm>>) target_semaphore(%run_scoped3A : memref<!tpu.dma_semaphore, #tpu.memory_space<semaphore_mem>>)
      %dma_wait3A = arith.constant 0 : i32
      %dma_wait3A_247 = tpu.memref_slice %arg6[%add3A_188, %dma_wait3A] : memref<100352x32xf32, #tpu.memory_space<hbm>> -> memref<196x32xf32, #tpu.memory_space<hbm>>
      %dma_wait3A_248 = arith.constant 0 : i32
      %dma_wait3A_249 = tpu.memref_slice %arg6[%add3A_188, %dma_wait3A_248] : memref<100352x32xf32, #tpu.memory_space<hbm>> -> memref<196x32xf32, #tpu.memory_space<hbm>>
      tpu.wait_dma2 semaphore(%run_scoped3A : memref<!tpu.dma_semaphore, #tpu.memory_space<semaphore_mem>>) src(%arg8 : memref<196x32xf32, #tpu.memory_space<vmem>>) dst(%dma_wait3A_249 : memref<196x32xf32, #tpu.memory_space<hbm>>)
      tpu.yield
    }) : () -> ()
    %mul3A_189 = arith.constant 3136 : i32
    %mul3A_190 = arith.muli %arg1, %mul3A_189 : i32
    %add3A_191 = arith.constant 2156 : i32
    %add3A_192 = arith.addi %mul3A_190, %add3A_191 : i32
    "tpu.region"() ({
      %run_scoped3A = tpu.sem_alloc : memref<!tpu.dma_semaphore, #tpu.memory_space<semaphore_mem>>
      %dma_start3A = arith.constant 0 : i32
      %dma_start3A_244 = tpu.memref_slice %arg7[%add3A_192, %dma_start3A] : memref<50176x32xf32, #tpu.memory_space<vmem_shared>> -> memref<196x32xf32, #tpu.memory_space<vmem_shared>>
      %dma_start3A_245 = arith.constant 0 : i32
      %dma_start3A_246 = tpu.memref_slice %arg7[%add3A_192, %dma_start3A_245] : memref<50176x32xf32, #tpu.memory_space<vmem_shared>> -> memref<196x32xf32, #tpu.memory_space<vmem_shared>>
      tpu.enqueue_dma source(%dma_start3A_246 : memref<196x32xf32, #tpu.memory_space<vmem_shared>>) target(%arg8 : memref<196x32xf32, #tpu.memory_space<vmem>>) target_semaphore(%run_scoped3A : memref<!tpu.dma_semaphore, #tpu.memory_space<semaphore_mem>>)
      %dma_wait3A = arith.constant 0 : i32
      %dma_wait3A_247 = tpu.memref_slice %arg7[%add3A_192, %dma_wait3A] : memref<50176x32xf32, #tpu.memory_space<vmem_shared>> -> memref<196x32xf32, #tpu.memory_space<vmem_shared>>
      %dma_wait3A_248 = arith.constant 0 : i32
      %dma_wait3A_249 = tpu.memref_slice %arg7[%add3A_192, %dma_wait3A_248] : memref<50176x32xf32, #tpu.memory_space<vmem_shared>> -> memref<196x32xf32, #tpu.memory_space<vmem_shared>>
      tpu.wait_dma2 semaphore(%run_scoped3A : memref<!tpu.dma_semaphore, #tpu.memory_space<semaphore_mem>>) src(%dma_wait3A_249 : memref<196x32xf32, #tpu.memory_space<vmem_shared>>) dst(%arg8 : memref<196x32xf32, #tpu.memory_space<vmem>>)
      tpu.yield
    }) : () -> ()
    %mul3A_193 = arith.constant 50176 : i32
    %mul3A_194 = arith.muli %arg0, %mul3A_193 : i32
    %mul3A_195 = arith.constant 3136 : i32
    %mul3A_196 = arith.muli %arg1, %mul3A_195 : i32
    %add3A_197 = arith.addi %mul3A_194, %mul3A_196 : i32
    %add3A_198 = arith.constant 2156 : i32
    %add3A_199 = arith.addi %add3A_197, %add3A_198 : i32
    "tpu.region"() ({
      %run_scoped3A = tpu.sem_alloc : memref<!tpu.dma_semaphore, #tpu.memory_space<semaphore_mem>>
      %dma_start3A = arith.constant 0 : i32
      %dma_start3A_244 = tpu.memref_slice %arg6[%add3A_199, %dma_start3A] : memref<100352x32xf32, #tpu.memory_space<hbm>> -> memref<196x32xf32, #tpu.memory_space<hbm>>
      %dma_start3A_245 = arith.constant 0 : i32
      %dma_start3A_246 = tpu.memref_slice %arg6[%add3A_199, %dma_start3A_245] : memref<100352x32xf32, #tpu.memory_space<hbm>> -> memref<196x32xf32, #tpu.memory_space<hbm>>
      tpu.enqueue_dma source(%arg8 : memref<196x32xf32, #tpu.memory_space<vmem>>) target(%dma_start3A_246 : memref<196x32xf32, #tpu.memory_space<hbm>>) target_semaphore(%run_scoped3A : memref<!tpu.dma_semaphore, #tpu.memory_space<semaphore_mem>>)
      %dma_wait3A = arith.constant 0 : i32
      %dma_wait3A_247 = tpu.memref_slice %arg6[%add3A_199, %dma_wait3A] : memref<100352x32xf32, #tpu.memory_space<hbm>> -> memref<196x32xf32, #tpu.memory_space<hbm>>
      %dma_wait3A_248 = arith.constant 0 : i32
      %dma_wait3A_249 = tpu.memref_slice %arg6[%add3A_199, %dma_wait3A_248] : memref<100352x32xf32, #tpu.memory_space<hbm>> -> memref<196x32xf32, #tpu.memory_space<hbm>>
      tpu.wait_dma2 semaphore(%run_scoped3A : memref<!tpu.dma_semaphore, #tpu.memory_space<semaphore_mem>>) src(%arg8 : memref<196x32xf32, #tpu.memory_space<vmem>>) dst(%dma_wait3A_249 : memref<196x32xf32, #tpu.memory_space<hbm>>)
      tpu.yield
    }) : () -> ()
    %mul3A_200 = arith.constant 3136 : i32
    %mul3A_201 = arith.muli %arg1, %mul3A_200 : i32
    %add3A_202 = arith.constant 2352 : i32
    %add3A_203 = arith.addi %mul3A_201, %add3A_202 : i32
    "tpu.region"() ({
      %run_scoped3A = tpu.sem_alloc : memref<!tpu.dma_semaphore, #tpu.memory_space<semaphore_mem>>
      %dma_start3A = arith.constant 0 : i32
      %dma_start3A_244 = tpu.memref_slice %arg7[%add3A_203, %dma_start3A] : memref<50176x32xf32, #tpu.memory_space<vmem_shared>> -> memref<196x32xf32, #tpu.memory_space<vmem_shared>>
      %dma_start3A_245 = arith.constant 0 : i32
      %dma_start3A_246 = tpu.memref_slice %arg7[%add3A_203, %dma_start3A_245] : memref<50176x32xf32, #tpu.memory_space<vmem_shared>> -> memref<196x32xf32, #tpu.memory_space<vmem_shared>>
      tpu.enqueue_dma source(%dma_start3A_246 : memref<196x32xf32, #tpu.memory_space<vmem_shared>>) target(%arg8 : memref<196x32xf32, #tpu.memory_space<vmem>>) target_semaphore(%run_scoped3A : memref<!tpu.dma_semaphore, #tpu.memory_space<semaphore_mem>>)
      %dma_wait3A = arith.constant 0 : i32
      %dma_wait3A_247 = tpu.memref_slice %arg7[%add3A_203, %dma_wait3A] : memref<50176x32xf32, #tpu.memory_space<vmem_shared>> -> memref<196x32xf32, #tpu.memory_space<vmem_shared>>
      %dma_wait3A_248 = arith.constant 0 : i32
      %dma_wait3A_249 = tpu.memref_slice %arg7[%add3A_203, %dma_wait3A_248] : memref<50176x32xf32, #tpu.memory_space<vmem_shared>> -> memref<196x32xf32, #tpu.memory_space<vmem_shared>>
      tpu.wait_dma2 semaphore(%run_scoped3A : memref<!tpu.dma_semaphore, #tpu.memory_space<semaphore_mem>>) src(%dma_wait3A_249 : memref<196x32xf32, #tpu.memory_space<vmem_shared>>) dst(%arg8 : memref<196x32xf32, #tpu.memory_space<vmem>>)
      tpu.yield
    }) : () -> ()
    %mul3A_204 = arith.constant 50176 : i32
    %mul3A_205 = arith.muli %arg0, %mul3A_204 : i32
    %mul3A_206 = arith.constant 3136 : i32
    %mul3A_207 = arith.muli %arg1, %mul3A_206 : i32
    %add3A_208 = arith.addi %mul3A_205, %mul3A_207 : i32
    %add3A_209 = arith.constant 2352 : i32
    %add3A_210 = arith.addi %add3A_208, %add3A_209 : i32
    "tpu.region"() ({
      %run_scoped3A = tpu.sem_alloc : memref<!tpu.dma_semaphore, #tpu.memory_space<semaphore_mem>>
      %dma_start3A = arith.constant 0 : i32
      %dma_start3A_244 = tpu.memref_slice %arg6[%add3A_210, %dma_start3A] : memref<100352x32xf32, #tpu.memory_space<hbm>> -> memref<196x32xf32, #tpu.memory_space<hbm>>
      %dma_start3A_245 = arith.constant 0 : i32
      %dma_start3A_246 = tpu.memref_slice %arg6[%add3A_210, %dma_start3A_245] : memref<100352x32xf32, #tpu.memory_space<hbm>> -> memref<196x32xf32, #tpu.memory_space<hbm>>
      tpu.enqueue_dma source(%arg8 : memref<196x32xf32, #tpu.memory_space<vmem>>) target(%dma_start3A_246 : memref<196x32xf32, #tpu.memory_space<hbm>>) target_semaphore(%run_scoped3A : memref<!tpu.dma_semaphore, #tpu.memory_space<semaphore_mem>>)
      %dma_wait3A = arith.constant 0 : i32
      %dma_wait3A_247 = tpu.memref_slice %arg6[%add3A_210, %dma_wait3A] : memref<100352x32xf32, #tpu.memory_space<hbm>> -> memref<196x32xf32, #tpu.memory_space<hbm>>
      %dma_wait3A_248 = arith.constant 0 : i32
      %dma_wait3A_249 = tpu.memref_slice %arg6[%add3A_210, %dma_wait3A_248] : memref<100352x32xf32, #tpu.memory_space<hbm>> -> memref<196x32xf32, #tpu.memory_space<hbm>>
      tpu.wait_dma2 semaphore(%run_scoped3A : memref<!tpu.dma_semaphore, #tpu.memory_space<semaphore_mem>>) src(%arg8 : memref<196x32xf32, #tpu.memory_space<vmem>>) dst(%dma_wait3A_249 : memref<196x32xf32, #tpu.memory_space<hbm>>)
      tpu.yield
    }) : () -> ()
    %mul3A_211 = arith.constant 3136 : i32
    %mul3A_212 = arith.muli %arg1, %mul3A_211 : i32
    %add3A_213 = arith.constant 2548 : i32
    %add3A_214 = arith.addi %mul3A_212, %add3A_213 : i32
    "tpu.region"() ({
      %run_scoped3A = tpu.sem_alloc : memref<!tpu.dma_semaphore, #tpu.memory_space<semaphore_mem>>
      %dma_start3A = arith.constant 0 : i32
      %dma_start3A_244 = tpu.memref_slice %arg7[%add3A_214, %dma_start3A] : memref<50176x32xf32, #tpu.memory_space<vmem_shared>> -> memref<196x32xf32, #tpu.memory_space<vmem_shared>>
      %dma_start3A_245 = arith.constant 0 : i32
      %dma_start3A_246 = tpu.memref_slice %arg7[%add3A_214, %dma_start3A_245] : memref<50176x32xf32, #tpu.memory_space<vmem_shared>> -> memref<196x32xf32, #tpu.memory_space<vmem_shared>>
      tpu.enqueue_dma source(%dma_start3A_246 : memref<196x32xf32, #tpu.memory_space<vmem_shared>>) target(%arg8 : memref<196x32xf32, #tpu.memory_space<vmem>>) target_semaphore(%run_scoped3A : memref<!tpu.dma_semaphore, #tpu.memory_space<semaphore_mem>>)
      %dma_wait3A = arith.constant 0 : i32
      %dma_wait3A_247 = tpu.memref_slice %arg7[%add3A_214, %dma_wait3A] : memref<50176x32xf32, #tpu.memory_space<vmem_shared>> -> memref<196x32xf32, #tpu.memory_space<vmem_shared>>
      %dma_wait3A_248 = arith.constant 0 : i32
      %dma_wait3A_249 = tpu.memref_slice %arg7[%add3A_214, %dma_wait3A_248] : memref<50176x32xf32, #tpu.memory_space<vmem_shared>> -> memref<196x32xf32, #tpu.memory_space<vmem_shared>>
      tpu.wait_dma2 semaphore(%run_scoped3A : memref<!tpu.dma_semaphore, #tpu.memory_space<semaphore_mem>>) src(%dma_wait3A_249 : memref<196x32xf32, #tpu.memory_space<vmem_shared>>) dst(%arg8 : memref<196x32xf32, #tpu.memory_space<vmem>>)
      tpu.yield
    }) : () -> ()
    %mul3A_215 = arith.constant 50176 : i32
    %mul3A_216 = arith.muli %arg0, %mul3A_215 : i32
    %mul3A_217 = arith.constant 3136 : i32
    %mul3A_218 = arith.muli %arg1, %mul3A_217 : i32
    %add3A_219 = arith.addi %mul3A_216, %mul3A_218 : i32
    %add3A_220 = arith.constant 2548 : i32
    %add3A_221 = arith.addi %add3A_219, %add3A_220 : i32
    "tpu.region"() ({
      %run_scoped3A = tpu.sem_alloc : memref<!tpu.dma_semaphore, #tpu.memory_space<semaphore_mem>>
      %dma_start3A = arith.constant 0 : i32
      %dma_start3A_244 = tpu.memref_slice %arg6[%add3A_221, %dma_start3A] : memref<100352x32xf32, #tpu.memory_space<hbm>> -> memref<196x32xf32, #tpu.memory_space<hbm>>
      %dma_start3A_245 = arith.constant 0 : i32
      %dma_start3A_246 = tpu.memref_slice %arg6[%add3A_221, %dma_start3A_245] : memref<100352x32xf32, #tpu.memory_space<hbm>> -> memref<196x32xf32, #tpu.memory_space<hbm>>
      tpu.enqueue_dma source(%arg8 : memref<196x32xf32, #tpu.memory_space<vmem>>) target(%dma_start3A_246 : memref<196x32xf32, #tpu.memory_space<hbm>>) target_semaphore(%run_scoped3A : memref<!tpu.dma_semaphore, #tpu.memory_space<semaphore_mem>>)
      %dma_wait3A = arith.constant 0 : i32
      %dma_wait3A_247 = tpu.memref_slice %arg6[%add3A_221, %dma_wait3A] : memref<100352x32xf32, #tpu.memory_space<hbm>> -> memref<196x32xf32, #tpu.memory_space<hbm>>
      %dma_wait3A_248 = arith.constant 0 : i32
      %dma_wait3A_249 = tpu.memref_slice %arg6[%add3A_221, %dma_wait3A_248] : memref<100352x32xf32, #tpu.memory_space<hbm>> -> memref<196x32xf32, #tpu.memory_space<hbm>>
      tpu.wait_dma2 semaphore(%run_scoped3A : memref<!tpu.dma_semaphore, #tpu.memory_space<semaphore_mem>>) src(%arg8 : memref<196x32xf32, #tpu.memory_space<vmem>>) dst(%dma_wait3A_249 : memref<196x32xf32, #tpu.memory_space<hbm>>)
      tpu.yield
    }) : () -> ()
    %mul3A_222 = arith.constant 3136 : i32
    %mul3A_223 = arith.muli %arg1, %mul3A_222 : i32
    %add3A_224 = arith.constant 2744 : i32
    %add3A_225 = arith.addi %mul3A_223, %add3A_224 : i32
    "tpu.region"() ({
      %run_scoped3A = tpu.sem_alloc : memref<!tpu.dma_semaphore, #tpu.memory_space<semaphore_mem>>
      %dma_start3A = arith.constant 0 : i32
      %dma_start3A_244 = tpu.memref_slice %arg7[%add3A_225, %dma_start3A] : memref<50176x32xf32, #tpu.memory_space<vmem_shared>> -> memref<196x32xf32, #tpu.memory_space<vmem_shared>>
      %dma_start3A_245 = arith.constant 0 : i32
      %dma_start3A_246 = tpu.memref_slice %arg7[%add3A_225, %dma_start3A_245] : memref<50176x32xf32, #tpu.memory_space<vmem_shared>> -> memref<196x32xf32, #tpu.memory_space<vmem_shared>>
      tpu.enqueue_dma source(%dma_start3A_246 : memref<196x32xf32, #tpu.memory_space<vmem_shared>>) target(%arg8 : memref<196x32xf32, #tpu.memory_space<vmem>>) target_semaphore(%run_scoped3A : memref<!tpu.dma_semaphore, #tpu.memory_space<semaphore_mem>>)
      %dma_wait3A = arith.constant 0 : i32
      %dma_wait3A_247 = tpu.memref_slice %arg7[%add3A_225, %dma_wait3A] : memref<50176x32xf32, #tpu.memory_space<vmem_shared>> -> memref<196x32xf32, #tpu.memory_space<vmem_shared>>
      %dma_wait3A_248 = arith.constant 0 : i32
      %dma_wait3A_249 = tpu.memref_slice %arg7[%add3A_225, %dma_wait3A_248] : memref<50176x32xf32, #tpu.memory_space<vmem_shared>> -> memref<196x32xf32, #tpu.memory_space<vmem_shared>>
      tpu.wait_dma2 semaphore(%run_scoped3A : memref<!tpu.dma_semaphore, #tpu.memory_space<semaphore_mem>>) src(%dma_wait3A_249 : memref<196x32xf32, #tpu.memory_space<vmem_shared>>) dst(%arg8 : memref<196x32xf32, #tpu.memory_space<vmem>>)
      tpu.yield
    }) : () -> ()
    %mul3A_226 = arith.constant 50176 : i32
    %mul3A_227 = arith.muli %arg0, %mul3A_226 : i32
    %mul3A_228 = arith.constant 3136 : i32
    %mul3A_229 = arith.muli %arg1, %mul3A_228 : i32
    %add3A_230 = arith.addi %mul3A_227, %mul3A_229 : i32
    %add3A_231 = arith.constant 2744 : i32
    %add3A_232 = arith.addi %add3A_230, %add3A_231 : i32
    "tpu.region"() ({
      %run_scoped3A = tpu.sem_alloc : memref<!tpu.dma_semaphore, #tpu.memory_space<semaphore_mem>>
      %dma_start3A = arith.constant 0 : i32
      %dma_start3A_244 = tpu.memref_slice %arg6[%add3A_232, %dma_start3A] : memref<100352x32xf32, #tpu.memory_space<hbm>> -> memref<196x32xf32, #tpu.memory_space<hbm>>
      %dma_start3A_245 = arith.constant 0 : i32
      %dma_start3A_246 = tpu.memref_slice %arg6[%add3A_232, %dma_start3A_245] : memref<100352x32xf32, #tpu.memory_space<hbm>> -> memref<196x32xf32, #tpu.memory_space<hbm>>
      tpu.enqueue_dma source(%arg8 : memref<196x32xf32, #tpu.memory_space<vmem>>) target(%dma_start3A_246 : memref<196x32xf32, #tpu.memory_space<hbm>>) target_semaphore(%run_scoped3A : memref<!tpu.dma_semaphore, #tpu.memory_space<semaphore_mem>>)
      %dma_wait3A = arith.constant 0 : i32
      %dma_wait3A_247 = tpu.memref_slice %arg6[%add3A_232, %dma_wait3A] : memref<100352x32xf32, #tpu.memory_space<hbm>> -> memref<196x32xf32, #tpu.memory_space<hbm>>
      %dma_wait3A_248 = arith.constant 0 : i32
      %dma_wait3A_249 = tpu.memref_slice %arg6[%add3A_232, %dma_wait3A_248] : memref<100352x32xf32, #tpu.memory_space<hbm>> -> memref<196x32xf32, #tpu.memory_space<hbm>>
      tpu.wait_dma2 semaphore(%run_scoped3A : memref<!tpu.dma_semaphore, #tpu.memory_space<semaphore_mem>>) src(%arg8 : memref<196x32xf32, #tpu.memory_space<vmem>>) dst(%dma_wait3A_249 : memref<196x32xf32, #tpu.memory_space<hbm>>)
      tpu.yield
    }) : () -> ()
    %mul3A_233 = arith.constant 3136 : i32
    %mul3A_234 = arith.muli %arg1, %mul3A_233 : i32
    %add3A_235 = arith.constant 2940 : i32
    %add3A_236 = arith.addi %mul3A_234, %add3A_235 : i32
    "tpu.region"() ({
      %run_scoped3A = tpu.sem_alloc : memref<!tpu.dma_semaphore, #tpu.memory_space<semaphore_mem>>
      %dma_start3A = arith.constant 0 : i32
      %dma_start3A_244 = tpu.memref_slice %arg7[%add3A_236, %dma_start3A] : memref<50176x32xf32, #tpu.memory_space<vmem_shared>> -> memref<196x32xf32, #tpu.memory_space<vmem_shared>>
      %dma_start3A_245 = arith.constant 0 : i32
      %dma_start3A_246 = tpu.memref_slice %arg7[%add3A_236, %dma_start3A_245] : memref<50176x32xf32, #tpu.memory_space<vmem_shared>> -> memref<196x32xf32, #tpu.memory_space<vmem_shared>>
      tpu.enqueue_dma source(%dma_start3A_246 : memref<196x32xf32, #tpu.memory_space<vmem_shared>>) target(%arg8 : memref<196x32xf32, #tpu.memory_space<vmem>>) target_semaphore(%run_scoped3A : memref<!tpu.dma_semaphore, #tpu.memory_space<semaphore_mem>>)
      %dma_wait3A = arith.constant 0 : i32
      %dma_wait3A_247 = tpu.memref_slice %arg7[%add3A_236, %dma_wait3A] : memref<50176x32xf32, #tpu.memory_space<vmem_shared>> -> memref<196x32xf32, #tpu.memory_space<vmem_shared>>
      %dma_wait3A_248 = arith.constant 0 : i32
      %dma_wait3A_249 = tpu.memref_slice %arg7[%add3A_236, %dma_wait3A_248] : memref<50176x32xf32, #tpu.memory_space<vmem_shared>> -> memref<196x32xf32, #tpu.memory_space<vmem_shared>>
      tpu.wait_dma2 semaphore(%run_scoped3A : memref<!tpu.dma_semaphore, #tpu.memory_space<semaphore_mem>>) src(%dma_wait3A_249 : memref<196x32xf32, #tpu.memory_space<vmem_shared>>) dst(%arg8 : memref<196x32xf32, #tpu.memory_space<vmem>>)
      tpu.yield
    }) : () -> ()
    %mul3A_237 = arith.constant 50176 : i32
    %mul3A_238 = arith.muli %arg0, %mul3A_237 : i32
    %mul3A_239 = arith.constant 3136 : i32
    %mul3A_240 = arith.muli %arg1, %mul3A_239 : i32
    %add3A_241 = arith.addi %mul3A_238, %mul3A_240 : i32
    %add3A_242 = arith.constant 2940 : i32
    %add3A_243 = arith.addi %add3A_241, %add3A_242 : i32
    "tpu.region"() ({
      %run_scoped3A = tpu.sem_alloc : memref<!tpu.dma_semaphore, #tpu.memory_space<semaphore_mem>>
      %dma_start3A = arith.constant 0 : i32
      %dma_start3A_244 = tpu.memref_slice %arg6[%add3A_243, %dma_start3A] : memref<100352x32xf32, #tpu.memory_space<hbm>> -> memref<196x32xf32, #tpu.memory_space<hbm>>
      %dma_start3A_245 = arith.constant 0 : i32
      %dma_start3A_246 = tpu.memref_slice %arg6[%add3A_243, %dma_start3A_245] : memref<100352x32xf32, #tpu.memory_space<hbm>> -> memref<196x32xf32, #tpu.memory_space<hbm>>
      tpu.enqueue_dma source(%arg8 : memref<196x32xf32, #tpu.memory_space<vmem>>) target(%dma_start3A_246 : memref<196x32xf32, #tpu.memory_space<hbm>>) target_semaphore(%run_scoped3A : memref<!tpu.dma_semaphore, #tpu.memory_space<semaphore_mem>>)
      %dma_wait3A = arith.constant 0 : i32
      %dma_wait3A_247 = tpu.memref_slice %arg6[%add3A_243, %dma_wait3A] : memref<100352x32xf32, #tpu.memory_space<hbm>> -> memref<196x32xf32, #tpu.memory_space<hbm>>
      %dma_wait3A_248 = arith.constant 0 : i32
      %dma_wait3A_249 = tpu.memref_slice %arg6[%add3A_243, %dma_wait3A_248] : memref<100352x32xf32, #tpu.memory_space<hbm>> -> memref<196x32xf32, #tpu.memory_space<hbm>>
      tpu.wait_dma2 semaphore(%run_scoped3A : memref<!tpu.dma_semaphore, #tpu.memory_space<semaphore_mem>>) src(%arg8 : memref<196x32xf32, #tpu.memory_space<vmem>>) dst(%dma_wait3A_249 : memref<196x32xf32, #tpu.memory_space<hbm>>)
      tpu.yield
    }) : () -> ()
    return
  }
}

#map = affine_map<(d0, d1) -> (0, 0)>
#map1 = affine_map<(d0, d1) -> (0)>
module attributes {stable_mosaic.version = 14 : i64} {
  func.func @_propagate(%arg0: i32, %arg1: i32, %arg2: memref<100000x32xf32, #tpu.memory_space<hbm>>, %arg3: memref<802816xi32, #tpu.memory_space<hbm>>, %arg4: memref<1605632xi32, #tpu.memory_space<hbm>>, %arg5: memref<196x32xf32, #tpu.memory_space<hbm>>, %arg6: memref<100352x32xf32, #tpu.memory_space<hbm>>, %arg7: memref<50176x32xf32, #tpu.memory_space<vmem_shared>>, %arg8: memref<196x32xf32, #tpu.memory_space<vmem>>, %arg9: memref<128xi32, #tpu.memory_space<vmem>>, %arg10: memref<128xi32, #tpu.memory_space<vmem>>, %arg11: memref<128xi32, #tpu.memory_space<vmem>>, %arg12: memref<128xi32, #tpu.memory_space<vmem>>, %arg13: memref<128xi32, #tpu.memory_space<vmem>>, %arg14: memref<128xi32, #tpu.memory_space<vmem>>, %arg15: memref<128xi32, #tpu.memory_space<vmem>>, %arg16: memref<128xi32, #tpu.memory_space<vmem>>, %arg17: memref<128x32xf32, #tpu.memory_space<vmem>>, %arg18: memref<128x32xf32, #tpu.memory_space<vmem>>, %arg19: memref<128x32xf32, #tpu.memory_space<vmem>>, %arg20: memref<128x32xf32, #tpu.memory_space<vmem>>, %arg21: memref<!tpu.dma_semaphore, #tpu.memory_space<semaphore_mem>>, %arg22: memref<!tpu.dma_semaphore, #tpu.memory_space<semaphore_mem>>, %arg23: memref<!tpu.dma_semaphore, #tpu.memory_space<semaphore_mem>>, %arg24: memref<!tpu.dma_semaphore, #tpu.memory_space<semaphore_mem>>) attributes {dimension_semantics = [#tpu.dimension_semantics<core_parallel>, #tpu.dimension_semantics<subcore_parallel>], iteration_bounds = array<i64: 2, 16>, scalar_prefetch = 0 : i64, scratch_operands = 18 : i64, tpu.core_type = #tpu.core_type<sc_vector_subcore>, window_params = [{transform_indices = #map}, {transform_indices = #map1}, {transform_indices = #map1}, {transform_indices = #map}, {transform_indices = #map}]} {
    "tpu.region"() ({
      %run_scoped3A = tpu.sem_alloc : memref<!tpu.dma_semaphore, #tpu.memory_space<semaphore_mem>>
      tpu.enqueue_dma source(%arg5 : memref<196x32xf32, #tpu.memory_space<hbm>>) target(%arg8 : memref<196x32xf32, #tpu.memory_space<vmem>>) target_semaphore(%run_scoped3A : memref<!tpu.dma_semaphore, #tpu.memory_space<semaphore_mem>>)
      tpu.wait_dma2 semaphore(%run_scoped3A : memref<!tpu.dma_semaphore, #tpu.memory_space<semaphore_mem>>) src(%arg5 : memref<196x32xf32, #tpu.memory_space<hbm>>) dst(%arg8 : memref<196x32xf32, #tpu.memory_space<vmem>>)
      tpu.yield
    }) : () -> ()
    %mul3A = arith.constant 3136 : i32
    %mul3A_0 = arith.muli %arg1, %mul3A : i32
    %add3A = arith.constant 0 : i32
    %add3A_1 = arith.addi %mul3A_0, %add3A : i32
    "tpu.region"() ({
      %run_scoped3A = tpu.sem_alloc : memref<!tpu.dma_semaphore, #tpu.memory_space<semaphore_mem>>
      %dma_start3A = arith.constant 0 : i32
      %dma_start3A_244 = tpu.memref_slice %arg7[%add3A_1, %dma_start3A] : memref<50176x32xf32, #tpu.memory_space<vmem_shared>> -> memref<196x32xf32, #tpu.memory_space<vmem_shared>>
      %dma_start3A_245 = arith.constant 0 : i32
      %dma_start3A_246 = tpu.memref_slice %arg7[%add3A_1, %dma_start3A_245] : memref<50176x32xf32, #tpu.memory_space<vmem_shared>> -> memref<196x32xf32, #tpu.memory_space<vmem_shared>>
      tpu.enqueue_dma source(%arg8 : memref<196x32xf32, #tpu.memory_space<vmem>>) target(%dma_start3A_246 : memref<196x32xf32, #tpu.memory_space<vmem_shared>>) target_semaphore(%run_scoped3A : memref<!tpu.dma_semaphore, #tpu.memory_space<semaphore_mem>>)
      %dma_wait3A = arith.constant 0 : i32
      %dma_wait3A_247 = tpu.memref_slice %arg7[%add3A_1, %dma_wait3A] : memref<50176x32xf32, #tpu.memory_space<vmem_shared>> -> memref<196x32xf32, #tpu.memory_space<vmem_shared>>
      %dma_wait3A_248 = arith.constant 0 : i32
      %dma_wait3A_249 = tpu.memref_slice %arg7[%add3A_1, %dma_wait3A_248] : memref<50176x32xf32, #tpu.memory_space<vmem_shared>> -> memref<196x32xf32, #tpu.memory_space<vmem_shared>>
      tpu.wait_dma2 semaphore(%run_scoped3A : memref<!tpu.dma_semaphore, #tpu.memory_space<semaphore_mem>>) src(%arg8 : memref<196x32xf32, #tpu.memory_space<vmem>>) dst(%dma_wait3A_249 : memref<196x32xf32, #tpu.memory_space<vmem_shared>>)
      tpu.yield
    }) : () -> ()
    %mul3A_2 = arith.constant 3136 : i32
    %mul3A_3 = arith.muli %arg1, %mul3A_2 : i32
    %add3A_4 = arith.constant 196 : i32
    %add3A_5 = arith.addi %mul3A_3, %add3A_4 : i32
    "tpu.region"() ({
      %run_scoped3A = tpu.sem_alloc : memref<!tpu.dma_semaphore, #tpu.memory_space<semaphore_mem>>
      %dma_start3A = arith.constant 0 : i32
      %dma_start3A_244 = tpu.memref_slice %arg7[%add3A_5, %dma_start3A] : memref<50176x32xf32, #tpu.memory_space<vmem_shared>> -> memref<196x32xf32, #tpu.memory_space<vmem_shared>>
      %dma_start3A_245 = arith.constant 0 : i32
      %dma_start3A_246 = tpu.memref_slice %arg7[%add3A_5, %dma_start3A_245] : memref<50176x32xf32, #tpu.memory_space<vmem_shared>> -> memref<196x32xf32, #tpu.memory_space<vmem_shared>>
      tpu.enqueue_dma source(%arg8 : memref<196x32xf32, #tpu.memory_space<vmem>>) target(%dma_start3A_246 : memref<196x32xf32, #tpu.memory_space<vmem_shared>>) target_semaphore(%run_scoped3A : memref<!tpu.dma_semaphore, #tpu.memory_space<semaphore_mem>>)
      %dma_wait3A = arith.constant 0 : i32
      %dma_wait3A_247 = tpu.memref_slice %arg7[%add3A_5, %dma_wait3A] : memref<50176x32xf32, #tpu.memory_space<vmem_shared>> -> memref<196x32xf32, #tpu.memory_space<vmem_shared>>
      %dma_wait3A_248 = arith.constant 0 : i32
      %dma_wait3A_249 = tpu.memref_slice %arg7[%add3A_5, %dma_wait3A_248] : memref<50176x32xf32, #tpu.memory_space<vmem_shared>> -> memref<196x32xf32, #tpu.memory_space<vmem_shared>>
      tpu.wait_dma2 semaphore(%run_scoped3A : memref<!tpu.dma_semaphore, #tpu.memory_space<semaphore_mem>>) src(%arg8 : memref<196x32xf32, #tpu.memory_space<vmem>>) dst(%dma_wait3A_249 : memref<196x32xf32, #tpu.memory_space<vmem_shared>>)
      tpu.yield
    }) : () -> ()
    %mul3A_6 = arith.constant 3136 : i32
    %mul3A_7 = arith.muli %arg1, %mul3A_6 : i32
    %add3A_8 = arith.constant 392 : i32
    %add3A_9 = arith.addi %mul3A_7, %add3A_8 : i32
    "tpu.region"() ({
      %run_scoped3A = tpu.sem_alloc : memref<!tpu.dma_semaphore, #tpu.memory_space<semaphore_mem>>
      %dma_start3A = arith.constant 0 : i32
      %dma_start3A_244 = tpu.memref_slice %arg7[%add3A_9, %dma_start3A] : memref<50176x32xf32, #tpu.memory_space<vmem_shared>> -> memref<196x32xf32, #tpu.memory_space<vmem_shared>>
      %dma_start3A_245 = arith.constant 0 : i32
      %dma_start3A_246 = tpu.memref_slice %arg7[%add3A_9, %dma_start3A_245] : memref<50176x32xf32, #tpu.memory_space<vmem_shared>> -> memref<196x32xf32, #tpu.memory_space<vmem_shared>>
      tpu.enqueue_dma source(%arg8 : memref<196x32xf32, #tpu.memory_space<vmem>>) target(%dma_start3A_246 : memref<196x32xf32, #tpu.memory_space<vmem_shared>>) target_semaphore(%run_scoped3A : memref<!tpu.dma_semaphore, #tpu.memory_space<semaphore_mem>>)
      %dma_wait3A = arith.constant 0 : i32
      %dma_wait3A_247 = tpu.memref_slice %arg7[%add3A_9, %dma_wait3A] : memref<50176x32xf32, #tpu.memory_space<vmem_shared>> -> memref<196x32xf32, #tpu.memory_space<vmem_shared>>
      %dma_wait3A_248 = arith.constant 0 : i32
      %dma_wait3A_249 = tpu.memref_slice %arg7[%add3A_9, %dma_wait3A_248] : memref<50176x32xf32, #tpu.memory_space<vmem_shared>> -> memref<196x32xf32, #tpu.memory_space<vmem_shared>>
      tpu.wait_dma2 semaphore(%run_scoped3A : memref<!tpu.dma_semaphore, #tpu.memory_space<semaphore_mem>>) src(%arg8 : memref<196x32xf32, #tpu.memory_space<vmem>>) dst(%dma_wait3A_249 : memref<196x32xf32, #tpu.memory_space<vmem_shared>>)
      tpu.yield
    }) : () -> ()
    %mul3A_10 = arith.constant 3136 : i32
    %mul3A_11 = arith.muli %arg1, %mul3A_10 : i32
    %add3A_12 = arith.constant 588 : i32
    %add3A_13 = arith.addi %mul3A_11, %add3A_12 : i32
    "tpu.region"() ({
      %run_scoped3A = tpu.sem_alloc : memref<!tpu.dma_semaphore, #tpu.memory_space<semaphore_mem>>
      %dma_start3A = arith.constant 0 : i32
      %dma_start3A_244 = tpu.memref_slice %arg7[%add3A_13, %dma_start3A] : memref<50176x32xf32, #tpu.memory_space<vmem_shared>> -> memref<196x32xf32, #tpu.memory_space<vmem_shared>>
      %dma_start3A_245 = arith.constant 0 : i32
      %dma_start3A_246 = tpu.memref_slice %arg7[%add3A_13, %dma_start3A_245] : memref<50176x32xf32, #tpu.memory_space<vmem_shared>> -> memref<196x32xf32, #tpu.memory_space<vmem_shared>>
      tpu.enqueue_dma source(%arg8 : memref<196x32xf32, #tpu.memory_space<vmem>>) target(%dma_start3A_246 : memref<196x32xf32, #tpu.memory_space<vmem_shared>>) target_semaphore(%run_scoped3A : memref<!tpu.dma_semaphore, #tpu.memory_space<semaphore_mem>>)
      %dma_wait3A = arith.constant 0 : i32
      %dma_wait3A_247 = tpu.memref_slice %arg7[%add3A_13, %dma_wait3A] : memref<50176x32xf32, #tpu.memory_space<vmem_shared>> -> memref<196x32xf32, #tpu.memory_space<vmem_shared>>
      %dma_wait3A_248 = arith.constant 0 : i32
      %dma_wait3A_249 = tpu.memref_slice %arg7[%add3A_13, %dma_wait3A_248] : memref<50176x32xf32, #tpu.memory_space<vmem_shared>> -> memref<196x32xf32, #tpu.memory_space<vmem_shared>>
      tpu.wait_dma2 semaphore(%run_scoped3A : memref<!tpu.dma_semaphore, #tpu.memory_space<semaphore_mem>>) src(%arg8 : memref<196x32xf32, #tpu.memory_space<vmem>>) dst(%dma_wait3A_249 : memref<196x32xf32, #tpu.memory_space<vmem_shared>>)
      tpu.yield
    }) : () -> ()
    %mul3A_14 = arith.constant 3136 : i32
    %mul3A_15 = arith.muli %arg1, %mul3A_14 : i32
    %add3A_16 = arith.constant 784 : i32
    %add3A_17 = arith.addi %mul3A_15, %add3A_16 : i32
    "tpu.region"() ({
      %run_scoped3A = tpu.sem_alloc : memref<!tpu.dma_semaphore, #tpu.memory_space<semaphore_mem>>
      %dma_start3A = arith.constant 0 : i32
      %dma_start3A_244 = tpu.memref_slice %arg7[%add3A_17, %dma_start3A] : memref<50176x32xf32, #tpu.memory_space<vmem_shared>> -> memref<196x32xf32, #tpu.memory_space<vmem_shared>>
      %dma_start3A_245 = arith.constant 0 : i32
      %dma_start3A_246 = tpu.memref_slice %arg7[%add3A_17, %dma_start3A_245] : memref<50176x32xf32, #tpu.memory_space<vmem_shared>> -> memref<196x32xf32, #tpu.memory_space<vmem_shared>>
      tpu.enqueue_dma source(%arg8 : memref<196x32xf32, #tpu.memory_space<vmem>>) target(%dma_start3A_246 : memref<196x32xf32, #tpu.memory_space<vmem_shared>>) target_semaphore(%run_scoped3A : memref<!tpu.dma_semaphore, #tpu.memory_space<semaphore_mem>>)
      %dma_wait3A = arith.constant 0 : i32
      %dma_wait3A_247 = tpu.memref_slice %arg7[%add3A_17, %dma_wait3A] : memref<50176x32xf32, #tpu.memory_space<vmem_shared>> -> memref<196x32xf32, #tpu.memory_space<vmem_shared>>
      %dma_wait3A_248 = arith.constant 0 : i32
      %dma_wait3A_249 = tpu.memref_slice %arg7[%add3A_17, %dma_wait3A_248] : memref<50176x32xf32, #tpu.memory_space<vmem_shared>> -> memref<196x32xf32, #tpu.memory_space<vmem_shared>>
      tpu.wait_dma2 semaphore(%run_scoped3A : memref<!tpu.dma_semaphore, #tpu.memory_space<semaphore_mem>>) src(%arg8 : memref<196x32xf32, #tpu.memory_space<vmem>>) dst(%dma_wait3A_249 : memref<196x32xf32, #tpu.memory_space<vmem_shared>>)
      tpu.yield
    }) : () -> ()
    %mul3A_18 = arith.constant 3136 : i32
    %mul3A_19 = arith.muli %arg1, %mul3A_18 : i32
    %add3A_20 = arith.constant 980 : i32
    %add3A_21 = arith.addi %mul3A_19, %add3A_20 : i32
    "tpu.region"() ({
      %run_scoped3A = tpu.sem_alloc : memref<!tpu.dma_semaphore, #tpu.memory_space<semaphore_mem>>
      %dma_start3A = arith.constant 0 : i32
      %dma_start3A_244 = tpu.memref_slice %arg7[%add3A_21, %dma_start3A] : memref<50176x32xf32, #tpu.memory_space<vmem_shared>> -> memref<196x32xf32, #tpu.memory_space<vmem_shared>>
      %dma_start3A_245 = arith.constant 0 : i32
      %dma_start3A_246 = tpu.memref_slice %arg7[%add3A_21, %dma_start3A_245] : memref<50176x32xf32, #tpu.memory_space<vmem_shared>> -> memref<196x32xf32, #tpu.memory_space<vmem_shared>>
      tpu.enqueue_dma source(%arg8 : memref<196x32xf32, #tpu.memory_space<vmem>>) target(%dma_start3A_246 : memref<196x32xf32, #tpu.memory_space<vmem_shared>>) target_semaphore(%run_scoped3A : memref<!tpu.dma_semaphore, #tpu.memory_space<semaphore_mem>>)
      %dma_wait3A = arith.constant 0 : i32
      %dma_wait3A_247 = tpu.memref_slice %arg7[%add3A_21, %dma_wait3A] : memref<50176x32xf32, #tpu.memory_space<vmem_shared>> -> memref<196x32xf32, #tpu.memory_space<vmem_shared>>
      %dma_wait3A_248 = arith.constant 0 : i32
      %dma_wait3A_249 = tpu.memref_slice %arg7[%add3A_21, %dma_wait3A_248] : memref<50176x32xf32, #tpu.memory_space<vmem_shared>> -> memref<196x32xf32, #tpu.memory_space<vmem_shared>>
      tpu.wait_dma2 semaphore(%run_scoped3A : memref<!tpu.dma_semaphore, #tpu.memory_space<semaphore_mem>>) src(%arg8 : memref<196x32xf32, #tpu.memory_space<vmem>>) dst(%dma_wait3A_249 : memref<196x32xf32, #tpu.memory_space<vmem_shared>>)
      tpu.yield
    }) : () -> ()
    %mul3A_22 = arith.constant 3136 : i32
    %mul3A_23 = arith.muli %arg1, %mul3A_22 : i32
    %add3A_24 = arith.constant 1176 : i32
    %add3A_25 = arith.addi %mul3A_23, %add3A_24 : i32
    "tpu.region"() ({
      %run_scoped3A = tpu.sem_alloc : memref<!tpu.dma_semaphore, #tpu.memory_space<semaphore_mem>>
      %dma_start3A = arith.constant 0 : i32
      %dma_start3A_244 = tpu.memref_slice %arg7[%add3A_25, %dma_start3A] : memref<50176x32xf32, #tpu.memory_space<vmem_shared>> -> memref<196x32xf32, #tpu.memory_space<vmem_shared>>
      %dma_start3A_245 = arith.constant 0 : i32
      %dma_start3A_246 = tpu.memref_slice %arg7[%add3A_25, %dma_start3A_245] : memref<50176x32xf32, #tpu.memory_space<vmem_shared>> -> memref<196x32xf32, #tpu.memory_space<vmem_shared>>
      tpu.enqueue_dma source(%arg8 : memref<196x32xf32, #tpu.memory_space<vmem>>) target(%dma_start3A_246 : memref<196x32xf32, #tpu.memory_space<vmem_shared>>) target_semaphore(%run_scoped3A : memref<!tpu.dma_semaphore, #tpu.memory_space<semaphore_mem>>)
      %dma_wait3A = arith.constant 0 : i32
      %dma_wait3A_247 = tpu.memref_slice %arg7[%add3A_25, %dma_wait3A] : memref<50176x32xf32, #tpu.memory_space<vmem_shared>> -> memref<196x32xf32, #tpu.memory_space<vmem_shared>>
      %dma_wait3A_248 = arith.constant 0 : i32
      %dma_wait3A_249 = tpu.memref_slice %arg7[%add3A_25, %dma_wait3A_248] : memref<50176x32xf32, #tpu.memory_space<vmem_shared>> -> memref<196x32xf32, #tpu.memory_space<vmem_shared>>
      tpu.wait_dma2 semaphore(%run_scoped3A : memref<!tpu.dma_semaphore, #tpu.memory_space<semaphore_mem>>) src(%arg8 : memref<196x32xf32, #tpu.memory_space<vmem>>) dst(%dma_wait3A_249 : memref<196x32xf32, #tpu.memory_space<vmem_shared>>)
      tpu.yield
    }) : () -> ()
    %mul3A_26 = arith.constant 3136 : i32
    %mul3A_27 = arith.muli %arg1, %mul3A_26 : i32
    %add3A_28 = arith.constant 1372 : i32
    %add3A_29 = arith.addi %mul3A_27, %add3A_28 : i32
    "tpu.region"() ({
      %run_scoped3A = tpu.sem_alloc : memref<!tpu.dma_semaphore, #tpu.memory_space<semaphore_mem>>
      %dma_start3A = arith.constant 0 : i32
      %dma_start3A_244 = tpu.memref_slice %arg7[%add3A_29, %dma_start3A] : memref<50176x32xf32, #tpu.memory_space<vmem_shared>> -> memref<196x32xf32, #tpu.memory_space<vmem_shared>>
      %dma_start3A_245 = arith.constant 0 : i32
      %dma_start3A_246 = tpu.memref_slice %arg7[%add3A_29, %dma_start3A_245] : memref<50176x32xf32, #tpu.memory_space<vmem_shared>> -> memref<196x32xf32, #tpu.memory_space<vmem_shared>>
      tpu.enqueue_dma source(%arg8 : memref<196x32xf32, #tpu.memory_space<vmem>>) target(%dma_start3A_246 : memref<196x32xf32, #tpu.memory_space<vmem_shared>>) target_semaphore(%run_scoped3A : memref<!tpu.dma_semaphore, #tpu.memory_space<semaphore_mem>>)
      %dma_wait3A = arith.constant 0 : i32
      %dma_wait3A_247 = tpu.memref_slice %arg7[%add3A_29, %dma_wait3A] : memref<50176x32xf32, #tpu.memory_space<vmem_shared>> -> memref<196x32xf32, #tpu.memory_space<vmem_shared>>
      %dma_wait3A_248 = arith.constant 0 : i32
      %dma_wait3A_249 = tpu.memref_slice %arg7[%add3A_29, %dma_wait3A_248] : memref<50176x32xf32, #tpu.memory_space<vmem_shared>> -> memref<196x32xf32, #tpu.memory_space<vmem_shared>>
      tpu.wait_dma2 semaphore(%run_scoped3A : memref<!tpu.dma_semaphore, #tpu.memory_space<semaphore_mem>>) src(%arg8 : memref<196x32xf32, #tpu.memory_space<vmem>>) dst(%dma_wait3A_249 : memref<196x32xf32, #tpu.memory_space<vmem_shared>>)
      tpu.yield
    }) : () -> ()
    %mul3A_30 = arith.constant 3136 : i32
    %mul3A_31 = arith.muli %arg1, %mul3A_30 : i32
    %add3A_32 = arith.constant 1568 : i32
    %add3A_33 = arith.addi %mul3A_31, %add3A_32 : i32
    "tpu.region"() ({
      %run_scoped3A = tpu.sem_alloc : memref<!tpu.dma_semaphore, #tpu.memory_space<semaphore_mem>>
      %dma_start3A = arith.constant 0 : i32
      %dma_start3A_244 = tpu.memref_slice %arg7[%add3A_33, %dma_start3A] : memref<50176x32xf32, #tpu.memory_space<vmem_shared>> -> memref<196x32xf32, #tpu.memory_space<vmem_shared>>
      %dma_start3A_245 = arith.constant 0 : i32
      %dma_start3A_246 = tpu.memref_slice %arg7[%add3A_33, %dma_start3A_245] : memref<50176x32xf32, #tpu.memory_space<vmem_shared>> -> memref<196x32xf32, #tpu.memory_space<vmem_shared>>
      tpu.enqueue_dma source(%arg8 : memref<196x32xf32, #tpu.memory_space<vmem>>) target(%dma_start3A_246 : memref<196x32xf32, #tpu.memory_space<vmem_shared>>) target_semaphore(%run_scoped3A : memref<!tpu.dma_semaphore, #tpu.memory_space<semaphore_mem>>)
      %dma_wait3A = arith.constant 0 : i32
      %dma_wait3A_247 = tpu.memref_slice %arg7[%add3A_33, %dma_wait3A] : memref<50176x32xf32, #tpu.memory_space<vmem_shared>> -> memref<196x32xf32, #tpu.memory_space<vmem_shared>>
      %dma_wait3A_248 = arith.constant 0 : i32
      %dma_wait3A_249 = tpu.memref_slice %arg7[%add3A_33, %dma_wait3A_248] : memref<50176x32xf32, #tpu.memory_space<vmem_shared>> -> memref<196x32xf32, #tpu.memory_space<vmem_shared>>
      tpu.wait_dma2 semaphore(%run_scoped3A : memref<!tpu.dma_semaphore, #tpu.memory_space<semaphore_mem>>) src(%arg8 : memref<196x32xf32, #tpu.memory_space<vmem>>) dst(%dma_wait3A_249 : memref<196x32xf32, #tpu.memory_space<vmem_shared>>)
      tpu.yield
    }) : () -> ()
    %mul3A_34 = arith.constant 3136 : i32
    %mul3A_35 = arith.muli %arg1, %mul3A_34 : i32
    %add3A_36 = arith.constant 1764 : i32
    %add3A_37 = arith.addi %mul3A_35, %add3A_36 : i32
    "tpu.region"() ({
      %run_scoped3A = tpu.sem_alloc : memref<!tpu.dma_semaphore, #tpu.memory_space<semaphore_mem>>
      %dma_start3A = arith.constant 0 : i32
      %dma_start3A_244 = tpu.memref_slice %arg7[%add3A_37, %dma_start3A] : memref<50176x32xf32, #tpu.memory_space<vmem_shared>> -> memref<196x32xf32, #tpu.memory_space<vmem_shared>>
      %dma_start3A_245 = arith.constant 0 : i32
      %dma_start3A_246 = tpu.memref_slice %arg7[%add3A_37, %dma_start3A_245] : memref<50176x32xf32, #tpu.memory_space<vmem_shared>> -> memref<196x32xf32, #tpu.memory_space<vmem_shared>>
      tpu.enqueue_dma source(%arg8 : memref<196x32xf32, #tpu.memory_space<vmem>>) target(%dma_start3A_246 : memref<196x32xf32, #tpu.memory_space<vmem_shared>>) target_semaphore(%run_scoped3A : memref<!tpu.dma_semaphore, #tpu.memory_space<semaphore_mem>>)
      %dma_wait3A = arith.constant 0 : i32
      %dma_wait3A_247 = tpu.memref_slice %arg7[%add3A_37, %dma_wait3A] : memref<50176x32xf32, #tpu.memory_space<vmem_shared>> -> memref<196x32xf32, #tpu.memory_space<vmem_shared>>
      %dma_wait3A_248 = arith.constant 0 : i32
      %dma_wait3A_249 = tpu.memref_slice %arg7[%add3A_37, %dma_wait3A_248] : memref<50176x32xf32, #tpu.memory_space<vmem_shared>> -> memref<196x32xf32, #tpu.memory_space<vmem_shared>>
      tpu.wait_dma2 semaphore(%run_scoped3A : memref<!tpu.dma_semaphore, #tpu.memory_space<semaphore_mem>>) src(%arg8 : memref<196x32xf32, #tpu.memory_space<vmem>>) dst(%dma_wait3A_249 : memref<196x32xf32, #tpu.memory_space<vmem_shared>>)
      tpu.yield
    }) : () -> ()
    %mul3A_38 = arith.constant 3136 : i32
    %mul3A_39 = arith.muli %arg1, %mul3A_38 : i32
    %add3A_40 = arith.constant 1960 : i32
    %add3A_41 = arith.addi %mul3A_39, %add3A_40 : i32
    "tpu.region"() ({
      %run_scoped3A = tpu.sem_alloc : memref<!tpu.dma_semaphore, #tpu.memory_space<semaphore_mem>>
      %dma_start3A = arith.constant 0 : i32
      %dma_start3A_244 = tpu.memref_slice %arg7[%add3A_41, %dma_start3A] : memref<50176x32xf32, #tpu.memory_space<vmem_shared>> -> memref<196x32xf32, #tpu.memory_space<vmem_shared>>
      %dma_start3A_245 = arith.constant 0 : i32
      %dma_start3A_246 = tpu.memref_slice %arg7[%add3A_41, %dma_start3A_245] : memref<50176x32xf32, #tpu.memory_space<vmem_shared>> -> memref<196x32xf32, #tpu.memory_space<vmem_shared>>
      tpu.enqueue_dma source(%arg8 : memref<196x32xf32, #tpu.memory_space<vmem>>) target(%dma_start3A_246 : memref<196x32xf32, #tpu.memory_space<vmem_shared>>) target_semaphore(%run_scoped3A : memref<!tpu.dma_semaphore, #tpu.memory_space<semaphore_mem>>)
      %dma_wait3A = arith.constant 0 : i32
      %dma_wait3A_247 = tpu.memref_slice %arg7[%add3A_41, %dma_wait3A] : memref<50176x32xf32, #tpu.memory_space<vmem_shared>> -> memref<196x32xf32, #tpu.memory_space<vmem_shared>>
      %dma_wait3A_248 = arith.constant 0 : i32
      %dma_wait3A_249 = tpu.memref_slice %arg7[%add3A_41, %dma_wait3A_248] : memref<50176x32xf32, #tpu.memory_space<vmem_shared>> -> memref<196x32xf32, #tpu.memory_space<vmem_shared>>
      tpu.wait_dma2 semaphore(%run_scoped3A : memref<!tpu.dma_semaphore, #tpu.memory_space<semaphore_mem>>) src(%arg8 : memref<196x32xf32, #tpu.memory_space<vmem>>) dst(%dma_wait3A_249 : memref<196x32xf32, #tpu.memory_space<vmem_shared>>)
      tpu.yield
    }) : () -> ()
    %mul3A_42 = arith.constant 3136 : i32
    %mul3A_43 = arith.muli %arg1, %mul3A_42 : i32
    %add3A_44 = arith.constant 2156 : i32
    %add3A_45 = arith.addi %mul3A_43, %add3A_44 : i32
    "tpu.region"() ({
      %run_scoped3A = tpu.sem_alloc : memref<!tpu.dma_semaphore, #tpu.memory_space<semaphore_mem>>
      %dma_start3A = arith.constant 0 : i32
      %dma_start3A_244 = tpu.memref_slice %arg7[%add3A_45, %dma_start3A] : memref<50176x32xf32, #tpu.memory_space<vmem_shared>> -> memref<196x32xf32, #tpu.memory_space<vmem_shared>>
      %dma_start3A_245 = arith.constant 0 : i32
      %dma_start3A_246 = tpu.memref_slice %arg7[%add3A_45, %dma_start3A_245] : memref<50176x32xf32, #tpu.memory_space<vmem_shared>> -> memref<196x32xf32, #tpu.memory_space<vmem_shared>>
      tpu.enqueue_dma source(%arg8 : memref<196x32xf32, #tpu.memory_space<vmem>>) target(%dma_start3A_246 : memref<196x32xf32, #tpu.memory_space<vmem_shared>>) target_semaphore(%run_scoped3A : memref<!tpu.dma_semaphore, #tpu.memory_space<semaphore_mem>>)
      %dma_wait3A = arith.constant 0 : i32
      %dma_wait3A_247 = tpu.memref_slice %arg7[%add3A_45, %dma_wait3A] : memref<50176x32xf32, #tpu.memory_space<vmem_shared>> -> memref<196x32xf32, #tpu.memory_space<vmem_shared>>
      %dma_wait3A_248 = arith.constant 0 : i32
      %dma_wait3A_249 = tpu.memref_slice %arg7[%add3A_45, %dma_wait3A_248] : memref<50176x32xf32, #tpu.memory_space<vmem_shared>> -> memref<196x32xf32, #tpu.memory_space<vmem_shared>>
      tpu.wait_dma2 semaphore(%run_scoped3A : memref<!tpu.dma_semaphore, #tpu.memory_space<semaphore_mem>>) src(%arg8 : memref<196x32xf32, #tpu.memory_space<vmem>>) dst(%dma_wait3A_249 : memref<196x32xf32, #tpu.memory_space<vmem_shared>>)
      tpu.yield
    }) : () -> ()
    %mul3A_46 = arith.constant 3136 : i32
    %mul3A_47 = arith.muli %arg1, %mul3A_46 : i32
    %add3A_48 = arith.constant 2352 : i32
    %add3A_49 = arith.addi %mul3A_47, %add3A_48 : i32
    "tpu.region"() ({
      %run_scoped3A = tpu.sem_alloc : memref<!tpu.dma_semaphore, #tpu.memory_space<semaphore_mem>>
      %dma_start3A = arith.constant 0 : i32
      %dma_start3A_244 = tpu.memref_slice %arg7[%add3A_49, %dma_start3A] : memref<50176x32xf32, #tpu.memory_space<vmem_shared>> -> memref<196x32xf32, #tpu.memory_space<vmem_shared>>
      %dma_start3A_245 = arith.constant 0 : i32
      %dma_start3A_246 = tpu.memref_slice %arg7[%add3A_49, %dma_start3A_245] : memref<50176x32xf32, #tpu.memory_space<vmem_shared>> -> memref<196x32xf32, #tpu.memory_space<vmem_shared>>
      tpu.enqueue_dma source(%arg8 : memref<196x32xf32, #tpu.memory_space<vmem>>) target(%dma_start3A_246 : memref<196x32xf32, #tpu.memory_space<vmem_shared>>) target_semaphore(%run_scoped3A : memref<!tpu.dma_semaphore, #tpu.memory_space<semaphore_mem>>)
      %dma_wait3A = arith.constant 0 : i32
      %dma_wait3A_247 = tpu.memref_slice %arg7[%add3A_49, %dma_wait3A] : memref<50176x32xf32, #tpu.memory_space<vmem_shared>> -> memref<196x32xf32, #tpu.memory_space<vmem_shared>>
      %dma_wait3A_248 = arith.constant 0 : i32
      %dma_wait3A_249 = tpu.memref_slice %arg7[%add3A_49, %dma_wait3A_248] : memref<50176x32xf32, #tpu.memory_space<vmem_shared>> -> memref<196x32xf32, #tpu.memory_space<vmem_shared>>
      tpu.wait_dma2 semaphore(%run_scoped3A : memref<!tpu.dma_semaphore, #tpu.memory_space<semaphore_mem>>) src(%arg8 : memref<196x32xf32, #tpu.memory_space<vmem>>) dst(%dma_wait3A_249 : memref<196x32xf32, #tpu.memory_space<vmem_shared>>)
      tpu.yield
    }) : () -> ()
    %mul3A_50 = arith.constant 3136 : i32
    %mul3A_51 = arith.muli %arg1, %mul3A_50 : i32
    %add3A_52 = arith.constant 2548 : i32
    %add3A_53 = arith.addi %mul3A_51, %add3A_52 : i32
    "tpu.region"() ({
      %run_scoped3A = tpu.sem_alloc : memref<!tpu.dma_semaphore, #tpu.memory_space<semaphore_mem>>
      %dma_start3A = arith.constant 0 : i32
      %dma_start3A_244 = tpu.memref_slice %arg7[%add3A_53, %dma_start3A] : memref<50176x32xf32, #tpu.memory_space<vmem_shared>> -> memref<196x32xf32, #tpu.memory_space<vmem_shared>>
      %dma_start3A_245 = arith.constant 0 : i32
      %dma_start3A_246 = tpu.memref_slice %arg7[%add3A_53, %dma_start3A_245] : memref<50176x32xf32, #tpu.memory_space<vmem_shared>> -> memref<196x32xf32, #tpu.memory_space<vmem_shared>>
      tpu.enqueue_dma source(%arg8 : memref<196x32xf32, #tpu.memory_space<vmem>>) target(%dma_start3A_246 : memref<196x32xf32, #tpu.memory_space<vmem_shared>>) target_semaphore(%run_scoped3A : memref<!tpu.dma_semaphore, #tpu.memory_space<semaphore_mem>>)
      %dma_wait3A = arith.constant 0 : i32
      %dma_wait3A_247 = tpu.memref_slice %arg7[%add3A_53, %dma_wait3A] : memref<50176x32xf32, #tpu.memory_space<vmem_shared>> -> memref<196x32xf32, #tpu.memory_space<vmem_shared>>
      %dma_wait3A_248 = arith.constant 0 : i32
      %dma_wait3A_249 = tpu.memref_slice %arg7[%add3A_53, %dma_wait3A_248] : memref<50176x32xf32, #tpu.memory_space<vmem_shared>> -> memref<196x32xf32, #tpu.memory_space<vmem_shared>>
      tpu.wait_dma2 semaphore(%run_scoped3A : memref<!tpu.dma_semaphore, #tpu.memory_space<semaphore_mem>>) src(%arg8 : memref<196x32xf32, #tpu.memory_space<vmem>>) dst(%dma_wait3A_249 : memref<196x32xf32, #tpu.memory_space<vmem_shared>>)
      tpu.yield
    }) : () -> ()
    %mul3A_54 = arith.constant 3136 : i32
    %mul3A_55 = arith.muli %arg1, %mul3A_54 : i32
    %add3A_56 = arith.constant 2744 : i32
    %add3A_57 = arith.addi %mul3A_55, %add3A_56 : i32
    "tpu.region"() ({
      %run_scoped3A = tpu.sem_alloc : memref<!tpu.dma_semaphore, #tpu.memory_space<semaphore_mem>>
      %dma_start3A = arith.constant 0 : i32
      %dma_start3A_244 = tpu.memref_slice %arg7[%add3A_57, %dma_start3A] : memref<50176x32xf32, #tpu.memory_space<vmem_shared>> -> memref<196x32xf32, #tpu.memory_space<vmem_shared>>
      %dma_start3A_245 = arith.constant 0 : i32
      %dma_start3A_246 = tpu.memref_slice %arg7[%add3A_57, %dma_start3A_245] : memref<50176x32xf32, #tpu.memory_space<vmem_shared>> -> memref<196x32xf32, #tpu.memory_space<vmem_shared>>
      tpu.enqueue_dma source(%arg8 : memref<196x32xf32, #tpu.memory_space<vmem>>) target(%dma_start3A_246 : memref<196x32xf32, #tpu.memory_space<vmem_shared>>) target_semaphore(%run_scoped3A : memref<!tpu.dma_semaphore, #tpu.memory_space<semaphore_mem>>)
      %dma_wait3A = arith.constant 0 : i32
      %dma_wait3A_247 = tpu.memref_slice %arg7[%add3A_57, %dma_wait3A] : memref<50176x32xf32, #tpu.memory_space<vmem_shared>> -> memref<196x32xf32, #tpu.memory_space<vmem_shared>>
      %dma_wait3A_248 = arith.constant 0 : i32
      %dma_wait3A_249 = tpu.memref_slice %arg7[%add3A_57, %dma_wait3A_248] : memref<50176x32xf32, #tpu.memory_space<vmem_shared>> -> memref<196x32xf32, #tpu.memory_space<vmem_shared>>
      tpu.wait_dma2 semaphore(%run_scoped3A : memref<!tpu.dma_semaphore, #tpu.memory_space<semaphore_mem>>) src(%arg8 : memref<196x32xf32, #tpu.memory_space<vmem>>) dst(%dma_wait3A_249 : memref<196x32xf32, #tpu.memory_space<vmem_shared>>)
      tpu.yield
    }) : () -> ()
    %mul3A_58 = arith.constant 3136 : i32
    %mul3A_59 = arith.muli %arg1, %mul3A_58 : i32
    %add3A_60 = arith.constant 2940 : i32
    %add3A_61 = arith.addi %mul3A_59, %add3A_60 : i32
    "tpu.region"() ({
      %run_scoped3A = tpu.sem_alloc : memref<!tpu.dma_semaphore, #tpu.memory_space<semaphore_mem>>
      %dma_start3A = arith.constant 0 : i32
      %dma_start3A_244 = tpu.memref_slice %arg7[%add3A_61, %dma_start3A] : memref<50176x32xf32, #tpu.memory_space<vmem_shared>> -> memref<196x32xf32, #tpu.memory_space<vmem_shared>>
      %dma_start3A_245 = arith.constant 0 : i32
      %dma_start3A_246 = tpu.memref_slice %arg7[%add3A_61, %dma_start3A_245] : memref<50176x32xf32, #tpu.memory_space<vmem_shared>> -> memref<196x32xf32, #tpu.memory_space<vmem_shared>>
      tpu.enqueue_dma source(%arg8 : memref<196x32xf32, #tpu.memory_space<vmem>>) target(%dma_start3A_246 : memref<196x32xf32, #tpu.memory_space<vmem_shared>>) target_semaphore(%run_scoped3A : memref<!tpu.dma_semaphore, #tpu.memory_space<semaphore_mem>>)
      %dma_wait3A = arith.constant 0 : i32
      %dma_wait3A_247 = tpu.memref_slice %arg7[%add3A_61, %dma_wait3A] : memref<50176x32xf32, #tpu.memory_space<vmem_shared>> -> memref<196x32xf32, #tpu.memory_space<vmem_shared>>
      %dma_wait3A_248 = arith.constant 0 : i32
      %dma_wait3A_249 = tpu.memref_slice %arg7[%add3A_61, %dma_wait3A_248] : memref<50176x32xf32, #tpu.memory_space<vmem_shared>> -> memref<196x32xf32, #tpu.memory_space<vmem_shared>>
      tpu.wait_dma2 semaphore(%run_scoped3A : memref<!tpu.dma_semaphore, #tpu.memory_space<semaphore_mem>>) src(%arg8 : memref<196x32xf32, #tpu.memory_space<vmem>>) dst(%dma_wait3A_249 : memref<196x32xf32, #tpu.memory_space<vmem_shared>>)
      tpu.yield
    }) : () -> ()
    %barrier3A = arith.constant 0 : index
    tpu.barrier barrier_id(%barrier3A)
    %scan3A = arith.constant 0 : i32
    %scan3A_62 = arith.constant 0 : i32
    %scan3A_63 = arith.constant 98 : i32
    %scan3A_64 = arith.addi %scan3A_62, %scan3A_63 : i32
    %scan3A_65 = arith.constant 1 : i32
    scf.for %scan3A_244 = %scan3A_62 to %scan3A_64 step %scan3A_65  : i32 {
      %mul3A_245 = arith.constant 50176 : i32
      %mul3A_246 = arith.muli %arg1, %mul3A_245 : i32
      %mul3A_247 = arith.constant 4 : i32
      %mul3A_248 = arith.muli %scan3A_244, %mul3A_247 : i32
      %add3A_249 = arith.constant 0 : i32
      %add3A_250 = arith.addi %mul3A_248, %add3A_249 : i32
      %mul3A_251 = arith.constant 128 : i32
      %mul3A_252 = arith.muli %add3A_250, %mul3A_251 : i32
      %add3A_253 = arith.addi %mul3A_246, %mul3A_252 : i32
      "tpu.region"() ({
        %run_scoped3A = tpu.sem_alloc : memref<!tpu.dma_semaphore, #tpu.memory_space<semaphore_mem>>
        %dma_start3A_315 = tpu.memref_slice %arg3[%add3A_253] : memref<802816xi32, #tpu.memory_space<hbm>> -> memref<128xi32, #tpu.memory_space<hbm>>
        %dma_start3A_316 = tpu.memref_slice %arg3[%add3A_253] : memref<802816xi32, #tpu.memory_space<hbm>> -> memref<128xi32, #tpu.memory_space<hbm>>
        tpu.enqueue_dma source(%dma_start3A_316 : memref<128xi32, #tpu.memory_space<hbm>>) target(%arg9 : memref<128xi32, #tpu.memory_space<vmem>>) target_semaphore(%run_scoped3A : memref<!tpu.dma_semaphore, #tpu.memory_space<semaphore_mem>>)
        %dma_wait3A_317 = tpu.memref_slice %arg3[%add3A_253] : memref<802816xi32, #tpu.memory_space<hbm>> -> memref<128xi32, #tpu.memory_space<hbm>>
        %dma_wait3A_318 = tpu.memref_slice %arg3[%add3A_253] : memref<802816xi32, #tpu.memory_space<hbm>> -> memref<128xi32, #tpu.memory_space<hbm>>
        tpu.wait_dma2 semaphore(%run_scoped3A : memref<!tpu.dma_semaphore, #tpu.memory_space<semaphore_mem>>) src(%dma_wait3A_318 : memref<128xi32, #tpu.memory_space<hbm>>) dst(%arg9 : memref<128xi32, #tpu.memory_space<vmem>>)
        tpu.yield
      }) : () -> ()
      %mul3A_254 = arith.constant 802816 : i32
      %mul3A_255 = arith.muli %arg0, %mul3A_254 : i32
      %add3A_256 = arith.addi %mul3A_255, %add3A_253 : i32
      "tpu.region"() ({
        %run_scoped3A = tpu.sem_alloc : memref<!tpu.dma_semaphore, #tpu.memory_space<semaphore_mem>>
        %dma_start3A_315 = tpu.memref_slice %arg4[%add3A_256] : memref<1605632xi32, #tpu.memory_space<hbm>> -> memref<128xi32, #tpu.memory_space<hbm>>
        %dma_start3A_316 = tpu.memref_slice %arg4[%add3A_256] : memref<1605632xi32, #tpu.memory_space<hbm>> -> memref<128xi32, #tpu.memory_space<hbm>>
        tpu.enqueue_dma source(%dma_start3A_316 : memref<128xi32, #tpu.memory_space<hbm>>) target(%arg13 : memref<128xi32, #tpu.memory_space<vmem>>) target_semaphore(%run_scoped3A : memref<!tpu.dma_semaphore, #tpu.memory_space<semaphore_mem>>)
        %dma_wait3A_317 = tpu.memref_slice %arg4[%add3A_256] : memref<1605632xi32, #tpu.memory_space<hbm>> -> memref<128xi32, #tpu.memory_space<hbm>>
        %dma_wait3A_318 = tpu.memref_slice %arg4[%add3A_256] : memref<1605632xi32, #tpu.memory_space<hbm>> -> memref<128xi32, #tpu.memory_space<hbm>>
        tpu.wait_dma2 semaphore(%run_scoped3A : memref<!tpu.dma_semaphore, #tpu.memory_space<semaphore_mem>>) src(%dma_wait3A_318 : memref<128xi32, #tpu.memory_space<hbm>>) dst(%arg13 : memref<128xi32, #tpu.memory_space<vmem>>)
        tpu.yield
      }) : () -> ()
      %dma_start3A = arith.constant 0 : i32
      %dma_start3A_257 = arith.constant 0 : i32
      %dma_start3A_258 = tpu.memref_slice %arg2[%dma_start3A, %dma_start3A_257] : memref<100000x32xf32, #tpu.memory_space<hbm>> -> memref<100000x32xf32, #tpu.memory_space<hbm>>
      tpu.enqueue_indirect_dma source(%dma_start3A_258 : memref<100000x32xf32, #tpu.memory_space<hbm>>) target(%arg17 : memref<128x32xf32, #tpu.memory_space<vmem>>) offsets(%arg13 : memref<128xi32, #tpu.memory_space<vmem>>) semaphore(%arg21 : memref<!tpu.dma_semaphore, #tpu.memory_space<semaphore_mem>>)
      %mul3A_259 = arith.constant 50176 : i32
      %mul3A_260 = arith.muli %arg1, %mul3A_259 : i32
      %mul3A_261 = arith.constant 4 : i32
      %mul3A_262 = arith.muli %scan3A_244, %mul3A_261 : i32
      %add3A_263 = arith.constant 1 : i32
      %add3A_264 = arith.addi %mul3A_262, %add3A_263 : i32
      %mul3A_265 = arith.constant 128 : i32
      %mul3A_266 = arith.muli %add3A_264, %mul3A_265 : i32
      %add3A_267 = arith.addi %mul3A_260, %mul3A_266 : i32
      "tpu.region"() ({
        %run_scoped3A = tpu.sem_alloc : memref<!tpu.dma_semaphore, #tpu.memory_space<semaphore_mem>>
        %dma_start3A_315 = tpu.memref_slice %arg3[%add3A_267] : memref<802816xi32, #tpu.memory_space<hbm>> -> memref<128xi32, #tpu.memory_space<hbm>>
        %dma_start3A_316 = tpu.memref_slice %arg3[%add3A_267] : memref<802816xi32, #tpu.memory_space<hbm>> -> memref<128xi32, #tpu.memory_space<hbm>>
        tpu.enqueue_dma source(%dma_start3A_316 : memref<128xi32, #tpu.memory_space<hbm>>) target(%arg10 : memref<128xi32, #tpu.memory_space<vmem>>) target_semaphore(%run_scoped3A : memref<!tpu.dma_semaphore, #tpu.memory_space<semaphore_mem>>)
        %dma_wait3A_317 = tpu.memref_slice %arg3[%add3A_267] : memref<802816xi32, #tpu.memory_space<hbm>> -> memref<128xi32, #tpu.memory_space<hbm>>
        %dma_wait3A_318 = tpu.memref_slice %arg3[%add3A_267] : memref<802816xi32, #tpu.memory_space<hbm>> -> memref<128xi32, #tpu.memory_space<hbm>>
        tpu.wait_dma2 semaphore(%run_scoped3A : memref<!tpu.dma_semaphore, #tpu.memory_space<semaphore_mem>>) src(%dma_wait3A_318 : memref<128xi32, #tpu.memory_space<hbm>>) dst(%arg10 : memref<128xi32, #tpu.memory_space<vmem>>)
        tpu.yield
      }) : () -> ()
      %mul3A_268 = arith.constant 802816 : i32
      %mul3A_269 = arith.muli %arg0, %mul3A_268 : i32
      %add3A_270 = arith.addi %mul3A_269, %add3A_267 : i32
      "tpu.region"() ({
        %run_scoped3A = tpu.sem_alloc : memref<!tpu.dma_semaphore, #tpu.memory_space<semaphore_mem>>
        %dma_start3A_315 = tpu.memref_slice %arg4[%add3A_270] : memref<1605632xi32, #tpu.memory_space<hbm>> -> memref<128xi32, #tpu.memory_space<hbm>>
        %dma_start3A_316 = tpu.memref_slice %arg4[%add3A_270] : memref<1605632xi32, #tpu.memory_space<hbm>> -> memref<128xi32, #tpu.memory_space<hbm>>
        tpu.enqueue_dma source(%dma_start3A_316 : memref<128xi32, #tpu.memory_space<hbm>>) target(%arg14 : memref<128xi32, #tpu.memory_space<vmem>>) target_semaphore(%run_scoped3A : memref<!tpu.dma_semaphore, #tpu.memory_space<semaphore_mem>>)
        %dma_wait3A_317 = tpu.memref_slice %arg4[%add3A_270] : memref<1605632xi32, #tpu.memory_space<hbm>> -> memref<128xi32, #tpu.memory_space<hbm>>
        %dma_wait3A_318 = tpu.memref_slice %arg4[%add3A_270] : memref<1605632xi32, #tpu.memory_space<hbm>> -> memref<128xi32, #tpu.memory_space<hbm>>
        tpu.wait_dma2 semaphore(%run_scoped3A : memref<!tpu.dma_semaphore, #tpu.memory_space<semaphore_mem>>) src(%dma_wait3A_318 : memref<128xi32, #tpu.memory_space<hbm>>) dst(%arg14 : memref<128xi32, #tpu.memory_space<vmem>>)
        tpu.yield
      }) : () -> ()
      %dma_start3A_271 = arith.constant 0 : i32
      %dma_start3A_272 = arith.constant 0 : i32
      %dma_start3A_273 = tpu.memref_slice %arg2[%dma_start3A_271, %dma_start3A_272] : memref<100000x32xf32, #tpu.memory_space<hbm>> -> memref<100000x32xf32, #tpu.memory_space<hbm>>
      tpu.enqueue_indirect_dma source(%dma_start3A_273 : memref<100000x32xf32, #tpu.memory_space<hbm>>) target(%arg18 : memref<128x32xf32, #tpu.memory_space<vmem>>) offsets(%arg14 : memref<128xi32, #tpu.memory_space<vmem>>) semaphore(%arg22 : memref<!tpu.dma_semaphore, #tpu.memory_space<semaphore_mem>>)
      %mul3A_274 = arith.constant 50176 : i32
      %mul3A_275 = arith.muli %arg1, %mul3A_274 : i32
      %mul3A_276 = arith.constant 4 : i32
      %mul3A_277 = arith.muli %scan3A_244, %mul3A_276 : i32
      %add3A_278 = arith.constant 2 : i32
      %add3A_279 = arith.addi %mul3A_277, %add3A_278 : i32
      %mul3A_280 = arith.constant 128 : i32
      %mul3A_281 = arith.muli %add3A_279, %mul3A_280 : i32
      %add3A_282 = arith.addi %mul3A_275, %mul3A_281 : i32
      "tpu.region"() ({
        %run_scoped3A = tpu.sem_alloc : memref<!tpu.dma_semaphore, #tpu.memory_space<semaphore_mem>>
        %dma_start3A_315 = tpu.memref_slice %arg3[%add3A_282] : memref<802816xi32, #tpu.memory_space<hbm>> -> memref<128xi32, #tpu.memory_space<hbm>>
        %dma_start3A_316 = tpu.memref_slice %arg3[%add3A_282] : memref<802816xi32, #tpu.memory_space<hbm>> -> memref<128xi32, #tpu.memory_space<hbm>>
        tpu.enqueue_dma source(%dma_start3A_316 : memref<128xi32, #tpu.memory_space<hbm>>) target(%arg11 : memref<128xi32, #tpu.memory_space<vmem>>) target_semaphore(%run_scoped3A : memref<!tpu.dma_semaphore, #tpu.memory_space<semaphore_mem>>)
        %dma_wait3A_317 = tpu.memref_slice %arg3[%add3A_282] : memref<802816xi32, #tpu.memory_space<hbm>> -> memref<128xi32, #tpu.memory_space<hbm>>
        %dma_wait3A_318 = tpu.memref_slice %arg3[%add3A_282] : memref<802816xi32, #tpu.memory_space<hbm>> -> memref<128xi32, #tpu.memory_space<hbm>>
        tpu.wait_dma2 semaphore(%run_scoped3A : memref<!tpu.dma_semaphore, #tpu.memory_space<semaphore_mem>>) src(%dma_wait3A_318 : memref<128xi32, #tpu.memory_space<hbm>>) dst(%arg11 : memref<128xi32, #tpu.memory_space<vmem>>)
        tpu.yield
      }) : () -> ()
      %mul3A_283 = arith.constant 802816 : i32
      %mul3A_284 = arith.muli %arg0, %mul3A_283 : i32
      %add3A_285 = arith.addi %mul3A_284, %add3A_282 : i32
      "tpu.region"() ({
        %run_scoped3A = tpu.sem_alloc : memref<!tpu.dma_semaphore, #tpu.memory_space<semaphore_mem>>
        %dma_start3A_315 = tpu.memref_slice %arg4[%add3A_285] : memref<1605632xi32, #tpu.memory_space<hbm>> -> memref<128xi32, #tpu.memory_space<hbm>>
        %dma_start3A_316 = tpu.memref_slice %arg4[%add3A_285] : memref<1605632xi32, #tpu.memory_space<hbm>> -> memref<128xi32, #tpu.memory_space<hbm>>
        tpu.enqueue_dma source(%dma_start3A_316 : memref<128xi32, #tpu.memory_space<hbm>>) target(%arg15 : memref<128xi32, #tpu.memory_space<vmem>>) target_semaphore(%run_scoped3A : memref<!tpu.dma_semaphore, #tpu.memory_space<semaphore_mem>>)
        %dma_wait3A_317 = tpu.memref_slice %arg4[%add3A_285] : memref<1605632xi32, #tpu.memory_space<hbm>> -> memref<128xi32, #tpu.memory_space<hbm>>
        %dma_wait3A_318 = tpu.memref_slice %arg4[%add3A_285] : memref<1605632xi32, #tpu.memory_space<hbm>> -> memref<128xi32, #tpu.memory_space<hbm>>
        tpu.wait_dma2 semaphore(%run_scoped3A : memref<!tpu.dma_semaphore, #tpu.memory_space<semaphore_mem>>) src(%dma_wait3A_318 : memref<128xi32, #tpu.memory_space<hbm>>) dst(%arg15 : memref<128xi32, #tpu.memory_space<vmem>>)
        tpu.yield
      }) : () -> ()
      %dma_start3A_286 = arith.constant 0 : i32
      %dma_start3A_287 = arith.constant 0 : i32
      %dma_start3A_288 = tpu.memref_slice %arg2[%dma_start3A_286, %dma_start3A_287] : memref<100000x32xf32, #tpu.memory_space<hbm>> -> memref<100000x32xf32, #tpu.memory_space<hbm>>
      tpu.enqueue_indirect_dma source(%dma_start3A_288 : memref<100000x32xf32, #tpu.memory_space<hbm>>) target(%arg19 : memref<128x32xf32, #tpu.memory_space<vmem>>) offsets(%arg15 : memref<128xi32, #tpu.memory_space<vmem>>) semaphore(%arg23 : memref<!tpu.dma_semaphore, #tpu.memory_space<semaphore_mem>>)
      %mul3A_289 = arith.constant 50176 : i32
      %mul3A_290 = arith.muli %arg1, %mul3A_289 : i32
      %mul3A_291 = arith.constant 4 : i32
      %mul3A_292 = arith.muli %scan3A_244, %mul3A_291 : i32
      %add3A_293 = arith.constant 3 : i32
      %add3A_294 = arith.addi %mul3A_292, %add3A_293 : i32
      %mul3A_295 = arith.constant 128 : i32
      %mul3A_296 = arith.muli %add3A_294, %mul3A_295 : i32
      %add3A_297 = arith.addi %mul3A_290, %mul3A_296 : i32
      "tpu.region"() ({
        %run_scoped3A = tpu.sem_alloc : memref<!tpu.dma_semaphore, #tpu.memory_space<semaphore_mem>>
        %dma_start3A_315 = tpu.memref_slice %arg3[%add3A_297] : memref<802816xi32, #tpu.memory_space<hbm>> -> memref<128xi32, #tpu.memory_space<hbm>>
        %dma_start3A_316 = tpu.memref_slice %arg3[%add3A_297] : memref<802816xi32, #tpu.memory_space<hbm>> -> memref<128xi32, #tpu.memory_space<hbm>>
        tpu.enqueue_dma source(%dma_start3A_316 : memref<128xi32, #tpu.memory_space<hbm>>) target(%arg12 : memref<128xi32, #tpu.memory_space<vmem>>) target_semaphore(%run_scoped3A : memref<!tpu.dma_semaphore, #tpu.memory_space<semaphore_mem>>)
        %dma_wait3A_317 = tpu.memref_slice %arg3[%add3A_297] : memref<802816xi32, #tpu.memory_space<hbm>> -> memref<128xi32, #tpu.memory_space<hbm>>
        %dma_wait3A_318 = tpu.memref_slice %arg3[%add3A_297] : memref<802816xi32, #tpu.memory_space<hbm>> -> memref<128xi32, #tpu.memory_space<hbm>>
        tpu.wait_dma2 semaphore(%run_scoped3A : memref<!tpu.dma_semaphore, #tpu.memory_space<semaphore_mem>>) src(%dma_wait3A_318 : memref<128xi32, #tpu.memory_space<hbm>>) dst(%arg12 : memref<128xi32, #tpu.memory_space<vmem>>)
        tpu.yield
      }) : () -> ()
      %mul3A_298 = arith.constant 802816 : i32
      %mul3A_299 = arith.muli %arg0, %mul3A_298 : i32
      %add3A_300 = arith.addi %mul3A_299, %add3A_297 : i32
      "tpu.region"() ({
        %run_scoped3A = tpu.sem_alloc : memref<!tpu.dma_semaphore, #tpu.memory_space<semaphore_mem>>
        %dma_start3A_315 = tpu.memref_slice %arg4[%add3A_300] : memref<1605632xi32, #tpu.memory_space<hbm>> -> memref<128xi32, #tpu.memory_space<hbm>>
        %dma_start3A_316 = tpu.memref_slice %arg4[%add3A_300] : memref<1605632xi32, #tpu.memory_space<hbm>> -> memref<128xi32, #tpu.memory_space<hbm>>
        tpu.enqueue_dma source(%dma_start3A_316 : memref<128xi32, #tpu.memory_space<hbm>>) target(%arg16 : memref<128xi32, #tpu.memory_space<vmem>>) target_semaphore(%run_scoped3A : memref<!tpu.dma_semaphore, #tpu.memory_space<semaphore_mem>>)
        %dma_wait3A_317 = tpu.memref_slice %arg4[%add3A_300] : memref<1605632xi32, #tpu.memory_space<hbm>> -> memref<128xi32, #tpu.memory_space<hbm>>
        %dma_wait3A_318 = tpu.memref_slice %arg4[%add3A_300] : memref<1605632xi32, #tpu.memory_space<hbm>> -> memref<128xi32, #tpu.memory_space<hbm>>
        tpu.wait_dma2 semaphore(%run_scoped3A : memref<!tpu.dma_semaphore, #tpu.memory_space<semaphore_mem>>) src(%dma_wait3A_318 : memref<128xi32, #tpu.memory_space<hbm>>) dst(%arg16 : memref<128xi32, #tpu.memory_space<vmem>>)
        tpu.yield
      }) : () -> ()
      %dma_start3A_301 = arith.constant 0 : i32
      %dma_start3A_302 = arith.constant 0 : i32
      %dma_start3A_303 = tpu.memref_slice %arg2[%dma_start3A_301, %dma_start3A_302] : memref<100000x32xf32, #tpu.memory_space<hbm>> -> memref<100000x32xf32, #tpu.memory_space<hbm>>
      tpu.enqueue_indirect_dma source(%dma_start3A_303 : memref<100000x32xf32, #tpu.memory_space<hbm>>) target(%arg20 : memref<128x32xf32, #tpu.memory_space<vmem>>) offsets(%arg16 : memref<128xi32, #tpu.memory_space<vmem>>) semaphore(%arg24 : memref<!tpu.dma_semaphore, #tpu.memory_space<semaphore_mem>>)
      %dma_wait3A = arith.constant 0 : i32
      %dma_wait3A_304 = arith.constant 0 : i32
      %dma_wait3A_305 = tpu.memref_slice %arg2[%dma_wait3A, %dma_wait3A_304] : memref<100000x32xf32, #tpu.memory_space<hbm>> -> memref<100000x32xf32, #tpu.memory_space<hbm>>
      tpu.wait_indirect_dma semaphore(%arg21 : memref<!tpu.dma_semaphore, #tpu.memory_space<semaphore_mem>>) src(%dma_wait3A_305 : memref<100000x32xf32, #tpu.memory_space<hbm>>) dst(%arg17 : memref<128x32xf32, #tpu.memory_space<vmem>>)
      "tpu.region"() ({
        %run_scoped3A = tpu.sem_alloc : memref<!tpu.dma_semaphore, #tpu.memory_space<semaphore_mem>>
        %dma_start3A_315 = arith.constant 0 : i32
        %dma_start3A_316 = arith.constant 0 : i32
        %dma_start3A_317 = tpu.memref_slice %arg7[%dma_start3A_315, %dma_start3A_316] : memref<50176x32xf32, #tpu.memory_space<vmem_shared>> -> memref<50176x32xf32, #tpu.memory_space<vmem_shared>>
        tpu.enqueue_indirect_dma source(%arg17 : memref<128x32xf32, #tpu.memory_space<vmem>>) target(%dma_start3A_317 : memref<50176x32xf32, #tpu.memory_space<vmem_shared>>) offsets(%arg9 : memref<128xi32, #tpu.memory_space<vmem>>) semaphore(%run_scoped3A : memref<!tpu.dma_semaphore, #tpu.memory_space<semaphore_mem>>) {add = true}
        %dma_wait3A_318 = arith.constant 0 : i32
        %dma_wait3A_319 = arith.constant 0 : i32
        %dma_wait3A_320 = tpu.memref_slice %arg7[%dma_wait3A_318, %dma_wait3A_319] : memref<50176x32xf32, #tpu.memory_space<vmem_shared>> -> memref<50176x32xf32, #tpu.memory_space<vmem_shared>>
        tpu.wait_indirect_dma semaphore(%run_scoped3A : memref<!tpu.dma_semaphore, #tpu.memory_space<semaphore_mem>>) src(%arg17 : memref<128x32xf32, #tpu.memory_space<vmem>>) dst(%dma_wait3A_320 : memref<50176x32xf32, #tpu.memory_space<vmem_shared>>)
        tpu.yield
      }) : () -> ()
      %dma_wait3A_306 = arith.constant 0 : i32
      %dma_wait3A_307 = arith.constant 0 : i32
      %dma_wait3A_308 = tpu.memref_slice %arg2[%dma_wait3A_306, %dma_wait3A_307] : memref<100000x32xf32, #tpu.memory_space<hbm>> -> memref<100000x32xf32, #tpu.memory_space<hbm>>
      tpu.wait_indirect_dma semaphore(%arg22 : memref<!tpu.dma_semaphore, #tpu.memory_space<semaphore_mem>>) src(%dma_wait3A_308 : memref<100000x32xf32, #tpu.memory_space<hbm>>) dst(%arg18 : memref<128x32xf32, #tpu.memory_space<vmem>>)
      "tpu.region"() ({
        %run_scoped3A = tpu.sem_alloc : memref<!tpu.dma_semaphore, #tpu.memory_space<semaphore_mem>>
        %dma_start3A_315 = arith.constant 0 : i32
        %dma_start3A_316 = arith.constant 0 : i32
        %dma_start3A_317 = tpu.memref_slice %arg7[%dma_start3A_315, %dma_start3A_316] : memref<50176x32xf32, #tpu.memory_space<vmem_shared>> -> memref<50176x32xf32, #tpu.memory_space<vmem_shared>>
        tpu.enqueue_indirect_dma source(%arg18 : memref<128x32xf32, #tpu.memory_space<vmem>>) target(%dma_start3A_317 : memref<50176x32xf32, #tpu.memory_space<vmem_shared>>) offsets(%arg10 : memref<128xi32, #tpu.memory_space<vmem>>) semaphore(%run_scoped3A : memref<!tpu.dma_semaphore, #tpu.memory_space<semaphore_mem>>) {add = true}
        %dma_wait3A_318 = arith.constant 0 : i32
        %dma_wait3A_319 = arith.constant 0 : i32
        %dma_wait3A_320 = tpu.memref_slice %arg7[%dma_wait3A_318, %dma_wait3A_319] : memref<50176x32xf32, #tpu.memory_space<vmem_shared>> -> memref<50176x32xf32, #tpu.memory_space<vmem_shared>>
        tpu.wait_indirect_dma semaphore(%run_scoped3A : memref<!tpu.dma_semaphore, #tpu.memory_space<semaphore_mem>>) src(%arg18 : memref<128x32xf32, #tpu.memory_space<vmem>>) dst(%dma_wait3A_320 : memref<50176x32xf32, #tpu.memory_space<vmem_shared>>)
        tpu.yield
      }) : () -> ()
      %dma_wait3A_309 = arith.constant 0 : i32
      %dma_wait3A_310 = arith.constant 0 : i32
      %dma_wait3A_311 = tpu.memref_slice %arg2[%dma_wait3A_309, %dma_wait3A_310] : memref<100000x32xf32, #tpu.memory_space<hbm>> -> memref<100000x32xf32, #tpu.memory_space<hbm>>
      tpu.wait_indirect_dma semaphore(%arg23 : memref<!tpu.dma_semaphore, #tpu.memory_space<semaphore_mem>>) src(%dma_wait3A_311 : memref<100000x32xf32, #tpu.memory_space<hbm>>) dst(%arg19 : memref<128x32xf32, #tpu.memory_space<vmem>>)
      "tpu.region"() ({
        %run_scoped3A = tpu.sem_alloc : memref<!tpu.dma_semaphore, #tpu.memory_space<semaphore_mem>>
        %dma_start3A_315 = arith.constant 0 : i32
        %dma_start3A_316 = arith.constant 0 : i32
        %dma_start3A_317 = tpu.memref_slice %arg7[%dma_start3A_315, %dma_start3A_316] : memref<50176x32xf32, #tpu.memory_space<vmem_shared>> -> memref<50176x32xf32, #tpu.memory_space<vmem_shared>>
        tpu.enqueue_indirect_dma source(%arg19 : memref<128x32xf32, #tpu.memory_space<vmem>>) target(%dma_start3A_317 : memref<50176x32xf32, #tpu.memory_space<vmem_shared>>) offsets(%arg11 : memref<128xi32, #tpu.memory_space<vmem>>) semaphore(%run_scoped3A : memref<!tpu.dma_semaphore, #tpu.memory_space<semaphore_mem>>) {add = true}
        %dma_wait3A_318 = arith.constant 0 : i32
        %dma_wait3A_319 = arith.constant 0 : i32
        %dma_wait3A_320 = tpu.memref_slice %arg7[%dma_wait3A_318, %dma_wait3A_319] : memref<50176x32xf32, #tpu.memory_space<vmem_shared>> -> memref<50176x32xf32, #tpu.memory_space<vmem_shared>>
        tpu.wait_indirect_dma semaphore(%run_scoped3A : memref<!tpu.dma_semaphore, #tpu.memory_space<semaphore_mem>>) src(%arg19 : memref<128x32xf32, #tpu.memory_space<vmem>>) dst(%dma_wait3A_320 : memref<50176x32xf32, #tpu.memory_space<vmem_shared>>)
        tpu.yield
      }) : () -> ()
      %dma_wait3A_312 = arith.constant 0 : i32
      %dma_wait3A_313 = arith.constant 0 : i32
      %dma_wait3A_314 = tpu.memref_slice %arg2[%dma_wait3A_312, %dma_wait3A_313] : memref<100000x32xf32, #tpu.memory_space<hbm>> -> memref<100000x32xf32, #tpu.memory_space<hbm>>
      tpu.wait_indirect_dma semaphore(%arg24 : memref<!tpu.dma_semaphore, #tpu.memory_space<semaphore_mem>>) src(%dma_wait3A_314 : memref<100000x32xf32, #tpu.memory_space<hbm>>) dst(%arg20 : memref<128x32xf32, #tpu.memory_space<vmem>>)
      "tpu.region"() ({
        %run_scoped3A = tpu.sem_alloc : memref<!tpu.dma_semaphore, #tpu.memory_space<semaphore_mem>>
        %dma_start3A_315 = arith.constant 0 : i32
        %dma_start3A_316 = arith.constant 0 : i32
        %dma_start3A_317 = tpu.memref_slice %arg7[%dma_start3A_315, %dma_start3A_316] : memref<50176x32xf32, #tpu.memory_space<vmem_shared>> -> memref<50176x32xf32, #tpu.memory_space<vmem_shared>>
        tpu.enqueue_indirect_dma source(%arg20 : memref<128x32xf32, #tpu.memory_space<vmem>>) target(%dma_start3A_317 : memref<50176x32xf32, #tpu.memory_space<vmem_shared>>) offsets(%arg12 : memref<128xi32, #tpu.memory_space<vmem>>) semaphore(%run_scoped3A : memref<!tpu.dma_semaphore, #tpu.memory_space<semaphore_mem>>) {add = true}
        %dma_wait3A_318 = arith.constant 0 : i32
        %dma_wait3A_319 = arith.constant 0 : i32
        %dma_wait3A_320 = tpu.memref_slice %arg7[%dma_wait3A_318, %dma_wait3A_319] : memref<50176x32xf32, #tpu.memory_space<vmem_shared>> -> memref<50176x32xf32, #tpu.memory_space<vmem_shared>>
        tpu.wait_indirect_dma semaphore(%run_scoped3A : memref<!tpu.dma_semaphore, #tpu.memory_space<semaphore_mem>>) src(%arg20 : memref<128x32xf32, #tpu.memory_space<vmem>>) dst(%dma_wait3A_320 : memref<50176x32xf32, #tpu.memory_space<vmem_shared>>)
        tpu.yield
      }) : () -> ()
    }
    %scan3A_66 = arith.constant 98 : i32
    %barrier3A_67 = arith.constant 0 : index
    tpu.barrier barrier_id(%barrier3A_67)
    %mul3A_68 = arith.constant 3136 : i32
    %mul3A_69 = arith.muli %arg1, %mul3A_68 : i32
    %add3A_70 = arith.constant 0 : i32
    %add3A_71 = arith.addi %mul3A_69, %add3A_70 : i32
    "tpu.region"() ({
      %run_scoped3A = tpu.sem_alloc : memref<!tpu.dma_semaphore, #tpu.memory_space<semaphore_mem>>
      %dma_start3A = arith.constant 0 : i32
      %dma_start3A_244 = tpu.memref_slice %arg7[%add3A_71, %dma_start3A] : memref<50176x32xf32, #tpu.memory_space<vmem_shared>> -> memref<196x32xf32, #tpu.memory_space<vmem_shared>>
      %dma_start3A_245 = arith.constant 0 : i32
      %dma_start3A_246 = tpu.memref_slice %arg7[%add3A_71, %dma_start3A_245] : memref<50176x32xf32, #tpu.memory_space<vmem_shared>> -> memref<196x32xf32, #tpu.memory_space<vmem_shared>>
      tpu.enqueue_dma source(%dma_start3A_246 : memref<196x32xf32, #tpu.memory_space<vmem_shared>>) target(%arg8 : memref<196x32xf32, #tpu.memory_space<vmem>>) target_semaphore(%run_scoped3A : memref<!tpu.dma_semaphore, #tpu.memory_space<semaphore_mem>>)
      %dma_wait3A = arith.constant 0 : i32
      %dma_wait3A_247 = tpu.memref_slice %arg7[%add3A_71, %dma_wait3A] : memref<50176x32xf32, #tpu.memory_space<vmem_shared>> -> memref<196x32xf32, #tpu.memory_space<vmem_shared>>
      %dma_wait3A_248 = arith.constant 0 : i32
      %dma_wait3A_249 = tpu.memref_slice %arg7[%add3A_71, %dma_wait3A_248] : memref<50176x32xf32, #tpu.memory_space<vmem_shared>> -> memref<196x32xf32, #tpu.memory_space<vmem_shared>>
      tpu.wait_dma2 semaphore(%run_scoped3A : memref<!tpu.dma_semaphore, #tpu.memory_space<semaphore_mem>>) src(%dma_wait3A_249 : memref<196x32xf32, #tpu.memory_space<vmem_shared>>) dst(%arg8 : memref<196x32xf32, #tpu.memory_space<vmem>>)
      tpu.yield
    }) : () -> ()
    %mul3A_72 = arith.constant 50176 : i32
    %mul3A_73 = arith.muli %arg0, %mul3A_72 : i32
    %mul3A_74 = arith.constant 3136 : i32
    %mul3A_75 = arith.muli %arg1, %mul3A_74 : i32
    %add3A_76 = arith.addi %mul3A_73, %mul3A_75 : i32
    %add3A_77 = arith.constant 0 : i32
    %add3A_78 = arith.addi %add3A_76, %add3A_77 : i32
    "tpu.region"() ({
      %run_scoped3A = tpu.sem_alloc : memref<!tpu.dma_semaphore, #tpu.memory_space<semaphore_mem>>
      %dma_start3A = arith.constant 0 : i32
      %dma_start3A_244 = tpu.memref_slice %arg6[%add3A_78, %dma_start3A] : memref<100352x32xf32, #tpu.memory_space<hbm>> -> memref<196x32xf32, #tpu.memory_space<hbm>>
      %dma_start3A_245 = arith.constant 0 : i32
      %dma_start3A_246 = tpu.memref_slice %arg6[%add3A_78, %dma_start3A_245] : memref<100352x32xf32, #tpu.memory_space<hbm>> -> memref<196x32xf32, #tpu.memory_space<hbm>>
      tpu.enqueue_dma source(%arg8 : memref<196x32xf32, #tpu.memory_space<vmem>>) target(%dma_start3A_246 : memref<196x32xf32, #tpu.memory_space<hbm>>) target_semaphore(%run_scoped3A : memref<!tpu.dma_semaphore, #tpu.memory_space<semaphore_mem>>)
      %dma_wait3A = arith.constant 0 : i32
      %dma_wait3A_247 = tpu.memref_slice %arg6[%add3A_78, %dma_wait3A] : memref<100352x32xf32, #tpu.memory_space<hbm>> -> memref<196x32xf32, #tpu.memory_space<hbm>>
      %dma_wait3A_248 = arith.constant 0 : i32
      %dma_wait3A_249 = tpu.memref_slice %arg6[%add3A_78, %dma_wait3A_248] : memref<100352x32xf32, #tpu.memory_space<hbm>> -> memref<196x32xf32, #tpu.memory_space<hbm>>
      tpu.wait_dma2 semaphore(%run_scoped3A : memref<!tpu.dma_semaphore, #tpu.memory_space<semaphore_mem>>) src(%arg8 : memref<196x32xf32, #tpu.memory_space<vmem>>) dst(%dma_wait3A_249 : memref<196x32xf32, #tpu.memory_space<hbm>>)
      tpu.yield
    }) : () -> ()
    %mul3A_79 = arith.constant 3136 : i32
    %mul3A_80 = arith.muli %arg1, %mul3A_79 : i32
    %add3A_81 = arith.constant 196 : i32
    %add3A_82 = arith.addi %mul3A_80, %add3A_81 : i32
    "tpu.region"() ({
      %run_scoped3A = tpu.sem_alloc : memref<!tpu.dma_semaphore, #tpu.memory_space<semaphore_mem>>
      %dma_start3A = arith.constant 0 : i32
      %dma_start3A_244 = tpu.memref_slice %arg7[%add3A_82, %dma_start3A] : memref<50176x32xf32, #tpu.memory_space<vmem_shared>> -> memref<196x32xf32, #tpu.memory_space<vmem_shared>>
      %dma_start3A_245 = arith.constant 0 : i32
      %dma_start3A_246 = tpu.memref_slice %arg7[%add3A_82, %dma_start3A_245] : memref<50176x32xf32, #tpu.memory_space<vmem_shared>> -> memref<196x32xf32, #tpu.memory_space<vmem_shared>>
      tpu.enqueue_dma source(%dma_start3A_246 : memref<196x32xf32, #tpu.memory_space<vmem_shared>>) target(%arg8 : memref<196x32xf32, #tpu.memory_space<vmem>>) target_semaphore(%run_scoped3A : memref<!tpu.dma_semaphore, #tpu.memory_space<semaphore_mem>>)
      %dma_wait3A = arith.constant 0 : i32
      %dma_wait3A_247 = tpu.memref_slice %arg7[%add3A_82, %dma_wait3A] : memref<50176x32xf32, #tpu.memory_space<vmem_shared>> -> memref<196x32xf32, #tpu.memory_space<vmem_shared>>
      %dma_wait3A_248 = arith.constant 0 : i32
      %dma_wait3A_249 = tpu.memref_slice %arg7[%add3A_82, %dma_wait3A_248] : memref<50176x32xf32, #tpu.memory_space<vmem_shared>> -> memref<196x32xf32, #tpu.memory_space<vmem_shared>>
      tpu.wait_dma2 semaphore(%run_scoped3A : memref<!tpu.dma_semaphore, #tpu.memory_space<semaphore_mem>>) src(%dma_wait3A_249 : memref<196x32xf32, #tpu.memory_space<vmem_shared>>) dst(%arg8 : memref<196x32xf32, #tpu.memory_space<vmem>>)
      tpu.yield
    }) : () -> ()
    %mul3A_83 = arith.constant 50176 : i32
    %mul3A_84 = arith.muli %arg0, %mul3A_83 : i32
    %mul3A_85 = arith.constant 3136 : i32
    %mul3A_86 = arith.muli %arg1, %mul3A_85 : i32
    %add3A_87 = arith.addi %mul3A_84, %mul3A_86 : i32
    %add3A_88 = arith.constant 196 : i32
    %add3A_89 = arith.addi %add3A_87, %add3A_88 : i32
    "tpu.region"() ({
      %run_scoped3A = tpu.sem_alloc : memref<!tpu.dma_semaphore, #tpu.memory_space<semaphore_mem>>
      %dma_start3A = arith.constant 0 : i32
      %dma_start3A_244 = tpu.memref_slice %arg6[%add3A_89, %dma_start3A] : memref<100352x32xf32, #tpu.memory_space<hbm>> -> memref<196x32xf32, #tpu.memory_space<hbm>>
      %dma_start3A_245 = arith.constant 0 : i32
      %dma_start3A_246 = tpu.memref_slice %arg6[%add3A_89, %dma_start3A_245] : memref<100352x32xf32, #tpu.memory_space<hbm>> -> memref<196x32xf32, #tpu.memory_space<hbm>>
      tpu.enqueue_dma source(%arg8 : memref<196x32xf32, #tpu.memory_space<vmem>>) target(%dma_start3A_246 : memref<196x32xf32, #tpu.memory_space<hbm>>) target_semaphore(%run_scoped3A : memref<!tpu.dma_semaphore, #tpu.memory_space<semaphore_mem>>)
      %dma_wait3A = arith.constant 0 : i32
      %dma_wait3A_247 = tpu.memref_slice %arg6[%add3A_89, %dma_wait3A] : memref<100352x32xf32, #tpu.memory_space<hbm>> -> memref<196x32xf32, #tpu.memory_space<hbm>>
      %dma_wait3A_248 = arith.constant 0 : i32
      %dma_wait3A_249 = tpu.memref_slice %arg6[%add3A_89, %dma_wait3A_248] : memref<100352x32xf32, #tpu.memory_space<hbm>> -> memref<196x32xf32, #tpu.memory_space<hbm>>
      tpu.wait_dma2 semaphore(%run_scoped3A : memref<!tpu.dma_semaphore, #tpu.memory_space<semaphore_mem>>) src(%arg8 : memref<196x32xf32, #tpu.memory_space<vmem>>) dst(%dma_wait3A_249 : memref<196x32xf32, #tpu.memory_space<hbm>>)
      tpu.yield
    }) : () -> ()
    %mul3A_90 = arith.constant 3136 : i32
    %mul3A_91 = arith.muli %arg1, %mul3A_90 : i32
    %add3A_92 = arith.constant 392 : i32
    %add3A_93 = arith.addi %mul3A_91, %add3A_92 : i32
    "tpu.region"() ({
      %run_scoped3A = tpu.sem_alloc : memref<!tpu.dma_semaphore, #tpu.memory_space<semaphore_mem>>
      %dma_start3A = arith.constant 0 : i32
      %dma_start3A_244 = tpu.memref_slice %arg7[%add3A_93, %dma_start3A] : memref<50176x32xf32, #tpu.memory_space<vmem_shared>> -> memref<196x32xf32, #tpu.memory_space<vmem_shared>>
      %dma_start3A_245 = arith.constant 0 : i32
      %dma_start3A_246 = tpu.memref_slice %arg7[%add3A_93, %dma_start3A_245] : memref<50176x32xf32, #tpu.memory_space<vmem_shared>> -> memref<196x32xf32, #tpu.memory_space<vmem_shared>>
      tpu.enqueue_dma source(%dma_start3A_246 : memref<196x32xf32, #tpu.memory_space<vmem_shared>>) target(%arg8 : memref<196x32xf32, #tpu.memory_space<vmem>>) target_semaphore(%run_scoped3A : memref<!tpu.dma_semaphore, #tpu.memory_space<semaphore_mem>>)
      %dma_wait3A = arith.constant 0 : i32
      %dma_wait3A_247 = tpu.memref_slice %arg7[%add3A_93, %dma_wait3A] : memref<50176x32xf32, #tpu.memory_space<vmem_shared>> -> memref<196x32xf32, #tpu.memory_space<vmem_shared>>
      %dma_wait3A_248 = arith.constant 0 : i32
      %dma_wait3A_249 = tpu.memref_slice %arg7[%add3A_93, %dma_wait3A_248] : memref<50176x32xf32, #tpu.memory_space<vmem_shared>> -> memref<196x32xf32, #tpu.memory_space<vmem_shared>>
      tpu.wait_dma2 semaphore(%run_scoped3A : memref<!tpu.dma_semaphore, #tpu.memory_space<semaphore_mem>>) src(%dma_wait3A_249 : memref<196x32xf32, #tpu.memory_space<vmem_shared>>) dst(%arg8 : memref<196x32xf32, #tpu.memory_space<vmem>>)
      tpu.yield
    }) : () -> ()
    %mul3A_94 = arith.constant 50176 : i32
    %mul3A_95 = arith.muli %arg0, %mul3A_94 : i32
    %mul3A_96 = arith.constant 3136 : i32
    %mul3A_97 = arith.muli %arg1, %mul3A_96 : i32
    %add3A_98 = arith.addi %mul3A_95, %mul3A_97 : i32
    %add3A_99 = arith.constant 392 : i32
    %add3A_100 = arith.addi %add3A_98, %add3A_99 : i32
    "tpu.region"() ({
      %run_scoped3A = tpu.sem_alloc : memref<!tpu.dma_semaphore, #tpu.memory_space<semaphore_mem>>
      %dma_start3A = arith.constant 0 : i32
      %dma_start3A_244 = tpu.memref_slice %arg6[%add3A_100, %dma_start3A] : memref<100352x32xf32, #tpu.memory_space<hbm>> -> memref<196x32xf32, #tpu.memory_space<hbm>>
      %dma_start3A_245 = arith.constant 0 : i32
      %dma_start3A_246 = tpu.memref_slice %arg6[%add3A_100, %dma_start3A_245] : memref<100352x32xf32, #tpu.memory_space<hbm>> -> memref<196x32xf32, #tpu.memory_space<hbm>>
      tpu.enqueue_dma source(%arg8 : memref<196x32xf32, #tpu.memory_space<vmem>>) target(%dma_start3A_246 : memref<196x32xf32, #tpu.memory_space<hbm>>) target_semaphore(%run_scoped3A : memref<!tpu.dma_semaphore, #tpu.memory_space<semaphore_mem>>)
      %dma_wait3A = arith.constant 0 : i32
      %dma_wait3A_247 = tpu.memref_slice %arg6[%add3A_100, %dma_wait3A] : memref<100352x32xf32, #tpu.memory_space<hbm>> -> memref<196x32xf32, #tpu.memory_space<hbm>>
      %dma_wait3A_248 = arith.constant 0 : i32
      %dma_wait3A_249 = tpu.memref_slice %arg6[%add3A_100, %dma_wait3A_248] : memref<100352x32xf32, #tpu.memory_space<hbm>> -> memref<196x32xf32, #tpu.memory_space<hbm>>
      tpu.wait_dma2 semaphore(%run_scoped3A : memref<!tpu.dma_semaphore, #tpu.memory_space<semaphore_mem>>) src(%arg8 : memref<196x32xf32, #tpu.memory_space<vmem>>) dst(%dma_wait3A_249 : memref<196x32xf32, #tpu.memory_space<hbm>>)
      tpu.yield
    }) : () -> ()
    %mul3A_101 = arith.constant 3136 : i32
    %mul3A_102 = arith.muli %arg1, %mul3A_101 : i32
    %add3A_103 = arith.constant 588 : i32
    %add3A_104 = arith.addi %mul3A_102, %add3A_103 : i32
    "tpu.region"() ({
      %run_scoped3A = tpu.sem_alloc : memref<!tpu.dma_semaphore, #tpu.memory_space<semaphore_mem>>
      %dma_start3A = arith.constant 0 : i32
      %dma_start3A_244 = tpu.memref_slice %arg7[%add3A_104, %dma_start3A] : memref<50176x32xf32, #tpu.memory_space<vmem_shared>> -> memref<196x32xf32, #tpu.memory_space<vmem_shared>>
      %dma_start3A_245 = arith.constant 0 : i32
      %dma_start3A_246 = tpu.memref_slice %arg7[%add3A_104, %dma_start3A_245] : memref<50176x32xf32, #tpu.memory_space<vmem_shared>> -> memref<196x32xf32, #tpu.memory_space<vmem_shared>>
      tpu.enqueue_dma source(%dma_start3A_246 : memref<196x32xf32, #tpu.memory_space<vmem_shared>>) target(%arg8 : memref<196x32xf32, #tpu.memory_space<vmem>>) target_semaphore(%run_scoped3A : memref<!tpu.dma_semaphore, #tpu.memory_space<semaphore_mem>>)
      %dma_wait3A = arith.constant 0 : i32
      %dma_wait3A_247 = tpu.memref_slice %arg7[%add3A_104, %dma_wait3A] : memref<50176x32xf32, #tpu.memory_space<vmem_shared>> -> memref<196x32xf32, #tpu.memory_space<vmem_shared>>
      %dma_wait3A_248 = arith.constant 0 : i32
      %dma_wait3A_249 = tpu.memref_slice %arg7[%add3A_104, %dma_wait3A_248] : memref<50176x32xf32, #tpu.memory_space<vmem_shared>> -> memref<196x32xf32, #tpu.memory_space<vmem_shared>>
      tpu.wait_dma2 semaphore(%run_scoped3A : memref<!tpu.dma_semaphore, #tpu.memory_space<semaphore_mem>>) src(%dma_wait3A_249 : memref<196x32xf32, #tpu.memory_space<vmem_shared>>) dst(%arg8 : memref<196x32xf32, #tpu.memory_space<vmem>>)
      tpu.yield
    }) : () -> ()
    %mul3A_105 = arith.constant 50176 : i32
    %mul3A_106 = arith.muli %arg0, %mul3A_105 : i32
    %mul3A_107 = arith.constant 3136 : i32
    %mul3A_108 = arith.muli %arg1, %mul3A_107 : i32
    %add3A_109 = arith.addi %mul3A_106, %mul3A_108 : i32
    %add3A_110 = arith.constant 588 : i32
    %add3A_111 = arith.addi %add3A_109, %add3A_110 : i32
    "tpu.region"() ({
      %run_scoped3A = tpu.sem_alloc : memref<!tpu.dma_semaphore, #tpu.memory_space<semaphore_mem>>
      %dma_start3A = arith.constant 0 : i32
      %dma_start3A_244 = tpu.memref_slice %arg6[%add3A_111, %dma_start3A] : memref<100352x32xf32, #tpu.memory_space<hbm>> -> memref<196x32xf32, #tpu.memory_space<hbm>>
      %dma_start3A_245 = arith.constant 0 : i32
      %dma_start3A_246 = tpu.memref_slice %arg6[%add3A_111, %dma_start3A_245] : memref<100352x32xf32, #tpu.memory_space<hbm>> -> memref<196x32xf32, #tpu.memory_space<hbm>>
      tpu.enqueue_dma source(%arg8 : memref<196x32xf32, #tpu.memory_space<vmem>>) target(%dma_start3A_246 : memref<196x32xf32, #tpu.memory_space<hbm>>) target_semaphore(%run_scoped3A : memref<!tpu.dma_semaphore, #tpu.memory_space<semaphore_mem>>)
      %dma_wait3A = arith.constant 0 : i32
      %dma_wait3A_247 = tpu.memref_slice %arg6[%add3A_111, %dma_wait3A] : memref<100352x32xf32, #tpu.memory_space<hbm>> -> memref<196x32xf32, #tpu.memory_space<hbm>>
      %dma_wait3A_248 = arith.constant 0 : i32
      %dma_wait3A_249 = tpu.memref_slice %arg6[%add3A_111, %dma_wait3A_248] : memref<100352x32xf32, #tpu.memory_space<hbm>> -> memref<196x32xf32, #tpu.memory_space<hbm>>
      tpu.wait_dma2 semaphore(%run_scoped3A : memref<!tpu.dma_semaphore, #tpu.memory_space<semaphore_mem>>) src(%arg8 : memref<196x32xf32, #tpu.memory_space<vmem>>) dst(%dma_wait3A_249 : memref<196x32xf32, #tpu.memory_space<hbm>>)
      tpu.yield
    }) : () -> ()
    %mul3A_112 = arith.constant 3136 : i32
    %mul3A_113 = arith.muli %arg1, %mul3A_112 : i32
    %add3A_114 = arith.constant 784 : i32
    %add3A_115 = arith.addi %mul3A_113, %add3A_114 : i32
    "tpu.region"() ({
      %run_scoped3A = tpu.sem_alloc : memref<!tpu.dma_semaphore, #tpu.memory_space<semaphore_mem>>
      %dma_start3A = arith.constant 0 : i32
      %dma_start3A_244 = tpu.memref_slice %arg7[%add3A_115, %dma_start3A] : memref<50176x32xf32, #tpu.memory_space<vmem_shared>> -> memref<196x32xf32, #tpu.memory_space<vmem_shared>>
      %dma_start3A_245 = arith.constant 0 : i32
      %dma_start3A_246 = tpu.memref_slice %arg7[%add3A_115, %dma_start3A_245] : memref<50176x32xf32, #tpu.memory_space<vmem_shared>> -> memref<196x32xf32, #tpu.memory_space<vmem_shared>>
      tpu.enqueue_dma source(%dma_start3A_246 : memref<196x32xf32, #tpu.memory_space<vmem_shared>>) target(%arg8 : memref<196x32xf32, #tpu.memory_space<vmem>>) target_semaphore(%run_scoped3A : memref<!tpu.dma_semaphore, #tpu.memory_space<semaphore_mem>>)
      %dma_wait3A = arith.constant 0 : i32
      %dma_wait3A_247 = tpu.memref_slice %arg7[%add3A_115, %dma_wait3A] : memref<50176x32xf32, #tpu.memory_space<vmem_shared>> -> memref<196x32xf32, #tpu.memory_space<vmem_shared>>
      %dma_wait3A_248 = arith.constant 0 : i32
      %dma_wait3A_249 = tpu.memref_slice %arg7[%add3A_115, %dma_wait3A_248] : memref<50176x32xf32, #tpu.memory_space<vmem_shared>> -> memref<196x32xf32, #tpu.memory_space<vmem_shared>>
      tpu.wait_dma2 semaphore(%run_scoped3A : memref<!tpu.dma_semaphore, #tpu.memory_space<semaphore_mem>>) src(%dma_wait3A_249 : memref<196x32xf32, #tpu.memory_space<vmem_shared>>) dst(%arg8 : memref<196x32xf32, #tpu.memory_space<vmem>>)
      tpu.yield
    }) : () -> ()
    %mul3A_116 = arith.constant 50176 : i32
    %mul3A_117 = arith.muli %arg0, %mul3A_116 : i32
    %mul3A_118 = arith.constant 3136 : i32
    %mul3A_119 = arith.muli %arg1, %mul3A_118 : i32
    %add3A_120 = arith.addi %mul3A_117, %mul3A_119 : i32
    %add3A_121 = arith.constant 784 : i32
    %add3A_122 = arith.addi %add3A_120, %add3A_121 : i32
    "tpu.region"() ({
      %run_scoped3A = tpu.sem_alloc : memref<!tpu.dma_semaphore, #tpu.memory_space<semaphore_mem>>
      %dma_start3A = arith.constant 0 : i32
      %dma_start3A_244 = tpu.memref_slice %arg6[%add3A_122, %dma_start3A] : memref<100352x32xf32, #tpu.memory_space<hbm>> -> memref<196x32xf32, #tpu.memory_space<hbm>>
      %dma_start3A_245 = arith.constant 0 : i32
      %dma_start3A_246 = tpu.memref_slice %arg6[%add3A_122, %dma_start3A_245] : memref<100352x32xf32, #tpu.memory_space<hbm>> -> memref<196x32xf32, #tpu.memory_space<hbm>>
      tpu.enqueue_dma source(%arg8 : memref<196x32xf32, #tpu.memory_space<vmem>>) target(%dma_start3A_246 : memref<196x32xf32, #tpu.memory_space<hbm>>) target_semaphore(%run_scoped3A : memref<!tpu.dma_semaphore, #tpu.memory_space<semaphore_mem>>)
      %dma_wait3A = arith.constant 0 : i32
      %dma_wait3A_247 = tpu.memref_slice %arg6[%add3A_122, %dma_wait3A] : memref<100352x32xf32, #tpu.memory_space<hbm>> -> memref<196x32xf32, #tpu.memory_space<hbm>>
      %dma_wait3A_248 = arith.constant 0 : i32
      %dma_wait3A_249 = tpu.memref_slice %arg6[%add3A_122, %dma_wait3A_248] : memref<100352x32xf32, #tpu.memory_space<hbm>> -> memref<196x32xf32, #tpu.memory_space<hbm>>
      tpu.wait_dma2 semaphore(%run_scoped3A : memref<!tpu.dma_semaphore, #tpu.memory_space<semaphore_mem>>) src(%arg8 : memref<196x32xf32, #tpu.memory_space<vmem>>) dst(%dma_wait3A_249 : memref<196x32xf32, #tpu.memory_space<hbm>>)
      tpu.yield
    }) : () -> ()
    %mul3A_123 = arith.constant 3136 : i32
    %mul3A_124 = arith.muli %arg1, %mul3A_123 : i32
    %add3A_125 = arith.constant 980 : i32
    %add3A_126 = arith.addi %mul3A_124, %add3A_125 : i32
    "tpu.region"() ({
      %run_scoped3A = tpu.sem_alloc : memref<!tpu.dma_semaphore, #tpu.memory_space<semaphore_mem>>
      %dma_start3A = arith.constant 0 : i32
      %dma_start3A_244 = tpu.memref_slice %arg7[%add3A_126, %dma_start3A] : memref<50176x32xf32, #tpu.memory_space<vmem_shared>> -> memref<196x32xf32, #tpu.memory_space<vmem_shared>>
      %dma_start3A_245 = arith.constant 0 : i32
      %dma_start3A_246 = tpu.memref_slice %arg7[%add3A_126, %dma_start3A_245] : memref<50176x32xf32, #tpu.memory_space<vmem_shared>> -> memref<196x32xf32, #tpu.memory_space<vmem_shared>>
      tpu.enqueue_dma source(%dma_start3A_246 : memref<196x32xf32, #tpu.memory_space<vmem_shared>>) target(%arg8 : memref<196x32xf32, #tpu.memory_space<vmem>>) target_semaphore(%run_scoped3A : memref<!tpu.dma_semaphore, #tpu.memory_space<semaphore_mem>>)
      %dma_wait3A = arith.constant 0 : i32
      %dma_wait3A_247 = tpu.memref_slice %arg7[%add3A_126, %dma_wait3A] : memref<50176x32xf32, #tpu.memory_space<vmem_shared>> -> memref<196x32xf32, #tpu.memory_space<vmem_shared>>
      %dma_wait3A_248 = arith.constant 0 : i32
      %dma_wait3A_249 = tpu.memref_slice %arg7[%add3A_126, %dma_wait3A_248] : memref<50176x32xf32, #tpu.memory_space<vmem_shared>> -> memref<196x32xf32, #tpu.memory_space<vmem_shared>>
      tpu.wait_dma2 semaphore(%run_scoped3A : memref<!tpu.dma_semaphore, #tpu.memory_space<semaphore_mem>>) src(%dma_wait3A_249 : memref<196x32xf32, #tpu.memory_space<vmem_shared>>) dst(%arg8 : memref<196x32xf32, #tpu.memory_space<vmem>>)
      tpu.yield
    }) : () -> ()
    %mul3A_127 = arith.constant 50176 : i32
    %mul3A_128 = arith.muli %arg0, %mul3A_127 : i32
    %mul3A_129 = arith.constant 3136 : i32
    %mul3A_130 = arith.muli %arg1, %mul3A_129 : i32
    %add3A_131 = arith.addi %mul3A_128, %mul3A_130 : i32
    %add3A_132 = arith.constant 980 : i32
    %add3A_133 = arith.addi %add3A_131, %add3A_132 : i32
    "tpu.region"() ({
      %run_scoped3A = tpu.sem_alloc : memref<!tpu.dma_semaphore, #tpu.memory_space<semaphore_mem>>
      %dma_start3A = arith.constant 0 : i32
      %dma_start3A_244 = tpu.memref_slice %arg6[%add3A_133, %dma_start3A] : memref<100352x32xf32, #tpu.memory_space<hbm>> -> memref<196x32xf32, #tpu.memory_space<hbm>>
      %dma_start3A_245 = arith.constant 0 : i32
      %dma_start3A_246 = tpu.memref_slice %arg6[%add3A_133, %dma_start3A_245] : memref<100352x32xf32, #tpu.memory_space<hbm>> -> memref<196x32xf32, #tpu.memory_space<hbm>>
      tpu.enqueue_dma source(%arg8 : memref<196x32xf32, #tpu.memory_space<vmem>>) target(%dma_start3A_246 : memref<196x32xf32, #tpu.memory_space<hbm>>) target_semaphore(%run_scoped3A : memref<!tpu.dma_semaphore, #tpu.memory_space<semaphore_mem>>)
      %dma_wait3A = arith.constant 0 : i32
      %dma_wait3A_247 = tpu.memref_slice %arg6[%add3A_133, %dma_wait3A] : memref<100352x32xf32, #tpu.memory_space<hbm>> -> memref<196x32xf32, #tpu.memory_space<hbm>>
      %dma_wait3A_248 = arith.constant 0 : i32
      %dma_wait3A_249 = tpu.memref_slice %arg6[%add3A_133, %dma_wait3A_248] : memref<100352x32xf32, #tpu.memory_space<hbm>> -> memref<196x32xf32, #tpu.memory_space<hbm>>
      tpu.wait_dma2 semaphore(%run_scoped3A : memref<!tpu.dma_semaphore, #tpu.memory_space<semaphore_mem>>) src(%arg8 : memref<196x32xf32, #tpu.memory_space<vmem>>) dst(%dma_wait3A_249 : memref<196x32xf32, #tpu.memory_space<hbm>>)
      tpu.yield
    }) : () -> ()
    %mul3A_134 = arith.constant 3136 : i32
    %mul3A_135 = arith.muli %arg1, %mul3A_134 : i32
    %add3A_136 = arith.constant 1176 : i32
    %add3A_137 = arith.addi %mul3A_135, %add3A_136 : i32
    "tpu.region"() ({
      %run_scoped3A = tpu.sem_alloc : memref<!tpu.dma_semaphore, #tpu.memory_space<semaphore_mem>>
      %dma_start3A = arith.constant 0 : i32
      %dma_start3A_244 = tpu.memref_slice %arg7[%add3A_137, %dma_start3A] : memref<50176x32xf32, #tpu.memory_space<vmem_shared>> -> memref<196x32xf32, #tpu.memory_space<vmem_shared>>
      %dma_start3A_245 = arith.constant 0 : i32
      %dma_start3A_246 = tpu.memref_slice %arg7[%add3A_137, %dma_start3A_245] : memref<50176x32xf32, #tpu.memory_space<vmem_shared>> -> memref<196x32xf32, #tpu.memory_space<vmem_shared>>
      tpu.enqueue_dma source(%dma_start3A_246 : memref<196x32xf32, #tpu.memory_space<vmem_shared>>) target(%arg8 : memref<196x32xf32, #tpu.memory_space<vmem>>) target_semaphore(%run_scoped3A : memref<!tpu.dma_semaphore, #tpu.memory_space<semaphore_mem>>)
      %dma_wait3A = arith.constant 0 : i32
      %dma_wait3A_247 = tpu.memref_slice %arg7[%add3A_137, %dma_wait3A] : memref<50176x32xf32, #tpu.memory_space<vmem_shared>> -> memref<196x32xf32, #tpu.memory_space<vmem_shared>>
      %dma_wait3A_248 = arith.constant 0 : i32
      %dma_wait3A_249 = tpu.memref_slice %arg7[%add3A_137, %dma_wait3A_248] : memref<50176x32xf32, #tpu.memory_space<vmem_shared>> -> memref<196x32xf32, #tpu.memory_space<vmem_shared>>
      tpu.wait_dma2 semaphore(%run_scoped3A : memref<!tpu.dma_semaphore, #tpu.memory_space<semaphore_mem>>) src(%dma_wait3A_249 : memref<196x32xf32, #tpu.memory_space<vmem_shared>>) dst(%arg8 : memref<196x32xf32, #tpu.memory_space<vmem>>)
      tpu.yield
    }) : () -> ()
    %mul3A_138 = arith.constant 50176 : i32
    %mul3A_139 = arith.muli %arg0, %mul3A_138 : i32
    %mul3A_140 = arith.constant 3136 : i32
    %mul3A_141 = arith.muli %arg1, %mul3A_140 : i32
    %add3A_142 = arith.addi %mul3A_139, %mul3A_141 : i32
    %add3A_143 = arith.constant 1176 : i32
    %add3A_144 = arith.addi %add3A_142, %add3A_143 : i32
    "tpu.region"() ({
      %run_scoped3A = tpu.sem_alloc : memref<!tpu.dma_semaphore, #tpu.memory_space<semaphore_mem>>
      %dma_start3A = arith.constant 0 : i32
      %dma_start3A_244 = tpu.memref_slice %arg6[%add3A_144, %dma_start3A] : memref<100352x32xf32, #tpu.memory_space<hbm>> -> memref<196x32xf32, #tpu.memory_space<hbm>>
      %dma_start3A_245 = arith.constant 0 : i32
      %dma_start3A_246 = tpu.memref_slice %arg6[%add3A_144, %dma_start3A_245] : memref<100352x32xf32, #tpu.memory_space<hbm>> -> memref<196x32xf32, #tpu.memory_space<hbm>>
      tpu.enqueue_dma source(%arg8 : memref<196x32xf32, #tpu.memory_space<vmem>>) target(%dma_start3A_246 : memref<196x32xf32, #tpu.memory_space<hbm>>) target_semaphore(%run_scoped3A : memref<!tpu.dma_semaphore, #tpu.memory_space<semaphore_mem>>)
      %dma_wait3A = arith.constant 0 : i32
      %dma_wait3A_247 = tpu.memref_slice %arg6[%add3A_144, %dma_wait3A] : memref<100352x32xf32, #tpu.memory_space<hbm>> -> memref<196x32xf32, #tpu.memory_space<hbm>>
      %dma_wait3A_248 = arith.constant 0 : i32
      %dma_wait3A_249 = tpu.memref_slice %arg6[%add3A_144, %dma_wait3A_248] : memref<100352x32xf32, #tpu.memory_space<hbm>> -> memref<196x32xf32, #tpu.memory_space<hbm>>
      tpu.wait_dma2 semaphore(%run_scoped3A : memref<!tpu.dma_semaphore, #tpu.memory_space<semaphore_mem>>) src(%arg8 : memref<196x32xf32, #tpu.memory_space<vmem>>) dst(%dma_wait3A_249 : memref<196x32xf32, #tpu.memory_space<hbm>>)
      tpu.yield
    }) : () -> ()
    %mul3A_145 = arith.constant 3136 : i32
    %mul3A_146 = arith.muli %arg1, %mul3A_145 : i32
    %add3A_147 = arith.constant 1372 : i32
    %add3A_148 = arith.addi %mul3A_146, %add3A_147 : i32
    "tpu.region"() ({
      %run_scoped3A = tpu.sem_alloc : memref<!tpu.dma_semaphore, #tpu.memory_space<semaphore_mem>>
      %dma_start3A = arith.constant 0 : i32
      %dma_start3A_244 = tpu.memref_slice %arg7[%add3A_148, %dma_start3A] : memref<50176x32xf32, #tpu.memory_space<vmem_shared>> -> memref<196x32xf32, #tpu.memory_space<vmem_shared>>
      %dma_start3A_245 = arith.constant 0 : i32
      %dma_start3A_246 = tpu.memref_slice %arg7[%add3A_148, %dma_start3A_245] : memref<50176x32xf32, #tpu.memory_space<vmem_shared>> -> memref<196x32xf32, #tpu.memory_space<vmem_shared>>
      tpu.enqueue_dma source(%dma_start3A_246 : memref<196x32xf32, #tpu.memory_space<vmem_shared>>) target(%arg8 : memref<196x32xf32, #tpu.memory_space<vmem>>) target_semaphore(%run_scoped3A : memref<!tpu.dma_semaphore, #tpu.memory_space<semaphore_mem>>)
      %dma_wait3A = arith.constant 0 : i32
      %dma_wait3A_247 = tpu.memref_slice %arg7[%add3A_148, %dma_wait3A] : memref<50176x32xf32, #tpu.memory_space<vmem_shared>> -> memref<196x32xf32, #tpu.memory_space<vmem_shared>>
      %dma_wait3A_248 = arith.constant 0 : i32
      %dma_wait3A_249 = tpu.memref_slice %arg7[%add3A_148, %dma_wait3A_248] : memref<50176x32xf32, #tpu.memory_space<vmem_shared>> -> memref<196x32xf32, #tpu.memory_space<vmem_shared>>
      tpu.wait_dma2 semaphore(%run_scoped3A : memref<!tpu.dma_semaphore, #tpu.memory_space<semaphore_mem>>) src(%dma_wait3A_249 : memref<196x32xf32, #tpu.memory_space<vmem_shared>>) dst(%arg8 : memref<196x32xf32, #tpu.memory_space<vmem>>)
      tpu.yield
    }) : () -> ()
    %mul3A_149 = arith.constant 50176 : i32
    %mul3A_150 = arith.muli %arg0, %mul3A_149 : i32
    %mul3A_151 = arith.constant 3136 : i32
    %mul3A_152 = arith.muli %arg1, %mul3A_151 : i32
    %add3A_153 = arith.addi %mul3A_150, %mul3A_152 : i32
    %add3A_154 = arith.constant 1372 : i32
    %add3A_155 = arith.addi %add3A_153, %add3A_154 : i32
    "tpu.region"() ({
      %run_scoped3A = tpu.sem_alloc : memref<!tpu.dma_semaphore, #tpu.memory_space<semaphore_mem>>
      %dma_start3A = arith.constant 0 : i32
      %dma_start3A_244 = tpu.memref_slice %arg6[%add3A_155, %dma_start3A] : memref<100352x32xf32, #tpu.memory_space<hbm>> -> memref<196x32xf32, #tpu.memory_space<hbm>>
      %dma_start3A_245 = arith.constant 0 : i32
      %dma_start3A_246 = tpu.memref_slice %arg6[%add3A_155, %dma_start3A_245] : memref<100352x32xf32, #tpu.memory_space<hbm>> -> memref<196x32xf32, #tpu.memory_space<hbm>>
      tpu.enqueue_dma source(%arg8 : memref<196x32xf32, #tpu.memory_space<vmem>>) target(%dma_start3A_246 : memref<196x32xf32, #tpu.memory_space<hbm>>) target_semaphore(%run_scoped3A : memref<!tpu.dma_semaphore, #tpu.memory_space<semaphore_mem>>)
      %dma_wait3A = arith.constant 0 : i32
      %dma_wait3A_247 = tpu.memref_slice %arg6[%add3A_155, %dma_wait3A] : memref<100352x32xf32, #tpu.memory_space<hbm>> -> memref<196x32xf32, #tpu.memory_space<hbm>>
      %dma_wait3A_248 = arith.constant 0 : i32
      %dma_wait3A_249 = tpu.memref_slice %arg6[%add3A_155, %dma_wait3A_248] : memref<100352x32xf32, #tpu.memory_space<hbm>> -> memref<196x32xf32, #tpu.memory_space<hbm>>
      tpu.wait_dma2 semaphore(%run_scoped3A : memref<!tpu.dma_semaphore, #tpu.memory_space<semaphore_mem>>) src(%arg8 : memref<196x32xf32, #tpu.memory_space<vmem>>) dst(%dma_wait3A_249 : memref<196x32xf32, #tpu.memory_space<hbm>>)
      tpu.yield
    }) : () -> ()
    %mul3A_156 = arith.constant 3136 : i32
    %mul3A_157 = arith.muli %arg1, %mul3A_156 : i32
    %add3A_158 = arith.constant 1568 : i32
    %add3A_159 = arith.addi %mul3A_157, %add3A_158 : i32
    "tpu.region"() ({
      %run_scoped3A = tpu.sem_alloc : memref<!tpu.dma_semaphore, #tpu.memory_space<semaphore_mem>>
      %dma_start3A = arith.constant 0 : i32
      %dma_start3A_244 = tpu.memref_slice %arg7[%add3A_159, %dma_start3A] : memref<50176x32xf32, #tpu.memory_space<vmem_shared>> -> memref<196x32xf32, #tpu.memory_space<vmem_shared>>
      %dma_start3A_245 = arith.constant 0 : i32
      %dma_start3A_246 = tpu.memref_slice %arg7[%add3A_159, %dma_start3A_245] : memref<50176x32xf32, #tpu.memory_space<vmem_shared>> -> memref<196x32xf32, #tpu.memory_space<vmem_shared>>
      tpu.enqueue_dma source(%dma_start3A_246 : memref<196x32xf32, #tpu.memory_space<vmem_shared>>) target(%arg8 : memref<196x32xf32, #tpu.memory_space<vmem>>) target_semaphore(%run_scoped3A : memref<!tpu.dma_semaphore, #tpu.memory_space<semaphore_mem>>)
      %dma_wait3A = arith.constant 0 : i32
      %dma_wait3A_247 = tpu.memref_slice %arg7[%add3A_159, %dma_wait3A] : memref<50176x32xf32, #tpu.memory_space<vmem_shared>> -> memref<196x32xf32, #tpu.memory_space<vmem_shared>>
      %dma_wait3A_248 = arith.constant 0 : i32
      %dma_wait3A_249 = tpu.memref_slice %arg7[%add3A_159, %dma_wait3A_248] : memref<50176x32xf32, #tpu.memory_space<vmem_shared>> -> memref<196x32xf32, #tpu.memory_space<vmem_shared>>
      tpu.wait_dma2 semaphore(%run_scoped3A : memref<!tpu.dma_semaphore, #tpu.memory_space<semaphore_mem>>) src(%dma_wait3A_249 : memref<196x32xf32, #tpu.memory_space<vmem_shared>>) dst(%arg8 : memref<196x32xf32, #tpu.memory_space<vmem>>)
      tpu.yield
    }) : () -> ()
    %mul3A_160 = arith.constant 50176 : i32
    %mul3A_161 = arith.muli %arg0, %mul3A_160 : i32
    %mul3A_162 = arith.constant 3136 : i32
    %mul3A_163 = arith.muli %arg1, %mul3A_162 : i32
    %add3A_164 = arith.addi %mul3A_161, %mul3A_163 : i32
    %add3A_165 = arith.constant 1568 : i32
    %add3A_166 = arith.addi %add3A_164, %add3A_165 : i32
    "tpu.region"() ({
      %run_scoped3A = tpu.sem_alloc : memref<!tpu.dma_semaphore, #tpu.memory_space<semaphore_mem>>
      %dma_start3A = arith.constant 0 : i32
      %dma_start3A_244 = tpu.memref_slice %arg6[%add3A_166, %dma_start3A] : memref<100352x32xf32, #tpu.memory_space<hbm>> -> memref<196x32xf32, #tpu.memory_space<hbm>>
      %dma_start3A_245 = arith.constant 0 : i32
      %dma_start3A_246 = tpu.memref_slice %arg6[%add3A_166, %dma_start3A_245] : memref<100352x32xf32, #tpu.memory_space<hbm>> -> memref<196x32xf32, #tpu.memory_space<hbm>>
      tpu.enqueue_dma source(%arg8 : memref<196x32xf32, #tpu.memory_space<vmem>>) target(%dma_start3A_246 : memref<196x32xf32, #tpu.memory_space<hbm>>) target_semaphore(%run_scoped3A : memref<!tpu.dma_semaphore, #tpu.memory_space<semaphore_mem>>)
      %dma_wait3A = arith.constant 0 : i32
      %dma_wait3A_247 = tpu.memref_slice %arg6[%add3A_166, %dma_wait3A] : memref<100352x32xf32, #tpu.memory_space<hbm>> -> memref<196x32xf32, #tpu.memory_space<hbm>>
      %dma_wait3A_248 = arith.constant 0 : i32
      %dma_wait3A_249 = tpu.memref_slice %arg6[%add3A_166, %dma_wait3A_248] : memref<100352x32xf32, #tpu.memory_space<hbm>> -> memref<196x32xf32, #tpu.memory_space<hbm>>
      tpu.wait_dma2 semaphore(%run_scoped3A : memref<!tpu.dma_semaphore, #tpu.memory_space<semaphore_mem>>) src(%arg8 : memref<196x32xf32, #tpu.memory_space<vmem>>) dst(%dma_wait3A_249 : memref<196x32xf32, #tpu.memory_space<hbm>>)
      tpu.yield
    }) : () -> ()
    %mul3A_167 = arith.constant 3136 : i32
    %mul3A_168 = arith.muli %arg1, %mul3A_167 : i32
    %add3A_169 = arith.constant 1764 : i32
    %add3A_170 = arith.addi %mul3A_168, %add3A_169 : i32
    "tpu.region"() ({
      %run_scoped3A = tpu.sem_alloc : memref<!tpu.dma_semaphore, #tpu.memory_space<semaphore_mem>>
      %dma_start3A = arith.constant 0 : i32
      %dma_start3A_244 = tpu.memref_slice %arg7[%add3A_170, %dma_start3A] : memref<50176x32xf32, #tpu.memory_space<vmem_shared>> -> memref<196x32xf32, #tpu.memory_space<vmem_shared>>
      %dma_start3A_245 = arith.constant 0 : i32
      %dma_start3A_246 = tpu.memref_slice %arg7[%add3A_170, %dma_start3A_245] : memref<50176x32xf32, #tpu.memory_space<vmem_shared>> -> memref<196x32xf32, #tpu.memory_space<vmem_shared>>
      tpu.enqueue_dma source(%dma_start3A_246 : memref<196x32xf32, #tpu.memory_space<vmem_shared>>) target(%arg8 : memref<196x32xf32, #tpu.memory_space<vmem>>) target_semaphore(%run_scoped3A : memref<!tpu.dma_semaphore, #tpu.memory_space<semaphore_mem>>)
      %dma_wait3A = arith.constant 0 : i32
      %dma_wait3A_247 = tpu.memref_slice %arg7[%add3A_170, %dma_wait3A] : memref<50176x32xf32, #tpu.memory_space<vmem_shared>> -> memref<196x32xf32, #tpu.memory_space<vmem_shared>>
      %dma_wait3A_248 = arith.constant 0 : i32
      %dma_wait3A_249 = tpu.memref_slice %arg7[%add3A_170, %dma_wait3A_248] : memref<50176x32xf32, #tpu.memory_space<vmem_shared>> -> memref<196x32xf32, #tpu.memory_space<vmem_shared>>
      tpu.wait_dma2 semaphore(%run_scoped3A : memref<!tpu.dma_semaphore, #tpu.memory_space<semaphore_mem>>) src(%dma_wait3A_249 : memref<196x32xf32, #tpu.memory_space<vmem_shared>>) dst(%arg8 : memref<196x32xf32, #tpu.memory_space<vmem>>)
      tpu.yield
    }) : () -> ()
    %mul3A_171 = arith.constant 50176 : i32
    %mul3A_172 = arith.muli %arg0, %mul3A_171 : i32
    %mul3A_173 = arith.constant 3136 : i32
    %mul3A_174 = arith.muli %arg1, %mul3A_173 : i32
    %add3A_175 = arith.addi %mul3A_172, %mul3A_174 : i32
    %add3A_176 = arith.constant 1764 : i32
    %add3A_177 = arith.addi %add3A_175, %add3A_176 : i32
    "tpu.region"() ({
      %run_scoped3A = tpu.sem_alloc : memref<!tpu.dma_semaphore, #tpu.memory_space<semaphore_mem>>
      %dma_start3A = arith.constant 0 : i32
      %dma_start3A_244 = tpu.memref_slice %arg6[%add3A_177, %dma_start3A] : memref<100352x32xf32, #tpu.memory_space<hbm>> -> memref<196x32xf32, #tpu.memory_space<hbm>>
      %dma_start3A_245 = arith.constant 0 : i32
      %dma_start3A_246 = tpu.memref_slice %arg6[%add3A_177, %dma_start3A_245] : memref<100352x32xf32, #tpu.memory_space<hbm>> -> memref<196x32xf32, #tpu.memory_space<hbm>>
      tpu.enqueue_dma source(%arg8 : memref<196x32xf32, #tpu.memory_space<vmem>>) target(%dma_start3A_246 : memref<196x32xf32, #tpu.memory_space<hbm>>) target_semaphore(%run_scoped3A : memref<!tpu.dma_semaphore, #tpu.memory_space<semaphore_mem>>)
      %dma_wait3A = arith.constant 0 : i32
      %dma_wait3A_247 = tpu.memref_slice %arg6[%add3A_177, %dma_wait3A] : memref<100352x32xf32, #tpu.memory_space<hbm>> -> memref<196x32xf32, #tpu.memory_space<hbm>>
      %dma_wait3A_248 = arith.constant 0 : i32
      %dma_wait3A_249 = tpu.memref_slice %arg6[%add3A_177, %dma_wait3A_248] : memref<100352x32xf32, #tpu.memory_space<hbm>> -> memref<196x32xf32, #tpu.memory_space<hbm>>
      tpu.wait_dma2 semaphore(%run_scoped3A : memref<!tpu.dma_semaphore, #tpu.memory_space<semaphore_mem>>) src(%arg8 : memref<196x32xf32, #tpu.memory_space<vmem>>) dst(%dma_wait3A_249 : memref<196x32xf32, #tpu.memory_space<hbm>>)
      tpu.yield
    }) : () -> ()
    %mul3A_178 = arith.constant 3136 : i32
    %mul3A_179 = arith.muli %arg1, %mul3A_178 : i32
    %add3A_180 = arith.constant 1960 : i32
    %add3A_181 = arith.addi %mul3A_179, %add3A_180 : i32
    "tpu.region"() ({
      %run_scoped3A = tpu.sem_alloc : memref<!tpu.dma_semaphore, #tpu.memory_space<semaphore_mem>>
      %dma_start3A = arith.constant 0 : i32
      %dma_start3A_244 = tpu.memref_slice %arg7[%add3A_181, %dma_start3A] : memref<50176x32xf32, #tpu.memory_space<vmem_shared>> -> memref<196x32xf32, #tpu.memory_space<vmem_shared>>
      %dma_start3A_245 = arith.constant 0 : i32
      %dma_start3A_246 = tpu.memref_slice %arg7[%add3A_181, %dma_start3A_245] : memref<50176x32xf32, #tpu.memory_space<vmem_shared>> -> memref<196x32xf32, #tpu.memory_space<vmem_shared>>
      tpu.enqueue_dma source(%dma_start3A_246 : memref<196x32xf32, #tpu.memory_space<vmem_shared>>) target(%arg8 : memref<196x32xf32, #tpu.memory_space<vmem>>) target_semaphore(%run_scoped3A : memref<!tpu.dma_semaphore, #tpu.memory_space<semaphore_mem>>)
      %dma_wait3A = arith.constant 0 : i32
      %dma_wait3A_247 = tpu.memref_slice %arg7[%add3A_181, %dma_wait3A] : memref<50176x32xf32, #tpu.memory_space<vmem_shared>> -> memref<196x32xf32, #tpu.memory_space<vmem_shared>>
      %dma_wait3A_248 = arith.constant 0 : i32
      %dma_wait3A_249 = tpu.memref_slice %arg7[%add3A_181, %dma_wait3A_248] : memref<50176x32xf32, #tpu.memory_space<vmem_shared>> -> memref<196x32xf32, #tpu.memory_space<vmem_shared>>
      tpu.wait_dma2 semaphore(%run_scoped3A : memref<!tpu.dma_semaphore, #tpu.memory_space<semaphore_mem>>) src(%dma_wait3A_249 : memref<196x32xf32, #tpu.memory_space<vmem_shared>>) dst(%arg8 : memref<196x32xf32, #tpu.memory_space<vmem>>)
      tpu.yield
    }) : () -> ()
    %mul3A_182 = arith.constant 50176 : i32
    %mul3A_183 = arith.muli %arg0, %mul3A_182 : i32
    %mul3A_184 = arith.constant 3136 : i32
    %mul3A_185 = arith.muli %arg1, %mul3A_184 : i32
    %add3A_186 = arith.addi %mul3A_183, %mul3A_185 : i32
    %add3A_187 = arith.constant 1960 : i32
    %add3A_188 = arith.addi %add3A_186, %add3A_187 : i32
    "tpu.region"() ({
      %run_scoped3A = tpu.sem_alloc : memref<!tpu.dma_semaphore, #tpu.memory_space<semaphore_mem>>
      %dma_start3A = arith.constant 0 : i32
      %dma_start3A_244 = tpu.memref_slice %arg6[%add3A_188, %dma_start3A] : memref<100352x32xf32, #tpu.memory_space<hbm>> -> memref<196x32xf32, #tpu.memory_space<hbm>>
      %dma_start3A_245 = arith.constant 0 : i32
      %dma_start3A_246 = tpu.memref_slice %arg6[%add3A_188, %dma_start3A_245] : memref<100352x32xf32, #tpu.memory_space<hbm>> -> memref<196x32xf32, #tpu.memory_space<hbm>>
      tpu.enqueue_dma source(%arg8 : memref<196x32xf32, #tpu.memory_space<vmem>>) target(%dma_start3A_246 : memref<196x32xf32, #tpu.memory_space<hbm>>) target_semaphore(%run_scoped3A : memref<!tpu.dma_semaphore, #tpu.memory_space<semaphore_mem>>)
      %dma_wait3A = arith.constant 0 : i32
      %dma_wait3A_247 = tpu.memref_slice %arg6[%add3A_188, %dma_wait3A] : memref<100352x32xf32, #tpu.memory_space<hbm>> -> memref<196x32xf32, #tpu.memory_space<hbm>>
      %dma_wait3A_248 = arith.constant 0 : i32
      %dma_wait3A_249 = tpu.memref_slice %arg6[%add3A_188, %dma_wait3A_248] : memref<100352x32xf32, #tpu.memory_space<hbm>> -> memref<196x32xf32, #tpu.memory_space<hbm>>
      tpu.wait_dma2 semaphore(%run_scoped3A : memref<!tpu.dma_semaphore, #tpu.memory_space<semaphore_mem>>) src(%arg8 : memref<196x32xf32, #tpu.memory_space<vmem>>) dst(%dma_wait3A_249 : memref<196x32xf32, #tpu.memory_space<hbm>>)
      tpu.yield
    }) : () -> ()
    %mul3A_189 = arith.constant 3136 : i32
    %mul3A_190 = arith.muli %arg1, %mul3A_189 : i32
    %add3A_191 = arith.constant 2156 : i32
    %add3A_192 = arith.addi %mul3A_190, %add3A_191 : i32
    "tpu.region"() ({
      %run_scoped3A = tpu.sem_alloc : memref<!tpu.dma_semaphore, #tpu.memory_space<semaphore_mem>>
      %dma_start3A = arith.constant 0 : i32
      %dma_start3A_244 = tpu.memref_slice %arg7[%add3A_192, %dma_start3A] : memref<50176x32xf32, #tpu.memory_space<vmem_shared>> -> memref<196x32xf32, #tpu.memory_space<vmem_shared>>
      %dma_start3A_245 = arith.constant 0 : i32
      %dma_start3A_246 = tpu.memref_slice %arg7[%add3A_192, %dma_start3A_245] : memref<50176x32xf32, #tpu.memory_space<vmem_shared>> -> memref<196x32xf32, #tpu.memory_space<vmem_shared>>
      tpu.enqueue_dma source(%dma_start3A_246 : memref<196x32xf32, #tpu.memory_space<vmem_shared>>) target(%arg8 : memref<196x32xf32, #tpu.memory_space<vmem>>) target_semaphore(%run_scoped3A : memref<!tpu.dma_semaphore, #tpu.memory_space<semaphore_mem>>)
      %dma_wait3A = arith.constant 0 : i32
      %dma_wait3A_247 = tpu.memref_slice %arg7[%add3A_192, %dma_wait3A] : memref<50176x32xf32, #tpu.memory_space<vmem_shared>> -> memref<196x32xf32, #tpu.memory_space<vmem_shared>>
      %dma_wait3A_248 = arith.constant 0 : i32
      %dma_wait3A_249 = tpu.memref_slice %arg7[%add3A_192, %dma_wait3A_248] : memref<50176x32xf32, #tpu.memory_space<vmem_shared>> -> memref<196x32xf32, #tpu.memory_space<vmem_shared>>
      tpu.wait_dma2 semaphore(%run_scoped3A : memref<!tpu.dma_semaphore, #tpu.memory_space<semaphore_mem>>) src(%dma_wait3A_249 : memref<196x32xf32, #tpu.memory_space<vmem_shared>>) dst(%arg8 : memref<196x32xf32, #tpu.memory_space<vmem>>)
      tpu.yield
    }) : () -> ()
    %mul3A_193 = arith.constant 50176 : i32
    %mul3A_194 = arith.muli %arg0, %mul3A_193 : i32
    %mul3A_195 = arith.constant 3136 : i32
    %mul3A_196 = arith.muli %arg1, %mul3A_195 : i32
    %add3A_197 = arith.addi %mul3A_194, %mul3A_196 : i32
    %add3A_198 = arith.constant 2156 : i32
    %add3A_199 = arith.addi %add3A_197, %add3A_198 : i32
    "tpu.region"() ({
      %run_scoped3A = tpu.sem_alloc : memref<!tpu.dma_semaphore, #tpu.memory_space<semaphore_mem>>
      %dma_start3A = arith.constant 0 : i32
      %dma_start3A_244 = tpu.memref_slice %arg6[%add3A_199, %dma_start3A] : memref<100352x32xf32, #tpu.memory_space<hbm>> -> memref<196x32xf32, #tpu.memory_space<hbm>>
      %dma_start3A_245 = arith.constant 0 : i32
      %dma_start3A_246 = tpu.memref_slice %arg6[%add3A_199, %dma_start3A_245] : memref<100352x32xf32, #tpu.memory_space<hbm>> -> memref<196x32xf32, #tpu.memory_space<hbm>>
      tpu.enqueue_dma source(%arg8 : memref<196x32xf32, #tpu.memory_space<vmem>>) target(%dma_start3A_246 : memref<196x32xf32, #tpu.memory_space<hbm>>) target_semaphore(%run_scoped3A : memref<!tpu.dma_semaphore, #tpu.memory_space<semaphore_mem>>)
      %dma_wait3A = arith.constant 0 : i32
      %dma_wait3A_247 = tpu.memref_slice %arg6[%add3A_199, %dma_wait3A] : memref<100352x32xf32, #tpu.memory_space<hbm>> -> memref<196x32xf32, #tpu.memory_space<hbm>>
      %dma_wait3A_248 = arith.constant 0 : i32
      %dma_wait3A_249 = tpu.memref_slice %arg6[%add3A_199, %dma_wait3A_248] : memref<100352x32xf32, #tpu.memory_space<hbm>> -> memref<196x32xf32, #tpu.memory_space<hbm>>
      tpu.wait_dma2 semaphore(%run_scoped3A : memref<!tpu.dma_semaphore, #tpu.memory_space<semaphore_mem>>) src(%arg8 : memref<196x32xf32, #tpu.memory_space<vmem>>) dst(%dma_wait3A_249 : memref<196x32xf32, #tpu.memory_space<hbm>>)
      tpu.yield
    }) : () -> ()
    %mul3A_200 = arith.constant 3136 : i32
    %mul3A_201 = arith.muli %arg1, %mul3A_200 : i32
    %add3A_202 = arith.constant 2352 : i32
    %add3A_203 = arith.addi %mul3A_201, %add3A_202 : i32
    "tpu.region"() ({
      %run_scoped3A = tpu.sem_alloc : memref<!tpu.dma_semaphore, #tpu.memory_space<semaphore_mem>>
      %dma_start3A = arith.constant 0 : i32
      %dma_start3A_244 = tpu.memref_slice %arg7[%add3A_203, %dma_start3A] : memref<50176x32xf32, #tpu.memory_space<vmem_shared>> -> memref<196x32xf32, #tpu.memory_space<vmem_shared>>
      %dma_start3A_245 = arith.constant 0 : i32
      %dma_start3A_246 = tpu.memref_slice %arg7[%add3A_203, %dma_start3A_245] : memref<50176x32xf32, #tpu.memory_space<vmem_shared>> -> memref<196x32xf32, #tpu.memory_space<vmem_shared>>
      tpu.enqueue_dma source(%dma_start3A_246 : memref<196x32xf32, #tpu.memory_space<vmem_shared>>) target(%arg8 : memref<196x32xf32, #tpu.memory_space<vmem>>) target_semaphore(%run_scoped3A : memref<!tpu.dma_semaphore, #tpu.memory_space<semaphore_mem>>)
      %dma_wait3A = arith.constant 0 : i32
      %dma_wait3A_247 = tpu.memref_slice %arg7[%add3A_203, %dma_wait3A] : memref<50176x32xf32, #tpu.memory_space<vmem_shared>> -> memref<196x32xf32, #tpu.memory_space<vmem_shared>>
      %dma_wait3A_248 = arith.constant 0 : i32
      %dma_wait3A_249 = tpu.memref_slice %arg7[%add3A_203, %dma_wait3A_248] : memref<50176x32xf32, #tpu.memory_space<vmem_shared>> -> memref<196x32xf32, #tpu.memory_space<vmem_shared>>
      tpu.wait_dma2 semaphore(%run_scoped3A : memref<!tpu.dma_semaphore, #tpu.memory_space<semaphore_mem>>) src(%dma_wait3A_249 : memref<196x32xf32, #tpu.memory_space<vmem_shared>>) dst(%arg8 : memref<196x32xf32, #tpu.memory_space<vmem>>)
      tpu.yield
    }) : () -> ()
    %mul3A_204 = arith.constant 50176 : i32
    %mul3A_205 = arith.muli %arg0, %mul3A_204 : i32
    %mul3A_206 = arith.constant 3136 : i32
    %mul3A_207 = arith.muli %arg1, %mul3A_206 : i32
    %add3A_208 = arith.addi %mul3A_205, %mul3A_207 : i32
    %add3A_209 = arith.constant 2352 : i32
    %add3A_210 = arith.addi %add3A_208, %add3A_209 : i32
    "tpu.region"() ({
      %run_scoped3A = tpu.sem_alloc : memref<!tpu.dma_semaphore, #tpu.memory_space<semaphore_mem>>
      %dma_start3A = arith.constant 0 : i32
      %dma_start3A_244 = tpu.memref_slice %arg6[%add3A_210, %dma_start3A] : memref<100352x32xf32, #tpu.memory_space<hbm>> -> memref<196x32xf32, #tpu.memory_space<hbm>>
      %dma_start3A_245 = arith.constant 0 : i32
      %dma_start3A_246 = tpu.memref_slice %arg6[%add3A_210, %dma_start3A_245] : memref<100352x32xf32, #tpu.memory_space<hbm>> -> memref<196x32xf32, #tpu.memory_space<hbm>>
      tpu.enqueue_dma source(%arg8 : memref<196x32xf32, #tpu.memory_space<vmem>>) target(%dma_start3A_246 : memref<196x32xf32, #tpu.memory_space<hbm>>) target_semaphore(%run_scoped3A : memref<!tpu.dma_semaphore, #tpu.memory_space<semaphore_mem>>)
      %dma_wait3A = arith.constant 0 : i32
      %dma_wait3A_247 = tpu.memref_slice %arg6[%add3A_210, %dma_wait3A] : memref<100352x32xf32, #tpu.memory_space<hbm>> -> memref<196x32xf32, #tpu.memory_space<hbm>>
      %dma_wait3A_248 = arith.constant 0 : i32
      %dma_wait3A_249 = tpu.memref_slice %arg6[%add3A_210, %dma_wait3A_248] : memref<100352x32xf32, #tpu.memory_space<hbm>> -> memref<196x32xf32, #tpu.memory_space<hbm>>
      tpu.wait_dma2 semaphore(%run_scoped3A : memref<!tpu.dma_semaphore, #tpu.memory_space<semaphore_mem>>) src(%arg8 : memref<196x32xf32, #tpu.memory_space<vmem>>) dst(%dma_wait3A_249 : memref<196x32xf32, #tpu.memory_space<hbm>>)
      tpu.yield
    }) : () -> ()
    %mul3A_211 = arith.constant 3136 : i32
    %mul3A_212 = arith.muli %arg1, %mul3A_211 : i32
    %add3A_213 = arith.constant 2548 : i32
    %add3A_214 = arith.addi %mul3A_212, %add3A_213 : i32
    "tpu.region"() ({
      %run_scoped3A = tpu.sem_alloc : memref<!tpu.dma_semaphore, #tpu.memory_space<semaphore_mem>>
      %dma_start3A = arith.constant 0 : i32
      %dma_start3A_244 = tpu.memref_slice %arg7[%add3A_214, %dma_start3A] : memref<50176x32xf32, #tpu.memory_space<vmem_shared>> -> memref<196x32xf32, #tpu.memory_space<vmem_shared>>
      %dma_start3A_245 = arith.constant 0 : i32
      %dma_start3A_246 = tpu.memref_slice %arg7[%add3A_214, %dma_start3A_245] : memref<50176x32xf32, #tpu.memory_space<vmem_shared>> -> memref<196x32xf32, #tpu.memory_space<vmem_shared>>
      tpu.enqueue_dma source(%dma_start3A_246 : memref<196x32xf32, #tpu.memory_space<vmem_shared>>) target(%arg8 : memref<196x32xf32, #tpu.memory_space<vmem>>) target_semaphore(%run_scoped3A : memref<!tpu.dma_semaphore, #tpu.memory_space<semaphore_mem>>)
      %dma_wait3A = arith.constant 0 : i32
      %dma_wait3A_247 = tpu.memref_slice %arg7[%add3A_214, %dma_wait3A] : memref<50176x32xf32, #tpu.memory_space<vmem_shared>> -> memref<196x32xf32, #tpu.memory_space<vmem_shared>>
      %dma_wait3A_248 = arith.constant 0 : i32
      %dma_wait3A_249 = tpu.memref_slice %arg7[%add3A_214, %dma_wait3A_248] : memref<50176x32xf32, #tpu.memory_space<vmem_shared>> -> memref<196x32xf32, #tpu.memory_space<vmem_shared>>
      tpu.wait_dma2 semaphore(%run_scoped3A : memref<!tpu.dma_semaphore, #tpu.memory_space<semaphore_mem>>) src(%dma_wait3A_249 : memref<196x32xf32, #tpu.memory_space<vmem_shared>>) dst(%arg8 : memref<196x32xf32, #tpu.memory_space<vmem>>)
      tpu.yield
    }) : () -> ()
    %mul3A_215 = arith.constant 50176 : i32
    %mul3A_216 = arith.muli %arg0, %mul3A_215 : i32
    %mul3A_217 = arith.constant 3136 : i32
    %mul3A_218 = arith.muli %arg1, %mul3A_217 : i32
    %add3A_219 = arith.addi %mul3A_216, %mul3A_218 : i32
    %add3A_220 = arith.constant 2548 : i32
    %add3A_221 = arith.addi %add3A_219, %add3A_220 : i32
    "tpu.region"() ({
      %run_scoped3A = tpu.sem_alloc : memref<!tpu.dma_semaphore, #tpu.memory_space<semaphore_mem>>
      %dma_start3A = arith.constant 0 : i32
      %dma_start3A_244 = tpu.memref_slice %arg6[%add3A_221, %dma_start3A] : memref<100352x32xf32, #tpu.memory_space<hbm>> -> memref<196x32xf32, #tpu.memory_space<hbm>>
      %dma_start3A_245 = arith.constant 0 : i32
      %dma_start3A_246 = tpu.memref_slice %arg6[%add3A_221, %dma_start3A_245] : memref<100352x32xf32, #tpu.memory_space<hbm>> -> memref<196x32xf32, #tpu.memory_space<hbm>>
      tpu.enqueue_dma source(%arg8 : memref<196x32xf32, #tpu.memory_space<vmem>>) target(%dma_start3A_246 : memref<196x32xf32, #tpu.memory_space<hbm>>) target_semaphore(%run_scoped3A : memref<!tpu.dma_semaphore, #tpu.memory_space<semaphore_mem>>)
      %dma_wait3A = arith.constant 0 : i32
      %dma_wait3A_247 = tpu.memref_slice %arg6[%add3A_221, %dma_wait3A] : memref<100352x32xf32, #tpu.memory_space<hbm>> -> memref<196x32xf32, #tpu.memory_space<hbm>>
      %dma_wait3A_248 = arith.constant 0 : i32
      %dma_wait3A_249 = tpu.memref_slice %arg6[%add3A_221, %dma_wait3A_248] : memref<100352x32xf32, #tpu.memory_space<hbm>> -> memref<196x32xf32, #tpu.memory_space<hbm>>
      tpu.wait_dma2 semaphore(%run_scoped3A : memref<!tpu.dma_semaphore, #tpu.memory_space<semaphore_mem>>) src(%arg8 : memref<196x32xf32, #tpu.memory_space<vmem>>) dst(%dma_wait3A_249 : memref<196x32xf32, #tpu.memory_space<hbm>>)
      tpu.yield
    }) : () -> ()
    %mul3A_222 = arith.constant 3136 : i32
    %mul3A_223 = arith.muli %arg1, %mul3A_222 : i32
    %add3A_224 = arith.constant 2744 : i32
    %add3A_225 = arith.addi %mul3A_223, %add3A_224 : i32
    "tpu.region"() ({
      %run_scoped3A = tpu.sem_alloc : memref<!tpu.dma_semaphore, #tpu.memory_space<semaphore_mem>>
      %dma_start3A = arith.constant 0 : i32
      %dma_start3A_244 = tpu.memref_slice %arg7[%add3A_225, %dma_start3A] : memref<50176x32xf32, #tpu.memory_space<vmem_shared>> -> memref<196x32xf32, #tpu.memory_space<vmem_shared>>
      %dma_start3A_245 = arith.constant 0 : i32
      %dma_start3A_246 = tpu.memref_slice %arg7[%add3A_225, %dma_start3A_245] : memref<50176x32xf32, #tpu.memory_space<vmem_shared>> -> memref<196x32xf32, #tpu.memory_space<vmem_shared>>
      tpu.enqueue_dma source(%dma_start3A_246 : memref<196x32xf32, #tpu.memory_space<vmem_shared>>) target(%arg8 : memref<196x32xf32, #tpu.memory_space<vmem>>) target_semaphore(%run_scoped3A : memref<!tpu.dma_semaphore, #tpu.memory_space<semaphore_mem>>)
      %dma_wait3A = arith.constant 0 : i32
      %dma_wait3A_247 = tpu.memref_slice %arg7[%add3A_225, %dma_wait3A] : memref<50176x32xf32, #tpu.memory_space<vmem_shared>> -> memref<196x32xf32, #tpu.memory_space<vmem_shared>>
      %dma_wait3A_248 = arith.constant 0 : i32
      %dma_wait3A_249 = tpu.memref_slice %arg7[%add3A_225, %dma_wait3A_248] : memref<50176x32xf32, #tpu.memory_space<vmem_shared>> -> memref<196x32xf32, #tpu.memory_space<vmem_shared>>
      tpu.wait_dma2 semaphore(%run_scoped3A : memref<!tpu.dma_semaphore, #tpu.memory_space<semaphore_mem>>) src(%dma_wait3A_249 : memref<196x32xf32, #tpu.memory_space<vmem_shared>>) dst(%arg8 : memref<196x32xf32, #tpu.memory_space<vmem>>)
      tpu.yield
    }) : () -> ()
    %mul3A_226 = arith.constant 50176 : i32
    %mul3A_227 = arith.muli %arg0, %mul3A_226 : i32
    %mul3A_228 = arith.constant 3136 : i32
    %mul3A_229 = arith.muli %arg1, %mul3A_228 : i32
    %add3A_230 = arith.addi %mul3A_227, %mul3A_229 : i32
    %add3A_231 = arith.constant 2744 : i32
    %add3A_232 = arith.addi %add3A_230, %add3A_231 : i32
    "tpu.region"() ({
      %run_scoped3A = tpu.sem_alloc : memref<!tpu.dma_semaphore, #tpu.memory_space<semaphore_mem>>
      %dma_start3A = arith.constant 0 : i32
      %dma_start3A_244 = tpu.memref_slice %arg6[%add3A_232, %dma_start3A] : memref<100352x32xf32, #tpu.memory_space<hbm>> -> memref<196x32xf32, #tpu.memory_space<hbm>>
      %dma_start3A_245 = arith.constant 0 : i32
      %dma_start3A_246 = tpu.memref_slice %arg6[%add3A_232, %dma_start3A_245] : memref<100352x32xf32, #tpu.memory_space<hbm>> -> memref<196x32xf32, #tpu.memory_space<hbm>>
      tpu.enqueue_dma source(%arg8 : memref<196x32xf32, #tpu.memory_space<vmem>>) target(%dma_start3A_246 : memref<196x32xf32, #tpu.memory_space<hbm>>) target_semaphore(%run_scoped3A : memref<!tpu.dma_semaphore, #tpu.memory_space<semaphore_mem>>)
      %dma_wait3A = arith.constant 0 : i32
      %dma_wait3A_247 = tpu.memref_slice %arg6[%add3A_232, %dma_wait3A] : memref<100352x32xf32, #tpu.memory_space<hbm>> -> memref<196x32xf32, #tpu.memory_space<hbm>>
      %dma_wait3A_248 = arith.constant 0 : i32
      %dma_wait3A_249 = tpu.memref_slice %arg6[%add3A_232, %dma_wait3A_248] : memref<100352x32xf32, #tpu.memory_space<hbm>> -> memref<196x32xf32, #tpu.memory_space<hbm>>
      tpu.wait_dma2 semaphore(%run_scoped3A : memref<!tpu.dma_semaphore, #tpu.memory_space<semaphore_mem>>) src(%arg8 : memref<196x32xf32, #tpu.memory_space<vmem>>) dst(%dma_wait3A_249 : memref<196x32xf32, #tpu.memory_space<hbm>>)
      tpu.yield
    }) : () -> ()
    %mul3A_233 = arith.constant 3136 : i32
    %mul3A_234 = arith.muli %arg1, %mul3A_233 : i32
    %add3A_235 = arith.constant 2940 : i32
    %add3A_236 = arith.addi %mul3A_234, %add3A_235 : i32
    "tpu.region"() ({
      %run_scoped3A = tpu.sem_alloc : memref<!tpu.dma_semaphore, #tpu.memory_space<semaphore_mem>>
      %dma_start3A = arith.constant 0 : i32
      %dma_start3A_244 = tpu.memref_slice %arg7[%add3A_236, %dma_start3A] : memref<50176x32xf32, #tpu.memory_space<vmem_shared>> -> memref<196x32xf32, #tpu.memory_space<vmem_shared>>
      %dma_start3A_245 = arith.constant 0 : i32
      %dma_start3A_246 = tpu.memref_slice %arg7[%add3A_236, %dma_start3A_245] : memref<50176x32xf32, #tpu.memory_space<vmem_shared>> -> memref<196x32xf32, #tpu.memory_space<vmem_shared>>
      tpu.enqueue_dma source(%dma_start3A_246 : memref<196x32xf32, #tpu.memory_space<vmem_shared>>) target(%arg8 : memref<196x32xf32, #tpu.memory_space<vmem>>) target_semaphore(%run_scoped3A : memref<!tpu.dma_semaphore, #tpu.memory_space<semaphore_mem>>)
      %dma_wait3A = arith.constant 0 : i32
      %dma_wait3A_247 = tpu.memref_slice %arg7[%add3A_236, %dma_wait3A] : memref<50176x32xf32, #tpu.memory_space<vmem_shared>> -> memref<196x32xf32, #tpu.memory_space<vmem_shared>>
      %dma_wait3A_248 = arith.constant 0 : i32
      %dma_wait3A_249 = tpu.memref_slice %arg7[%add3A_236, %dma_wait3A_248] : memref<50176x32xf32, #tpu.memory_space<vmem_shared>> -> memref<196x32xf32, #tpu.memory_space<vmem_shared>>
      tpu.wait_dma2 semaphore(%run_scoped3A : memref<!tpu.dma_semaphore, #tpu.memory_space<semaphore_mem>>) src(%dma_wait3A_249 : memref<196x32xf32, #tpu.memory_space<vmem_shared>>) dst(%arg8 : memref<196x32xf32, #tpu.memory_space<vmem>>)
      tpu.yield
    }) : () -> ()
    %mul3A_237 = arith.constant 50176 : i32
    %mul3A_238 = arith.muli %arg0, %mul3A_237 : i32
    %mul3A_239 = arith.constant 3136 : i32
    %mul3A_240 = arith.muli %arg1, %mul3A_239 : i32
    %add3A_241 = arith.addi %mul3A_238, %mul3A_240 : i32
    %add3A_242 = arith.constant 2940 : i32
    %add3A_243 = arith.addi %add3A_241, %add3A_242 : i32
    "tpu.region"() ({
      %run_scoped3A = tpu.sem_alloc : memref<!tpu.dma_semaphore, #tpu.memory_space<semaphore_mem>>
      %dma_start3A = arith.constant 0 : i32
      %dma_start3A_244 = tpu.memref_slice %arg6[%add3A_243, %dma_start3A] : memref<100352x32xf32, #tpu.memory_space<hbm>> -> memref<196x32xf32, #tpu.memory_space<hbm>>
      %dma_start3A_245 = arith.constant 0 : i32
      %dma_start3A_246 = tpu.memref_slice %arg6[%add3A_243, %dma_start3A_245] : memref<100352x32xf32, #tpu.memory_space<hbm>> -> memref<196x32xf32, #tpu.memory_space<hbm>>
      tpu.enqueue_dma source(%arg8 : memref<196x32xf32, #tpu.memory_space<vmem>>) target(%dma_start3A_246 : memref<196x32xf32, #tpu.memory_space<hbm>>) target_semaphore(%run_scoped3A : memref<!tpu.dma_semaphore, #tpu.memory_space<semaphore_mem>>)
      %dma_wait3A = arith.constant 0 : i32
      %dma_wait3A_247 = tpu.memref_slice %arg6[%add3A_243, %dma_wait3A] : memref<100352x32xf32, #tpu.memory_space<hbm>> -> memref<196x32xf32, #tpu.memory_space<hbm>>
      %dma_wait3A_248 = arith.constant 0 : i32
      %dma_wait3A_249 = tpu.memref_slice %arg6[%add3A_243, %dma_wait3A_248] : memref<100352x32xf32, #tpu.memory_space<hbm>> -> memref<196x32xf32, #tpu.memory_space<hbm>>
      tpu.wait_dma2 semaphore(%run_scoped3A : memref<!tpu.dma_semaphore, #tpu.memory_space<semaphore_mem>>) src(%arg8 : memref<196x32xf32, #tpu.memory_space<vmem>>) dst(%dma_wait3A_249 : memref<196x32xf32, #tpu.memory_space<hbm>>)
      tpu.yield
    }) : () -> ()
    return
  }
}

</mosaic_0001>

<sc_bundles>
// kernel: kernel.11.cloned.1.call-start
scs
__scs_entry_jumppad:
0x0: {  	(pc) =	sbr.rel $0x88, $3  }
0x1: {  	(tag) =	ssettag $0x0;
	lr =	simm.s32 $0x1  }
0x2: {  	[smem:$0x3F9E] =	sst lr;
	_ =	strace $0xD0000000  }
0x3: {  	_ = 	snop  }
0x4: {  	_ = 	snop  }
0x5: {  	_ = 	snop  }
0x6: {  	_ = 	snop  }
0x7: {  	_ = 	snop  }
__scs_overlays_trampoline_lowered:
0x8: {  	[smem:$0x3FAD] =	sst s0  }
0x9: {  	[smem:$0x3FAE] =	sst s1  }
0xa: {  	[smem:$0x3FAF] =	sst s2  }
0xb: {  	[smem:$0x3FB0] =	sst s3  }
0xc: {  	[smem:$0x3FB1] =	sst s4  }
0xd: {  	[smem:$0x3FB2] =	sst s5  }
0xe: {  	[smem:$0x3FB3] =	sst s6  }
0xf: {  	[smem:$0x3FB4] =	sst s7  }
0x10: {  	[smem:$0x3FB5] =	sst s8  }
0x11: {  	[smem:$0x3FB6] =	sst s9;
	s0 =	simm.s32 @!p0 $0x0  }
0x12: {  	s1 =	sld [smem:$0x3F9C];
	s0 =	simm.s32 @p0 $0x1  }
0x13: {  	[smem:$0x3FB7] =	sst s0;
	s0 =	simm.s32 @!p1 $0x0  }
0x14: {  	s2 =	sld [smem:$0x3F9B];
	s0 =	simm.s32 @p1 $0x1  }
0x15: {  	[smem:$0x3FB8] =	sst s0;
	s0 =	simm.s32 @!p2 $0x0  }
0x16: {  	s3 =	sld [smem:$0x3FDB];
	s0 =	simm.s32 @p2 $0x1  }
0x17: {  	s4 =	simm.s32 $0x1BF5;
	[smem:$0x3FBA] =	sst s0  }
0x18: {  	s0 =	sld [smem:$0x3F9D];
	_ =	swait.ge [sflag:s4], $0x0  }
0x19: {  	s7 =	sld [smem:$0x3F9E]  }
0x1a: {  	s8 =	sadd.s32 $0xFFFFE003, lr  }
0x1b: {  	s9 =	sadd.s32 $0xFFFFFEF7, lr;
	s5 =	simm.s32 $0xFFFFFFFF;
	p2 =	slt.u32 s8, $0xFFFFF086  }
0x1c: {  	p1 =	slt.u32 s9, $0xF7A;
	s5 =	simm.s32 @!p2 $0x0  }
0x1d: {  	s5 =	simm.s32 @p1 $0x1;
	p0 =	seq.s32 s7, s2  }
0x1e: {  	s7 =	smul.u32 @!p0 $0xF7A, s2;
	p2 =	seq.s32 @!p0 s5, $0x0  }
0x1f: {  	s9 =	smul.u32 $0xF7A, s1;
	s8 =	simm.s32 @!p0 $0x1BF5;
	p2 =	por !p2, p0  }
0x20: {  	[sflag:s8] =	ssyncset.s32 @!p0 $0xFFFFF086;
	s6 =	sadd.s32 @!p0 s3, s7;
	s7 =	simm.s32 @!p0 $0x108  }
0x21: {  	s3 =	sadd.s32 s3, s9;
	s6 =	sadd.s32 @!p0 $0x88, s6;
	s7 =	simm.s32 @p2 $0x1082  }
0x22: {  	[simem:s7], [sflag:s8] =	dma.local @!p0 [hbm:s6], $0xF7A  }
0x23: {  	s9 =	sor.u32 $0xD0000000, s2;
	s6 =	simm.s32 $0x108;
	_ =	swait.ge @!p0 [sflag:s8], $0x0  }
0x24: {  	s3 =	sadd.s32 $0x88, s3;
	s6 =	simm.s32 @!p1 $0x1082;
	[sflag:s4] =	ssyncset.s32 $0xFFFFF086  }
0x25: {  	[simem:s6], [sflag:s4] =	dma.local [hbm:s3], $0xF7A  }
0x26: {  	[smem:$0x3F9E] =	sst s1;
	(tag) =	ssettag s2;
	_ =	strace s9  }
0x27: {  	s1 =	sld [smem:$0x3FAE]  }
0x28: {  	s2 =	sld [smem:$0x3FAF]  }
0x29: {  	s4 =	sld [smem:$0x3FB1]  }
0x2a: {  	p0 =	seq.s32 s5, $0x0;
	s5 =	sld [smem:$0x3FB2]  }
0x2b: {  	s6 =	sld [smem:$0x3FB3]  }
0x2c: {  	s7 =	sld [smem:$0x3FB4]  }
0x2d: {  	s3 =	simm.s32 $0x108;
	s8 =	sld [smem:$0x3FB5]  }
0x2e: {  	s3 =	simm.s32 @!p0 $0x1082;
	s9 =	sld [smem:$0x3FB6]  }
0x2f: {  	lr =	sadd.s32 s0, s3;
	s0 =	sld [smem:$0x3FAD]  }
0x30: {  	s3 =	sld [smem:$0x3FB0]  }
0x31: {  	[smem:$0x3FB9] =	sst s10  }
0x32: {  	s10 =	sld [smem:$0x3FB7];
	_ =	sdelay $0x3  }
0x33: {  	p0 =	seq.s32 s10, $0x1;
	s10 =	sld [smem:$0x3FB9];
	_ =	sdelay $0x3  }
0x34: {  	[smem:$0x3FB9] =	sst s10  }
0x35: {  	s10 =	sld [smem:$0x3FB8];
	_ =	sdelay $0x3  }
0x36: {  	p1 =	seq.s32 s10, $0x1;
	s10 =	sld [smem:$0x3FB9];
	_ =	sdelay $0x3  }
0x37: {  	[smem:$0x3FB9] =	sst s10  }
0x38: {  	s10 =	sld [smem:$0x3FBA]  }
0x39: {  	_ = 	snop;
	(pc) =	sbr.ind lr, $3  }
0x3a: {  	_ = 	snop  }
0x3b: {  	_ = 	snop  }
0x3c: {  	p2 =	seq.s32 s10, $0x1;
	s10 =	sld [smem:$0x3FB9]  }
0x3d: {  	_ =	shalt  }
0x3e: {  	_ =	shalt  }
0x3f: {  	_ =	shalt  }
0x40: {  	_ =	shalt  }
0x41: {  	_ =	shalt  }
0x42: {  	_ =	shalt  }
0x43: {  	_ =	shalt  }
0x44: {  	_ =	shalt  }
0x45: {  	_ =	shalt  }
0x46: {  	_ =	shalt  }
0x47: {  	_ =	shalt  }
0x48: {  	_ =	shalt  }
0x49: {  	_ =	shalt  }
0x4a: {  	_ =	shalt  }
0x4b: {  	_ =	shalt  }
0x4c: {  	_ =	shalt  }
0x4d: {  	_ =	shalt  }
0x4e: {  	_ =	shalt  }
0x4f: {  	_ =	shalt  }
0x50: {  	_ =	shalt  }
0x51: {  	_ =	shalt  }
0x52: {  	_ =	shalt  }
0x53: {  	_ =	shalt  }
0x54: {  	_ =	shalt  }
0x55: {  	_ =	shalt  }
0x56: {  	_ =	shalt  }
0x57: {  	_ =	shalt  }
0x58: {  	_ =	shalt  }
0x59: {  	_ =	shalt  }
0x5a: {  	_ =	shalt  }
0x5b: {  	_ =	shalt  }
0x5c: {  	_ =	shalt  }
0x5d: {  	_ =	shalt  }
0x5e: {  	_ =	shalt  }
0x5f: {  	_ =	shalt  }
0x60: {  	_ =	shalt  }
0x61: {  	_ =	shalt  }
0x62: {  	_ =	shalt  }
0x63: {  	_ =	shalt  }
0x64: {  	_ =	shalt  }
0x65: {  	_ =	shalt  }
0x66: {  	_ =	shalt  }
0x67: {  	_ =	shalt  }
0x68: {  	_ =	shalt  }
0x69: {  	_ =	shalt  }
0x6a: {  	_ =	shalt  }
0x6b: {  	_ =	shalt  }
0x6c: {  	_ =	shalt  }
0x6d: {  	_ =	shalt  }
0x6e: {  	_ =	shalt  }
0x6f: {  	_ =	shalt  }
0x70: {  	_ =	shalt  }
0x71: {  	_ =	shalt  }
0x72: {  	_ =	shalt  }
0x73: {  	_ =	shalt  }
0x74: {  	_ =	shalt  }
0x75: {  	_ =	shalt  }
0x76: {  	_ =	shalt  }
0x77: {  	_ =	shalt  }
0x78: {  	_ =	shalt  }
0x79: {  	_ =	shalt  }
0x7a: {  	_ =	shalt  }
0x7b: {  	_ =	shalt  }
0x7c: {  	_ =	shalt  }
0x7d: {  	_ =	shalt  }
0x7e: {  	_ =	shalt  }
0x7f: {  	_ =	shalt  }
0x80: {  	_ =	shalt  }
0x81: {  	_ =	shalt  }
0x82: {  	_ =	shalt  }
0x83: {  	_ =	shalt  }
0x84: {  	_ =	shalt  }
0x85: {  	_ =	shalt  }
0x86: {  	_ =	shalt  }
0x87: {  	_ =	shalt  }
.Lfunc_end0:
.L_simem_size_0:
called_computation.3_lowered:
.L_overlay_start_0:
0x88: {  	s2 =	sld [smem:$0x3FD9]  }
0x89: {  	s3 =	sld [smem:$0x3FFE];
	_ =	sdelay $0x1  }
0x8a: {  	s1 =	srdreg.scid  }
0x8b: {  	s0 =	sand.u32 $0x1, s1  }
0x8c: {  	s14 =	sshll.u32 s0, $0xA;
	s2 =	sadd.s32 s3, s2  }
0x8d: {  	s2 =	sadd.s32 s2, s14  }
0x8e: {  	[smem:$0x3FC5] =	sst s2  }
0x8f: {  	_ = 	snop  }
0x90: {  	s2 =	sld [smem:$0x3FD0];
	_ =	sdelay $0x2  }
0x91: {  	s15 =	simm.s32 $0xA;
	s4 =	simm.s32 $0x10  }
0x92: {  	[smem:s4], [sflag:s15] =	dma.local [hbm:s2], $0x1  }
0x93: {  	_ =	swait.eq [sflag:s15], $0x1  }
0x94: {  	[sflag:s15] =	ssyncset.done $0x0  }
0x95: {  	s16 =	sld [smem:$0x10];
	[sflag:s15] =	ssyncadd.s32 $0xFFFFFFFF  }
0x96: {  	s17 =	sld [smem:$0x11];
	(tm) =	ssettm $0x1  }
0x97: {  	s18 =	sld [smem:$0x3FFB];
	_ =	sdelay $0x3  }
0x98: {  	_ =	strace s18  }
0x99: {  	s4 =	sld [smem:$0x3FFC];
	_ =	sdelay $0x3  }
0x9a: {  	_ =	strace s4  }
0x9b: {  	s4 =	sld [smem:$0x3FFD];
	_ =	sdelay $0x3  }
0x9c: {  	_ =	strace s4  }
0x9d: {  	_ =	strace $0x8FFFFFFF  }
0x9e: {  	s19 =	sld [smem:$0x3FDB];
	_ =	sdelay $0x1  }
0x9f: {  	s5 =	simm.s32 $_scs_section_size  }
0xa0: {  	s6 =	simm.s32 $_size__tile_overlayer_lowered;
	s7 =	simm.s32 $_tile_overlayer_lowered  }
0xa1: {  	s22 =	simm.s32 $0x1BFF;
	s21 =	sshll.u32 s7, $0x1;
	s4 =	sadd.s32 s5, s19  }
0xa2: {  	s8 =	simm.s32 $0x0;
	s20 =	sshll.u32 s6, $0x1;
	s6 =	sadd.s32 s21, s4  }
0xa3: {  	[timem:s8], [sflag:s22] =	dma.local [hbm:s6], s20  }
0xa4: {  	_ =	swait.ge [sflag:s22], s20  }
0xa5: {  	s5 =	ssub.s32 $0x0, s20;
	[sflag:s22] =	ssyncset.done $0x0  }
0xa6: {  	[sflag:s22] =	ssyncadd.s32 s5;
	_ =	sdelay $0x1  }
0xa7: {  	s23 =	simm.s32 $0x1B8B  }
0xa8: {  	_ =	swait.ge [sflag:s23], $0x1  }
0xa9: {  	[sflag:s23] =	ssyncset.done $0x0  }
0xaa: {  	s25 =	simm.s32 $0x1B8E;
	s24 =	sld [smem:$0x3FFE];
	[sflag:s23] =	ssyncadd.s32 $0xFFFFFFFF  }
0xab: {  	s26 =	simm.s32 $execute0_lowered;
	[smem:$0x3FD2] =	sst s25  }
0xac: {  	s6 =	sshll.u32 s26, $0x1;
	_ =	strace $0x8000004F;
	[dreg:$0x1] =	wrdreg $0xFFFFFFFF  }
0xad: {  	s28 =	simm.s32 $_size_execute0_lowered;
	s4 =	sadd.s32 s4, s6;
	[dreg:$0x0] =	wrdreg $0x0  }
0xae: {  	s6 =	sshll.u32 s28, $0x1;
	[dreg:$0x2] =	wrdreg s4  }
0xaf: {  	[dreg:$0x3] =	wrdreg s6  }
0xb0: {  	[dreg:$0x4] =	wrdreg $0xC0  }
0xb1: {  	_ =	task [dreg:s8], $0x5FFFF  }
0xb2: {  	[dreg:$0x1] =	wrdreg $0xFFFFFFFF  }
0xb3: {  	[dreg:$0x0] =	wrdreg $0x60  }
0xb4: {  	[dreg:$0x2] =	wrdreg s24  }
0xb5: {  	[dreg:$0x3] =	wrdreg s16  }
0xb6: {  	[dreg:$0x4] =	wrdreg s17  }
0xb7: {  	[dreg:$0x5] =	wrdreg $0x0  }
0xb8: {  	[dreg:$0x6] =	wrdreg $0x9  }
0xb9: {  	_ =	task.clear_ibuf [dreg:s8], $0x7FFFF;
	_ =	strace $0x9000004F  }
0xba: {  	s29 =	simm.s32 $0x9;
	_ =	strace $0x80000051  }
0xbb: {  	_ =	swait.ge [sflag:s29], $0x1  }
0xbc: {  	[sflag:s29] =	ssyncadd.s32 $0xFFFFFFFF  }
0xbd: {  	_ =	strace $0x90000051  }
0xbe: {  	_ =	sfence  }
0xbf: {  	s30 =	sld [smem:$0x0];
	_ =	sdelay $0x2  }
0xc0: {  	s31 =	sshll.u32 s1, $0xD;
	s1 =	sshrl.u32 s1, $0x2  }
0xc1: {  	s3 =	sand.u32 $0x4000, s31;
	s1 =	sadd.s32 s1, s30  }
0xc2: {  	s0 =	sor.u32 s3, s0;
	s1 =	sshll.u32 s1, $0x11  }
0xc3: {  	s0 =	sor.u32 s1, s0  }
0xc4: {  	s0 =	sadd.s32 $0x8F2B, s0  }
0xc5: {  	[sflag:s0] =	ssyncadd.remote.s32 $0x1  }
0xc6: {  	_ =	sfence.sel $0xFFFF  }
0xc7: {  	[dreg:$0x0] =	wrdreg $0xFFFFFFFF;
	(pc) =	sbr.abs _section_cstart, $3  }
0xc8: {  	[dreg:$0x1] =	wrdreg $0xFFFFFFFF  }
0xc9: {  	_ =	task.clear_ibuf [dreg:s8], $0x2FFFF;
	_ =	strace $0x9FFFFFFF  }
0xca: {  	(tm) =	ssettm $0x7FFFFFFF  }
0xcb: {  	_ =	shalt  }
tec
execute0_lowered:
.L_overlay_start_1:
0x0: {  	(tag) =	ssettag $0x1  }
0x1: {  	s0 =	rddreg [dreg:$0x0]  }
0x2: {  	s3 =	srdreg.scid;
	s12 =	stileid.u32  }
0x3: {  	s1 =	rddreg [dreg:$0x1];
	s6 =	sand.u32 $0x1, s3;
	s7 =	smul.u32 $0xC40, s12  }
0x4: {  	s5 =	rddreg [dreg:$0x2];
	s8 =	smul.u32 $0xC400, s6  }
0x5: {  	s2 =	rddreg [dreg:$0x3];
	s3 =	simm.s32 $0x0;
	s4 =	sadd.s32 $0x407E00, s0  }
0x6: {  	s16 =	smul.u32 $0x1880, s12;
	[smem:$0x7FF] =	sst s3;
	s7 =	sadd.s32 s7, s8  }
0x7: {  	s20 =	sadd.s32 $0x5E00, s0;
	_ =	strace $0x80000050;
	s7 =	sshll.u32 s7, $0x2  }
0x8: {  	[dreg:$0x9] =	wrdreg s20;
	s1 =	sadd.s32 s16, s1;
	s0 =	sadd.s32 s7, s0  }
0x9: {  	[dreg:$0x5] =	wrdreg s1;
	s11 =	sadd.s32 $0x469A00, s0  }
0xa: {  	s21 =	smul.u32 $0x62000, s12;
	s23 =	sadd.s32 $0x469D10, s0;
	[dreg:$0xa] =	wrdreg s11  }
0xb: {  	s9 =	smul.u32 $0xC400, s12;
	s24 =	sadd.s32 $0x46A020, s0;
	[dreg:$0xb] =	wrdreg s23  }
0xc: {  	s22 =	ssub.s32 $0x2, s6;
	s25 =	sadd.s32 $0x46A330, s0;
	[dreg:$0xc] =	wrdreg s24  }
0xd: {  	s10 =	sshrl.u32 s22, $0x1;
	s26 =	sadd.s32 $0x46A640, s0;
	[dreg:$0xd] =	wrdreg s25  }
0xe: {  	s7 =	ssub.s32 s22, s10;
	s10 =	sadd.s32 $0x46A950, s0;
	[dreg:$0xe] =	wrdreg s26  }
0xf: {  	s6 =	smul.u32 $0xC4000, s6;
	s13 =	sadd.s32 $0x46AC60, s0;
	[dreg:$0xf] =	wrdreg s10  }
0x10: {  	s8 =	sshrl.u32 s21, $0x2;
	s15 =	sadd.s32 $0x46AF70, s0;
	[dreg:$0x10] =	wrdreg s13  }
0x11: {  	s6 =	sadd.s32 s9, s6;
	s17 =	sadd.s32 $0x46B280, s0;
	[dreg:$0x11] =	wrdreg s15  }
0x12: {  	s20 =	sor.u32 $0x100, s6;
	s18 =	sadd.s32 $0x46B590, s0;
	[dreg:$0x12] =	wrdreg s17  }
0x13: {  	s21 =	sshrl.u32 s20, $0x3;
	s19 =	sadd.s32 $0x46B8A0, s0;
	[dreg:$0x13] =	wrdreg s18  }
0x14: {  	s1 =	sadd.s32 s21, s5;
	[dreg:$0x14] =	wrdreg s19  }
0x15: {  	s16 =	sadd.s32 $0x46C4E0, s0;
	[dreg:$0x6] =	wrdreg s1  }
0x16: {  	s28 =	simm.s32 $0x1A400;
	s26 =	sadd.s32 $0x46BBB0, s0;
	[dreg:$0x18] =	wrdreg s16  }
0x17: {  	s29 =	simm.s32 $0x1D480;
	s13 =	sadd.s32 $0x46BEC0, s0;
	[dreg:$0x15] =	wrdreg s26  }
0x18: {  	s30 =	simm.s32 $0x1;
	s15 =	sadd.s32 $0x46C1D0, s0;
	[dreg:$0x16] =	wrdreg s13  }
0x19: {  	s22 =	sor.u32 $0x80, s6;
	s0 =	sadd.s32 $0x46C7F0, s0;
	[dreg:$0x17] =	wrdreg s15  }
0x1a: {  	s11 =	sadd.s32 s8, s2;
	s17 =	smax.u32 s7, $0x1;
	[dreg:$0x19] =	wrdreg s0  }
0x1b: {  	s8 =	sshrl.u32 s22, $0x3;
	s14 =	sadd.s32 $0x1880, s11;
	[dreg:$0x1a] =	wrdreg s17  }
0x1c: {  	s31 =	simm.s32 $0x2;
	s24 =	sadd.s32 s8, s5;
	[smem:$0x7F2] =	sst s14  }
0x1d: {  	s23 =	sor.u32 $0x180, s6;
	s18 =	sadd.s32 $0x3100, s11;
	[dreg:$0x7] =	wrdreg s24  }
0x1e: {  	s16 =	simm.s32 $0x1A080;
	s19 =	sadd.s32 $0x4980, s11;
	[dreg:$0x1b] =	wrdreg s18  }
0x1f: {  	s1 =	simm.s32 $0x3;
	s20 =	sadd.s32 $0x7A80, s11;
	[dreg:$0x1c] =	wrdreg s19  }
0x20: {  	s25 =	sshrl.u32 s23, $0x3;
	s21 =	sadd.s32 $0x9300, s11;
	[dreg:$0x1e] =	wrdreg s20  }
0x21: {  	s12 =	smov.u32 s11;
	s23 =	sadd.s32 $0xAB80, s11;
	[dreg:$0x1f] =	wrdreg s21  }
0x22: {  	s8 =	sadd.s32 $0x6200, s11;
	s26 =	sadd.s32 $0xF500, s11;
	[smem:$0x7F3] =	sst s23  }
0x23: {  	s9 =	sadd.s32 $0x10D80, s11;
	s13 =	simm.s32 $0x18800;
	[smem:$0x7F6] =	sst s26  }
0x24: {  	s15 =	simm.s32 $0x5;
	s17 =	simm.s32 $0x1A280;
	[dreg:$0x1d] =	wrdreg s8  }
0x25: {  	s0 =	simm.s32 $0x4;
	s10 =	sadd.s32 s25, s5;
	[smem:$0x7F8] =	sst s12  }
0x26: {  	s14 =	sshrl.u32 s6, $0x3;
	s24 =	sadd.s32 $0xC400, s11;
	[smem:$0x7F9] =	sst s9  }
0x27: {  	s25 =	sadd.s32 $0xDC80, s11;
	s7 =	sadd.s32 $0x16F80, s12;
	[dreg:$0x8] =	wrdreg s10  }
0x28: {  	s18 =	simm.s32 $0x80;
	s19 =	simm.s32 $0x1A480;
	[smem:$0x7F4] =	sst s24  }
0x29: {  	s20 =	simm.s32 $0x1A100;
	s6 =	simm.s32 $0x0;
	[smem:$0x7F5] =	sst s25  }
0x2a: {  	s21 =	simm.s32 $0x1A300;
	s23 =	simm.s32 $0x1B480;
	[smem:$0x7F7] =	sst s6  }
0x2b: {  	s22 =	sadd.s32 s14, s5;
	s5 =	sadd.s32 $0x12600, s11;
	[smem:$0x7FD] =	sst s7  }
0x2c: {  	s26 =	simm.s32 $0x1A200;
	s10 =	sadd.s32 $0x13E80, s11;
	[smem:$0x7FA] =	sst s5  }
0x2d: {  	s11 =	sadd.s32 $0x15700, s11;
	s24 =	simm.s32 $0x1A180;
	[smem:$0x7FB] =	sst s10  }
0x2e: {  	s25 =	simm.s32 $0x1A380;
	s14 =	simm.s32 $0x1C480;
	[smem:$0x7FC] =	sst s11  }
.LBB2_1:
0x2f: {  	s6 =	rddreg [dreg:$0x9]  }
0x30: {  	[tilespmem:s13], [sflag:$0x5] =	stream.linear.gather [hbm4b:s6+s3], $0x1880, $0x38;
	[tilespmem:$0x1E480] =	vst v63  }
0x31: {  	_ =	swait.ge [sflag:s15], $0x1880  }
0x32: {  	[sflag:s15] =	ssyncset.done $0x0  }
0x33: {  	[sflag:s15] =	ssyncadd.s32 $0xFFFFE780  }
0x34: {  	[spmem:s12] =	stream.linear.scatter [tilespmem:s13], [sflag:$0x5], $0x1880, $0x38;
	[tilespmem:$0x1E480] =	vst v63  }
0x35: {  	_ =	swait.ge [sflag:s15], $0x1880  }
0x36: {  	s12 =	sld [smem:$0x7F2]  }
0x37: {  	[sflag:s15] =	ssyncset.done $0x0  }
0x38: {  	[sflag:s15] =	ssyncadd.s32 $0xFFFFE780  }
0x39: {  	[spmem:s12] =	stream.linear.scatter [tilespmem:s13], [sflag:$0x5], $0x1880, $0x38;
	[tilespmem:$0x1E480] =	vst v63  }
0x3a: {  	s6 =	smov.u32 s8;
	s8 =	rddreg [dreg:$0x1e];
	_ =	swait.ge [sflag:s15], $0x1880  }
0x3b: {  	[sflag:s15] =	ssyncset.done $0x0  }
0x3c: {  	s12 =	rddreg [dreg:$0x1b];
	[sflag:s15] =	ssyncadd.s32 $0xFFFFE780  }
0x3d: {  	[spmem:s12] =	stream.linear.scatter [tilespmem:s13], [sflag:$0x5], $0x1880, $0x38;
	[tilespmem:$0x1E480] =	vst v63  }
0x3e: {  	_ =	swait.ge [sflag:s15], $0x1880  }
0x3f: {  	[sflag:s15] =	ssyncset.done $0x0  }
0x40: {  	s12 =	rddreg [dreg:$0x1c];
	[sflag:s15] =	ssyncadd.s32 $0xFFFFE780  }
0x41: {  	[spmem:s12] =	stream.linear.scatter [tilespmem:s13], [sflag:$0x5], $0x1880, $0x38;
	[tilespmem:$0x1E480] =	vst v63  }
0x42: {  	_ =	swait.ge [sflag:s15], $0x1880  }
0x43: {  	[sflag:s15] =	ssyncset.done $0x0  }
0x44: {  	[sflag:s15] =	ssyncadd.s32 $0xFFFFE780  }
0x45: {  	[spmem:s6] =	stream.linear.scatter [tilespmem:s13], [sflag:$0x5], $0x1880, $0x38;
	[tilespmem:$0x1E480] =	vst v63  }
0x46: {  	_ =	swait.ge [sflag:s15], $0x1880  }
0x47: {  	[sflag:s15] =	ssyncset.done $0x0  }
0x48: {  	[sflag:s15] =	ssyncadd.s32 $0xFFFFE780  }
0x49: {  	[spmem:s8] =	stream.linear.scatter [tilespmem:s13], [sflag:$0x5], $0x1880, $0x38;
	[tilespmem:$0x1E480] =	vst v63  }
0x4a: {  	_ =	swait.ge [sflag:s15], $0x1880  }
0x4b: {  	[sflag:s15] =	ssyncset.done $0x0  }
0x4c: {  	s8 =	rddreg [dreg:$0x1f];
	[sflag:s15] =	ssyncadd.s32 $0xFFFFE780  }
0x4d: {  	[spmem:s8] =	stream.linear.scatter [tilespmem:s13], [sflag:$0x5], $0x1880, $0x38;
	[tilespmem:$0x1E480] =	vst v63  }
0x4e: {  	_ =	swait.ge [sflag:s15], $0x1880  }
0x4f: {  	s12 =	sld [smem:$0x7F3]  }
0x50: {  	[sflag:s15] =	ssyncset.done $0x0  }
0x51: {  	[sflag:s15] =	ssyncadd.s32 $0xFFFFE780  }
0x52: {  	[spmem:s12] =	stream.linear.scatter [tilespmem:s13], [sflag:$0x5], $0x1880, $0x38;
	[tilespmem:$0x1E480] =	vst v63  }
0x53: {  	_ =	swait.ge [sflag:s15], $0x1880  }
0x54: {  	s8 =	sld [smem:$0x7F4]  }
0x55: {  	[sflag:s15] =	ssyncset.done $0x0  }
0x56: {  	[sflag:s15] =	ssyncadd.s32 $0xFFFFE780  }
0x57: {  	[spmem:s8] =	stream.linear.scatter [tilespmem:s13], [sflag:$0x5], $0x1880, $0x38;
	[tilespmem:$0x1E480] =	vst v63  }
0x58: {  	_ =	swait.ge [sflag:s15], $0x1880  }
0x59: {  	s12 =	sld [smem:$0x7F5]  }
0x5a: {  	[sflag:s15] =	ssyncset.done $0x0  }
0x5b: {  	[sflag:s15] =	ssyncadd.s32 $0xFFFFE780  }
0x5c: {  	[spmem:s12] =	stream.linear.scatter [tilespmem:s13], [sflag:$0x5], $0x1880, $0x38;
	[tilespmem:$0x1E480] =	vst v63  }
0x5d: {  	_ =	swait.ge [sflag:s15], $0x1880  }
0x5e: {  	s8 =	sld [smem:$0x7F6]  }
0x5f: {  	[sflag:s15] =	ssyncset.done $0x0  }
0x60: {  	[sflag:s15] =	ssyncadd.s32 $0xFFFFE780  }
0x61: {  	[spmem:s8] =	stream.linear.scatter [tilespmem:s13], [sflag:$0x5], $0x1880, $0x38;
	[tilespmem:$0x1E480] =	vst v63  }
0x62: {  	_ =	swait.ge [sflag:s15], $0x1880  }
0x63: {  	[sflag:s15] =	ssyncset.done $0x0  }
0x64: {  	[sflag:s15] =	ssyncadd.s32 $0xFFFFE780  }
0x65: {  	[spmem:s9] =	stream.linear.scatter [tilespmem:s13], [sflag:$0x5], $0x1880, $0x38;
	[tilespmem:$0x1E480] =	vst v63  }
0x66: {  	_ =	swait.ge [sflag:s15], $0x1880  }
0x67: {  	[sflag:s15] =	ssyncset.done $0x0  }
0x68: {  	[sflag:s15] =	ssyncadd.s32 $0xFFFFE780  }
0x69: {  	[spmem:s5] =	stream.linear.scatter [tilespmem:s13], [sflag:$0x5], $0x1880, $0x38;
	[tilespmem:$0x1E480] =	vst v63  }
0x6a: {  	_ =	swait.ge [sflag:s15], $0x1880  }
0x6b: {  	[sflag:s15] =	ssyncset.done $0x0  }
0x6c: {  	[sflag:s15] =	ssyncadd.s32 $0xFFFFE780  }
0x6d: {  	[spmem:s10] =	stream.linear.scatter [tilespmem:s13], [sflag:$0x5], $0x1880, $0x38;
	[tilespmem:$0x1E480] =	vst v63  }
0x6e: {  	_ =	swait.ge [sflag:s15], $0x1880  }
0x6f: {  	[sflag:s15] =	ssyncset.done $0x0  }
0x70: {  	[sflag:s15] =	ssyncadd.s32 $0xFFFFE780  }
0x71: {  	[spmem:s11] =	stream.linear.scatter [tilespmem:s13], [sflag:$0x5], $0x1880, $0x38;
	[tilespmem:$0x1E480] =	vst v63  }
0x72: {  	_ =	swait.ge [sflag:s15], $0x1880  }
0x73: {  	[sflag:s15] =	ssyncset.done $0x0  }
0x74: {  	[sflag:s15] =	ssyncadd.s32 $0xFFFFE780  }
0x75: {  	[spmem:s7] =	stream.linear.scatter [tilespmem:s13], [sflag:$0x5], $0x1880, $0x38;
	[tilespmem:$0x1E480] =	vst v63  }
0x76: {  	_ =	swait.ge [sflag:s15], $0x1880  }
0x77: {  	[sflag:s15] =	ssyncset.done $0x0  }
0x78: {  	[sflag:s15] =	ssyncadd.s32 $0xFFFFE780  }
0x79: {  	[bflag:$0x0] =	sbarrier.arrive $0xFFFF  }
0x7a: {  	s12 =	rddreg [dreg:$0x5]  }
0x7b: {  	s6 =	sadd.s32 $0x0, s12  }
0x7c: {  	[tilespmem:s16], [sflag:$0x5] =	stream.linear.gather [hbm4b:s6+s3], $0x80, $0x38;
	[tilespmem:$0x1E480] =	vst v63  }
0x7d: {  	_ =	swait.ge [sflag:s15], $0x80  }
0x7e: {  	[sflag:s15] =	ssyncset.done $0x0  }
0x7f: {  	s5 =	sadd.s32 $0x0, s22;
	[sflag:s15] =	ssyncadd.s32 $0xFFFFFF80  }
0x80: {  	[tilespmem:s17], [sflag:$0x5] =	stream.linear.gather [hbm4b:s5+s3], $0x80, $0x38;
	[tilespmem:$0x1E480] =	vst v63  }
0x81: {  	_ =	swait.ge [sflag:s15], $0x80  }
0x82: {  	[sflag:s15] =	ssyncset.done $0x0  }
0x83: {  	[sflag:s15] =	ssyncadd.s32 $0xFFFFFF80  }
0x84: {  	[tilespmem:s19], [sflag:$0x1] =	stream.indirect.gather [hbm4b:s4+s18], $0x20, s17, s18, $0xb8;
	[tilespmem:$0x1E480] =	vst v63  }
0x85: {  	s8 =	sadd.s32 $0x10, s6  }
0x86: {  	[tilespmem:s20], [sflag:$0x5] =	stream.linear.gather [hbm4b:s8+s3], $0x80, $0x38;
	[tilespmem:$0x1E480] =	vst v63  }
0x87: {  	_ =	swait.ge [sflag:s15], $0x80  }
0x88: {  	s9 =	rddreg [dreg:$0x7];
	[sflag:s15] =	ssyncset.done $0x0  }
0x89: {  	[sflag:s15] =	ssyncadd.s32 $0xFFFFFF80;
	s7 =	sadd.s32 $0x0, s9  }
0x8a: {  	[tilespmem:s21], [sflag:$0x5] =	stream.linear.gather [hbm4b:s7+s3], $0x80, $0x38;
	[tilespmem:$0x1E480] =	vst v63  }
0x8b: {  	_ =	swait.ge [sflag:s15], $0x80  }
0x8c: {  	[sflag:s15] =	ssyncset.done $0x0  }
0x8d: {  	[sflag:s15] =	ssyncadd.s32 $0xFFFFFF80  }
0x8e: {  	[tilespmem:s23], [sflag:$0x2] =	stream.indirect.gather [hbm4b:s4+s18], $0x20, s21, s18, $0xb8;
	[tilespmem:$0x1E480] =	vst v63  }
0x8f: {  	s10 =	sadd.s32 $0x20, s6  }
0x90: {  	[tilespmem:s24], [sflag:$0x5] =	stream.linear.gather [hbm4b:s10+s3], $0x80, $0x38;
	[tilespmem:$0x1E480] =	vst v63  }
0x91: {  	_ =	swait.ge [sflag:s15], $0x80  }
0x92: {  	s11 =	rddreg [dreg:$0x6];
	[sflag:s15] =	ssyncset.done $0x0  }
0x93: {  	[sflag:s15] =	ssyncadd.s32 $0xFFFFFF80;
	s7 =	sadd.s32 $0x0, s11  }
0x94: {  	[tilespmem:s25], [sflag:$0x5] =	stream.linear.gather [hbm4b:s7+s3], $0x80, $0x38;
	[tilespmem:$0x1E480] =	vst v63  }
0x95: {  	_ =	swait.ge [sflag:s15], $0x80  }
0x96: {  	[sflag:s15] =	ssyncset.done $0x0  }
0x97: {  	[sflag:s15] =	ssyncadd.s32 $0xFFFFFF80  }
0x98: {  	[tilespmem:s14], [sflag:$0x3] =	stream.indirect.gather [hbm4b:s4+s18], $0x20, s25, s18, $0xb8;
	[tilespmem:$0x1E480] =	vst v63  }
0x99: {  	s6 =	sadd.s32 $0x30, s6  }
0x9a: {  	[tilespmem:s26], [sflag:$0x5] =	stream.linear.gather [hbm4b:s6+s3], $0x80, $0x38;
	[tilespmem:$0x1E480] =	vst v63  }
0x9b: {  	_ =	swait.ge [sflag:s15], $0x80  }
0x9c: {  	s12 =	rddreg [dreg:$0x8];
	[sflag:s15] =	ssyncset.done $0x0  }
0x9d: {  	[sflag:s15] =	ssyncadd.s32 $0xFFFFFF80;
	s6 =	sadd.s32 $0x0, s12  }
0x9e: {  	[tilespmem:s28], [sflag:$0x5] =	stream.linear.gather [hbm4b:s6+s3], $0x80, $0x38;
	[tilespmem:$0x1E480] =	vst v63  }
0x9f: {  	_ =	swait.ge [sflag:s15], $0x80  }
0xa0: {  	[sflag:s15] =	ssyncset.done $0x0  }
0xa1: {  	[sflag:s15] =	ssyncadd.s32 $0xFFFFFF80  }
0xa2: {  	[tilespmem:s29], [sflag:$0x4] =	stream.indirect.gather [hbm4b:s4+s18], $0x20, s28, s18, $0xb8;
	[tilespmem:$0x1E480] =	vst v63  }
0xa3: {  	_ =	swait.ge [sflag:s30], $0x1000  }
0xa4: {  	[sflag:s30] =	ssyncset.done $0x0  }
0xa5: {  	[sflag:s30] =	ssyncadd.s32 $0xFFFFF000  }
0xa6: {  	[spmem:s2] =	stream.indirect.scatter.add.f32 [tilespmem:s19], [sflag:$0x5], $0x20, s16, s18, $0xb8;
	[tilespmem:$0x1E480] =	vst v63  }
0xa7: {  	_ =	swait.ge [sflag:s15], $0x1000  }
0xa8: {  	[sflag:s15] =	ssyncset.done $0x0  }
0xa9: {  	[sflag:s15] =	ssyncadd.s32 $0xFFFFF000  }
0xaa: {  	_ =	swait.ge [sflag:s31], $0x1000  }
0xab: {  	[sflag:s31] =	ssyncset.done $0x0  }
0xac: {  	[sflag:s31] =	ssyncadd.s32 $0xFFFFF000  }
0xad: {  	[spmem:s2] =	stream.indirect.scatter.add.f32 [tilespmem:s23], [sflag:$0x5], $0x20, s20, s18, $0xb8;
	[tilespmem:$0x1E480] =	vst v63  }
0xae: {  	_ =	swait.ge [sflag:s15], $0x1000  }
0xaf: {  	[sflag:s15] =	ssyncset.done $0x0  }
0xb0: {  	[sflag:s15] =	ssyncadd.s32 $0xFFFFF000  }
0xb1: {  	_ =	swait.ge [sflag:s1], $0x1000  }
0xb2: {  	[sflag:s1] =	ssyncset.done $0x0  }
0xb3: {  	[sflag:s1] =	ssyncadd.s32 $0xFFFFF000  }
0xb4: {  	[spmem:s2] =	stream.indirect.scatter.add.f32 [tilespmem:s14], [sflag:$0x5], $0x20, s24, s18, $0xb8;
	[tilespmem:$0x1E480] =	vst v63  }
0xb5: {  	_ =	swait.ge [sflag:s15], $0x1000  }
0xb6: {  	[sflag:s15] =	ssyncset.done $0x0  }
0xb7: {  	[sflag:s15] =	ssyncadd.s32 $0xFFFFF000  }
0xb8: {  	_ =	swait.ge [sflag:s0], $0x1000  }
0xb9: {  	[sflag:s0] =	ssyncset.done $0x0  }
0xba: {  	[sflag:s0] =	ssyncadd.s32 $0xFFFFF000  }
0xbb: {  	[spmem:s2] =	stream.indirect.scatter.add.f32 [tilespmem:s29], [sflag:$0x5], $0x20, s26, s18, $0xb8;
	[tilespmem:$0x1E480] =	vst v63  }
0xbc: {  	s7 =	simm.s32 $0x80;
	_ =	swait.ge [sflag:s15], $0x1000  }
0xbd: {  	s6 =	simm.s32 $0x40;
	s9 =	rddreg [dreg:$0x5];
	[sflag:s15] =	ssyncset.done $0x0  }
.LBB2_2:
0xbe: {  	[sflag:s15] =	ssyncadd.s32 $0xFFFFF000;
	s9 =	sadd.s32 s6, s9  }
0xbf: {  	[tilespmem:s16], [sflag:$0x5] =	stream.linear.gather [hbm4b:s9+s3], $0x80, $0x38;
	[tilespmem:$0x1E480] =	vst v63  }
0xc0: {  	_ =	swait.ge [sflag:s15], $0x80  }
0xc1: {  	[sflag:s15] =	ssyncset.done $0x0  }
0xc2: {  	s10 =	sadd.s32 s6, s22;
	[sflag:s15] =	ssyncadd.s32 $0xFFFFFF80  }
0xc3: {  	[tilespmem:s17], [sflag:$0x5] =	stream.linear.gather [hbm4b:s10+s3], $0x80, $0x38;
	[tilespmem:$0x1E480] =	vst v63  }
0xc4: {  	_ =	swait.ge [sflag:s15], $0x80  }
0xc5: {  	[sflag:s15] =	ssyncset.done $0x0  }
0xc6: {  	[sflag:s15] =	ssyncadd.s32 $0xFFFFFF80  }
0xc7: {  	[tilespmem:s19], [sflag:$0x1] =	stream.indirect.gather [hbm4b:s4+s18], $0x20, s17, s18, $0xb8;
	[tilespmem:$0x1E480] =	vst v63  }
0xc8: {  	s11 =	sadd.s32 $0x10, s9  }
0xc9: {  	[tilespmem:s20], [sflag:$0x5] =	stream.linear.gather [hbm4b:s11+s3], $0x80, $0x38;
	[tilespmem:$0x1E480] =	vst v63  }
0xca: {  	_ =	swait.ge [sflag:s15], $0x80  }
0xcb: {  	s12 =	rddreg [dreg:$0x7];
	[sflag:s15] =	ssyncset.done $0x0  }
0xcc: {  	[sflag:s15] =	ssyncadd.s32 $0xFFFFFF80;
	s10 =	sadd.s32 s6, s12  }
0xcd: {  	[tilespmem:s21], [sflag:$0x5] =	stream.linear.gather [hbm4b:s10+s3], $0x80, $0x38;
	[tilespmem:$0x1E480] =	vst v63  }
0xce: {  	_ =	swait.ge [sflag:s15], $0x80  }
0xcf: {  	[sflag:s15] =	ssyncset.done $0x0  }
0xd0: {  	[sflag:s15] =	ssyncadd.s32 $0xFFFFFF80  }
0xd1: {  	[tilespmem:s23], [sflag:$0x2] =	stream.indirect.gather [hbm4b:s4+s18], $0x20, s21, s18, $0xb8;
	[tilespmem:$0x1E480] =	vst v63  }
0xd2: {  	s5 =	sadd.s32 $0x20, s9  }
0xd3: {  	[tilespmem:s24], [sflag:$0x5] =	stream.linear.gather [hbm4b:s5+s3], $0x80, $0x38;
	[tilespmem:$0x1E480] =	vst v63  }
0xd4: {  	_ =	swait.ge [sflag:s15], $0x80  }
0xd5: {  	s11 =	rddreg [dreg:$0x6];
	[sflag:s15] =	ssyncset.done $0x0  }
0xd6: {  	[sflag:s15] =	ssyncadd.s32 $0xFFFFFF80;
	s10 =	sadd.s32 s6, s11  }
0xd7: {  	[tilespmem:s25], [sflag:$0x5] =	stream.linear.gather [hbm4b:s10+s3], $0x80, $0x38;
	[tilespmem:$0x1E480] =	vst v63  }
0xd8: {  	_ =	swait.ge [sflag:s15], $0x80  }
0xd9: {  	[sflag:s15] =	ssyncset.done $0x0  }
0xda: {  	[sflag:s15] =	ssyncadd.s32 $0xFFFFFF80  }
0xdb: {  	[tilespmem:s14], [sflag:$0x3] =	stream.indirect.gather [hbm4b:s4+s18], $0x20, s25, s18, $0xb8;
	[tilespmem:$0x1E480] =	vst v63  }
0xdc: {  	s9 =	sadd.s32 $0x30, s9  }
0xdd: {  	[tilespmem:s26], [sflag:$0x5] =	stream.linear.gather [hbm4b:s9+s3], $0x80, $0x38;
	[tilespmem:$0x1E480] =	vst v63  }
0xde: {  	_ =	swait.ge [sflag:s15], $0x80  }
0xdf: {  	s12 =	rddreg [dreg:$0x8];
	[sflag:s15] =	ssyncset.done $0x0  }
0xe0: {  	[sflag:s15] =	ssyncadd.s32 $0xFFFFFF80;
	s9 =	sadd.s32 s6, s12  }
0xe1: {  	[tilespmem:s28], [sflag:$0x5] =	stream.linear.gather [hbm4b:s9+s3], $0x80, $0x38;
	[tilespmem:$0x1E480] =	vst v63  }
0xe2: {  	_ =	swait.ge [sflag:s15], $0x80  }
0xe3: {  	[sflag:s15] =	ssyncset.done $0x0  }
0xe4: {  	[sflag:s15] =	ssyncadd.s32 $0xFFFFFF80  }
0xe5: {  	[tilespmem:s29], [sflag:$0x4] =	stream.indirect.gather [hbm4b:s4+s18], $0x20, s28, s18, $0xb8;
	[tilespmem:$0x1E480] =	vst v63  }
0xe6: {  	_ =	swait.ge [sflag:s30], $0x1000  }
0xe7: {  	[sflag:s30] =	ssyncset.done $0x0  }
0xe8: {  	[sflag:s30] =	ssyncadd.s32 $0xFFFFF000  }
0xe9: {  	[spmem:s2] =	stream.indirect.scatter.add.f32 [tilespmem:s19], [sflag:$0x5], $0x20, s16, s18, $0xb8;
	[tilespmem:$0x1E480] =	vst v63  }
0xea: {  	_ =	swait.ge [sflag:s15], $0x1000  }
0xeb: {  	[sflag:s15] =	ssyncset.done $0x0  }
0xec: {  	[sflag:s15] =	ssyncadd.s32 $0xFFFFF000  }
0xed: {  	_ =	swait.ge [sflag:s31], $0x1000  }
0xee: {  	[sflag:s31] =	ssyncset.done $0x0  }
0xef: {  	[sflag:s31] =	ssyncadd.s32 $0xFFFFF000  }
0xf0: {  	[spmem:s2] =	stream.indirect.scatter.add.f32 [tilespmem:s23], [sflag:$0x5], $0x20, s20, s18, $0xb8;
	[tilespmem:$0x1E480] =	vst v63  }
0xf1: {  	_ =	swait.ge [sflag:s15], $0x1000  }
0xf2: {  	[sflag:s15] =	ssyncset.done $0x0  }
0xf3: {  	[sflag:s15] =	ssyncadd.s32 $0xFFFFF000  }
0xf4: {  	_ =	swait.ge [sflag:s1], $0x1000  }
0xf5: {  	[sflag:s1] =	ssyncset.done $0x0  }
0xf6: {  	[sflag:s1] =	ssyncadd.s32 $0xFFFFF000  }
0xf7: {  	[spmem:s2] =	stream.indirect.scatter.add.f32 [tilespmem:s14], [sflag:$0x5], $0x20, s24, s18, $0xb8;
	[tilespmem:$0x1E480] =	vst v63  }
0xf8: {  	_ =	swait.ge [sflag:s15], $0x1000  }
0xf9: {  	[sflag:s15] =	ssyncset.done $0x0  }
0xfa: {  	[sflag:s15] =	ssyncadd.s32 $0xFFFFF000  }
0xfb: {  	p0 =	sne.s32 s7, $0x1840;
	_ =	swait.ge [sflag:s0], $0x1000  }
.Ltmp0:
0xfc: {  	[sflag:s0] =	ssyncset.done $0x0;
	(pc) =	sbr.rel @p0 .LBB2_2-.Ltmp0, $4  }
0xfd: {  	[sflag:s0] =	ssyncadd.s32 $0xFFFFF000  }
0xfe: {  	[spmem:s2] =	stream.indirect.scatter.add.f32 [tilespmem:s29], [sflag:$0x5], $0x20, s26, s18, $0xb8;
	[tilespmem:$0x1E480] =	vst v63  }
0xff: {  	s8 =	smov.u32 s7;
	s7 =	sadd.s32 $0x40, s7;
	_ =	swait.ge [sflag:s15], $0x1000  }
0x100: {  	s6 =	smov.u32 s8;
	s9 =	rddreg [dreg:$0x5];
	[sflag:s15] =	ssyncset.done $0x0  }
0x101: {  	[sflag:s15] =	ssyncadd.s32 $0xFFFFF000;
	s7 =	sadd.s32 s6, s9  }
0x102: {  	[tilespmem:s16], [sflag:$0x5] =	stream.linear.gather [hbm4b:s7+s3], $0x80, $0x38;
	[tilespmem:$0x1E480] =	vst v63  }
0x103: {  	_ =	swait.ge [sflag:s15], $0x80  }
0x104: {  	[sflag:s15] =	ssyncset.done $0x0  }
0x105: {  	s8 =	sadd.s32 s6, s22;
	[sflag:s15] =	ssyncadd.s32 $0xFFFFFF80  }
0x106: {  	[tilespmem:s17], [sflag:$0x5] =	stream.linear.gather [hbm4b:s8+s3], $0x80, $0x38;
	[tilespmem:$0x1E480] =	vst v63  }
0x107: {  	_ =	swait.ge [sflag:s15], $0x80  }
0x108: {  	[sflag:s15] =	ssyncset.done $0x0  }
0x109: {  	[sflag:s15] =	ssyncadd.s32 $0xFFFFFF80  }
0x10a: {  	[tilespmem:s19], [sflag:$0x1] =	stream.indirect.gather [hbm4b:s4+s18], $0x20, s17, s18, $0xb8;
	[tilespmem:$0x1E480] =	vst v63  }
0x10b: {  	s5 =	sadd.s32 $0x10, s7  }
0x10c: {  	[tilespmem:s20], [sflag:$0x5] =	stream.linear.gather [hbm4b:s5+s3], $0x80, $0x38;
	[tilespmem:$0x1E480] =	vst v63  }
0x10d: {  	_ =	swait.ge [sflag:s15], $0x80  }
0x10e: {  	s9 =	rddreg [dreg:$0x7];
	[sflag:s15] =	ssyncset.done $0x0  }
0x10f: {  	[sflag:s15] =	ssyncadd.s32 $0xFFFFFF80;
	s8 =	sadd.s32 s6, s9  }
0x110: {  	[tilespmem:s21], [sflag:$0x5] =	stream.linear.gather [hbm4b:s8+s3], $0x80, $0x38;
	[tilespmem:$0x1E480] =	vst v63  }
0x111: {  	_ =	swait.ge [sflag:s15], $0x80  }
0x112: {  	[sflag:s15] =	ssyncset.done $0x0  }
0x113: {  	[sflag:s15] =	ssyncadd.s32 $0xFFFFFF80  }
0x114: {  	[tilespmem:s23], [sflag:$0x2] =	stream.indirect.gather [hbm4b:s4+s18], $0x20, s21, s18, $0xb8;
	[tilespmem:$0x1E480] =	vst v63  }
0x115: {  	s10 =	sadd.s32 $0x20, s7  }
0x116: {  	[tilespmem:s24], [sflag:$0x5] =	stream.linear.gather [hbm4b:s10+s3], $0x80, $0x38;
	[tilespmem:$0x1E480] =	vst v63  }
0x117: {  	_ =	swait.ge [sflag:s15], $0x80  }
0x118: {  	s11 =	rddreg [dreg:$0x6];
	[sflag:s15] =	ssyncset.done $0x0  }
0x119: {  	[sflag:s15] =	ssyncadd.s32 $0xFFFFFF80;
	s8 =	sadd.s32 s6, s11  }
0x11a: {  	[tilespmem:s25], [sflag:$0x5] =	stream.linear.gather [hbm4b:s8+s3], $0x80, $0x38;
	[tilespmem:$0x1E480] =	vst v63  }
0x11b: {  	_ =	swait.ge [sflag:s15], $0x80  }
0x11c: {  	[sflag:s15] =	ssyncset.done $0x0  }
0x11d: {  	[sflag:s15] =	ssyncadd.s32 $0xFFFFFF80  }
0x11e: {  	[tilespmem:s14], [sflag:$0x3] =	stream.indirect.gather [hbm4b:s4+s18], $0x20, s25, s18, $0xb8;
	[tilespmem:$0x1E480] =	vst v63  }
0x11f: {  	s7 =	sadd.s32 $0x30, s7  }
0x120: {  	[tilespmem:s26], [sflag:$0x5] =	stream.linear.gather [hbm4b:s7+s3], $0x80, $0x38;
	[tilespmem:$0x1E480] =	vst v63  }
0x121: {  	_ =	swait.ge [sflag:s15], $0x80  }
0x122: {  	s12 =	rddreg [dreg:$0x8];
	[sflag:s15] =	ssyncset.done $0x0  }
0x123: {  	s5 =	sadd.s32 s6, s12;
	[sflag:s15] =	ssyncadd.s32 $0xFFFFFF80  }
0x124: {  	[tilespmem:s28], [sflag:$0x5] =	stream.linear.gather [hbm4b:s5+s3], $0x80, $0x38;
	[tilespmem:$0x1E480] =	vst v63  }
0x125: {  	_ =	swait.ge [sflag:s15], $0x80  }
0x126: {  	[sflag:s15] =	ssyncset.done $0x0  }
0x127: {  	[sflag:s15] =	ssyncadd.s32 $0xFFFFFF80  }
0x128: {  	[tilespmem:s29], [sflag:$0x4] =	stream.indirect.gather [hbm4b:s4+s18], $0x20, s28, s18, $0xb8;
	[tilespmem:$0x1E480] =	vst v63  }
0x129: {  	_ =	swait.ge [sflag:s30], $0x1000  }
0x12a: {  	[sflag:s30] =	ssyncset.done $0x0  }
0x12b: {  	[sflag:s30] =	ssyncadd.s32 $0xFFFFF000  }
0x12c: {  	[spmem:s2] =	stream.indirect.scatter.add.f32 [tilespmem:s19], [sflag:$0x5], $0x20, s16, s18, $0xb8;
	[tilespmem:$0x1E480] =	vst v63  }
0x12d: {  	_ =	swait.ge [sflag:s15], $0x1000  }
0x12e: {  	[sflag:s15] =	ssyncset.done $0x0  }
0x12f: {  	[sflag:s15] =	ssyncadd.s32 $0xFFFFF000  }
0x130: {  	_ =	swait.ge [sflag:s31], $0x1000  }
0x131: {  	[sflag:s31] =	ssyncset.done $0x0  }
0x132: {  	[sflag:s31] =	ssyncadd.s32 $0xFFFFF000  }
0x133: {  	[spmem:s2] =	stream.indirect.scatter.add.f32 [tilespmem:s23], [sflag:$0x5], $0x20, s20, s18, $0xb8;
	[tilespmem:$0x1E480] =	vst v63  }
0x134: {  	_ =	swait.ge [sflag:s15], $0x1000  }
0x135: {  	[sflag:s15] =	ssyncset.done $0x0  }
0x136: {  	[sflag:s15] =	ssyncadd.s32 $0xFFFFF000  }
0x137: {  	_ =	swait.ge [sflag:s1], $0x1000  }
0x138: {  	[sflag:s1] =	ssyncset.done $0x0  }
0x139: {  	[sflag:s1] =	ssyncadd.s32 $0xFFFFF000  }
0x13a: {  	[spmem:s2] =	stream.indirect.scatter.add.f32 [tilespmem:s14], [sflag:$0x5], $0x20, s24, s18, $0xb8;
	[tilespmem:$0x1E480] =	vst v63  }
0x13b: {  	_ =	swait.ge [sflag:s15], $0x1000  }
0x13c: {  	[sflag:s15] =	ssyncset.done $0x0  }
0x13d: {  	[sflag:s15] =	ssyncadd.s32 $0xFFFFF000  }
0x13e: {  	_ =	swait.ge [sflag:s0], $0x1000  }
0x13f: {  	[sflag:s0] =	ssyncset.done $0x0  }
0x140: {  	[sflag:s0] =	ssyncadd.s32 $0xFFFFF000  }
0x141: {  	[spmem:s2] =	stream.indirect.scatter.add.f32 [tilespmem:s29], [sflag:$0x5], $0x20, s26, s18, $0xb8;
	[tilespmem:$0x1E480] =	vst v63  }
0x142: {  	_ =	swait.ge [sflag:s15], $0x1000  }
0x143: {  	[sflag:s15] =	ssyncset.done $0x0  }
0x144: {  	[sflag:s15] =	ssyncadd.s32 $0xFFFFF000  }
0x145: {  	[bflag:$0x0] =	sbarrier.arrive $0xFFFF  }
0x146: {  	s12 =	sld [smem:$0x7F8];
	_ =	sdelay $0x2  }
0x147: {  	[tilespmem:s13], [sflag:$0x5] =	stream.linear.gather [spmem:s12], $0x1880, $0x38;
	[tilespmem:$0x1E480] =	vst v63  }
0x148: {  	_ =	swait.ge [sflag:s15], $0x1880  }
0x149: {  	[sflag:s15] =	ssyncset.done $0x0  }
0x14a: {  	s7 =	rddreg [dreg:$0xa];
	[sflag:s15] =	ssyncadd.s32 $0xFFFFE780  }
0x14b: {  	[hbm4b:s7+s3] =	stream.linear.scatter [tilespmem:s13], [sflag:$0x5], $0x1880, $0x38;
	[tilespmem:$0x1E480] =	vst v63  }
0x14c: {  	_ =	swait.ge [sflag:s15], $0x1880  }
0x14d: {  	s5 =	sld [smem:$0x7F2]  }
0x14e: {  	[sflag:s15] =	ssyncset.done $0x0  }
0x14f: {  	[sflag:s15] =	ssyncadd.s32 $0xFFFFE780  }
0x150: {  	[tilespmem:s13], [sflag:$0x5] =	stream.linear.gather [spmem:s5], $0x1880, $0x38;
	[tilespmem:$0x1E480] =	vst v63  }
0x151: {  	_ =	swait.ge [sflag:s15], $0x1880  }
0x152: {  	[sflag:s15] =	ssyncset.done $0x0  }
0x153: {  	s8 =	rddreg [dreg:$0xb];
	[sflag:s15] =	ssyncadd.s32 $0xFFFFE780  }
0x154: {  	[hbm4b:s8+s3] =	stream.linear.scatter [tilespmem:s13], [sflag:$0x5], $0x1880, $0x38;
	[tilespmem:$0x1E480] =	vst v63  }
0x155: {  	_ =	swait.ge [sflag:s15], $0x1880  }
0x156: {  	[sflag:s15] =	ssyncset.done $0x0  }
0x157: {  	s9 =	rddreg [dreg:$0x1b];
	[sflag:s15] =	ssyncadd.s32 $0xFFFFE780  }
0x158: {  	[tilespmem:s13], [sflag:$0x5] =	stream.linear.gather [spmem:s9], $0x1880, $0x38;
	[tilespmem:$0x1E480] =	vst v63  }
0x159: {  	_ =	swait.ge [sflag:s15], $0x1880  }
0x15a: {  	[sflag:s15] =	ssyncset.done $0x0  }
0x15b: {  	s10 =	rddreg [dreg:$0xc];
	[sflag:s15] =	ssyncadd.s32 $0xFFFFE780  }
0x15c: {  	[hbm4b:s10+s3] =	stream.linear.scatter [tilespmem:s13], [sflag:$0x5], $0x1880, $0x38;
	[tilespmem:$0x1E480] =	vst v63  }
0x15d: {  	_ =	swait.ge [sflag:s15], $0x1880  }
0x15e: {  	[sflag:s15] =	ssyncset.done $0x0  }
0x15f: {  	s11 =	rddreg [dreg:$0x1c];
	[sflag:s15] =	ssyncadd.s32 $0xFFFFE780  }
0x160: {  	[tilespmem:s13], [sflag:$0x5] =	stream.linear.gather [spmem:s11], $0x1880, $0x38;
	[tilespmem:$0x1E480] =	vst v63  }
0x161: {  	_ =	swait.ge [sflag:s15], $0x1880  }
0x162: {  	[sflag:s15] =	ssyncset.done $0x0  }
0x163: {  	s5 =	rddreg [dreg:$0xd];
	[sflag:s15] =	ssyncadd.s32 $0xFFFFE780  }
0x164: {  	[hbm4b:s5+s3] =	stream.linear.scatter [tilespmem:s13], [sflag:$0x5], $0x1880, $0x38;
	[tilespmem:$0x1E480] =	vst v63  }
0x165: {  	_ =	swait.ge [sflag:s15], $0x1880  }
0x166: {  	[sflag:s15] =	ssyncset.done $0x0  }
0x167: {  	s7 =	rddreg [dreg:$0x1d];
	[sflag:s15] =	ssyncadd.s32 $0xFFFFE780  }
0x168: {  	[tilespmem:s13], [sflag:$0x5] =	stream.linear.gather [spmem:s7], $0x1880, $0x38;
	[tilespmem:$0x1E480] =	vst v63  }
0x169: {  	_ =	swait.ge [sflag:s15], $0x1880  }
0x16a: {  	[sflag:s15] =	ssyncset.done $0x0  }
0x16b: {  	s8 =	rddreg [dreg:$0xe];
	[sflag:s15] =	ssyncadd.s32 $0xFFFFE780  }
0x16c: {  	[hbm4b:s8+s3] =	stream.linear.scatter [tilespmem:s13], [sflag:$0x5], $0x1880, $0x38;
	[tilespmem:$0x1E480] =	vst v63  }
0x16d: {  	_ =	swait.ge [sflag:s15], $0x1880  }
0x16e: {  	[sflag:s15] =	ssyncset.done $0x0  }
0x16f: {  	s9 =	rddreg [dreg:$0x1e];
	[sflag:s15] =	ssyncadd.s32 $0xFFFFE780  }
0x170: {  	[tilespmem:s13], [sflag:$0x5] =	stream.linear.gather [spmem:s9], $0x1880, $0x38;
	[tilespmem:$0x1E480] =	vst v63  }
0x171: {  	_ =	swait.ge [sflag:s15], $0x1880  }
0x172: {  	[sflag:s15] =	ssyncset.done $0x0  }
0x173: {  	s10 =	rddreg [dreg:$0xf];
	[sflag:s15] =	ssyncadd.s32 $0xFFFFE780  }
0x174: {  	[hbm4b:s10+s3] =	stream.linear.scatter [tilespmem:s13], [sflag:$0x5], $0x1880, $0x38;
	[tilespmem:$0x1E480] =	vst v63  }
0x175: {  	_ =	swait.ge [sflag:s15], $0x1880  }
0x176: {  	[sflag:s15] =	ssyncset.done $0x0  }
0x177: {  	s11 =	rddreg [dreg:$0x1f];
	[sflag:s15] =	ssyncadd.s32 $0xFFFFE780  }
0x178: {  	[tilespmem:s13], [sflag:$0x5] =	stream.linear.gather [spmem:s11], $0x1880, $0x38;
	[tilespmem:$0x1E480] =	vst v63  }
0x179: {  	_ =	swait.ge [sflag:s15], $0x1880  }
0x17a: {  	[sflag:s15] =	ssyncset.done $0x0  }
0x17b: {  	s5 =	rddreg [dreg:$0x10];
	[sflag:s15] =	ssyncadd.s32 $0xFFFFE780  }
0x17c: {  	[hbm4b:s5+s3] =	stream.linear.scatter [tilespmem:s13], [sflag:$0x5], $0x1880, $0x38;
	[tilespmem:$0x1E480] =	vst v63  }
0x17d: {  	_ =	swait.ge [sflag:s15], $0x1880  }
0x17e: {  	s7 =	sld [smem:$0x7F3]  }
0x17f: {  	[sflag:s15] =	ssyncset.done $0x0  }
0x180: {  	[sflag:s15] =	ssyncadd.s32 $0xFFFFE780  }
0x181: {  	[tilespmem:s13], [sflag:$0x5] =	stream.linear.gather [spmem:s7], $0x1880, $0x38;
	[tilespmem:$0x1E480] =	vst v63  }
0x182: {  	_ =	swait.ge [sflag:s15], $0x1880  }
0x183: {  	[sflag:s15] =	ssyncset.done $0x0  }
0x184: {  	s8 =	rddreg [dreg:$0x11];
	[sflag:s15] =	ssyncadd.s32 $0xFFFFE780  }
0x185: {  	[hbm4b:s8+s3] =	stream.linear.scatter [tilespmem:s13], [sflag:$0x5], $0x1880, $0x38;
	[tilespmem:$0x1E480] =	vst v63  }
0x186: {  	_ =	swait.ge [sflag:s15], $0x1880  }
0x187: {  	s9 =	sld [smem:$0x7F4]  }
0x188: {  	[sflag:s15] =	ssyncset.done $0x0  }
0x189: {  	[sflag:s15] =	ssyncadd.s32 $0xFFFFE780  }
0x18a: {  	[tilespmem:s13], [sflag:$0x5] =	stream.linear.gather [spmem:s9], $0x1880, $0x38;
	[tilespmem:$0x1E480] =	vst v63  }
0x18b: {  	_ =	swait.ge [sflag:s15], $0x1880  }
0x18c: {  	[sflag:s15] =	ssyncset.done $0x0  }
0x18d: {  	s10 =	rddreg [dreg:$0x12];
	[sflag:s15] =	ssyncadd.s32 $0xFFFFE780  }
0x18e: {  	[hbm4b:s10+s3] =	stream.linear.scatter [tilespmem:s13], [sflag:$0x5], $0x1880, $0x38;
	[tilespmem:$0x1E480] =	vst v63  }
0x18f: {  	_ =	swait.ge [sflag:s15], $0x1880  }
0x190: {  	s11 =	sld [smem:$0x7F5]  }
0x191: {  	[sflag:s15] =	ssyncset.done $0x0  }
0x192: {  	[sflag:s15] =	ssyncadd.s32 $0xFFFFE780  }
0x193: {  	[tilespmem:s13], [sflag:$0x5] =	stream.linear.gather [spmem:s11], $0x1880, $0x38;
	[tilespmem:$0x1E480] =	vst v63  }
0x194: {  	_ =	swait.ge [sflag:s15], $0x1880  }
0x195: {  	[sflag:s15] =	ssyncset.done $0x0  }
0x196: {  	s5 =	rddreg [dreg:$0x13];
	[sflag:s15] =	ssyncadd.s32 $0xFFFFE780  }
0x197: {  	[hbm4b:s5+s3] =	stream.linear.scatter [tilespmem:s13], [sflag:$0x5], $0x1880, $0x38;
	[tilespmem:$0x1E480] =	vst v63  }
0x198: {  	_ =	swait.ge [sflag:s15], $0x1880  }
0x199: {  	s6 =	sld [smem:$0x7F6]  }
0x19a: {  	[sflag:s15] =	ssyncset.done $0x0  }
0x19b: {  	[sflag:s15] =	ssyncadd.s32 $0xFFFFE780  }
0x19c: {  	[tilespmem:s13], [sflag:$0x5] =	stream.linear.gather [spmem:s6], $0x1880, $0x38;
	[tilespmem:$0x1E480] =	vst v63  }
0x19d: {  	_ =	swait.ge [sflag:s15], $0x1880  }
0x19e: {  	[sflag:s15] =	ssyncset.done $0x0  }
0x19f: {  	s7 =	rddreg [dreg:$0x14];
	[sflag:s15] =	ssyncadd.s32 $0xFFFFE780  }
0x1a0: {  	[hbm4b:s7+s3] =	stream.linear.scatter [tilespmem:s13], [sflag:$0x5], $0x1880, $0x38;
	[tilespmem:$0x1E480] =	vst v63  }
0x1a1: {  	_ =	swait.ge [sflag:s15], $0x1880  }
0x1a2: {  	s9 =	sld [smem:$0x7F9]  }
0x1a3: {  	[sflag:s15] =	ssyncset.done $0x0  }
0x1a4: {  	[sflag:s15] =	ssyncadd.s32 $0xFFFFE780  }
0x1a5: {  	[tilespmem:s13], [sflag:$0x5] =	stream.linear.gather [spmem:s9], $0x1880, $0x38;
	[tilespmem:$0x1E480] =	vst v63  }
0x1a6: {  	_ =	swait.ge [sflag:s15], $0x1880  }
0x1a7: {  	[sflag:s15] =	ssyncset.done $0x0  }
0x1a8: {  	s8 =	rddreg [dreg:$0x15];
	[sflag:s15] =	ssyncadd.s32 $0xFFFFE780  }
0x1a9: {  	[hbm4b:s8+s3] =	stream.linear.scatter [tilespmem:s13], [sflag:$0x5], $0x1880, $0x38;
	[tilespmem:$0x1E480] =	vst v63  }
0x1aa: {  	_ =	swait.ge [sflag:s15], $0x1880  }
0x1ab: {  	s5 =	sld [smem:$0x7FA]  }
0x1ac: {  	[sflag:s15] =	ssyncset.done $0x0  }
0x1ad: {  	[sflag:s15] =	ssyncadd.s32 $0xFFFFE780  }
0x1ae: {  	[tilespmem:s13], [sflag:$0x5] =	stream.linear.gather [spmem:s5], $0x1880, $0x38;
	[tilespmem:$0x1E480] =	vst v63  }
0x1af: {  	_ =	swait.ge [sflag:s15], $0x1880  }
0x1b0: {  	[sflag:s15] =	ssyncset.done $0x0  }
0x1b1: {  	s10 =	rddreg [dreg:$0x16];
	[sflag:s15] =	ssyncadd.s32 $0xFFFFE780  }
0x1b2: {  	[hbm4b:s10+s3] =	stream.linear.scatter [tilespmem:s13], [sflag:$0x5], $0x1880, $0x38;
	[tilespmem:$0x1E480] =	vst v63  }
0x1b3: {  	_ =	swait.ge [sflag:s15], $0x1880  }
0x1b4: {  	s10 =	sld [smem:$0x7FB]  }
0x1b5: {  	[sflag:s15] =	ssyncset.done $0x0  }
0x1b6: {  	[sflag:s15] =	ssyncadd.s32 $0xFFFFE780  }
0x1b7: {  	[tilespmem:s13], [sflag:$0x5] =	stream.linear.gather [spmem:s10], $0x1880, $0x38;
	[tilespmem:$0x1E480] =	vst v63  }
0x1b8: {  	_ =	swait.ge [sflag:s15], $0x1880  }
0x1b9: {  	[sflag:s15] =	ssyncset.done $0x0  }
0x1ba: {  	s11 =	rddreg [dreg:$0x17];
	[sflag:s15] =	ssyncadd.s32 $0xFFFFE780  }
0x1bb: {  	[hbm4b:s11+s3] =	stream.linear.scatter [tilespmem:s13], [sflag:$0x5], $0x1880, $0x38;
	[tilespmem:$0x1E480] =	vst v63  }
0x1bc: {  	_ =	swait.ge [sflag:s15], $0x1880  }
0x1bd: {  	s11 =	sld [smem:$0x7FC]  }
0x1be: {  	[sflag:s15] =	ssyncset.done $0x0  }
0x1bf: {  	[sflag:s15] =	ssyncadd.s32 $0xFFFFE780  }
0x1c0: {  	[tilespmem:s13], [sflag:$0x5] =	stream.linear.gather [spmem:s11], $0x1880, $0x38;
	[tilespmem:$0x1E480] =	vst v63  }
0x1c1: {  	_ =	swait.ge [sflag:s15], $0x1880  }
0x1c2: {  	[sflag:s15] =	ssyncset.done $0x0  }
0x1c3: {  	s7 =	rddreg [dreg:$0x18];
	[sflag:s15] =	ssyncadd.s32 $0xFFFFE780  }
0x1c4: {  	[hbm4b:s7+s3] =	stream.linear.scatter [tilespmem:s13], [sflag:$0x5], $0x1880, $0x38;
	[tilespmem:$0x1E480] =	vst v63  }
0x1c5: {  	_ =	swait.ge [sflag:s15], $0x1880  }
0x1c6: {  	s7 =	sld [smem:$0x7FD]  }
0x1c7: {  	[sflag:s15] =	ssyncset.done $0x0  }
0x1c8: {  	[sflag:s15] =	ssyncadd.s32 $0xFFFFE780  }
0x1c9: {  	[tilespmem:s13], [sflag:$0x5] =	stream.linear.gather [spmem:s7], $0x1880, $0x38;
	[tilespmem:$0x1E480] =	vst v63  }
0x1ca: {  	_ =	swait.ge [sflag:s15], $0x1880  }
0x1cb: {  	[sflag:s15] =	ssyncset.done $0x0  }
0x1cc: {  	s8 =	rddreg [dreg:$0x19];
	[sflag:s15] =	ssyncadd.s32 $0xFFFFE780  }
0x1cd: {  	[hbm4b:s8+s3] =	stream.linear.scatter [tilespmem:s13], [sflag:$0x5], $0x1880, $0x38;
	[tilespmem:$0x1E480] =	vst v63  }
0x1ce: {  	_ =	swait.ge [sflag:s15], $0x1880  }
0x1cf: {  	s6 =	sld [smem:$0x7F7];
	_ =	sdelay $0x2  }
0x1d0: {  	s8 =	sadd.s32 $0x1, s6;
	s6 =	rddreg [dreg:$0x1a]  }
0x1d1: {  	p0 =	sne.s32 s8, s6  }
.Ltmp1:
0x1d2: {  	_ = 	snop;
	(pc) =	sbr.rel @p0 .LBB2_1-.Ltmp1, $3  }
0x1d3: {  	_ =	sdelay $0x1  }
0x1d4: {  	[sflag:s15] =	ssyncset.done $0x0;
	[smem:$0x7F7] =	sst s8  }
0x1d5: {  	[sflag:s15] =	ssyncadd.s32 $0xFFFFE780;
	s8 =	rddreg [dreg:$0x1d]  }
0x1d6: {  	_ =	sfence.sel $0x180000  }
0x1d7: {  	[bflag:$0x0] =	sbarrier.arrive $0xFFFF  }
0x1d8: {  	_ =	strace $0x90000050  }
0x1d9: {  	s0 =	stileid.u32;
	[bflag:$0x2] =	sbarrier.arrive $0xFFFF  }
0x1da: {  	p0 =	sne.s32 s0, $0x0;
	s0 =	rddreg [dreg:$0x4]  }
0x1db: {  	s0 =	sadd.s32 @!p0 $0x100000, s0  }
0x1dc: {  	[sflag:s0] =	ssyncadd.tile.s32 @!p0 $0x1;
	_ =	shalt  }
.Lfunc_end2:
_tile_overlayer_lowered:
.L_overlay_start_2:
0x1dd: {  	(tag) =	ssettag $0x2  }
0x1de: {  	s0 =	rddreg [dreg:$0x0];
	s2 =	stileid.u32  }
0x1df: {  	s1 =	rddreg [dreg:$0x1];
	p0 =	sne.s32 s2, $0x0  }
0x1e0: {  	s3 =	rddreg [dreg:$0x2];
	[bflag:$0x3] =	sbarrier.arrive $0xFFFF;
	s2 =	simm.s32 @!p0 $0x1C05  }
0x1e1: {  	[timem:s3], [sflag:s2] =	dma.local @!p0 [hbm:s0], s1  }
0x1e2: {  	s0 =	simm.s32 @!p0 $0x5  }
0x1e3: {  	_ =	swait.ge @!p0 [sflag:s0], s1  }
0x1e4: {  	s1 =	ssub.s32 @!p0 $0x0, s1;
	[sflag:s0] =	ssyncset.done @!p0 $0x0  }
0x1e5: {  	[sflag:s0] =	ssyncadd.s32 @!p0 s1  }
0x1e6: {  	[bflag:$0x3] =	sbarrier.arrive $0xFFFF  }
0x1e7: {  	_ =	shalt  }

// kernel: kernel.5.cloned.1.call-start
scs
__scs_entry_jumppad:
0x0: {  	(pc) =	sbr.rel $0x88, $3  }
0x1: {  	(tag) =	ssettag $0x0;
	lr =	simm.s32 $0x1  }
0x2: {  	[smem:$0x3F9E] =	sst lr;
	_ =	strace $0xD0000000  }
0x3: {  	_ = 	snop  }
0x4: {  	_ = 	snop  }
0x5: {  	_ = 	snop  }
0x6: {  	_ = 	snop  }
0x7: {  	_ = 	snop  }
__scs_overlays_trampoline_lowered:
0x8: {  	[smem:$0x3FAD] =	sst s0  }
0x9: {  	[smem:$0x3FAE] =	sst s1  }
0xa: {  	[smem:$0x3FAF] =	sst s2  }
0xb: {  	[smem:$0x3FB0] =	sst s3  }
0xc: {  	[smem:$0x3FB1] =	sst s4  }
0xd: {  	[smem:$0x3FB2] =	sst s5  }
0xe: {  	[smem:$0x3FB3] =	sst s6  }
0xf: {  	[smem:$0x3FB4] =	sst s7  }
0x10: {  	[smem:$0x3FB5] =	sst s8  }
0x11: {  	[smem:$0x3FB6] =	sst s9;
	s0 =	simm.s32 @!p0 $0x0  }
0x12: {  	s1 =	sld [smem:$0x3F9C];
	s0 =	simm.s32 @p0 $0x1  }
0x13: {  	[smem:$0x3FB7] =	sst s0;
	s0 =	simm.s32 @!p1 $0x0  }
0x14: {  	s2 =	sld [smem:$0x3F9B];
	s0 =	simm.s32 @p1 $0x1  }
0x15: {  	[smem:$0x3FB8] =	sst s0;
	s0 =	simm.s32 @!p2 $0x0  }
0x16: {  	s3 =	sld [smem:$0x3FDB];
	s0 =	simm.s32 @p2 $0x1  }
0x17: {  	s4 =	simm.s32 $0x1BF5;
	[smem:$0x3FBA] =	sst s0  }
0x18: {  	s0 =	sld [smem:$0x3F9D];
	_ =	swait.ge [sflag:s4], $0x0  }
0x19: {  	s7 =	sld [smem:$0x3F9E]  }
0x1a: {  	s8 =	sadd.s32 $0xFFFFE003, lr  }
0x1b: {  	s9 =	sadd.s32 $0xFFFFFEF7, lr;
	s5 =	simm.s32 $0xFFFFFFFF;
	p2 =	slt.u32 s8, $0xFFFFF086  }
0x1c: {  	p1 =	slt.u32 s9, $0xF7A;
	s5 =	simm.s32 @!p2 $0x0  }
0x1d: {  	s5 =	simm.s32 @p1 $0x1;
	p0 =	seq.s32 s7, s2  }
0x1e: {  	s7 =	smul.u32 @!p0 $0xF7A, s2;
	p2 =	seq.s32 @!p0 s5, $0x0  }
0x1f: {  	s9 =	smul.u32 $0xF7A, s1;
	s8 =	simm.s32 @!p0 $0x1BF5;
	p2 =	por !p2, p0  }
0x20: {  	[sflag:s8] =	ssyncset.s32 @!p0 $0xFFFFF086;
	s6 =	sadd.s32 @!p0 s3, s7;
	s7 =	simm.s32 @!p0 $0x108  }
0x21: {  	s3 =	sadd.s32 s3, s9;
	s6 =	sadd.s32 @!p0 $0x88, s6;
	s7 =	simm.s32 @p2 $0x1082  }
0x22: {  	[simem:s7], [sflag:s8] =	dma.local @!p0 [hbm:s6], $0xF7A  }
0x23: {  	s9 =	sor.u32 $0xD0000000, s2;
	s6 =	simm.s32 $0x108;
	_ =	swait.ge @!p0 [sflag:s8], $0x0  }
0x24: {  	s3 =	sadd.s32 $0x88, s3;
	s6 =	simm.s32 @!p1 $0x1082;
	[sflag:s4] =	ssyncset.s32 $0xFFFFF086  }
0x25: {  	[simem:s6], [sflag:s4] =	dma.local [hbm:s3], $0xF7A  }
0x26: {  	[smem:$0x3F9E] =	sst s1;
	(tag) =	ssettag s2;
	_ =	strace s9  }
0x27: {  	s1 =	sld [smem:$0x3FAE]  }
0x28: {  	s2 =	sld [smem:$0x3FAF]  }
0x29: {  	s4 =	sld [smem:$0x3FB1]  }
0x2a: {  	p0 =	seq.s32 s5, $0x0;
	s5 =	sld [smem:$0x3FB2]  }
0x2b: {  	s6 =	sld [smem:$0x3FB3]  }
0x2c: {  	s7 =	sld [smem:$0x3FB4]  }
0x2d: {  	s3 =	simm.s32 $0x108;
	s8 =	sld [smem:$0x3FB5]  }
0x2e: {  	s3 =	simm.s32 @!p0 $0x1082;
	s9 =	sld [smem:$0x3FB6]  }
0x2f: {  	lr =	sadd.s32 s0, s3;
	s0 =	sld [smem:$0x3FAD]  }
0x30: {  	s3 =	sld [smem:$0x3FB0]  }
0x31: {  	[smem:$0x3FB9] =	sst s10  }
0x32: {  	s10 =	sld [smem:$0x3FB7];
	_ =	sdelay $0x3  }
0x33: {  	p0 =	seq.s32 s10, $0x1;
	s10 =	sld [smem:$0x3FB9];
	_ =	sdelay $0x3  }
0x34: {  	[smem:$0x3FB9] =	sst s10  }
0x35: {  	s10 =	sld [smem:$0x3FB8];
	_ =	sdelay $0x3  }
0x36: {  	p1 =	seq.s32 s10, $0x1;
	s10 =	sld [smem:$0x3FB9];
	_ =	sdelay $0x3  }
0x37: {  	[smem:$0x3FB9] =	sst s10  }
0x38: {  	s10 =	sld [smem:$0x3FBA]  }
0x39: {  	_ = 	snop;
	(pc) =	sbr.ind lr, $3  }
0x3a: {  	_ = 	snop  }
0x3b: {  	_ = 	snop  }
0x3c: {  	p2 =	seq.s32 s10, $0x1;
	s10 =	sld [smem:$0x3FB9]  }
0x3d: {  	_ =	shalt  }
0x3e: {  	_ =	shalt  }
0x3f: {  	_ =	shalt  }
0x40: {  	_ =	shalt  }
0x41: {  	_ =	shalt  }
0x42: {  	_ =	shalt  }
0x43: {  	_ =	shalt  }
0x44: {  	_ =	shalt  }
0x45: {  	_ =	shalt  }
0x46: {  	_ =	shalt  }
0x47: {  	_ =	shalt  }
0x48: {  	_ =	shalt  }
0x49: {  	_ =	shalt  }
0x4a: {  	_ =	shalt  }
0x4b: {  	_ =	shalt  }
0x4c: {  	_ =	shalt  }
0x4d: {  	_ =	shalt  }
0x4e: {  	_ =	shalt  }
0x4f: {  	_ =	shalt  }
0x50: {  	_ =	shalt  }
0x51: {  	_ =	shalt  }
0x52: {  	_ =	shalt  }
0x53: {  	_ =	shalt  }
0x54: {  	_ =	shalt  }
0x55: {  	_ =	shalt  }
0x56: {  	_ =	shalt  }
0x57: {  	_ =	shalt  }
0x58: {  	_ =	shalt  }
0x59: {  	_ =	shalt  }
0x5a: {  	_ =	shalt  }
0x5b: {  	_ =	shalt  }
0x5c: {  	_ =	shalt  }
0x5d: {  	_ =	shalt  }
0x5e: {  	_ =	shalt  }
0x5f: {  	_ =	shalt  }
0x60: {  	_ =	shalt  }
0x61: {  	_ =	shalt  }
0x62: {  	_ =	shalt  }
0x63: {  	_ =	shalt  }
0x64: {  	_ =	shalt  }
0x65: {  	_ =	shalt  }
0x66: {  	_ =	shalt  }
0x67: {  	_ =	shalt  }
0x68: {  	_ =	shalt  }
0x69: {  	_ =	shalt  }
0x6a: {  	_ =	shalt  }
0x6b: {  	_ =	shalt  }
0x6c: {  	_ =	shalt  }
0x6d: {  	_ =	shalt  }
0x6e: {  	_ =	shalt  }
0x6f: {  	_ =	shalt  }
0x70: {  	_ =	shalt  }
0x71: {  	_ =	shalt  }
0x72: {  	_ =	shalt  }
0x73: {  	_ =	shalt  }
0x74: {  	_ =	shalt  }
0x75: {  	_ =	shalt  }
0x76: {  	_ =	shalt  }
0x77: {  	_ =	shalt  }
0x78: {  	_ =	shalt  }
0x79: {  	_ =	shalt  }
0x7a: {  	_ =	shalt  }
0x7b: {  	_ =	shalt  }
0x7c: {  	_ =	shalt  }
0x7d: {  	_ =	shalt  }
0x7e: {  	_ =	shalt  }
0x7f: {  	_ =	shalt  }
0x80: {  	_ =	shalt  }
0x81: {  	_ =	shalt  }
0x82: {  	_ =	shalt  }
0x83: {  	_ =	shalt  }
0x84: {  	_ =	shalt  }
0x85: {  	_ =	shalt  }
0x86: {  	_ =	shalt  }
0x87: {  	_ =	shalt  }
.Lfunc_end0:
.L_simem_size_0:
called_computation.1_lowered:
.L_overlay_start_0:
0x88: {  	s2 =	sld [smem:$0x3FD9]  }
0x89: {  	s3 =	sld [smem:$0x3FFE];
	_ =	sdelay $0x1  }
0x8a: {  	s1 =	srdreg.scid  }
0x8b: {  	s0 =	sand.u32 $0x1, s1  }
0x8c: {  	s14 =	sshll.u32 s0, $0xA;
	s2 =	sadd.s32 s3, s2  }
0x8d: {  	s2 =	sadd.s32 s2, s14  }
0x8e: {  	[smem:$0x3FC5] =	sst s2  }
0x8f: {  	_ = 	snop  }
0x90: {  	s2 =	sld [smem:$0x3FD0];
	_ =	sdelay $0x2  }
0x91: {  	s15 =	simm.s32 $0xA;
	s4 =	simm.s32 $0x10  }
0x92: {  	[smem:s4], [sflag:s15] =	dma.local [hbm:s2], $0x1  }
0x93: {  	_ =	swait.eq [sflag:s15], $0x1  }
0x94: {  	[sflag:s15] =	ssyncset.done $0x0  }
0x95: {  	s16 =	sld [smem:$0x10];
	[sflag:s15] =	ssyncadd.s32 $0xFFFFFFFF  }
0x96: {  	s17 =	sld [smem:$0x11];
	(tm) =	ssettm $0x1  }
0x97: {  	s18 =	sld [smem:$0x3FFB];
	_ =	sdelay $0x3  }
0x98: {  	_ =	strace s18  }
0x99: {  	s4 =	sld [smem:$0x3FFC];
	_ =	sdelay $0x3  }
0x9a: {  	_ =	strace s4  }
0x9b: {  	s4 =	sld [smem:$0x3FFD];
	_ =	sdelay $0x3  }
0x9c: {  	_ =	strace s4  }
0x9d: {  	_ =	strace $0x8FFFFFFF  }
0x9e: {  	s19 =	sld [smem:$0x3FDB];
	_ =	sdelay $0x1  }
0x9f: {  	s5 =	simm.s32 $_scs_section_size  }
0xa0: {  	s6 =	simm.s32 $_size__tile_overlayer_lowered;
	s7 =	simm.s32 $_tile_overlayer_lowered  }
0xa1: {  	s22 =	simm.s32 $0x1BFF;
	s21 =	sshll.u32 s7, $0x1;
	s4 =	sadd.s32 s5, s19  }
0xa2: {  	s8 =	simm.s32 $0x0;
	s20 =	sshll.u32 s6, $0x1;
	s6 =	sadd.s32 s21, s4  }
0xa3: {  	[timem:s8], [sflag:s22] =	dma.local [hbm:s6], s20  }
0xa4: {  	_ =	swait.ge [sflag:s22], s20  }
0xa5: {  	s5 =	ssub.s32 $0x0, s20;
	[sflag:s22] =	ssyncset.done $0x0  }
0xa6: {  	[sflag:s22] =	ssyncadd.s32 s5;
	_ =	sdelay $0x1  }
0xa7: {  	s23 =	simm.s32 $0x1B8B  }
0xa8: {  	_ =	swait.ge [sflag:s23], $0x1  }
0xa9: {  	[sflag:s23] =	ssyncset.done $0x0  }
0xaa: {  	s25 =	simm.s32 $0x1B8E;
	s24 =	sld [smem:$0x3FFE];
	[sflag:s23] =	ssyncadd.s32 $0xFFFFFFFF  }
0xab: {  	s26 =	simm.s32 $execute0_lowered;
	[smem:$0x3FD2] =	sst s25  }
0xac: {  	s6 =	sshll.u32 s26, $0x1;
	_ =	strace $0x80000049;
	[dreg:$0x1] =	wrdreg $0xFFFFFFFF  }
0xad: {  	s28 =	simm.s32 $_size_execute0_lowered;
	s4 =	sadd.s32 s4, s6;
	[dreg:$0x0] =	wrdreg $0x0  }
0xae: {  	s6 =	sshll.u32 s28, $0x1;
	[dreg:$0x2] =	wrdreg s4  }
0xaf: {  	[dreg:$0x3] =	wrdreg s6  }
0xb0: {  	[dreg:$0x4] =	wrdreg $0xC0  }
0xb1: {  	_ =	task [dreg:s8], $0x5FFFF  }
0xb2: {  	[dreg:$0x1] =	wrdreg $0xFFFFFFFF  }
0xb3: {  	[dreg:$0x0] =	wrdreg $0x60  }
0xb4: {  	[dreg:$0x2] =	wrdreg s24  }
0xb5: {  	[dreg:$0x3] =	wrdreg s16  }
0xb6: {  	[dreg:$0x4] =	wrdreg s17  }
0xb7: {  	[dreg:$0x5] =	wrdreg $0x0  }
0xb8: {  	[dreg:$0x6] =	wrdreg $0x9  }
0xb9: {  	_ =	task.clear_ibuf [dreg:s8], $0x7FFFF;
	_ =	strace $0x90000049  }
0xba: {  	s29 =	simm.s32 $0x9;
	_ =	strace $0x8000004B  }
0xbb: {  	_ =	swait.ge [sflag:s29], $0x1  }
0xbc: {  	[sflag:s29] =	ssyncadd.s32 $0xFFFFFFFF  }
0xbd: {  	_ =	strace $0x9000004B  }
0xbe: {  	_ =	sfence  }
0xbf: {  	s30 =	sld [smem:$0x0];
	_ =	sdelay $0x2  }
0xc0: {  	s31 =	sshll.u32 s1, $0xD;
	s1 =	sshrl.u32 s1, $0x2  }
0xc1: {  	s3 =	sand.u32 $0x4000, s31;
	s1 =	sadd.s32 s1, s30  }
0xc2: {  	s0 =	sor.u32 s3, s0;
	s1 =	sshll.u32 s1, $0x11  }
0xc3: {  	s0 =	sor.u32 s1, s0  }
0xc4: {  	s0 =	sadd.s32 $0x8F2B, s0  }
0xc5: {  	[sflag:s0] =	ssyncadd.remote.s32 $0x1  }
0xc6: {  	_ =	sfence.sel $0xFFFF  }
0xc7: {  	[dreg:$0x0] =	wrdreg $0xFFFFFFFF;
	(pc) =	sbr.abs _section_cstart, $3  }
0xc8: {  	[dreg:$0x1] =	wrdreg $0xFFFFFFFF  }
0xc9: {  	_ =	task.clear_ibuf [dreg:s8], $0x2FFFF;
	_ =	strace $0x9FFFFFFF  }
0xca: {  	(tm) =	ssettm $0x7FFFFFFF  }
0xcb: {  	_ =	shalt  }
tec
execute0_lowered:
.L_overlay_start_1:
0x0: {  	(tag) =	ssettag $0x1  }
0x1: {  	s0 =	rddreg [dreg:$0x0]  }
0x2: {  	s3 =	srdreg.scid;
	s12 =	stileid.u32  }
0x3: {  	s1 =	rddreg [dreg:$0x1];
	s6 =	sand.u32 $0x1, s3;
	s7 =	smul.u32 $0xC40, s12  }
0x4: {  	s5 =	rddreg [dreg:$0x2];
	s8 =	smul.u32 $0xC400, s6  }
0x5: {  	s2 =	rddreg [dreg:$0x3];
	s3 =	simm.s32 $0x0;
	s4 =	sadd.s32 $0xF8C00, s0  }
0x6: {  	s16 =	smul.u32 $0x1880, s12;
	[smem:$0x7FF] =	sst s3;
	s7 =	sadd.s32 s7, s8  }
0x7: {  	s20 =	sadd.s32 $0x5E00, s0;
	_ =	strace $0x8000004A;
	s7 =	sshll.u32 s7, $0x2  }
0x8: {  	[dreg:$0x9] =	wrdreg s20;
	s1 =	sadd.s32 s16, s1;
	s0 =	sadd.s32 s7, s0  }
0x9: {  	[dreg:$0x5] =	wrdreg s1;
	s11 =	sadd.s32 $0x15A800, s0  }
0xa: {  	s21 =	smul.u32 $0x62000, s12;
	s23 =	sadd.s32 $0x15AB10, s0;
	[dreg:$0xa] =	wrdreg s11  }
0xb: {  	s9 =	smul.u32 $0xC400, s12;
	s24 =	sadd.s32 $0x15AE20, s0;
	[dreg:$0xb] =	wrdreg s23  }
0xc: {  	s22 =	ssub.s32 $0x2, s6;
	s25 =	sadd.s32 $0x15B130, s0;
	[dreg:$0xc] =	wrdreg s24  }
0xd: {  	s10 =	sshrl.u32 s22, $0x1;
	s26 =	sadd.s32 $0x15B440, s0;
	[dreg:$0xd] =	wrdreg s25  }
0xe: {  	s7 =	ssub.s32 s22, s10;
	s10 =	sadd.s32 $0x15B750, s0;
	[dreg:$0xe] =	wrdreg s26  }
0xf: {  	s6 =	smul.u32 $0xC4000, s6;
	s13 =	sadd.s32 $0x15BA60, s0;
	[dreg:$0xf] =	wrdreg s10  }
0x10: {  	s8 =	sshrl.u32 s21, $0x2;
	s15 =	sadd.s32 $0x15BD70, s0;
	[dreg:$0x10] =	wrdreg s13  }
0x11: {  	s6 =	sadd.s32 s9, s6;
	s17 =	sadd.s32 $0x15C080, s0;
	[dreg:$0x11] =	wrdreg s15  }
0x12: {  	s20 =	sor.u32 $0x100, s6;
	s18 =	sadd.s32 $0x15C390, s0;
	[dreg:$0x12] =	wrdreg s17  }
0x13: {  	s21 =	sshrl.u32 s20, $0x3;
	s19 =	sadd.s32 $0x15C6A0, s0;
	[dreg:$0x13] =	wrdreg s18  }
0x14: {  	s1 =	sadd.s32 s21, s5;
	[dreg:$0x14] =	wrdreg s19  }
0x15: {  	s16 =	sadd.s32 $0x15D2E0, s0;
	[dreg:$0x6] =	wrdreg s1  }
0x16: {  	s28 =	simm.s32 $0x1A400;
	s26 =	sadd.s32 $0x15C9B0, s0;
	[dreg:$0x18] =	wrdreg s16  }
0x17: {  	s29 =	simm.s32 $0x1D480;
	s13 =	sadd.s32 $0x15CCC0, s0;
	[dreg:$0x15] =	wrdreg s26  }
0x18: {  	s30 =	simm.s32 $0x1;
	s15 =	sadd.s32 $0x15CFD0, s0;
	[dreg:$0x16] =	wrdreg s13  }
0x19: {  	s22 =	sor.u32 $0x80, s6;
	s0 =	sadd.s32 $0x15D5F0, s0;
	[dreg:$0x17] =	wrdreg s15  }
0x1a: {  	s11 =	sadd.s32 s8, s2;
	s17 =	smax.u32 s7, $0x1;
	[dreg:$0x19] =	wrdreg s0  }
0x1b: {  	s8 =	sshrl.u32 s22, $0x3;
	s14 =	sadd.s32 $0x1880, s11;
	[dreg:$0x1a] =	wrdreg s17  }
0x1c: {  	s31 =	simm.s32 $0x2;
	s24 =	sadd.s32 s8, s5;
	[smem:$0x7F2] =	sst s14  }
0x1d: {  	s23 =	sor.u32 $0x180, s6;
	s18 =	sadd.s32 $0x3100, s11;
	[dreg:$0x7] =	wrdreg s24  }
0x1e: {  	s16 =	simm.s32 $0x1A080;
	s19 =	sadd.s32 $0x4980, s11;
	[dreg:$0x1b] =	wrdreg s18  }
0x1f: {  	s1 =	simm.s32 $0x3;
	s20 =	sadd.s32 $0x7A80, s11;
	[dreg:$0x1c] =	wrdreg s19  }
0x20: {  	s25 =	sshrl.u32 s23, $0x3;
	s21 =	sadd.s32 $0x9300, s11;
	[dreg:$0x1e] =	wrdreg s20  }
0x21: {  	s12 =	smov.u32 s11;
	s23 =	sadd.s32 $0xAB80, s11;
	[dreg:$0x1f] =	wrdreg s21  }
0x22: {  	s8 =	sadd.s32 $0x6200, s11;
	s26 =	sadd.s32 $0xF500, s11;
	[smem:$0x7F3] =	sst s23  }
0x23: {  	s9 =	sadd.s32 $0x10D80, s11;
	s13 =	simm.s32 $0x18800;
	[smem:$0x7F6] =	sst s26  }
0x24: {  	s15 =	simm.s32 $0x5;
	s17 =	simm.s32 $0x1A280;
	[dreg:$0x1d] =	wrdreg s8  }
0x25: {  	s0 =	simm.s32 $0x4;
	s10 =	sadd.s32 s25, s5;
	[smem:$0x7F8] =	sst s12  }
0x26: {  	s14 =	sshrl.u32 s6, $0x3;
	s24 =	sadd.s32 $0xC400, s11;
	[smem:$0x7F9] =	sst s9  }
0x27: {  	s25 =	sadd.s32 $0xDC80, s11;
	s7 =	sadd.s32 $0x16F80, s12;
	[dreg:$0x8] =	wrdreg s10  }
0x28: {  	s18 =	simm.s32 $0x80;
	s19 =	simm.s32 $0x1A480;
	[smem:$0x7F4] =	sst s24  }
0x29: {  	s20 =	simm.s32 $0x1A100;
	s6 =	simm.s32 $0x0;
	[smem:$0x7F5] =	sst s25  }
0x2a: {  	s21 =	simm.s32 $0x1A300;
	s23 =	simm.s32 $0x1B480;
	[smem:$0x7F7] =	sst s6  }
0x2b: {  	s22 =	sadd.s32 s14, s5;
	s5 =	sadd.s32 $0x12600, s11;
	[smem:$0x7FD] =	sst s7  }
0x2c: {  	s26 =	simm.s32 $0x1A200;
	s10 =	sadd.s32 $0x13E80, s11;
	[smem:$0x7FA] =	sst s5  }
0x2d: {  	s11 =	sadd.s32 $0x15700, s11;
	s24 =	simm.s32 $0x1A180;
	[smem:$0x7FB] =	sst s10  }
0x2e: {  	s25 =	simm.s32 $0x1A380;
	s14 =	simm.s32 $0x1C480;
	[smem:$0x7FC] =	sst s11  }
.LBB2_1:
0x2f: {  	s6 =	rddreg [dreg:$0x9]  }
0x30: {  	[tilespmem:s13], [sflag:$0x5] =	stream.linear.gather [hbm4b:s6+s3], $0x1880, $0x38;
	[tilespmem:$0x1E480] =	vst v63  }
0x31: {  	_ =	swait.ge [sflag:s15], $0x1880  }
0x32: {  	[sflag:s15] =	ssyncset.done $0x0  }
0x33: {  	[sflag:s15] =	ssyncadd.s32 $0xFFFFE780  }
0x34: {  	[spmem:s12] =	stream.linear.scatter [tilespmem:s13], [sflag:$0x5], $0x1880, $0x38;
	[tilespmem:$0x1E480] =	vst v63  }
0x35: {  	_ =	swait.ge [sflag:s15], $0x1880  }
0x36: {  	s12 =	sld [smem:$0x7F2]  }
0x37: {  	[sflag:s15] =	ssyncset.done $0x0  }
0x38: {  	[sflag:s15] =	ssyncadd.s32 $0xFFFFE780  }
0x39: {  	[spmem:s12] =	stream.linear.scatter [tilespmem:s13], [sflag:$0x5], $0x1880, $0x38;
	[tilespmem:$0x1E480] =	vst v63  }
0x3a: {  	s6 =	smov.u32 s8;
	s8 =	rddreg [dreg:$0x1e];
	_ =	swait.ge [sflag:s15], $0x1880  }
0x3b: {  	[sflag:s15] =	ssyncset.done $0x0  }
0x3c: {  	s12 =	rddreg [dreg:$0x1b];
	[sflag:s15] =	ssyncadd.s32 $0xFFFFE780  }
0x3d: {  	[spmem:s12] =	stream.linear.scatter [tilespmem:s13], [sflag:$0x5], $0x1880, $0x38;
	[tilespmem:$0x1E480] =	vst v63  }
0x3e: {  	_ =	swait.ge [sflag:s15], $0x1880  }
0x3f: {  	[sflag:s15] =	ssyncset.done $0x0  }
0x40: {  	s12 =	rddreg [dreg:$0x1c];
	[sflag:s15] =	ssyncadd.s32 $0xFFFFE780  }
0x41: {  	[spmem:s12] =	stream.linear.scatter [tilespmem:s13], [sflag:$0x5], $0x1880, $0x38;
	[tilespmem:$0x1E480] =	vst v63  }
0x42: {  	_ =	swait.ge [sflag:s15], $0x1880  }
0x43: {  	[sflag:s15] =	ssyncset.done $0x0  }
0x44: {  	[sflag:s15] =	ssyncadd.s32 $0xFFFFE780  }
0x45: {  	[spmem:s6] =	stream.linear.scatter [tilespmem:s13], [sflag:$0x5], $0x1880, $0x38;
	[tilespmem:$0x1E480] =	vst v63  }
0x46: {  	_ =	swait.ge [sflag:s15], $0x1880  }
0x47: {  	[sflag:s15] =	ssyncset.done $0x0  }
0x48: {  	[sflag:s15] =	ssyncadd.s32 $0xFFFFE780  }
0x49: {  	[spmem:s8] =	stream.linear.scatter [tilespmem:s13], [sflag:$0x5], $0x1880, $0x38;
	[tilespmem:$0x1E480] =	vst v63  }
0x4a: {  	_ =	swait.ge [sflag:s15], $0x1880  }
0x4b: {  	[sflag:s15] =	ssyncset.done $0x0  }
0x4c: {  	s8 =	rddreg [dreg:$0x1f];
	[sflag:s15] =	ssyncadd.s32 $0xFFFFE780  }
0x4d: {  	[spmem:s8] =	stream.linear.scatter [tilespmem:s13], [sflag:$0x5], $0x1880, $0x38;
	[tilespmem:$0x1E480] =	vst v63  }
0x4e: {  	_ =	swait.ge [sflag:s15], $0x1880  }
0x4f: {  	s12 =	sld [smem:$0x7F3]  }
0x50: {  	[sflag:s15] =	ssyncset.done $0x0  }
0x51: {  	[sflag:s15] =	ssyncadd.s32 $0xFFFFE780  }
0x52: {  	[spmem:s12] =	stream.linear.scatter [tilespmem:s13], [sflag:$0x5], $0x1880, $0x38;
	[tilespmem:$0x1E480] =	vst v63  }
0x53: {  	_ =	swait.ge [sflag:s15], $0x1880  }
0x54: {  	s8 =	sld [smem:$0x7F4]  }
0x55: {  	[sflag:s15] =	ssyncset.done $0x0  }
0x56: {  	[sflag:s15] =	ssyncadd.s32 $0xFFFFE780  }
0x57: {  	[spmem:s8] =	stream.linear.scatter [tilespmem:s13], [sflag:$0x5], $0x1880, $0x38;
	[tilespmem:$0x1E480] =	vst v63  }
0x58: {  	_ =	swait.ge [sflag:s15], $0x1880  }
0x59: {  	s12 =	sld [smem:$0x7F5]  }
0x5a: {  	[sflag:s15] =	ssyncset.done $0x0  }
0x5b: {  	[sflag:s15] =	ssyncadd.s32 $0xFFFFE780  }
0x5c: {  	[spmem:s12] =	stream.linear.scatter [tilespmem:s13], [sflag:$0x5], $0x1880, $0x38;
	[tilespmem:$0x1E480] =	vst v63  }
0x5d: {  	_ =	swait.ge [sflag:s15], $0x1880  }
0x5e: {  	s8 =	sld [smem:$0x7F6]  }
0x5f: {  	[sflag:s15] =	ssyncset.done $0x0  }
0x60: {  	[sflag:s15] =	ssyncadd.s32 $0xFFFFE780  }
0x61: {  	[spmem:s8] =	stream.linear.scatter [tilespmem:s13], [sflag:$0x5], $0x1880, $0x38;
	[tilespmem:$0x1E480] =	vst v63  }
0x62: {  	_ =	swait.ge [sflag:s15], $0x1880  }
0x63: {  	[sflag:s15] =	ssyncset.done $0x0  }
0x64: {  	[sflag:s15] =	ssyncadd.s32 $0xFFFFE780  }
0x65: {  	[spmem:s9] =	stream.linear.scatter [tilespmem:s13], [sflag:$0x5], $0x1880, $0x38;
	[tilespmem:$0x1E480] =	vst v63  }
0x66: {  	_ =	swait.ge [sflag:s15], $0x1880  }
0x67: {  	[sflag:s15] =	ssyncset.done $0x0  }
0x68: {  	[sflag:s15] =	ssyncadd.s32 $0xFFFFE780  }
0x69: {  	[spmem:s5] =	stream.linear.scatter [tilespmem:s13], [sflag:$0x5], $0x1880, $0x38;
	[tilespmem:$0x1E480] =	vst v63  }
0x6a: {  	_ =	swait.ge [sflag:s15], $0x1880  }
0x6b: {  	[sflag:s15] =	ssyncset.done $0x0  }
0x6c: {  	[sflag:s15] =	ssyncadd.s32 $0xFFFFE780  }
0x6d: {  	[spmem:s10] =	stream.linear.scatter [tilespmem:s13], [sflag:$0x5], $0x1880, $0x38;
	[tilespmem:$0x1E480] =	vst v63  }
0x6e: {  	_ =	swait.ge [sflag:s15], $0x1880  }
0x6f: {  	[sflag:s15] =	ssyncset.done $0x0  }
0x70: {  	[sflag:s15] =	ssyncadd.s32 $0xFFFFE780  }
0x71: {  	[spmem:s11] =	stream.linear.scatter [tilespmem:s13], [sflag:$0x5], $0x1880, $0x38;
	[tilespmem:$0x1E480] =	vst v63  }
0x72: {  	_ =	swait.ge [sflag:s15], $0x1880  }
0x73: {  	[sflag:s15] =	ssyncset.done $0x0  }
0x74: {  	[sflag:s15] =	ssyncadd.s32 $0xFFFFE780  }
0x75: {  	[spmem:s7] =	stream.linear.scatter [tilespmem:s13], [sflag:$0x5], $0x1880, $0x38;
	[tilespmem:$0x1E480] =	vst v63  }
0x76: {  	_ =	swait.ge [sflag:s15], $0x1880  }
0x77: {  	[sflag:s15] =	ssyncset.done $0x0  }
0x78: {  	[sflag:s15] =	ssyncadd.s32 $0xFFFFE780  }
0x79: {  	[bflag:$0x0] =	sbarrier.arrive $0xFFFF  }
0x7a: {  	s12 =	rddreg [dreg:$0x5]  }
0x7b: {  	s6 =	sadd.s32 $0x0, s12  }
0x7c: {  	[tilespmem:s16], [sflag:$0x5] =	stream.linear.gather [hbm4b:s6+s3], $0x80, $0x38;
	[tilespmem:$0x1E480] =	vst v63  }
0x7d: {  	_ =	swait.ge [sflag:s15], $0x80  }
0x7e: {  	[sflag:s15] =	ssyncset.done $0x0  }
0x7f: {  	s5 =	sadd.s32 $0x0, s22;
	[sflag:s15] =	ssyncadd.s32 $0xFFFFFF80  }
0x80: {  	[tilespmem:s17], [sflag:$0x5] =	stream.linear.gather [hbm4b:s5+s3], $0x80, $0x38;
	[tilespmem:$0x1E480] =	vst v63  }
0x81: {  	_ =	swait.ge [sflag:s15], $0x80  }
0x82: {  	[sflag:s15] =	ssyncset.done $0x0  }
0x83: {  	[sflag:s15] =	ssyncadd.s32 $0xFFFFFF80  }
0x84: {  	[tilespmem:s19], [sflag:$0x1] =	stream.indirect.gather [hbm4b:s4+s18], $0x20, s17, s18, $0xb8;
	[tilespmem:$0x1E480] =	vst v63  }
0x85: {  	s8 =	sadd.s32 $0x10, s6  }
0x86: {  	[tilespmem:s20], [sflag:$0x5] =	stream.linear.gather [hbm4b:s8+s3], $0x80, $0x38;
	[tilespmem:$0x1E480] =	vst v63  }
0x87: {  	_ =	swait.ge [sflag:s15], $0x80  }
0x88: {  	s9 =	rddreg [dreg:$0x7];
	[sflag:s15] =	ssyncset.done $0x0  }
0x89: {  	[sflag:s15] =	ssyncadd.s32 $0xFFFFFF80;
	s7 =	sadd.s32 $0x0, s9  }
0x8a: {  	[tilespmem:s21], [sflag:$0x5] =	stream.linear.gather [hbm4b:s7+s3], $0x80, $0x38;
	[tilespmem:$0x1E480] =	vst v63  }
0x8b: {  	_ =	swait.ge [sflag:s15], $0x80  }
0x8c: {  	[sflag:s15] =	ssyncset.done $0x0  }
0x8d: {  	[sflag:s15] =	ssyncadd.s32 $0xFFFFFF80  }
0x8e: {  	[tilespmem:s23], [sflag:$0x2] =	stream.indirect.gather [hbm4b:s4+s18], $0x20, s21, s18, $0xb8;
	[tilespmem:$0x1E480] =	vst v63  }
0x8f: {  	s10 =	sadd.s32 $0x20, s6  }
0x90: {  	[tilespmem:s24], [sflag:$0x5] =	stream.linear.gather [hbm4b:s10+s3], $0x80, $0x38;
	[tilespmem:$0x1E480] =	vst v63  }
0x91: {  	_ =	swait.ge [sflag:s15], $0x80  }
0x92: {  	s11 =	rddreg [dreg:$0x6];
	[sflag:s15] =	ssyncset.done $0x0  }
0x93: {  	[sflag:s15] =	ssyncadd.s32 $0xFFFFFF80;
	s7 =	sadd.s32 $0x0, s11  }
0x94: {  	[tilespmem:s25], [sflag:$0x5] =	stream.linear.gather [hbm4b:s7+s3], $0x80, $0x38;
	[tilespmem:$0x1E480] =	vst v63  }
0x95: {  	_ =	swait.ge [sflag:s15], $0x80  }
0x96: {  	[sflag:s15] =	ssyncset.done $0x0  }
0x97: {  	[sflag:s15] =	ssyncadd.s32 $0xFFFFFF80  }
0x98: {  	[tilespmem:s14], [sflag:$0x3] =	stream.indirect.gather [hbm4b:s4+s18], $0x20, s25, s18, $0xb8;
	[tilespmem:$0x1E480] =	vst v63  }
0x99: {  	s6 =	sadd.s32 $0x30, s6  }
0x9a: {  	[tilespmem:s26], [sflag:$0x5] =	stream.linear.gather [hbm4b:s6+s3], $0x80, $0x38;
	[tilespmem:$0x1E480] =	vst v63  }
0x9b: {  	_ =	swait.ge [sflag:s15], $0x80  }
0x9c: {  	s12 =	rddreg [dreg:$0x8];
	[sflag:s15] =	ssyncset.done $0x0  }
0x9d: {  	[sflag:s15] =	ssyncadd.s32 $0xFFFFFF80;
	s6 =	sadd.s32 $0x0, s12  }
0x9e: {  	[tilespmem:s28], [sflag:$0x5] =	stream.linear.gather [hbm4b:s6+s3], $0x80, $0x38;
	[tilespmem:$0x1E480] =	vst v63  }
0x9f: {  	_ =	swait.ge [sflag:s15], $0x80  }
0xa0: {  	[sflag:s15] =	ssyncset.done $0x0  }
0xa1: {  	[sflag:s15] =	ssyncadd.s32 $0xFFFFFF80  }
0xa2: {  	[tilespmem:s29], [sflag:$0x4] =	stream.indirect.gather [hbm4b:s4+s18], $0x20, s28, s18, $0xb8;
	[tilespmem:$0x1E480] =	vst v63  }
0xa3: {  	_ =	swait.ge [sflag:s30], $0x1000  }
0xa4: {  	[sflag:s30] =	ssyncset.done $0x0  }
0xa5: {  	[sflag:s30] =	ssyncadd.s32 $0xFFFFF000  }
0xa6: {  	[spmem:s2] =	stream.indirect.scatter.add.f32 [tilespmem:s19], [sflag:$0x5], $0x20, s16, s18, $0xb8;
	[tilespmem:$0x1E480] =	vst v63  }
0xa7: {  	_ =	swait.ge [sflag:s15], $0x1000  }
0xa8: {  	[sflag:s15] =	ssyncset.done $0x0  }
0xa9: {  	[sflag:s15] =	ssyncadd.s32 $0xFFFFF000  }
0xaa: {  	_ =	swait.ge [sflag:s31], $0x1000  }
0xab: {  	[sflag:s31] =	ssyncset.done $0x0  }
0xac: {  	[sflag:s31] =	ssyncadd.s32 $0xFFFFF000  }
0xad: {  	[spmem:s2] =	stream.indirect.scatter.add.f32 [tilespmem:s23], [sflag:$0x5], $0x20, s20, s18, $0xb8;
	[tilespmem:$0x1E480] =	vst v63  }
0xae: {  	_ =	swait.ge [sflag:s15], $0x1000  }
0xaf: {  	[sflag:s15] =	ssyncset.done $0x0  }
0xb0: {  	[sflag:s15] =	ssyncadd.s32 $0xFFFFF000  }
0xb1: {  	_ =	swait.ge [sflag:s1], $0x1000  }
0xb2: {  	[sflag:s1] =	ssyncset.done $0x0  }
0xb3: {  	[sflag:s1] =	ssyncadd.s32 $0xFFFFF000  }
0xb4: {  	[spmem:s2] =	stream.indirect.scatter.add.f32 [tilespmem:s14], [sflag:$0x5], $0x20, s24, s18, $0xb8;
	[tilespmem:$0x1E480] =	vst v63  }
0xb5: {  	_ =	swait.ge [sflag:s15], $0x1000  }
0xb6: {  	[sflag:s15] =	ssyncset.done $0x0  }
0xb7: {  	[sflag:s15] =	ssyncadd.s32 $0xFFFFF000  }
0xb8: {  	_ =	swait.ge [sflag:s0], $0x1000  }
0xb9: {  	[sflag:s0] =	ssyncset.done $0x0  }
0xba: {  	[sflag:s0] =	ssyncadd.s32 $0xFFFFF000  }
0xbb: {  	[spmem:s2] =	stream.indirect.scatter.add.f32 [tilespmem:s29], [sflag:$0x5], $0x20, s26, s18, $0xb8;
	[tilespmem:$0x1E480] =	vst v63  }
0xbc: {  	s7 =	simm.s32 $0x80;
	_ =	swait.ge [sflag:s15], $0x1000  }
0xbd: {  	s6 =	simm.s32 $0x40;
	s9 =	rddreg [dreg:$0x5];
	[sflag:s15] =	ssyncset.done $0x0  }
.LBB2_2:
0xbe: {  	[sflag:s15] =	ssyncadd.s32 $0xFFFFF000;
	s9 =	sadd.s32 s6, s9  }
0xbf: {  	[tilespmem:s16], [sflag:$0x5] =	stream.linear.gather [hbm4b:s9+s3], $0x80, $0x38;
	[tilespmem:$0x1E480] =	vst v63  }
0xc0: {  	_ =	swait.ge [sflag:s15], $0x80  }
0xc1: {  	[sflag:s15] =	ssyncset.done $0x0  }
0xc2: {  	s10 =	sadd.s32 s6, s22;
	[sflag:s15] =	ssyncadd.s32 $0xFFFFFF80  }
0xc3: {  	[tilespmem:s17], [sflag:$0x5] =	stream.linear.gather [hbm4b:s10+s3], $0x80, $0x38;
	[tilespmem:$0x1E480] =	vst v63  }
0xc4: {  	_ =	swait.ge [sflag:s15], $0x80  }
0xc5: {  	[sflag:s15] =	ssyncset.done $0x0  }
0xc6: {  	[sflag:s15] =	ssyncadd.s32 $0xFFFFFF80  }
0xc7: {  	[tilespmem:s19], [sflag:$0x1] =	stream.indirect.gather [hbm4b:s4+s18], $0x20, s17, s18, $0xb8;
	[tilespmem:$0x1E480] =	vst v63  }
0xc8: {  	s11 =	sadd.s32 $0x10, s9  }
0xc9: {  	[tilespmem:s20], [sflag:$0x5] =	stream.linear.gather [hbm4b:s11+s3], $0x80, $0x38;
	[tilespmem:$0x1E480] =	vst v63  }
0xca: {  	_ =	swait.ge [sflag:s15], $0x80  }
0xcb: {  	s12 =	rddreg [dreg:$0x7];
	[sflag:s15] =	ssyncset.done $0x0  }
0xcc: {  	[sflag:s15] =	ssyncadd.s32 $0xFFFFFF80;
	s10 =	sadd.s32 s6, s12  }
0xcd: {  	[tilespmem:s21], [sflag:$0x5] =	stream.linear.gather [hbm4b:s10+s3], $0x80, $0x38;
	[tilespmem:$0x1E480] =	vst v63  }
0xce: {  	_ =	swait.ge [sflag:s15], $0x80  }
0xcf: {  	[sflag:s15] =	ssyncset.done $0x0  }
0xd0: {  	[sflag:s15] =	ssyncadd.s32 $0xFFFFFF80  }
0xd1: {  	[tilespmem:s23], [sflag:$0x2] =	stream.indirect.gather [hbm4b:s4+s18], $0x20, s21, s18, $0xb8;
	[tilespmem:$0x1E480] =	vst v63  }
0xd2: {  	s5 =	sadd.s32 $0x20, s9  }
0xd3: {  	[tilespmem:s24], [sflag:$0x5] =	stream.linear.gather [hbm4b:s5+s3], $0x80, $0x38;
	[tilespmem:$0x1E480] =	vst v63  }
0xd4: {  	_ =	swait.ge [sflag:s15], $0x80  }
0xd5: {  	s11 =	rddreg [dreg:$0x6];
	[sflag:s15] =	ssyncset.done $0x0  }
0xd6: {  	[sflag:s15] =	ssyncadd.s32 $0xFFFFFF80;
	s10 =	sadd.s32 s6, s11  }
0xd7: {  	[tilespmem:s25], [sflag:$0x5] =	stream.linear.gather [hbm4b:s10+s3], $0x80, $0x38;
	[tilespmem:$0x1E480] =	vst v63  }
0xd8: {  	_ =	swait.ge [sflag:s15], $0x80  }
0xd9: {  	[sflag:s15] =	ssyncset.done $0x0  }
0xda: {  	[sflag:s15] =	ssyncadd.s32 $0xFFFFFF80  }
0xdb: {  	[tilespmem:s14], [sflag:$0x3] =	stream.indirect.gather [hbm4b:s4+s18], $0x20, s25, s18, $0xb8;
	[tilespmem:$0x1E480] =	vst v63  }
0xdc: {  	s9 =	sadd.s32 $0x30, s9  }
0xdd: {  	[tilespmem:s26], [sflag:$0x5] =	stream.linear.gather [hbm4b:s9+s3], $0x80, $0x38;
	[tilespmem:$0x1E480] =	vst v63  }
0xde: {  	_ =	swait.ge [sflag:s15], $0x80  }
0xdf: {  	s12 =	rddreg [dreg:$0x8];
	[sflag:s15] =	ssyncset.done $0x0  }
0xe0: {  	[sflag:s15] =	ssyncadd.s32 $0xFFFFFF80;
	s9 =	sadd.s32 s6, s12  }
0xe1: {  	[tilespmem:s28], [sflag:$0x5] =	stream.linear.gather [hbm4b:s9+s3], $0x80, $0x38;
	[tilespmem:$0x1E480] =	vst v63  }
0xe2: {  	_ =	swait.ge [sflag:s15], $0x80  }
0xe3: {  	[sflag:s15] =	ssyncset.done $0x0  }
0xe4: {  	[sflag:s15] =	ssyncadd.s32 $0xFFFFFF80  }
0xe5: {  	[tilespmem:s29], [sflag:$0x4] =	stream.indirect.gather [hbm4b:s4+s18], $0x20, s28, s18, $0xb8;
	[tilespmem:$0x1E480] =	vst v63  }
0xe6: {  	_ =	swait.ge [sflag:s30], $0x1000  }
0xe7: {  	[sflag:s30] =	ssyncset.done $0x0  }
0xe8: {  	[sflag:s30] =	ssyncadd.s32 $0xFFFFF000  }
0xe9: {  	[spmem:s2] =	stream.indirect.scatter.add.f32 [tilespmem:s19], [sflag:$0x5], $0x20, s16, s18, $0xb8;
	[tilespmem:$0x1E480] =	vst v63  }
0xea: {  	_ =	swait.ge [sflag:s15], $0x1000  }
0xeb: {  	[sflag:s15] =	ssyncset.done $0x0  }
0xec: {  	[sflag:s15] =	ssyncadd.s32 $0xFFFFF000  }
0xed: {  	_ =	swait.ge [sflag:s31], $0x1000  }
0xee: {  	[sflag:s31] =	ssyncset.done $0x0  }
0xef: {  	[sflag:s31] =	ssyncadd.s32 $0xFFFFF000  }
0xf0: {  	[spmem:s2] =	stream.indirect.scatter.add.f32 [tilespmem:s23], [sflag:$0x5], $0x20, s20, s18, $0xb8;
	[tilespmem:$0x1E480] =	vst v63  }
0xf1: {  	_ =	swait.ge [sflag:s15], $0x1000  }
0xf2: {  	[sflag:s15] =	ssyncset.done $0x0  }
0xf3: {  	[sflag:s15] =	ssyncadd.s32 $0xFFFFF000  }
0xf4: {  	_ =	swait.ge [sflag:s1], $0x1000  }
0xf5: {  	[sflag:s1] =	ssyncset.done $0x0  }
0xf6: {  	[sflag:s1] =	ssyncadd.s32 $0xFFFFF000  }
0xf7: {  	[spmem:s2] =	stream.indirect.scatter.add.f32 [tilespmem:s14], [sflag:$0x5], $0x20, s24, s18, $0xb8;
	[tilespmem:$0x1E480] =	vst v63  }
0xf8: {  	_ =	swait.ge [sflag:s15], $0x1000  }
0xf9: {  	[sflag:s15] =	ssyncset.done $0x0  }
0xfa: {  	[sflag:s15] =	ssyncadd.s32 $0xFFFFF000  }
0xfb: {  	p0 =	sne.s32 s7, $0x1840;
	_ =	swait.ge [sflag:s0], $0x1000  }
.Ltmp0:
0xfc: {  	[sflag:s0] =	ssyncset.done $0x0;
	(pc) =	sbr.rel @p0 .LBB2_2-.Ltmp0, $4  }
0xfd: {  	[sflag:s0] =	ssyncadd.s32 $0xFFFFF000  }
0xfe: {  	[spmem:s2] =	stream.indirect.scatter.add.f32 [tilespmem:s29], [sflag:$0x5], $0x20, s26, s18, $0xb8;
	[tilespmem:$0x1E480] =	vst v63  }
0xff: {  	s8 =	smov.u32 s7;
	s7 =	sadd.s32 $0x40, s7;
	_ =	swait.ge [sflag:s15], $0x1000  }
0x100: {  	s6 =	smov.u32 s8;
	s9 =	rddreg [dreg:$0x5];
	[sflag:s15] =	ssyncset.done $0x0  }
0x101: {  	[sflag:s15] =	ssyncadd.s32 $0xFFFFF000;
	s7 =	sadd.s32 s6, s9  }
0x102: {  	[tilespmem:s16], [sflag:$0x5] =	stream.linear.gather [hbm4b:s7+s3], $0x80, $0x38;
	[tilespmem:$0x1E480] =	vst v63  }
0x103: {  	_ =	swait.ge [sflag:s15], $0x80  }
0x104: {  	[sflag:s15] =	ssyncset.done $0x0  }
0x105: {  	s8 =	sadd.s32 s6, s22;
	[sflag:s15] =	ssyncadd.s32 $0xFFFFFF80  }
0x106: {  	[tilespmem:s17], [sflag:$0x5] =	stream.linear.gather [hbm4b:s8+s3], $0x80, $0x38;
	[tilespmem:$0x1E480] =	vst v63  }
0x107: {  	_ =	swait.ge [sflag:s15], $0x80  }
0x108: {  	[sflag:s15] =	ssyncset.done $0x0  }
0x109: {  	[sflag:s15] =	ssyncadd.s32 $0xFFFFFF80  }
0x10a: {  	[tilespmem:s19], [sflag:$0x1] =	stream.indirect.gather [hbm4b:s4+s18], $0x20, s17, s18, $0xb8;
	[tilespmem:$0x1E480] =	vst v63  }
0x10b: {  	s5 =	sadd.s32 $0x10, s7  }
0x10c: {  	[tilespmem:s20], [sflag:$0x5] =	stream.linear.gather [hbm4b:s5+s3], $0x80, $0x38;
	[tilespmem:$0x1E480] =	vst v63  }
0x10d: {  	_ =	swait.ge [sflag:s15], $0x80  }
0x10e: {  	s9 =	rddreg [dreg:$0x7];
	[sflag:s15] =	ssyncset.done $0x0  }
0x10f: {  	[sflag:s15] =	ssyncadd.s32 $0xFFFFFF80;
	s8 =	sadd.s32 s6, s9  }
0x110: {  	[tilespmem:s21], [sflag:$0x5] =	stream.linear.gather [hbm4b:s8+s3], $0x80, $0x38;
	[tilespmem:$0x1E480] =	vst v63  }
0x111: {  	_ =	swait.ge [sflag:s15], $0x80  }
0x112: {  	[sflag:s15] =	ssyncset.done $0x0  }
0x113: {  	[sflag:s15] =	ssyncadd.s32 $0xFFFFFF80  }
0x114: {  	[tilespmem:s23], [sflag:$0x2] =	stream.indirect.gather [hbm4b:s4+s18], $0x20, s21, s18, $0xb8;
	[tilespmem:$0x1E480] =	vst v63  }
0x115: {  	s10 =	sadd.s32 $0x20, s7  }
0x116: {  	[tilespmem:s24], [sflag:$0x5] =	stream.linear.gather [hbm4b:s10+s3], $0x80, $0x38;
	[tilespmem:$0x1E480] =	vst v63  }
0x117: {  	_ =	swait.ge [sflag:s15], $0x80  }
0x118: {  	s11 =	rddreg [dreg:$0x6];
	[sflag:s15] =	ssyncset.done $0x0  }
0x119: {  	[sflag:s15] =	ssyncadd.s32 $0xFFFFFF80;
	s8 =	sadd.s32 s6, s11  }
0x11a: {  	[tilespmem:s25], [sflag:$0x5] =	stream.linear.gather [hbm4b:s8+s3], $0x80, $0x38;
	[tilespmem:$0x1E480] =	vst v63  }
0x11b: {  	_ =	swait.ge [sflag:s15], $0x80  }
0x11c: {  	[sflag:s15] =	ssyncset.done $0x0  }
0x11d: {  	[sflag:s15] =	ssyncadd.s32 $0xFFFFFF80  }
0x11e: {  	[tilespmem:s14], [sflag:$0x3] =	stream.indirect.gather [hbm4b:s4+s18], $0x20, s25, s18, $0xb8;
	[tilespmem:$0x1E480] =	vst v63  }
0x11f: {  	s7 =	sadd.s32 $0x30, s7  }
0x120: {  	[tilespmem:s26], [sflag:$0x5] =	stream.linear.gather [hbm4b:s7+s3], $0x80, $0x38;
	[tilespmem:$0x1E480] =	vst v63  }
0x121: {  	_ =	swait.ge [sflag:s15], $0x80  }
0x122: {  	s12 =	rddreg [dreg:$0x8];
	[sflag:s15] =	ssyncset.done $0x0  }
0x123: {  	s5 =	sadd.s32 s6, s12;
	[sflag:s15] =	ssyncadd.s32 $0xFFFFFF80  }
0x124: {  	[tilespmem:s28], [sflag:$0x5] =	stream.linear.gather [hbm4b:s5+s3], $0x80, $0x38;
	[tilespmem:$0x1E480] =	vst v63  }
0x125: {  	_ =	swait.ge [sflag:s15], $0x80  }
0x126: {  	[sflag:s15] =	ssyncset.done $0x0  }
0x127: {  	[sflag:s15] =	ssyncadd.s32 $0xFFFFFF80  }
0x128: {  	[tilespmem:s29], [sflag:$0x4] =	stream.indirect.gather [hbm4b:s4+s18], $0x20, s28, s18, $0xb8;
	[tilespmem:$0x1E480] =	vst v63  }
0x129: {  	_ =	swait.ge [sflag:s30], $0x1000  }
0x12a: {  	[sflag:s30] =	ssyncset.done $0x0  }
0x12b: {  	[sflag:s30] =	ssyncadd.s32 $0xFFFFF000  }
0x12c: {  	[spmem:s2] =	stream.indirect.scatter.add.f32 [tilespmem:s19], [sflag:$0x5], $0x20, s16, s18, $0xb8;
	[tilespmem:$0x1E480] =	vst v63  }
0x12d: {  	_ =	swait.ge [sflag:s15], $0x1000  }
0x12e: {  	[sflag:s15] =	ssyncset.done $0x0  }
0x12f: {  	[sflag:s15] =	ssyncadd.s32 $0xFFFFF000  }
0x130: {  	_ =	swait.ge [sflag:s31], $0x1000  }
0x131: {  	[sflag:s31] =	ssyncset.done $0x0  }
0x132: {  	[sflag:s31] =	ssyncadd.s32 $0xFFFFF000  }
0x133: {  	[spmem:s2] =	stream.indirect.scatter.add.f32 [tilespmem:s23], [sflag:$0x5], $0x20, s20, s18, $0xb8;
	[tilespmem:$0x1E480] =	vst v63  }
0x134: {  	_ =	swait.ge [sflag:s15], $0x1000  }
0x135: {  	[sflag:s15] =	ssyncset.done $0x0  }
0x136: {  	[sflag:s15] =	ssyncadd.s32 $0xFFFFF000  }
0x137: {  	_ =	swait.ge [sflag:s1], $0x1000  }
0x138: {  	[sflag:s1] =	ssyncset.done $0x0  }
0x139: {  	[sflag:s1] =	ssyncadd.s32 $0xFFFFF000  }
0x13a: {  	[spmem:s2] =	stream.indirect.scatter.add.f32 [tilespmem:s14], [sflag:$0x5], $0x20, s24, s18, $0xb8;
	[tilespmem:$0x1E480] =	vst v63  }
0x13b: {  	_ =	swait.ge [sflag:s15], $0x1000  }
0x13c: {  	[sflag:s15] =	ssyncset.done $0x0  }
0x13d: {  	[sflag:s15] =	ssyncadd.s32 $0xFFFFF000  }
0x13e: {  	_ =	swait.ge [sflag:s0], $0x1000  }
0x13f: {  	[sflag:s0] =	ssyncset.done $0x0  }
0x140: {  	[sflag:s0] =	ssyncadd.s32 $0xFFFFF000  }
0x141: {  	[spmem:s2] =	stream.indirect.scatter.add.f32 [tilespmem:s29], [sflag:$0x5], $0x20, s26, s18, $0xb8;
	[tilespmem:$0x1E480] =	vst v63  }
0x142: {  	_ =	swait.ge [sflag:s15], $0x1000  }
0x143: {  	[sflag:s15] =	ssyncset.done $0x0  }
0x144: {  	[sflag:s15] =	ssyncadd.s32 $0xFFFFF000  }
0x145: {  	[bflag:$0x0] =	sbarrier.arrive $0xFFFF  }
0x146: {  	s12 =	sld [smem:$0x7F8];
	_ =	sdelay $0x2  }
0x147: {  	[tilespmem:s13], [sflag:$0x5] =	stream.linear.gather [spmem:s12], $0x1880, $0x38;
	[tilespmem:$0x1E480] =	vst v63  }
0x148: {  	_ =	swait.ge [sflag:s15], $0x1880  }
0x149: {  	[sflag:s15] =	ssyncset.done $0x0  }
0x14a: {  	s7 =	rddreg [dreg:$0xa];
	[sflag:s15] =	ssyncadd.s32 $0xFFFFE780  }
0x14b: {  	[hbm4b:s7+s3] =	stream.linear.scatter [tilespmem:s13], [sflag:$0x5], $0x1880, $0x38;
	[tilespmem:$0x1E480] =	vst v63  }
0x14c: {  	_ =	swait.ge [sflag:s15], $0x1880  }
0x14d: {  	s5 =	sld [smem:$0x7F2]  }
0x14e: {  	[sflag:s15] =	ssyncset.done $0x0  }
0x14f: {  	[sflag:s15] =	ssyncadd.s32 $0xFFFFE780  }
0x150: {  	[tilespmem:s13], [sflag:$0x5] =	stream.linear.gather [spmem:s5], $0x1880, $0x38;
	[tilespmem:$0x1E480] =	vst v63  }
0x151: {  	_ =	swait.ge [sflag:s15], $0x1880  }
0x152: {  	[sflag:s15] =	ssyncset.done $0x0  }
0x153: {  	s8 =	rddreg [dreg:$0xb];
	[sflag:s15] =	ssyncadd.s32 $0xFFFFE780  }
0x154: {  	[hbm4b:s8+s3] =	stream.linear.scatter [tilespmem:s13], [sflag:$0x5], $0x1880, $0x38;
	[tilespmem:$0x1E480] =	vst v63  }
0x155: {  	_ =	swait.ge [sflag:s15], $0x1880  }
0x156: {  	[sflag:s15] =	ssyncset.done $0x0  }
0x157: {  	s9 =	rddreg [dreg:$0x1b];
	[sflag:s15] =	ssyncadd.s32 $0xFFFFE780  }
0x158: {  	[tilespmem:s13], [sflag:$0x5] =	stream.linear.gather [spmem:s9], $0x1880, $0x38;
	[tilespmem:$0x1E480] =	vst v63  }
0x159: {  	_ =	swait.ge [sflag:s15], $0x1880  }
0x15a: {  	[sflag:s15] =	ssyncset.done $0x0  }
0x15b: {  	s10 =	rddreg [dreg:$0xc];
	[sflag:s15] =	ssyncadd.s32 $0xFFFFE780  }
0x15c: {  	[hbm4b:s10+s3] =	stream.linear.scatter [tilespmem:s13], [sflag:$0x5], $0x1880, $0x38;
	[tilespmem:$0x1E480] =	vst v63  }
0x15d: {  	_ =	swait.ge [sflag:s15], $0x1880  }
0x15e: {  	[sflag:s15] =	ssyncset.done $0x0  }
0x15f: {  	s11 =	rddreg [dreg:$0x1c];
	[sflag:s15] =	ssyncadd.s32 $0xFFFFE780  }
0x160: {  	[tilespmem:s13], [sflag:$0x5] =	stream.linear.gather [spmem:s11], $0x1880, $0x38;
	[tilespmem:$0x1E480] =	vst v63  }
0x161: {  	_ =	swait.ge [sflag:s15], $0x1880  }
0x162: {  	[sflag:s15] =	ssyncset.done $0x0  }
0x163: {  	s5 =	rddreg [dreg:$0xd];
	[sflag:s15] =	ssyncadd.s32 $0xFFFFE780  }
0x164: {  	[hbm4b:s5+s3] =	stream.linear.scatter [tilespmem:s13], [sflag:$0x5], $0x1880, $0x38;
	[tilespmem:$0x1E480] =	vst v63  }
0x165: {  	_ =	swait.ge [sflag:s15], $0x1880  }
0x166: {  	[sflag:s15] =	ssyncset.done $0x0  }
0x167: {  	s7 =	rddreg [dreg:$0x1d];
	[sflag:s15] =	ssyncadd.s32 $0xFFFFE780  }
0x168: {  	[tilespmem:s13], [sflag:$0x5] =	stream.linear.gather [spmem:s7], $0x1880, $0x38;
	[tilespmem:$0x1E480] =	vst v63  }
0x169: {  	_ =	swait.ge [sflag:s15], $0x1880  }
0x16a: {  	[sflag:s15] =	ssyncset.done $0x0  }
0x16b: {  	s8 =	rddreg [dreg:$0xe];
	[sflag:s15] =	ssyncadd.s32 $0xFFFFE780  }
0x16c: {  	[hbm4b:s8+s3] =	stream.linear.scatter [tilespmem:s13], [sflag:$0x5], $0x1880, $0x38;
	[tilespmem:$0x1E480] =	vst v63  }
0x16d: {  	_ =	swait.ge [sflag:s15], $0x1880  }
0x16e: {  	[sflag:s15] =	ssyncset.done $0x0  }
0x16f: {  	s9 =	rddreg [dreg:$0x1e];
	[sflag:s15] =	ssyncadd.s32 $0xFFFFE780  }
0x170: {  	[tilespmem:s13], [sflag:$0x5] =	stream.linear.gather [spmem:s9], $0x1880, $0x38;
	[tilespmem:$0x1E480] =	vst v63  }
0x171: {  	_ =	swait.ge [sflag:s15], $0x1880  }
0x172: {  	[sflag:s15] =	ssyncset.done $0x0  }
0x173: {  	s10 =	rddreg [dreg:$0xf];
	[sflag:s15] =	ssyncadd.s32 $0xFFFFE780  }
0x174: {  	[hbm4b:s10+s3] =	stream.linear.scatter [tilespmem:s13], [sflag:$0x5], $0x1880, $0x38;
	[tilespmem:$0x1E480] =	vst v63  }
0x175: {  	_ =	swait.ge [sflag:s15], $0x1880  }
0x176: {  	[sflag:s15] =	ssyncset.done $0x0  }
0x177: {  	s11 =	rddreg [dreg:$0x1f];
	[sflag:s15] =	ssyncadd.s32 $0xFFFFE780  }
0x178: {  	[tilespmem:s13], [sflag:$0x5] =	stream.linear.gather [spmem:s11], $0x1880, $0x38;
	[tilespmem:$0x1E480] =	vst v63  }
0x179: {  	_ =	swait.ge [sflag:s15], $0x1880  }
0x17a: {  	[sflag:s15] =	ssyncset.done $0x0  }
0x17b: {  	s5 =	rddreg [dreg:$0x10];
	[sflag:s15] =	ssyncadd.s32 $0xFFFFE780  }
0x17c: {  	[hbm4b:s5+s3] =	stream.linear.scatter [tilespmem:s13], [sflag:$0x5], $0x1880, $0x38;
	[tilespmem:$0x1E480] =	vst v63  }
0x17d: {  	_ =	swait.ge [sflag:s15], $0x1880  }
0x17e: {  	s7 =	sld [smem:$0x7F3]  }
0x17f: {  	[sflag:s15] =	ssyncset.done $0x0  }
0x180: {  	[sflag:s15] =	ssyncadd.s32 $0xFFFFE780  }
0x181: {  	[tilespmem:s13], [sflag:$0x5] =	stream.linear.gather [spmem:s7], $0x1880, $0x38;
	[tilespmem:$0x1E480] =	vst v63  }
0x182: {  	_ =	swait.ge [sflag:s15], $0x1880  }
0x183: {  	[sflag:s15] =	ssyncset.done $0x0  }
0x184: {  	s8 =	rddreg [dreg:$0x11];
	[sflag:s15] =	ssyncadd.s32 $0xFFFFE780  }
0x185: {  	[hbm4b:s8+s3] =	stream.linear.scatter [tilespmem:s13], [sflag:$0x5], $0x1880, $0x38;
	[tilespmem:$0x1E480] =	vst v63  }
0x186: {  	_ =	swait.ge [sflag:s15], $0x1880  }
0x187: {  	s9 =	sld [smem:$0x7F4]  }
0x188: {  	[sflag:s15] =	ssyncset.done $0x0  }
0x189: {  	[sflag:s15] =	ssyncadd.s32 $0xFFFFE780  }
0x18a: {  	[tilespmem:s13], [sflag:$0x5] =	stream.linear.gather [spmem:s9], $0x1880, $0x38;
	[tilespmem:$0x1E480] =	vst v63  }
0x18b: {  	_ =	swait.ge [sflag:s15], $0x1880  }
0x18c: {  	[sflag:s15] =	ssyncset.done $0x0  }
0x18d: {  	s10 =	rddreg [dreg:$0x12];
	[sflag:s15] =	ssyncadd.s32 $0xFFFFE780  }
0x18e: {  	[hbm4b:s10+s3] =	stream.linear.scatter [tilespmem:s13], [sflag:$0x5], $0x1880, $0x38;
	[tilespmem:$0x1E480] =	vst v63  }
0x18f: {  	_ =	swait.ge [sflag:s15], $0x1880  }
0x190: {  	s11 =	sld [smem:$0x7F5]  }
0x191: {  	[sflag:s15] =	ssyncset.done $0x0  }
0x192: {  	[sflag:s15] =	ssyncadd.s32 $0xFFFFE780  }
0x193: {  	[tilespmem:s13], [sflag:$0x5] =	stream.linear.gather [spmem:s11], $0x1880, $0x38;
	[tilespmem:$0x1E480] =	vst v63  }
0x194: {  	_ =	swait.ge [sflag:s15], $0x1880  }
0x195: {  	[sflag:s15] =	ssyncset.done $0x0  }
0x196: {  	s5 =	rddreg [dreg:$0x13];
	[sflag:s15] =	ssyncadd.s32 $0xFFFFE780  }
0x197: {  	[hbm4b:s5+s3] =	stream.linear.scatter [tilespmem:s13], [sflag:$0x5], $0x1880, $0x38;
	[tilespmem:$0x1E480] =	vst v63  }
0x198: {  	_ =	swait.ge [sflag:s15], $0x1880  }
0x199: {  	s6 =	sld [smem:$0x7F6]  }
0x19a: {  	[sflag:s15] =	ssyncset.done $0x0  }
0x19b: {  	[sflag:s15] =	ssyncadd.s32 $0xFFFFE780  }
0x19c: {  	[tilespmem:s13], [sflag:$0x5] =	stream.linear.gather [spmem:s6], $0x1880, $0x38;
	[tilespmem:$0x1E480] =	vst v63  }
0x19d: {  	_ =	swait.ge [sflag:s15], $0x1880  }
0x19e: {  	[sflag:s15] =	ssyncset.done $0x0  }
0x19f: {  	s7 =	rddreg [dreg:$0x14];
	[sflag:s15] =	ssyncadd.s32 $0xFFFFE780  }
0x1a0: {  	[hbm4b:s7+s3] =	stream.linear.scatter [tilespmem:s13], [sflag:$0x5], $0x1880, $0x38;
	[tilespmem:$0x1E480] =	vst v63  }
0x1a1: {  	_ =	swait.ge [sflag:s15], $0x1880  }
0x1a2: {  	s9 =	sld [smem:$0x7F9]  }
0x1a3: {  	[sflag:s15] =	ssyncset.done $0x0  }
0x1a4: {  	[sflag:s15] =	ssyncadd.s32 $0xFFFFE780  }
0x1a5: {  	[tilespmem:s13], [sflag:$0x5] =	stream.linear.gather [spmem:s9], $0x1880, $0x38;
	[tilespmem:$0x1E480] =	vst v63  }
0x1a6: {  	_ =	swait.ge [sflag:s15], $0x1880  }
0x1a7: {  	[sflag:s15] =	ssyncset.done $0x0  }
0x1a8: {  	s8 =	rddreg [dreg:$0x15];
	[sflag:s15] =	ssyncadd.s32 $0xFFFFE780  }
0x1a9: {  	[hbm4b:s8+s3] =	stream.linear.scatter [tilespmem:s13], [sflag:$0x5], $0x1880, $0x38;
	[tilespmem:$0x1E480] =	vst v63  }
0x1aa: {  	_ =	swait.ge [sflag:s15], $0x1880  }
0x1ab: {  	s5 =	sld [smem:$0x7FA]  }
0x1ac: {  	[sflag:s15] =	ssyncset.done $0x0  }
0x1ad: {  	[sflag:s15] =	ssyncadd.s32 $0xFFFFE780  }
0x1ae: {  	[tilespmem:s13], [sflag:$0x5] =	stream.linear.gather [spmem:s5], $0x1880, $0x38;
	[tilespmem:$0x1E480] =	vst v63  }
0x1af: {  	_ =	swait.ge [sflag:s15], $0x1880  }
0x1b0: {  	[sflag:s15] =	ssyncset.done $0x0  }
0x1b1: {  	s10 =	rddreg [dreg:$0x16];
	[sflag:s15] =	ssyncadd.s32 $0xFFFFE780  }
0x1b2: {  	[hbm4b:s10+s3] =	stream.linear.scatter [tilespmem:s13], [sflag:$0x5], $0x1880, $0x38;
	[tilespmem:$0x1E480] =	vst v63  }
0x1b3: {  	_ =	swait.ge [sflag:s15], $0x1880  }
0x1b4: {  	s10 =	sld [smem:$0x7FB]  }
0x1b5: {  	[sflag:s15] =	ssyncset.done $0x0  }
0x1b6: {  	[sflag:s15] =	ssyncadd.s32 $0xFFFFE780  }
0x1b7: {  	[tilespmem:s13], [sflag:$0x5] =	stream.linear.gather [spmem:s10], $0x1880, $0x38;
	[tilespmem:$0x1E480] =	vst v63  }
0x1b8: {  	_ =	swait.ge [sflag:s15], $0x1880  }
0x1b9: {  	[sflag:s15] =	ssyncset.done $0x0  }
0x1ba: {  	s11 =	rddreg [dreg:$0x17];
	[sflag:s15] =	ssyncadd.s32 $0xFFFFE780  }
0x1bb: {  	[hbm4b:s11+s3] =	stream.linear.scatter [tilespmem:s13], [sflag:$0x5], $0x1880, $0x38;
	[tilespmem:$0x1E480] =	vst v63  }
0x1bc: {  	_ =	swait.ge [sflag:s15], $0x1880  }
0x1bd: {  	s11 =	sld [smem:$0x7FC]  }
0x1be: {  	[sflag:s15] =	ssyncset.done $0x0  }
0x1bf: {  	[sflag:s15] =	ssyncadd.s32 $0xFFFFE780  }
0x1c0: {  	[tilespmem:s13], [sflag:$0x5] =	stream.linear.gather [spmem:s11], $0x1880, $0x38;
	[tilespmem:$0x1E480] =	vst v63  }
0x1c1: {  	_ =	swait.ge [sflag:s15], $0x1880  }
0x1c2: {  	[sflag:s15] =	ssyncset.done $0x0  }
0x1c3: {  	s7 =	rddreg [dreg:$0x18];
	[sflag:s15] =	ssyncadd.s32 $0xFFFFE780  }
0x1c4: {  	[hbm4b:s7+s3] =	stream.linear.scatter [tilespmem:s13], [sflag:$0x5], $0x1880, $0x38;
	[tilespmem:$0x1E480] =	vst v63  }
0x1c5: {  	_ =	swait.ge [sflag:s15], $0x1880  }
0x1c6: {  	s7 =	sld [smem:$0x7FD]  }
0x1c7: {  	[sflag:s15] =	ssyncset.done $0x0  }
0x1c8: {  	[sflag:s15] =	ssyncadd.s32 $0xFFFFE780  }
0x1c9: {  	[tilespmem:s13], [sflag:$0x5] =	stream.linear.gather [spmem:s7], $0x1880, $0x38;
	[tilespmem:$0x1E480] =	vst v63  }
0x1ca: {  	_ =	swait.ge [sflag:s15], $0x1880  }
0x1cb: {  	[sflag:s15] =	ssyncset.done $0x0  }
0x1cc: {  	s8 =	rddreg [dreg:$0x19];
	[sflag:s15] =	ssyncadd.s32 $0xFFFFE780  }
0x1cd: {  	[hbm4b:s8+s3] =	stream.linear.scatter [tilespmem:s13], [sflag:$0x5], $0x1880, $0x38;
	[tilespmem:$0x1E480] =	vst v63  }
0x1ce: {  	_ =	swait.ge [sflag:s15], $0x1880  }
0x1cf: {  	s6 =	sld [smem:$0x7F7];
	_ =	sdelay $0x2  }
0x1d0: {  	s8 =	sadd.s32 $0x1, s6;
	s6 =	rddreg [dreg:$0x1a]  }
0x1d1: {  	p0 =	sne.s32 s8, s6  }
.Ltmp1:
0x1d2: {  	_ = 	snop;
	(pc) =	sbr.rel @p0 .LBB2_1-.Ltmp1, $3  }
0x1d3: {  	_ =	sdelay $0x1  }
0x1d4: {  	[sflag:s15] =	ssyncset.done $0x0;
	[smem:$0x7F7] =	sst s8  }
0x1d5: {  	[sflag:s15] =	ssyncadd.s32 $0xFFFFE780;
	s8 =	rddreg [dreg:$0x1d]  }
0x1d6: {  	_ =	sfence.sel $0x180000  }
0x1d7: {  	[bflag:$0x0] =	sbarrier.arrive $0xFFFF  }
0x1d8: {  	_ =	strace $0x9000004A  }
0x1d9: {  	s0 =	stileid.u32;
	[bflag:$0x2] =	sbarrier.arrive $0xFFFF  }
0x1da: {  	p0 =	sne.s32 s0, $0x0;
	s0 =	rddreg [dreg:$0x4]  }
0x1db: {  	s0 =	sadd.s32 @!p0 $0x100000, s0  }
0x1dc: {  	[sflag:s0] =	ssyncadd.tile.s32 @!p0 $0x1;
	_ =	shalt  }
.Lfunc_end2:
_tile_overlayer_lowered:
.L_overlay_start_2:
0x1dd: {  	(tag) =	ssettag $0x2  }
0x1de: {  	s0 =	rddreg [dreg:$0x0];
	s2 =	stileid.u32  }
0x1df: {  	s1 =	rddreg [dreg:$0x1];
	p0 =	sne.s32 s2, $0x0  }
0x1e0: {  	s3 =	rddreg [dreg:$0x2];
	[bflag:$0x3] =	sbarrier.arrive $0xFFFF;
	s2 =	simm.s32 @!p0 $0x1C05  }
0x1e1: {  	[timem:s3], [sflag:s2] =	dma.local @!p0 [hbm:s0], s1  }
0x1e2: {  	s0 =	simm.s32 @!p0 $0x5  }
0x1e3: {  	_ =	swait.ge @!p0 [sflag:s0], s1  }
0x1e4: {  	s1 =	ssub.s32 @!p0 $0x0, s1;
	[sflag:s0] =	ssyncset.done @!p0 $0x0  }
0x1e5: {  	[sflag:s0] =	ssyncadd.s32 @!p0 s1  }
0x1e6: {  	[bflag:$0x3] =	sbarrier.arrive $0xFFFF  }
0x1e7: {  	_ =	shalt  }

// kernel: kernel.8.cloned.1.call-start
scs
__scs_entry_jumppad:
0x0: {  	(pc) =	sbr.rel $0x88, $3  }
0x1: {  	(tag) =	ssettag $0x0;
	lr =	simm.s32 $0x1  }
0x2: {  	[smem:$0x3F9E] =	sst lr;
	_ =	strace $0xD0000000  }
0x3: {  	_ = 	snop  }
0x4: {  	_ = 	snop  }
0x5: {  	_ = 	snop  }
0x6: {  	_ = 	snop  }
0x7: {  	_ = 	snop  }
__scs_overlays_trampoline_lowered:
0x8: {  	[smem:$0x3FAD] =	sst s0  }
0x9: {  	[smem:$0x3FAE] =	sst s1  }
0xa: {  	[smem:$0x3FAF] =	sst s2  }
0xb: {  	[smem:$0x3FB0] =	sst s3  }
0xc: {  	[smem:$0x3FB1] =	sst s4  }
0xd: {  	[smem:$0x3FB2] =	sst s5  }
0xe: {  	[smem:$0x3FB3] =	sst s6  }
0xf: {  	[smem:$0x3FB4] =	sst s7  }
0x10: {  	[smem:$0x3FB5] =	sst s8  }
0x11: {  	[smem:$0x3FB6] =	sst s9;
	s0 =	simm.s32 @!p0 $0x0  }
0x12: {  	s1 =	sld [smem:$0x3F9C];
	s0 =	simm.s32 @p0 $0x1  }
0x13: {  	[smem:$0x3FB7] =	sst s0;
	s0 =	simm.s32 @!p1 $0x0  }
0x14: {  	s2 =	sld [smem:$0x3F9B];
	s0 =	simm.s32 @p1 $0x1  }
0x15: {  	[smem:$0x3FB8] =	sst s0;
	s0 =	simm.s32 @!p2 $0x0  }
0x16: {  	s3 =	sld [smem:$0x3FDB];
	s0 =	simm.s32 @p2 $0x1  }
0x17: {  	s4 =	simm.s32 $0x1BF5;
	[smem:$0x3FBA] =	sst s0  }
0x18: {  	s0 =	sld [smem:$0x3F9D];
	_ =	swait.ge [sflag:s4], $0x0  }
0x19: {  	s7 =	sld [smem:$0x3F9E]  }
0x1a: {  	s8 =	sadd.s32 $0xFFFFE003, lr  }
0x1b: {  	s9 =	sadd.s32 $0xFFFFFEF7, lr;
	s5 =	simm.s32 $0xFFFFFFFF;
	p2 =	slt.u32 s8, $0xFFFFF086  }
0x1c: {  	p1 =	slt.u32 s9, $0xF7A;
	s5 =	simm.s32 @!p2 $0x0  }
0x1d: {  	s5 =	simm.s32 @p1 $0x1;
	p0 =	seq.s32 s7, s2  }
0x1e: {  	s7 =	smul.u32 @!p0 $0xF7A, s2;
	p2 =	seq.s32 @!p0 s5, $0x0  }
0x1f: {  	s9 =	smul.u32 $0xF7A, s1;
	s8 =	simm.s32 @!p0 $0x1BF5;
	p2 =	por !p2, p0  }
0x20: {  	[sflag:s8] =	ssyncset.s32 @!p0 $0xFFFFF086;
	s6 =	sadd.s32 @!p0 s3, s7;
	s7 =	simm.s32 @!p0 $0x108  }
0x21: {  	s3 =	sadd.s32 s3, s9;
	s6 =	sadd.s32 @!p0 $0x88, s6;
	s7 =	simm.s32 @p2 $0x1082  }
0x22: {  	[simem:s7], [sflag:s8] =	dma.local @!p0 [hbm:s6], $0xF7A  }
0x23: {  	s9 =	sor.u32 $0xD0000000, s2;
	s6 =	simm.s32 $0x108;
	_ =	swait.ge @!p0 [sflag:s8], $0x0  }
0x24: {  	s3 =	sadd.s32 $0x88, s3;
	s6 =	simm.s32 @!p1 $0x1082;
	[sflag:s4] =	ssyncset.s32 $0xFFFFF086  }
0x25: {  	[simem:s6], [sflag:s4] =	dma.local [hbm:s3], $0xF7A  }
0x26: {  	[smem:$0x3F9E] =	sst s1;
	(tag) =	ssettag s2;
	_ =	strace s9  }
0x27: {  	s1 =	sld [smem:$0x3FAE]  }
0x28: {  	s2 =	sld [smem:$0x3FAF]  }
0x29: {  	s4 =	sld [smem:$0x3FB1]  }
0x2a: {  	p0 =	seq.s32 s5, $0x0;
	s5 =	sld [smem:$0x3FB2]  }
0x2b: {  	s6 =	sld [smem:$0x3FB3]  }
0x2c: {  	s7 =	sld [smem:$0x3FB4]  }
0x2d: {  	s3 =	simm.s32 $0x108;
	s8 =	sld [smem:$0x3FB5]  }
0x2e: {  	s3 =	simm.s32 @!p0 $0x1082;
	s9 =	sld [smem:$0x3FB6]  }
0x2f: {  	lr =	sadd.s32 s0, s3;
	s0 =	sld [smem:$0x3FAD]  }
0x30: {  	s3 =	sld [smem:$0x3FB0]  }
0x31: {  	[smem:$0x3FB9] =	sst s10  }
0x32: {  	s10 =	sld [smem:$0x3FB7];
	_ =	sdelay $0x3  }
0x33: {  	p0 =	seq.s32 s10, $0x1;
	s10 =	sld [smem:$0x3FB9];
	_ =	sdelay $0x3  }
0x34: {  	[smem:$0x3FB9] =	sst s10  }
0x35: {  	s10 =	sld [smem:$0x3FB8];
	_ =	sdelay $0x3  }
0x36: {  	p1 =	seq.s32 s10, $0x1;
	s10 =	sld [smem:$0x3FB9];
	_ =	sdelay $0x3  }
0x37: {  	[smem:$0x3FB9] =	sst s10  }
0x38: {  	s10 =	sld [smem:$0x3FBA]  }
0x39: {  	_ = 	snop;
	(pc) =	sbr.ind lr, $3  }
0x3a: {  	_ = 	snop  }
0x3b: {  	_ = 	snop  }
0x3c: {  	p2 =	seq.s32 s10, $0x1;
	s10 =	sld [smem:$0x3FB9]  }
0x3d: {  	_ =	shalt  }
0x3e: {  	_ =	shalt  }
0x3f: {  	_ =	shalt  }
0x40: {  	_ =	shalt  }
0x41: {  	_ =	shalt  }
0x42: {  	_ =	shalt  }
0x43: {  	_ =	shalt  }
0x44: {  	_ =	shalt  }
0x45: {  	_ =	shalt  }
0x46: {  	_ =	shalt  }
0x47: {  	_ =	shalt  }
0x48: {  	_ =	shalt  }
0x49: {  	_ =	shalt  }
0x4a: {  	_ =	shalt  }
0x4b: {  	_ =	shalt  }
0x4c: {  	_ =	shalt  }
0x4d: {  	_ =	shalt  }
0x4e: {  	_ =	shalt  }
0x4f: {  	_ =	shalt  }
0x50: {  	_ =	shalt  }
0x51: {  	_ =	shalt  }
0x52: {  	_ =	shalt  }
0x53: {  	_ =	shalt  }
0x54: {  	_ =	shalt  }
0x55: {  	_ =	shalt  }
0x56: {  	_ =	shalt  }
0x57: {  	_ =	shalt  }
0x58: {  	_ =	shalt  }
0x59: {  	_ =	shalt  }
0x5a: {  	_ =	shalt  }
0x5b: {  	_ =	shalt  }
0x5c: {  	_ =	shalt  }
0x5d: {  	_ =	shalt  }
0x5e: {  	_ =	shalt  }
0x5f: {  	_ =	shalt  }
0x60: {  	_ =	shalt  }
0x61: {  	_ =	shalt  }
0x62: {  	_ =	shalt  }
0x63: {  	_ =	shalt  }
0x64: {  	_ =	shalt  }
0x65: {  	_ =	shalt  }
0x66: {  	_ =	shalt  }
0x67: {  	_ =	shalt  }
0x68: {  	_ =	shalt  }
0x69: {  	_ =	shalt  }
0x6a: {  	_ =	shalt  }
0x6b: {  	_ =	shalt  }
0x6c: {  	_ =	shalt  }
0x6d: {  	_ =	shalt  }
0x6e: {  	_ =	shalt  }
0x6f: {  	_ =	shalt  }
0x70: {  	_ =	shalt  }
0x71: {  	_ =	shalt  }
0x72: {  	_ =	shalt  }
0x73: {  	_ =	shalt  }
0x74: {  	_ =	shalt  }
0x75: {  	_ =	shalt  }
0x76: {  	_ =	shalt  }
0x77: {  	_ =	shalt  }
0x78: {  	_ =	shalt  }
0x79: {  	_ =	shalt  }
0x7a: {  	_ =	shalt  }
0x7b: {  	_ =	shalt  }
0x7c: {  	_ =	shalt  }
0x7d: {  	_ =	shalt  }
0x7e: {  	_ =	shalt  }
0x7f: {  	_ =	shalt  }
0x80: {  	_ =	shalt  }
0x81: {  	_ =	shalt  }
0x82: {  	_ =	shalt  }
0x83: {  	_ =	shalt  }
0x84: {  	_ =	shalt  }
0x85: {  	_ =	shalt  }
0x86: {  	_ =	shalt  }
0x87: {  	_ =	shalt  }
.Lfunc_end0:
.L_simem_size_0:
called_computation.2_lowered:
.L_overlay_start_0:
0x88: {  	s2 =	sld [smem:$0x3FD9]  }
0x89: {  	s3 =	sld [smem:$0x3FFE];
	_ =	sdelay $0x1  }
0x8a: {  	s1 =	srdreg.scid  }
0x8b: {  	s0 =	sand.u32 $0x1, s1  }
0x8c: {  	s14 =	sshll.u32 s0, $0xA;
	s2 =	sadd.s32 s3, s2  }
0x8d: {  	s2 =	sadd.s32 s2, s14  }
0x8e: {  	[smem:$0x3FC5] =	sst s2  }
0x8f: {  	_ = 	snop  }
0x90: {  	s2 =	sld [smem:$0x3FD0];
	_ =	sdelay $0x2  }
0x91: {  	s15 =	simm.s32 $0xA;
	s4 =	simm.s32 $0x10  }
0x92: {  	[smem:s4], [sflag:s15] =	dma.local [hbm:s2], $0x1  }
0x93: {  	_ =	swait.eq [sflag:s15], $0x1  }
0x94: {  	[sflag:s15] =	ssyncset.done $0x0  }
0x95: {  	s16 =	sld [smem:$0x10];
	[sflag:s15] =	ssyncadd.s32 $0xFFFFFFFF  }
0x96: {  	s17 =	sld [smem:$0x11];
	(tm) =	ssettm $0x1  }
0x97: {  	s18 =	sld [smem:$0x3FFB];
	_ =	sdelay $0x3  }
0x98: {  	_ =	strace s18  }
0x99: {  	s4 =	sld [smem:$0x3FFC];
	_ =	sdelay $0x3  }
0x9a: {  	_ =	strace s4  }
0x9b: {  	s4 =	sld [smem:$0x3FFD];
	_ =	sdelay $0x3  }
0x9c: {  	_ =	strace s4  }
0x9d: {  	_ =	strace $0x8FFFFFFF  }
0x9e: {  	s19 =	sld [smem:$0x3FDB];
	_ =	sdelay $0x1  }
0x9f: {  	s5 =	simm.s32 $_scs_section_size  }
0xa0: {  	s6 =	simm.s32 $_size__tile_overlayer_lowered;
	s7 =	simm.s32 $_tile_overlayer_lowered  }
0xa1: {  	s22 =	simm.s32 $0x1BFF;
	s21 =	sshll.u32 s7, $0x1;
	s4 =	sadd.s32 s5, s19  }
0xa2: {  	s8 =	simm.s32 $0x0;
	s20 =	sshll.u32 s6, $0x1;
	s6 =	sadd.s32 s21, s4  }
0xa3: {  	[timem:s8], [sflag:s22] =	dma.local [hbm:s6], s20  }
0xa4: {  	_ =	swait.ge [sflag:s22], s20  }
0xa5: {  	s5 =	ssub.s32 $0x0, s20;
	[sflag:s22] =	ssyncset.done $0x0  }
0xa6: {  	[sflag:s22] =	ssyncadd.s32 s5;
	_ =	sdelay $0x1  }
0xa7: {  	s23 =	simm.s32 $0x1B8B  }
0xa8: {  	_ =	swait.ge [sflag:s23], $0x1  }
0xa9: {  	[sflag:s23] =	ssyncset.done $0x0  }
0xaa: {  	s25 =	simm.s32 $0x1B8E;
	s24 =	sld [smem:$0x3FFE];
	[sflag:s23] =	ssyncadd.s32 $0xFFFFFFFF  }
0xab: {  	s26 =	simm.s32 $execute0_lowered;
	[smem:$0x3FD2] =	sst s25  }
0xac: {  	s6 =	sshll.u32 s26, $0x1;
	_ =	strace $0x8000004C;
	[dreg:$0x1] =	wrdreg $0xFFFFFFFF  }
0xad: {  	s28 =	simm.s32 $_size_execute0_lowered;
	s4 =	sadd.s32 s4, s6;
	[dreg:$0x0] =	wrdreg $0x0  }
0xae: {  	s6 =	sshll.u32 s28, $0x1;
	[dreg:$0x2] =	wrdreg s4  }
0xaf: {  	[dreg:$0x3] =	wrdreg s6  }
0xb0: {  	[dreg:$0x4] =	wrdreg $0xC0  }
0xb1: {  	_ =	task [dreg:s8], $0x5FFFF  }
0xb2: {  	[dreg:$0x1] =	wrdreg $0xFFFFFFFF  }
0xb3: {  	[dreg:$0x0] =	wrdreg $0x60  }
0xb4: {  	[dreg:$0x2] =	wrdreg s24  }
0xb5: {  	[dreg:$0x3] =	wrdreg s16  }
0xb6: {  	[dreg:$0x4] =	wrdreg s17  }
0xb7: {  	[dreg:$0x5] =	wrdreg $0x0  }
0xb8: {  	[dreg:$0x6] =	wrdreg $0x9  }
0xb9: {  	_ =	task.clear_ibuf [dreg:s8], $0x7FFFF;
	_ =	strace $0x9000004C  }
0xba: {  	s29 =	simm.s32 $0x9;
	_ =	strace $0x8000004E  }
0xbb: {  	_ =	swait.ge [sflag:s29], $0x1  }
0xbc: {  	[sflag:s29] =	ssyncadd.s32 $0xFFFFFFFF  }
0xbd: {  	_ =	strace $0x9000004E  }
0xbe: {  	_ =	sfence  }
0xbf: {  	s30 =	sld [smem:$0x0];
	_ =	sdelay $0x2  }
0xc0: {  	s31 =	sshll.u32 s1, $0xD;
	s1 =	sshrl.u32 s1, $0x2  }
0xc1: {  	s3 =	sand.u32 $0x4000, s31;
	s1 =	sadd.s32 s1, s30  }
0xc2: {  	s0 =	sor.u32 s3, s0;
	s1 =	sshll.u32 s1, $0x11  }
0xc3: {  	s0 =	sor.u32 s1, s0  }
0xc4: {  	s0 =	sadd.s32 $0x8F2B, s0  }
0xc5: {  	[sflag:s0] =	ssyncadd.remote.s32 $0x1  }
0xc6: {  	_ =	sfence.sel $0xFFFF  }
0xc7: {  	[dreg:$0x0] =	wrdreg $0xFFFFFFFF;
	(pc) =	sbr.abs _section_cstart, $3  }
0xc8: {  	[dreg:$0x1] =	wrdreg $0xFFFFFFFF  }
0xc9: {  	_ =	task.clear_ibuf [dreg:s8], $0x2FFFF;
	_ =	strace $0x9FFFFFFF  }
0xca: {  	(tm) =	ssettm $0x7FFFFFFF  }
0xcb: {  	_ =	shalt  }
tec
execute0_lowered:
.L_overlay_start_1:
0x0: {  	(tag) =	ssettag $0x1  }
0x1: {  	s0 =	rddreg [dreg:$0x0]  }
0x2: {  	s3 =	srdreg.scid;
	s12 =	stileid.u32  }
0x3: {  	s1 =	rddreg [dreg:$0x1];
	s6 =	sand.u32 $0x1, s3;
	s7 =	smul.u32 $0xC40, s12  }
0x4: {  	s5 =	rddreg [dreg:$0x2];
	s8 =	smul.u32 $0xC400, s6  }
0x5: {  	s2 =	rddreg [dreg:$0x3];
	s3 =	simm.s32 $0x0;
	s4 =	sadd.s32 $0x1BC200, s0  }
0x6: {  	s16 =	smul.u32 $0x1880, s12;
	[smem:$0x7FF] =	sst s3;
	s7 =	sadd.s32 s7, s8  }
0x7: {  	s20 =	sadd.s32 $0x5E00, s0;
	_ =	strace $0x8000004D;
	s7 =	sshll.u32 s7, $0x2  }
0x8: {  	[dreg:$0x9] =	wrdreg s20;
	s1 =	sadd.s32 s16, s1;
	s0 =	sadd.s32 s7, s0  }
0x9: {  	[dreg:$0x5] =	wrdreg s1;
	s11 =	sadd.s32 $0x21DE00, s0  }
0xa: {  	s21 =	smul.u32 $0x62000, s12;
	s23 =	sadd.s32 $0x21E110, s0;
	[dreg:$0xa] =	wrdreg s11  }
0xb: {  	s9 =	smul.u32 $0xC400, s12;
	s24 =	sadd.s32 $0x21E420, s0;
	[dreg:$0xb] =	wrdreg s23  }
0xc: {  	s22 =	ssub.s32 $0x2, s6;
	s25 =	sadd.s32 $0x21E730, s0;
	[dreg:$0xc] =	wrdreg s24  }
0xd: {  	s10 =	sshrl.u32 s22, $0x1;
	s26 =	sadd.s32 $0x21EA40, s0;
	[dreg:$0xd] =	wrdreg s25  }
0xe: {  	s7 =	ssub.s32 s22, s10;
	s10 =	sadd.s32 $0x21ED50, s0;
	[dreg:$0xe] =	wrdreg s26  }
0xf: {  	s6 =	smul.u32 $0xC4000, s6;
	s13 =	sadd.s32 $0x21F060, s0;
	[dreg:$0xf] =	wrdreg s10  }
0x10: {  	s8 =	sshrl.u32 s21, $0x2;
	s15 =	sadd.s32 $0x21F370, s0;
	[dreg:$0x10] =	wrdreg s13  }
0x11: {  	s6 =	sadd.s32 s9, s6;
	s17 =	sadd.s32 $0x21F680, s0;
	[dreg:$0x11] =	wrdreg s15  }
0x12: {  	s20 =	sor.u32 $0x100, s6;
	s18 =	sadd.s32 $0x21F990, s0;
	[dreg:$0x12] =	wrdreg s17  }
0x13: {  	s21 =	sshrl.u32 s20, $0x3;
	s19 =	sadd.s32 $0x21FCA0, s0;
	[dreg:$0x13] =	wrdreg s18  }
0x14: {  	s1 =	sadd.s32 s21, s5;
	[dreg:$0x14] =	wrdreg s19  }
0x15: {  	s16 =	sadd.s32 $0x2208E0, s0;
	[dreg:$0x6] =	wrdreg s1  }
0x16: {  	s28 =	simm.s32 $0x1A400;
	s26 =	sadd.s32 $0x21FFB0, s0;
	[dreg:$0x18] =	wrdreg s16  }
0x17: {  	s29 =	simm.s32 $0x1D480;
	s13 =	sadd.s32 $0x2202C0, s0;
	[dreg:$0x15] =	wrdreg s26  }
0x18: {  	s30 =	simm.s32 $0x1;
	s15 =	sadd.s32 $0x2205D0, s0;
	[dreg:$0x16] =	wrdreg s13  }
0x19: {  	s22 =	sor.u32 $0x80, s6;
	s0 =	sadd.s32 $0x220BF0, s0;
	[dreg:$0x17] =	wrdreg s15  }
0x1a: {  	s11 =	sadd.s32 s8, s2;
	s17 =	smax.u32 s7, $0x1;
	[dreg:$0x19] =	wrdreg s0  }
0x1b: {  	s8 =	sshrl.u32 s22, $0x3;
	s14 =	sadd.s32 $0x1880, s11;
	[dreg:$0x1a] =	wrdreg s17  }
0x1c: {  	s31 =	simm.s32 $0x2;
	s24 =	sadd.s32 s8, s5;
	[smem:$0x7F2] =	sst s14  }
0x1d: {  	s23 =	sor.u32 $0x180, s6;
	s18 =	sadd.s32 $0x3100, s11;
	[dreg:$0x7] =	wrdreg s24  }
0x1e: {  	s16 =	simm.s32 $0x1A080;
	s19 =	sadd.s32 $0x4980, s11;
	[dreg:$0x1b] =	wrdreg s18  }
0x1f: {  	s1 =	simm.s32 $0x3;
	s20 =	sadd.s32 $0x7A80, s11;
	[dreg:$0x1c] =	wrdreg s19  }
0x20: {  	s25 =	sshrl.u32 s23, $0x3;
	s21 =	sadd.s32 $0x9300, s11;
	[dreg:$0x1e] =	wrdreg s20  }
0x21: {  	s12 =	smov.u32 s11;
	s23 =	sadd.s32 $0xAB80, s11;
	[dreg:$0x1f] =	wrdreg s21  }
0x22: {  	s8 =	sadd.s32 $0x6200, s11;
	s26 =	sadd.s32 $0xF500, s11;
	[smem:$0x7F3] =	sst s23  }
0x23: {  	s9 =	sadd.s32 $0x10D80, s11;
	s13 =	simm.s32 $0x18800;
	[smem:$0x7F6] =	sst s26  }
0x24: {  	s15 =	simm.s32 $0x5;
	s17 =	simm.s32 $0x1A280;
	[dreg:$0x1d] =	wrdreg s8  }
0x25: {  	s0 =	simm.s32 $0x4;
	s10 =	sadd.s32 s25, s5;
	[smem:$0x7F8] =	sst s12  }
0x26: {  	s14 =	sshrl.u32 s6, $0x3;
	s24 =	sadd.s32 $0xC400, s11;
	[smem:$0x7F9] =	sst s9  }
0x27: {  	s25 =	sadd.s32 $0xDC80, s11;
	s7 =	sadd.s32 $0x16F80, s12;
	[dreg:$0x8] =	wrdreg s10  }
0x28: {  	s18 =	simm.s32 $0x80;
	s19 =	simm.s32 $0x1A480;
	[smem:$0x7F4] =	sst s24  }
0x29: {  	s20 =	simm.s32 $0x1A100;
	s6 =	simm.s32 $0x0;
	[smem:$0x7F5] =	sst s25  }
0x2a: {  	s21 =	simm.s32 $0x1A300;
	s23 =	simm.s32 $0x1B480;
	[smem:$0x7F7] =	sst s6  }
0x2b: {  	s22 =	sadd.s32 s14, s5;
	s5 =	sadd.s32 $0x12600, s11;
	[smem:$0x7FD] =	sst s7  }
0x2c: {  	s26 =	simm.s32 $0x1A200;
	s10 =	sadd.s32 $0x13E80, s11;
	[smem:$0x7FA] =	sst s5  }
0x2d: {  	s11 =	sadd.s32 $0x15700, s11;
	s24 =	simm.s32 $0x1A180;
	[smem:$0x7FB] =	sst s10  }
0x2e: {  	s25 =	simm.s32 $0x1A380;
	s14 =	simm.s32 $0x1C480;
	[smem:$0x7FC] =	sst s11  }
.LBB2_1:
0x2f: {  	s6 =	rddreg [dreg:$0x9]  }
0x30: {  	[tilespmem:s13], [sflag:$0x5] =	stream.linear.gather [hbm4b:s6+s3], $0x1880, $0x38;
	[tilespmem:$0x1E480] =	vst v63  }
0x31: {  	_ =	swait.ge [sflag:s15], $0x1880  }
0x32: {  	[sflag:s15] =	ssyncset.done $0x0  }
0x33: {  	[sflag:s15] =	ssyncadd.s32 $0xFFFFE780  }
0x34: {  	[spmem:s12] =	stream.linear.scatter [tilespmem:s13], [sflag:$0x5], $0x1880, $0x38;
	[tilespmem:$0x1E480] =	vst v63  }
0x35: {  	_ =	swait.ge [sflag:s15], $0x1880  }
0x36: {  	s12 =	sld [smem:$0x7F2]  }
0x37: {  	[sflag:s15] =	ssyncset.done $0x0  }
0x38: {  	[sflag:s15] =	ssyncadd.s32 $0xFFFFE780  }
0x39: {  	[spmem:s12] =	stream.linear.scatter [tilespmem:s13], [sflag:$0x5], $0x1880, $0x38;
	[tilespmem:$0x1E480] =	vst v63  }
0x3a: {  	s6 =	smov.u32 s8;
	s8 =	rddreg [dreg:$0x1e];
	_ =	swait.ge [sflag:s15], $0x1880  }
0x3b: {  	[sflag:s15] =	ssyncset.done $0x0  }
0x3c: {  	s12 =	rddreg [dreg:$0x1b];
	[sflag:s15] =	ssyncadd.s32 $0xFFFFE780  }
0x3d: {  	[spmem:s12] =	stream.linear.scatter [tilespmem:s13], [sflag:$0x5], $0x1880, $0x38;
	[tilespmem:$0x1E480] =	vst v63  }
0x3e: {  	_ =	swait.ge [sflag:s15], $0x1880  }
0x3f: {  	[sflag:s15] =	ssyncset.done $0x0  }
0x40: {  	s12 =	rddreg [dreg:$0x1c];
	[sflag:s15] =	ssyncadd.s32 $0xFFFFE780  }
0x41: {  	[spmem:s12] =	stream.linear.scatter [tilespmem:s13], [sflag:$0x5], $0x1880, $0x38;
	[tilespmem:$0x1E480] =	vst v63  }
0x42: {  	_ =	swait.ge [sflag:s15], $0x1880  }
0x43: {  	[sflag:s15] =	ssyncset.done $0x0  }
0x44: {  	[sflag:s15] =	ssyncadd.s32 $0xFFFFE780  }
0x45: {  	[spmem:s6] =	stream.linear.scatter [tilespmem:s13], [sflag:$0x5], $0x1880, $0x38;
	[tilespmem:$0x1E480] =	vst v63  }
0x46: {  	_ =	swait.ge [sflag:s15], $0x1880  }
0x47: {  	[sflag:s15] =	ssyncset.done $0x0  }
0x48: {  	[sflag:s15] =	ssyncadd.s32 $0xFFFFE780  }
0x49: {  	[spmem:s8] =	stream.linear.scatter [tilespmem:s13], [sflag:$0x5], $0x1880, $0x38;
	[tilespmem:$0x1E480] =	vst v63  }
0x4a: {  	_ =	swait.ge [sflag:s15], $0x1880  }
0x4b: {  	[sflag:s15] =	ssyncset.done $0x0  }
0x4c: {  	s8 =	rddreg [dreg:$0x1f];
	[sflag:s15] =	ssyncadd.s32 $0xFFFFE780  }
0x4d: {  	[spmem:s8] =	stream.linear.scatter [tilespmem:s13], [sflag:$0x5], $0x1880, $0x38;
	[tilespmem:$0x1E480] =	vst v63  }
0x4e: {  	_ =	swait.ge [sflag:s15], $0x1880  }
0x4f: {  	s12 =	sld [smem:$0x7F3]  }
0x50: {  	[sflag:s15] =	ssyncset.done $0x0  }
0x51: {  	[sflag:s15] =	ssyncadd.s32 $0xFFFFE780  }
0x52: {  	[spmem:s12] =	stream.linear.scatter [tilespmem:s13], [sflag:$0x5], $0x1880, $0x38;
	[tilespmem:$0x1E480] =	vst v63  }
0x53: {  	_ =	swait.ge [sflag:s15], $0x1880  }
0x54: {  	s8 =	sld [smem:$0x7F4]  }
0x55: {  	[sflag:s15] =	ssyncset.done $0x0  }
0x56: {  	[sflag:s15] =	ssyncadd.s32 $0xFFFFE780  }
0x57: {  	[spmem:s8] =	stream.linear.scatter [tilespmem:s13], [sflag:$0x5], $0x1880, $0x38;
	[tilespmem:$0x1E480] =	vst v63  }
0x58: {  	_ =	swait.ge [sflag:s15], $0x1880  }
0x59: {  	s12 =	sld [smem:$0x7F5]  }
0x5a: {  	[sflag:s15] =	ssyncset.done $0x0  }
0x5b: {  	[sflag:s15] =	ssyncadd.s32 $0xFFFFE780  }
0x5c: {  	[spmem:s12] =	stream.linear.scatter [tilespmem:s13], [sflag:$0x5], $0x1880, $0x38;
	[tilespmem:$0x1E480] =	vst v63  }
0x5d: {  	_ =	swait.ge [sflag:s15], $0x1880  }
0x5e: {  	s8 =	sld [smem:$0x7F6]  }
0x5f: {  	[sflag:s15] =	ssyncset.done $0x0  }
0x60: {  	[sflag:s15] =	ssyncadd.s32 $0xFFFFE780  }
0x61: {  	[spmem:s8] =	stream.linear.scatter [tilespmem:s13], [sflag:$0x5], $0x1880, $0x38;
	[tilespmem:$0x1E480] =	vst v63  }
0x62: {  	_ =	swait.ge [sflag:s15], $0x1880  }
0x63: {  	[sflag:s15] =	ssyncset.done $0x0  }
0x64: {  	[sflag:s15] =	ssyncadd.s32 $0xFFFFE780  }
0x65: {  	[spmem:s9] =	stream.linear.scatter [tilespmem:s13], [sflag:$0x5], $0x1880, $0x38;
	[tilespmem:$0x1E480] =	vst v63  }
0x66: {  	_ =	swait.ge [sflag:s15], $0x1880  }
0x67: {  	[sflag:s15] =	ssyncset.done $0x0  }
0x68: {  	[sflag:s15] =	ssyncadd.s32 $0xFFFFE780  }
0x69: {  	[spmem:s5] =	stream.linear.scatter [tilespmem:s13], [sflag:$0x5], $0x1880, $0x38;
	[tilespmem:$0x1E480] =	vst v63  }
0x6a: {  	_ =	swait.ge [sflag:s15], $0x1880  }
0x6b: {  	[sflag:s15] =	ssyncset.done $0x0  }
0x6c: {  	[sflag:s15] =	ssyncadd.s32 $0xFFFFE780  }
0x6d: {  	[spmem:s10] =	stream.linear.scatter [tilespmem:s13], [sflag:$0x5], $0x1880, $0x38;
	[tilespmem:$0x1E480] =	vst v63  }
0x6e: {  	_ =	swait.ge [sflag:s15], $0x1880  }
0x6f: {  	[sflag:s15] =	ssyncset.done $0x0  }
0x70: {  	[sflag:s15] =	ssyncadd.s32 $0xFFFFE780  }
0x71: {  	[spmem:s11] =	stream.linear.scatter [tilespmem:s13], [sflag:$0x5], $0x1880, $0x38;
	[tilespmem:$0x1E480] =	vst v63  }
0x72: {  	_ =	swait.ge [sflag:s15], $0x1880  }
0x73: {  	[sflag:s15] =	ssyncset.done $0x0  }
0x74: {  	[sflag:s15] =	ssyncadd.s32 $0xFFFFE780  }
0x75: {  	[spmem:s7] =	stream.linear.scatter [tilespmem:s13], [sflag:$0x5], $0x1880, $0x38;
	[tilespmem:$0x1E480] =	vst v63  }
0x76: {  	_ =	swait.ge [sflag:s15], $0x1880  }
0x77: {  	[sflag:s15] =	ssyncset.done $0x0  }
0x78: {  	[sflag:s15] =	ssyncadd.s32 $0xFFFFE780  }
0x79: {  	[bflag:$0x0] =	sbarrier.arrive $0xFFFF  }
0x7a: {  	s12 =	rddreg [dreg:$0x5]  }
0x7b: {  	s6 =	sadd.s32 $0x0, s12  }
0x7c: {  	[tilespmem:s16], [sflag:$0x5] =	stream.linear.gather [hbm4b:s6+s3], $0x80, $0x38;
	[tilespmem:$0x1E480] =	vst v63  }
0x7d: {  	_ =	swait.ge [sflag:s15], $0x80  }
0x7e: {  	[sflag:s15] =	ssyncset.done $0x0  }
0x7f: {  	s5 =	sadd.s32 $0x0, s22;
	[sflag:s15] =	ssyncadd.s32 $0xFFFFFF80  }
0x80: {  	[tilespmem:s17], [sflag:$0x5] =	stream.linear.gather [hbm4b:s5+s3], $0x80, $0x38;
	[tilespmem:$0x1E480] =	vst v63  }
0x81: {  	_ =	swait.ge [sflag:s15], $0x80  }
0x82: {  	[sflag:s15] =	ssyncset.done $0x0  }
0x83: {  	[sflag:s15] =	ssyncadd.s32 $0xFFFFFF80  }
0x84: {  	[tilespmem:s19], [sflag:$0x1] =	stream.indirect.gather [hbm4b:s4+s18], $0x20, s17, s18, $0xb8;
	[tilespmem:$0x1E480] =	vst v63  }
0x85: {  	s8 =	sadd.s32 $0x10, s6  }
0x86: {  	[tilespmem:s20], [sflag:$0x5] =	stream.linear.gather [hbm4b:s8+s3], $0x80, $0x38;
	[tilespmem:$0x1E480] =	vst v63  }
0x87: {  	_ =	swait.ge [sflag:s15], $0x80  }
0x88: {  	s9 =	rddreg [dreg:$0x7];
	[sflag:s15] =	ssyncset.done $0x0  }
0x89: {  	[sflag:s15] =	ssyncadd.s32 $0xFFFFFF80;
	s7 =	sadd.s32 $0x0, s9  }
0x8a: {  	[tilespmem:s21], [sflag:$0x5] =	stream.linear.gather [hbm4b:s7+s3], $0x80, $0x38;
	[tilespmem:$0x1E480] =	vst v63  }
0x8b: {  	_ =	swait.ge [sflag:s15], $0x80  }
0x8c: {  	[sflag:s15] =	ssyncset.done $0x0  }
0x8d: {  	[sflag:s15] =	ssyncadd.s32 $0xFFFFFF80  }
0x8e: {  	[tilespmem:s23], [sflag:$0x2] =	stream.indirect.gather [hbm4b:s4+s18], $0x20, s21, s18, $0xb8;
	[tilespmem:$0x1E480] =	vst v63  }
0x8f: {  	s10 =	sadd.s32 $0x20, s6  }
0x90: {  	[tilespmem:s24], [sflag:$0x5] =	stream.linear.gather [hbm4b:s10+s3], $0x80, $0x38;
	[tilespmem:$0x1E480] =	vst v63  }
0x91: {  	_ =	swait.ge [sflag:s15], $0x80  }
0x92: {  	s11 =	rddreg [dreg:$0x6];
	[sflag:s15] =	ssyncset.done $0x0  }
0x93: {  	[sflag:s15] =	ssyncadd.s32 $0xFFFFFF80;
	s7 =	sadd.s32 $0x0, s11  }
0x94: {  	[tilespmem:s25], [sflag:$0x5] =	stream.linear.gather [hbm4b:s7+s3], $0x80, $0x38;
	[tilespmem:$0x1E480] =	vst v63  }
0x95: {  	_ =	swait.ge [sflag:s15], $0x80  }
0x96: {  	[sflag:s15] =	ssyncset.done $0x0  }
0x97: {  	[sflag:s15] =	ssyncadd.s32 $0xFFFFFF80  }
0x98: {  	[tilespmem:s14], [sflag:$0x3] =	stream.indirect.gather [hbm4b:s4+s18], $0x20, s25, s18, $0xb8;
	[tilespmem:$0x1E480] =	vst v63  }
0x99: {  	s6 =	sadd.s32 $0x30, s6  }
0x9a: {  	[tilespmem:s26], [sflag:$0x5] =	stream.linear.gather [hbm4b:s6+s3], $0x80, $0x38;
	[tilespmem:$0x1E480] =	vst v63  }
0x9b: {  	_ =	swait.ge [sflag:s15], $0x80  }
0x9c: {  	s12 =	rddreg [dreg:$0x8];
	[sflag:s15] =	ssyncset.done $0x0  }
0x9d: {  	[sflag:s15] =	ssyncadd.s32 $0xFFFFFF80;
	s6 =	sadd.s32 $0x0, s12  }
0x9e: {  	[tilespmem:s28], [sflag:$0x5] =	stream.linear.gather [hbm4b:s6+s3], $0x80, $0x38;
	[tilespmem:$0x1E480] =	vst v63  }
0x9f: {  	_ =	swait.ge [sflag:s15], $0x80  }
0xa0: {  	[sflag:s15] =	ssyncset.done $0x0  }
0xa1: {  	[sflag:s15] =	ssyncadd.s32 $0xFFFFFF80  }
0xa2: {  	[tilespmem:s29], [sflag:$0x4] =	stream.indirect.gather [hbm4b:s4+s18], $0x20, s28, s18, $0xb8;
	[tilespmem:$0x1E480] =	vst v63  }
0xa3: {  	_ =	swait.ge [sflag:s30], $0x1000  }
0xa4: {  	[sflag:s30] =	ssyncset.done $0x0  }
0xa5: {  	[sflag:s30] =	ssyncadd.s32 $0xFFFFF000  }
0xa6: {  	[spmem:s2] =	stream.indirect.scatter.add.f32 [tilespmem:s19], [sflag:$0x5], $0x20, s16, s18, $0xb8;
	[tilespmem:$0x1E480] =	vst v63  }
0xa7: {  	_ =	swait.ge [sflag:s15], $0x1000  }
0xa8: {  	[sflag:s15] =	ssyncset.done $0x0  }
0xa9: {  	[sflag:s15] =	ssyncadd.s32 $0xFFFFF000  }
0xaa: {  	_ =	swait.ge [sflag:s31], $0x1000  }
0xab: {  	[sflag:s31] =	ssyncset.done $0x0  }
0xac: {  	[sflag:s31] =	ssyncadd.s32 $0xFFFFF000  }
0xad: {  	[spmem:s2] =	stream.indirect.scatter.add.f32 [tilespmem:s23], [sflag:$0x5], $0x20, s20, s18, $0xb8;
	[tilespmem:$0x1E480] =	vst v63  }
0xae: {  	_ =	swait.ge [sflag:s15], $0x1000  }
0xaf: {  	[sflag:s15] =	ssyncset.done $0x0  }
0xb0: {  	[sflag:s15] =	ssyncadd.s32 $0xFFFFF000  }
0xb1: {  	_ =	swait.ge [sflag:s1], $0x1000  }
0xb2: {  	[sflag:s1] =	ssyncset.done $0x0  }
0xb3: {  	[sflag:s1] =	ssyncadd.s32 $0xFFFFF000  }
0xb4: {  	[spmem:s2] =	stream.indirect.scatter.add.f32 [tilespmem:s14], [sflag:$0x5], $0x20, s24, s18, $0xb8;
	[tilespmem:$0x1E480] =	vst v63  }
0xb5: {  	_ =	swait.ge [sflag:s15], $0x1000  }
0xb6: {  	[sflag:s15] =	ssyncset.done $0x0  }
0xb7: {  	[sflag:s15] =	ssyncadd.s32 $0xFFFFF000  }
0xb8: {  	_ =	swait.ge [sflag:s0], $0x1000  }
0xb9: {  	[sflag:s0] =	ssyncset.done $0x0  }
0xba: {  	[sflag:s0] =	ssyncadd.s32 $0xFFFFF000  }
0xbb: {  	[spmem:s2] =	stream.indirect.scatter.add.f32 [tilespmem:s29], [sflag:$0x5], $0x20, s26, s18, $0xb8;
	[tilespmem:$0x1E480] =	vst v63  }
0xbc: {  	s7 =	simm.s32 $0x80;
	_ =	swait.ge [sflag:s15], $0x1000  }
0xbd: {  	s6 =	simm.s32 $0x40;
	s9 =	rddreg [dreg:$0x5];
	[sflag:s15] =	ssyncset.done $0x0  }
.LBB2_2:
0xbe: {  	[sflag:s15] =	ssyncadd.s32 $0xFFFFF000;
	s9 =	sadd.s32 s6, s9  }
0xbf: {  	[tilespmem:s16], [sflag:$0x5] =	stream.linear.gather [hbm4b:s9+s3], $0x80, $0x38;
	[tilespmem:$0x1E480] =	vst v63  }
0xc0: {  	_ =	swait.ge [sflag:s15], $0x80  }
0xc1: {  	[sflag:s15] =	ssyncset.done $0x0  }
0xc2: {  	s10 =	sadd.s32 s6, s22;
	[sflag:s15] =	ssyncadd.s32 $0xFFFFFF80  }
0xc3: {  	[tilespmem:s17], [sflag:$0x5] =	stream.linear.gather [hbm4b:s10+s3], $0x80, $0x38;
	[tilespmem:$0x1E480] =	vst v63  }
0xc4: {  	_ =	swait.ge [sflag:s15], $0x80  }
0xc5: {  	[sflag:s15] =	ssyncset.done $0x0  }
0xc6: {  	[sflag:s15] =	ssyncadd.s32 $0xFFFFFF80  }
0xc7: {  	[tilespmem:s19], [sflag:$0x1] =	stream.indirect.gather [hbm4b:s4+s18], $0x20, s17, s18, $0xb8;
	[tilespmem:$0x1E480] =	vst v63  }
0xc8: {  	s11 =	sadd.s32 $0x10, s9  }
0xc9: {  	[tilespmem:s20], [sflag:$0x5] =	stream.linear.gather [hbm4b:s11+s3], $0x80, $0x38;
	[tilespmem:$0x1E480] =	vst v63  }
0xca: {  	_ =	swait.ge [sflag:s15], $0x80  }
0xcb: {  	s12 =	rddreg [dreg:$0x7];
	[sflag:s15] =	ssyncset.done $0x0  }
0xcc: {  	[sflag:s15] =	ssyncadd.s32 $0xFFFFFF80;
	s10 =	sadd.s32 s6, s12  }
0xcd: {  	[tilespmem:s21], [sflag:$0x5] =	stream.linear.gather [hbm4b:s10+s3], $0x80, $0x38;
	[tilespmem:$0x1E480] =	vst v63  }
0xce: {  	_ =	swait.ge [sflag:s15], $0x80  }
0xcf: {  	[sflag:s15] =	ssyncset.done $0x0  }
0xd0: {  	[sflag:s15] =	ssyncadd.s32 $0xFFFFFF80  }
0xd1: {  	[tilespmem:s23], [sflag:$0x2] =	stream.indirect.gather [hbm4b:s4+s18], $0x20, s21, s18, $0xb8;
	[tilespmem:$0x1E480] =	vst v63  }
0xd2: {  	s5 =	sadd.s32 $0x20, s9  }
0xd3: {  	[tilespmem:s24], [sflag:$0x5] =	stream.linear.gather [hbm4b:s5+s3], $0x80, $0x38;
	[tilespmem:$0x1E480] =	vst v63  }
0xd4: {  	_ =	swait.ge [sflag:s15], $0x80  }
0xd5: {  	s11 =	rddreg [dreg:$0x6];
	[sflag:s15] =	ssyncset.done $0x0  }
0xd6: {  	[sflag:s15] =	ssyncadd.s32 $0xFFFFFF80;
	s10 =	sadd.s32 s6, s11  }
0xd7: {  	[tilespmem:s25], [sflag:$0x5] =	stream.linear.gather [hbm4b:s10+s3], $0x80, $0x38;
	[tilespmem:$0x1E480] =	vst v63  }
0xd8: {  	_ =	swait.ge [sflag:s15], $0x80  }
0xd9: {  	[sflag:s15] =	ssyncset.done $0x0  }
0xda: {  	[sflag:s15] =	ssyncadd.s32 $0xFFFFFF80  }
0xdb: {  	[tilespmem:s14], [sflag:$0x3] =	stream.indirect.gather [hbm4b:s4+s18], $0x20, s25, s18, $0xb8;
	[tilespmem:$0x1E480] =	vst v63  }
0xdc: {  	s9 =	sadd.s32 $0x30, s9  }
0xdd: {  	[tilespmem:s26], [sflag:$0x5] =	stream.linear.gather [hbm4b:s9+s3], $0x80, $0x38;
	[tilespmem:$0x1E480] =	vst v63  }
0xde: {  	_ =	swait.ge [sflag:s15], $0x80  }
0xdf: {  	s12 =	rddreg [dreg:$0x8];
	[sflag:s15] =	ssyncset.done $0x0  }
0xe0: {  	[sflag:s15] =	ssyncadd.s32 $0xFFFFFF80;
	s9 =	sadd.s32 s6, s12  }
0xe1: {  	[tilespmem:s28], [sflag:$0x5] =	stream.linear.gather [hbm4b:s9+s3], $0x80, $0x38;
	[tilespmem:$0x1E480] =	vst v63  }
0xe2: {  	_ =	swait.ge [sflag:s15], $0x80  }
0xe3: {  	[sflag:s15] =	ssyncset.done $0x0  }
0xe4: {  	[sflag:s15] =	ssyncadd.s32 $0xFFFFFF80  }
0xe5: {  	[tilespmem:s29], [sflag:$0x4] =	stream.indirect.gather [hbm4b:s4+s18], $0x20, s28, s18, $0xb8;
	[tilespmem:$0x1E480] =	vst v63  }
0xe6: {  	_ =	swait.ge [sflag:s30], $0x1000  }
0xe7: {  	[sflag:s30] =	ssyncset.done $0x0  }
0xe8: {  	[sflag:s30] =	ssyncadd.s32 $0xFFFFF000  }
0xe9: {  	[spmem:s2] =	stream.indirect.scatter.add.f32 [tilespmem:s19], [sflag:$0x5], $0x20, s16, s18, $0xb8;
	[tilespmem:$0x1E480] =	vst v63  }
0xea: {  	_ =	swait.ge [sflag:s15], $0x1000  }
0xeb: {  	[sflag:s15] =	ssyncset.done $0x0  }
0xec: {  	[sflag:s15] =	ssyncadd.s32 $0xFFFFF000  }
0xed: {  	_ =	swait.ge [sflag:s31], $0x1000  }
0xee: {  	[sflag:s31] =	ssyncset.done $0x0  }
0xef: {  	[sflag:s31] =	ssyncadd.s32 $0xFFFFF000  }
0xf0: {  	[spmem:s2] =	stream.indirect.scatter.add.f32 [tilespmem:s23], [sflag:$0x5], $0x20, s20, s18, $0xb8;
	[tilespmem:$0x1E480] =	vst v63  }
0xf1: {  	_ =	swait.ge [sflag:s15], $0x1000  }
0xf2: {  	[sflag:s15] =	ssyncset.done $0x0  }
0xf3: {  	[sflag:s15] =	ssyncadd.s32 $0xFFFFF000  }
0xf4: {  	_ =	swait.ge [sflag:s1], $0x1000  }
0xf5: {  	[sflag:s1] =	ssyncset.done $0x0  }
0xf6: {  	[sflag:s1] =	ssyncadd.s32 $0xFFFFF000  }
0xf7: {  	[spmem:s2] =	stream.indirect.scatter.add.f32 [tilespmem:s14], [sflag:$0x5], $0x20, s24, s18, $0xb8;
	[tilespmem:$0x1E480] =	vst v63  }
0xf8: {  	_ =	swait.ge [sflag:s15], $0x1000  }
0xf9: {  	[sflag:s15] =	ssyncset.done $0x0  }
0xfa: {  	[sflag:s15] =	ssyncadd.s32 $0xFFFFF000  }
0xfb: {  	p0 =	sne.s32 s7, $0x1840;
	_ =	swait.ge [sflag:s0], $0x1000  }
.Ltmp0:
0xfc: {  	[sflag:s0] =	ssyncset.done $0x0;
	(pc) =	sbr.rel @p0 .LBB2_2-.Ltmp0, $4  }
0xfd: {  	[sflag:s0] =	ssyncadd.s32 $0xFFFFF000  }
0xfe: {  	[spmem:s2] =	stream.indirect.scatter.add.f32 [tilespmem:s29], [sflag:$0x5], $0x20, s26, s18, $0xb8;
	[tilespmem:$0x1E480] =	vst v63  }
0xff: {  	s8 =	smov.u32 s7;
	s7 =	sadd.s32 $0x40, s7;
	_ =	swait.ge [sflag:s15], $0x1000  }
0x100: {  	s6 =	smov.u32 s8;
	s9 =	rddreg [dreg:$0x5];
	[sflag:s15] =	ssyncset.done $0x0  }
0x101: {  	[sflag:s15] =	ssyncadd.s32 $0xFFFFF000;
	s7 =	sadd.s32 s6, s9  }
0x102: {  	[tilespmem:s16], [sflag:$0x5] =	stream.linear.gather [hbm4b:s7+s3], $0x80, $0x38;
	[tilespmem:$0x1E480] =	vst v63  }
0x103: {  	_ =	swait.ge [sflag:s15], $0x80  }
0x104: {  	[sflag:s15] =	ssyncset.done $0x0  }
0x105: {  	s8 =	sadd.s32 s6, s22;
	[sflag:s15] =	ssyncadd.s32 $0xFFFFFF80  }
0x106: {  	[tilespmem:s17], [sflag:$0x5] =	stream.linear.gather [hbm4b:s8+s3], $0x80, $0x38;
	[tilespmem:$0x1E480] =	vst v63  }
0x107: {  	_ =	swait.ge [sflag:s15], $0x80  }
0x108: {  	[sflag:s15] =	ssyncset.done $0x0  }
0x109: {  	[sflag:s15] =	ssyncadd.s32 $0xFFFFFF80  }
0x10a: {  	[tilespmem:s19], [sflag:$0x1] =	stream.indirect.gather [hbm4b:s4+s18], $0x20, s17, s18, $0xb8;
	[tilespmem:$0x1E480] =	vst v63  }
0x10b: {  	s5 =	sadd.s32 $0x10, s7  }
0x10c: {  	[tilespmem:s20], [sflag:$0x5] =	stream.linear.gather [hbm4b:s5+s3], $0x80, $0x38;
	[tilespmem:$0x1E480] =	vst v63  }
0x10d: {  	_ =	swait.ge [sflag:s15], $0x80  }
0x10e: {  	s9 =	rddreg [dreg:$0x7];
	[sflag:s15] =	ssyncset.done $0x0  }
0x10f: {  	[sflag:s15] =	ssyncadd.s32 $0xFFFFFF80;
	s8 =	sadd.s32 s6, s9  }
0x110: {  	[tilespmem:s21], [sflag:$0x5] =	stream.linear.gather [hbm4b:s8+s3], $0x80, $0x38;
	[tilespmem:$0x1E480] =	vst v63  }
0x111: {  	_ =	swait.ge [sflag:s15], $0x80  }
0x112: {  	[sflag:s15] =	ssyncset.done $0x0  }
0x113: {  	[sflag:s15] =	ssyncadd.s32 $0xFFFFFF80  }
0x114: {  	[tilespmem:s23], [sflag:$0x2] =	stream.indirect.gather [hbm4b:s4+s18], $0x20, s21, s18, $0xb8;
	[tilespmem:$0x1E480] =	vst v63  }
0x115: {  	s10 =	sadd.s32 $0x20, s7  }
0x116: {  	[tilespmem:s24], [sflag:$0x5] =	stream.linear.gather [hbm4b:s10+s3], $0x80, $0x38;
	[tilespmem:$0x1E480] =	vst v63  }
0x117: {  	_ =	swait.ge [sflag:s15], $0x80  }
0x118: {  	s11 =	rddreg [dreg:$0x6];
	[sflag:s15] =	ssyncset.done $0x0  }
0x119: {  	[sflag:s15] =	ssyncadd.s32 $0xFFFFFF80;
	s8 =	sadd.s32 s6, s11  }
0x11a: {  	[tilespmem:s25], [sflag:$0x5] =	stream.linear.gather [hbm4b:s8+s3], $0x80, $0x38;
	[tilespmem:$0x1E480] =	vst v63  }
0x11b: {  	_ =	swait.ge [sflag:s15], $0x80  }
0x11c: {  	[sflag:s15] =	ssyncset.done $0x0  }
0x11d: {  	[sflag:s15] =	ssyncadd.s32 $0xFFFFFF80  }
0x11e: {  	[tilespmem:s14], [sflag:$0x3] =	stream.indirect.gather [hbm4b:s4+s18], $0x20, s25, s18, $0xb8;
	[tilespmem:$0x1E480] =	vst v63  }
0x11f: {  	s7 =	sadd.s32 $0x30, s7  }
0x120: {  	[tilespmem:s26], [sflag:$0x5] =	stream.linear.gather [hbm4b:s7+s3], $0x80, $0x38;
	[tilespmem:$0x1E480] =	vst v63  }
0x121: {  	_ =	swait.ge [sflag:s15], $0x80  }
0x122: {  	s12 =	rddreg [dreg:$0x8];
	[sflag:s15] =	ssyncset.done $0x0  }
0x123: {  	s5 =	sadd.s32 s6, s12;
	[sflag:s15] =	ssyncadd.s32 $0xFFFFFF80  }
0x124: {  	[tilespmem:s28], [sflag:$0x5] =	stream.linear.gather [hbm4b:s5+s3], $0x80, $0x38;
	[tilespmem:$0x1E480] =	vst v63  }
0x125: {  	_ =	swait.ge [sflag:s15], $0x80  }
0x126: {  	[sflag:s15] =	ssyncset.done $0x0  }
0x127: {  	[sflag:s15] =	ssyncadd.s32 $0xFFFFFF80  }
0x128: {  	[tilespmem:s29], [sflag:$0x4] =	stream.indirect.gather [hbm4b:s4+s18], $0x20, s28, s18, $0xb8;
	[tilespmem:$0x1E480] =	vst v63  }
0x129: {  	_ =	swait.ge [sflag:s30], $0x1000  }
0x12a: {  	[sflag:s30] =	ssyncset.done $0x0  }
0x12b: {  	[sflag:s30] =	ssyncadd.s32 $0xFFFFF000  }
0x12c: {  	[spmem:s2] =	stream.indirect.scatter.add.f32 [tilespmem:s19], [sflag:$0x5], $0x20, s16, s18, $0xb8;
	[tilespmem:$0x1E480] =	vst v63  }
0x12d: {  	_ =	swait.ge [sflag:s15], $0x1000  }
0x12e: {  	[sflag:s15] =	ssyncset.done $0x0  }
0x12f: {  	[sflag:s15] =	ssyncadd.s32 $0xFFFFF000  }
0x130: {  	_ =	swait.ge [sflag:s31], $0x1000  }
0x131: {  	[sflag:s31] =	ssyncset.done $0x0  }
0x132: {  	[sflag:s31] =	ssyncadd.s32 $0xFFFFF000  }
0x133: {  	[spmem:s2] =	stream.indirect.scatter.add.f32 [tilespmem:s23], [sflag:$0x5], $0x20, s20, s18, $0xb8;
	[tilespmem:$0x1E480] =	vst v63  }
0x134: {  	_ =	swait.ge [sflag:s15], $0x1000  }
0x135: {  	[sflag:s15] =	ssyncset.done $0x0  }
0x136: {  	[sflag:s15] =	ssyncadd.s32 $0xFFFFF000  }
0x137: {  	_ =	swait.ge [sflag:s1], $0x1000  }
0x138: {  	[sflag:s1] =	ssyncset.done $0x0  }
0x139: {  	[sflag:s1] =	ssyncadd.s32 $0xFFFFF000  }
0x13a: {  	[spmem:s2] =	stream.indirect.scatter.add.f32 [tilespmem:s14], [sflag:$0x5], $0x20, s24, s18, $0xb8;
	[tilespmem:$0x1E480] =	vst v63  }
0x13b: {  	_ =	swait.ge [sflag:s15], $0x1000  }
0x13c: {  	[sflag:s15] =	ssyncset.done $0x0  }
0x13d: {  	[sflag:s15] =	ssyncadd.s32 $0xFFFFF000  }
0x13e: {  	_ =	swait.ge [sflag:s0], $0x1000  }
0x13f: {  	[sflag:s0] =	ssyncset.done $0x0  }
0x140: {  	[sflag:s0] =	ssyncadd.s32 $0xFFFFF000  }
0x141: {  	[spmem:s2] =	stream.indirect.scatter.add.f32 [tilespmem:s29], [sflag:$0x5], $0x20, s26, s18, $0xb8;
	[tilespmem:$0x1E480] =	vst v63  }
0x142: {  	_ =	swait.ge [sflag:s15], $0x1000  }
0x143: {  	[sflag:s15] =	ssyncset.done $0x0  }
0x144: {  	[sflag:s15] =	ssyncadd.s32 $0xFFFFF000  }
0x145: {  	[bflag:$0x0] =	sbarrier.arrive $0xFFFF  }
0x146: {  	s12 =	sld [smem:$0x7F8];
	_ =	sdelay $0x2  }
0x147: {  	[tilespmem:s13], [sflag:$0x5] =	stream.linear.gather [spmem:s12], $0x1880, $0x38;
	[tilespmem:$0x1E480] =	vst v63  }
0x148: {  	_ =	swait.ge [sflag:s15], $0x1880  }
0x149: {  	[sflag:s15] =	ssyncset.done $0x0  }
0x14a: {  	s7 =	rddreg [dreg:$0xa];
	[sflag:s15] =	ssyncadd.s32 $0xFFFFE780  }
0x14b: {  	[hbm4b:s7+s3] =	stream.linear.scatter [tilespmem:s13], [sflag:$0x5], $0x1880, $0x38;
	[tilespmem:$0x1E480] =	vst v63  }
0x14c: {  	_ =	swait.ge [sflag:s15], $0x1880  }
0x14d: {  	s5 =	sld [smem:$0x7F2]  }
0x14e: {  	[sflag:s15] =	ssyncset.done $0x0  }
0x14f: {  	[sflag:s15] =	ssyncadd.s32 $0xFFFFE780  }
0x150: {  	[tilespmem:s13], [sflag:$0x5] =	stream.linear.gather [spmem:s5], $0x1880, $0x38;
	[tilespmem:$0x1E480] =	vst v63  }
0x151: {  	_ =	swait.ge [sflag:s15], $0x1880  }
0x152: {  	[sflag:s15] =	ssyncset.done $0x0  }
0x153: {  	s8 =	rddreg [dreg:$0xb];
	[sflag:s15] =	ssyncadd.s32 $0xFFFFE780  }
0x154: {  	[hbm4b:s8+s3] =	stream.linear.scatter [tilespmem:s13], [sflag:$0x5], $0x1880, $0x38;
	[tilespmem:$0x1E480] =	vst v63  }
0x155: {  	_ =	swait.ge [sflag:s15], $0x1880  }
0x156: {  	[sflag:s15] =	ssyncset.done $0x0  }
0x157: {  	s9 =	rddreg [dreg:$0x1b];
	[sflag:s15] =	ssyncadd.s32 $0xFFFFE780  }
0x158: {  	[tilespmem:s13], [sflag:$0x5] =	stream.linear.gather [spmem:s9], $0x1880, $0x38;
	[tilespmem:$0x1E480] =	vst v63  }
0x159: {  	_ =	swait.ge [sflag:s15], $0x1880  }
0x15a: {  	[sflag:s15] =	ssyncset.done $0x0  }
0x15b: {  	s10 =	rddreg [dreg:$0xc];
	[sflag:s15] =	ssyncadd.s32 $0xFFFFE780  }
0x15c: {  	[hbm4b:s10+s3] =	stream.linear.scatter [tilespmem:s13], [sflag:$0x5], $0x1880, $0x38;
	[tilespmem:$0x1E480] =	vst v63  }
0x15d: {  	_ =	swait.ge [sflag:s15], $0x1880  }
0x15e: {  	[sflag:s15] =	ssyncset.done $0x0  }
0x15f: {  	s11 =	rddreg [dreg:$0x1c];
	[sflag:s15] =	ssyncadd.s32 $0xFFFFE780  }
0x160: {  	[tilespmem:s13], [sflag:$0x5] =	stream.linear.gather [spmem:s11], $0x1880, $0x38;
	[tilespmem:$0x1E480] =	vst v63  }
0x161: {  	_ =	swait.ge [sflag:s15], $0x1880  }
0x162: {  	[sflag:s15] =	ssyncset.done $0x0  }
0x163: {  	s5 =	rddreg [dreg:$0xd];
	[sflag:s15] =	ssyncadd.s32 $0xFFFFE780  }
0x164: {  	[hbm4b:s5+s3] =	stream.linear.scatter [tilespmem:s13], [sflag:$0x5], $0x1880, $0x38;
	[tilespmem:$0x1E480] =	vst v63  }
0x165: {  	_ =	swait.ge [sflag:s15], $0x1880  }
0x166: {  	[sflag:s15] =	ssyncset.done $0x0  }
0x167: {  	s7 =	rddreg [dreg:$0x1d];
	[sflag:s15] =	ssyncadd.s32 $0xFFFFE780  }
0x168: {  	[tilespmem:s13], [sflag:$0x5] =	stream.linear.gather [spmem:s7], $0x1880, $0x38;
	[tilespmem:$0x1E480] =	vst v63  }
0x169: {  	_ =	swait.ge [sflag:s15], $0x1880  }
0x16a: {  	[sflag:s15] =	ssyncset.done $0x0  }
0x16b: {  	s8 =	rddreg [dreg:$0xe];
	[sflag:s15] =	ssyncadd.s32 $0xFFFFE780  }
0x16c: {  	[hbm4b:s8+s3] =	stream.linear.scatter [tilespmem:s13], [sflag:$0x5], $0x1880, $0x38;
	[tilespmem:$0x1E480] =	vst v63  }
0x16d: {  	_ =	swait.ge [sflag:s15], $0x1880  }
0x16e: {  	[sflag:s15] =	ssyncset.done $0x0  }
0x16f: {  	s9 =	rddreg [dreg:$0x1e];
	[sflag:s15] =	ssyncadd.s32 $0xFFFFE780  }
0x170: {  	[tilespmem:s13], [sflag:$0x5] =	stream.linear.gather [spmem:s9], $0x1880, $0x38;
	[tilespmem:$0x1E480] =	vst v63  }
0x171: {  	_ =	swait.ge [sflag:s15], $0x1880  }
0x172: {  	[sflag:s15] =	ssyncset.done $0x0  }
0x173: {  	s10 =	rddreg [dreg:$0xf];
	[sflag:s15] =	ssyncadd.s32 $0xFFFFE780  }
0x174: {  	[hbm4b:s10+s3] =	stream.linear.scatter [tilespmem:s13], [sflag:$0x5], $0x1880, $0x38;
	[tilespmem:$0x1E480] =	vst v63  }
0x175: {  	_ =	swait.ge [sflag:s15], $0x1880  }
0x176: {  	[sflag:s15] =	ssyncset.done $0x0  }
0x177: {  	s11 =	rddreg [dreg:$0x1f];
	[sflag:s15] =	ssyncadd.s32 $0xFFFFE780  }
0x178: {  	[tilespmem:s13], [sflag:$0x5] =	stream.linear.gather [spmem:s11], $0x1880, $0x38;
	[tilespmem:$0x1E480] =	vst v63  }
0x179: {  	_ =	swait.ge [sflag:s15], $0x1880  }
0x17a: {  	[sflag:s15] =	ssyncset.done $0x0  }
0x17b: {  	s5 =	rddreg [dreg:$0x10];
	[sflag:s15] =	ssyncadd.s32 $0xFFFFE780  }
0x17c: {  	[hbm4b:s5+s3] =	stream.linear.scatter [tilespmem:s13], [sflag:$0x5], $0x1880, $0x38;
	[tilespmem:$0x1E480] =	vst v63  }
0x17d: {  	_ =	swait.ge [sflag:s15], $0x1880  }
0x17e: {  	s7 =	sld [smem:$0x7F3]  }
0x17f: {  	[sflag:s15] =	ssyncset.done $0x0  }
0x180: {  	[sflag:s15] =	ssyncadd.s32 $0xFFFFE780  }
0x181: {  	[tilespmem:s13], [sflag:$0x5] =	stream.linear.gather [spmem:s7], $0x1880, $0x38;
	[tilespmem:$0x1E480] =	vst v63  }
0x182: {  	_ =	swait.ge [sflag:s15], $0x1880  }
0x183: {  	[sflag:s15] =	ssyncset.done $0x0  }
0x184: {  	s8 =	rddreg [dreg:$0x11];
	[sflag:s15] =	ssyncadd.s32 $0xFFFFE780  }
0x185: {  	[hbm4b:s8+s3] =	stream.linear.scatter [tilespmem:s13], [sflag:$0x5], $0x1880, $0x38;
	[tilespmem:$0x1E480] =	vst v63  }
0x186: {  	_ =	swait.ge [sflag:s15], $0x1880  }
0x187: {  	s9 =	sld [smem:$0x7F4]  }
0x188: {  	[sflag:s15] =	ssyncset.done $0x0  }
0x189: {  	[sflag:s15] =	ssyncadd.s32 $0xFFFFE780  }
0x18a: {  	[tilespmem:s13], [sflag:$0x5] =	stream.linear.gather [spmem:s9], $0x1880, $0x38;
	[tilespmem:$0x1E480] =	vst v63  }
0x18b: {  	_ =	swait.ge [sflag:s15], $0x1880  }
0x18c: {  	[sflag:s15] =	ssyncset.done $0x0  }
0x18d: {  	s10 =	rddreg [dreg:$0x12];
	[sflag:s15] =	ssyncadd.s32 $0xFFFFE780  }
0x18e: {  	[hbm4b:s10+s3] =	stream.linear.scatter [tilespmem:s13], [sflag:$0x5], $0x1880, $0x38;
	[tilespmem:$0x1E480] =	vst v63  }
0x18f: {  	_ =	swait.ge [sflag:s15], $0x1880  }
0x190: {  	s11 =	sld [smem:$0x7F5]  }
0x191: {  	[sflag:s15] =	ssyncset.done $0x0  }
0x192: {  	[sflag:s15] =	ssyncadd.s32 $0xFFFFE780  }
0x193: {  	[tilespmem:s13], [sflag:$0x5] =	stream.linear.gather [spmem:s11], $0x1880, $0x38;
	[tilespmem:$0x1E480] =	vst v63  }
0x194: {  	_ =	swait.ge [sflag:s15], $0x1880  }
0x195: {  	[sflag:s15] =	ssyncset.done $0x0  }
0x196: {  	s5 =	rddreg [dreg:$0x13];
	[sflag:s15] =	ssyncadd.s32 $0xFFFFE780  }
0x197: {  	[hbm4b:s5+s3] =	stream.linear.scatter [tilespmem:s13], [sflag:$0x5], $0x1880, $0x38;
	[tilespmem:$0x1E480] =	vst v63  }
0x198: {  	_ =	swait.ge [sflag:s15], $0x1880  }
0x199: {  	s6 =	sld [smem:$0x7F6]  }
0x19a: {  	[sflag:s15] =	ssyncset.done $0x0  }
0x19b: {  	[sflag:s15] =	ssyncadd.s32 $0xFFFFE780  }
0x19c: {  	[tilespmem:s13], [sflag:$0x5] =	stream.linear.gather [spmem:s6], $0x1880, $0x38;
	[tilespmem:$0x1E480] =	vst v63  }
0x19d: {  	_ =	swait.ge [sflag:s15], $0x1880  }
0x19e: {  	[sflag:s15] =	ssyncset.done $0x0  }
0x19f: {  	s7 =	rddreg [dreg:$0x14];
	[sflag:s15] =	ssyncadd.s32 $0xFFFFE780  }
0x1a0: {  	[hbm4b:s7+s3] =	stream.linear.scatter [tilespmem:s13], [sflag:$0x5], $0x1880, $0x38;
	[tilespmem:$0x1E480] =	vst v63  }
0x1a1: {  	_ =	swait.ge [sflag:s15], $0x1880  }
0x1a2: {  	s9 =	sld [smem:$0x7F9]  }
0x1a3: {  	[sflag:s15] =	ssyncset.done $0x0  }
0x1a4: {  	[sflag:s15] =	ssyncadd.s32 $0xFFFFE780  }
0x1a5: {  	[tilespmem:s13], [sflag:$0x5] =	stream.linear.gather [spmem:s9], $0x1880, $0x38;
	[tilespmem:$0x1E480] =	vst v63  }
0x1a6: {  	_ =	swait.ge [sflag:s15], $0x1880  }
0x1a7: {  	[sflag:s15] =	ssyncset.done $0x0  }
0x1a8: {  	s8 =	rddreg [dreg:$0x15];
	[sflag:s15] =	ssyncadd.s32 $0xFFFFE780  }
0x1a9: {  	[hbm4b:s8+s3] =	stream.linear.scatter [tilespmem:s13], [sflag:$0x5], $0x1880, $0x38;
	[tilespmem:$0x1E480] =	vst v63  }
0x1aa: {  	_ =	swait.ge [sflag:s15], $0x1880  }
0x1ab: {  	s5 =	sld [smem:$0x7FA]  }
0x1ac: {  	[sflag:s15] =	ssyncset.done $0x0  }
0x1ad: {  	[sflag:s15] =	ssyncadd.s32 $0xFFFFE780  }
0x1ae: {  	[tilespmem:s13], [sflag:$0x5] =	stream.linear.gather [spmem:s5], $0x1880, $0x38;
	[tilespmem:$0x1E480] =	vst v63  }
0x1af: {  	_ =	swait.ge [sflag:s15], $0x1880  }
0x1b0: {  	[sflag:s15] =	ssyncset.done $0x0  }
0x1b1: {  	s10 =	rddreg [dreg:$0x16];
	[sflag:s15] =	ssyncadd.s32 $0xFFFFE780  }
0x1b2: {  	[hbm4b:s10+s3] =	stream.linear.scatter [tilespmem:s13], [sflag:$0x5], $0x1880, $0x38;
	[tilespmem:$0x1E480] =	vst v63  }
0x1b3: {  	_ =	swait.ge [sflag:s15], $0x1880  }
0x1b4: {  	s10 =	sld [smem:$0x7FB]  }
0x1b5: {  	[sflag:s15] =	ssyncset.done $0x0  }
0x1b6: {  	[sflag:s15] =	ssyncadd.s32 $0xFFFFE780  }
0x1b7: {  	[tilespmem:s13], [sflag:$0x5] =	stream.linear.gather [spmem:s10], $0x1880, $0x38;
	[tilespmem:$0x1E480] =	vst v63  }
0x1b8: {  	_ =	swait.ge [sflag:s15], $0x1880  }
0x1b9: {  	[sflag:s15] =	ssyncset.done $0x0  }
0x1ba: {  	s11 =	rddreg [dreg:$0x17];
	[sflag:s15] =	ssyncadd.s32 $0xFFFFE780  }
0x1bb: {  	[hbm4b:s11+s3] =	stream.linear.scatter [tilespmem:s13], [sflag:$0x5], $0x1880, $0x38;
	[tilespmem:$0x1E480] =	vst v63  }
0x1bc: {  	_ =	swait.ge [sflag:s15], $0x1880  }
0x1bd: {  	s11 =	sld [smem:$0x7FC]  }
0x1be: {  	[sflag:s15] =	ssyncset.done $0x0  }
0x1bf: {  	[sflag:s15] =	ssyncadd.s32 $0xFFFFE780  }
0x1c0: {  	[tilespmem:s13], [sflag:$0x5] =	stream.linear.gather [spmem:s11], $0x1880, $0x38;
	[tilespmem:$0x1E480] =	vst v63  }
0x1c1: {  	_ =	swait.ge [sflag:s15], $0x1880  }
0x1c2: {  	[sflag:s15] =	ssyncset.done $0x0  }
0x1c3: {  	s7 =	rddreg [dreg:$0x18];
	[sflag:s15] =	ssyncadd.s32 $0xFFFFE780  }
0x1c4: {  	[hbm4b:s7+s3] =	stream.linear.scatter [tilespmem:s13], [sflag:$0x5], $0x1880, $0x38;
	[tilespmem:$0x1E480] =	vst v63  }
0x1c5: {  	_ =	swait.ge [sflag:s15], $0x1880  }
0x1c6: {  	s7 =	sld [smem:$0x7FD]  }
0x1c7: {  	[sflag:s15] =	ssyncset.done $0x0  }
0x1c8: {  	[sflag:s15] =	ssyncadd.s32 $0xFFFFE780  }
0x1c9: {  	[tilespmem:s13], [sflag:$0x5] =	stream.linear.gather [spmem:s7], $0x1880, $0x38;
	[tilespmem:$0x1E480] =	vst v63  }
0x1ca: {  	_ =	swait.ge [sflag:s15], $0x1880  }
0x1cb: {  	[sflag:s15] =	ssyncset.done $0x0  }
0x1cc: {  	s8 =	rddreg [dreg:$0x19];
	[sflag:s15] =	ssyncadd.s32 $0xFFFFE780  }
0x1cd: {  	[hbm4b:s8+s3] =	stream.linear.scatter [tilespmem:s13], [sflag:$0x5], $0x1880, $0x38;
	[tilespmem:$0x1E480] =	vst v63  }
0x1ce: {  	_ =	swait.ge [sflag:s15], $0x1880  }
0x1cf: {  	s6 =	sld [smem:$0x7F7];
	_ =	sdelay $0x2  }
0x1d0: {  	s8 =	sadd.s32 $0x1, s6;
	s6 =	rddreg [dreg:$0x1a]  }
0x1d1: {  	p0 =	sne.s32 s8, s6  }
.Ltmp1:
0x1d2: {  	_ = 	snop;
	(pc) =	sbr.rel @p0 .LBB2_1-.Ltmp1, $3  }
0x1d3: {  	_ =	sdelay $0x1  }
0x1d4: {  	[sflag:s15] =	ssyncset.done $0x0;
	[smem:$0x7F7] =	sst s8  }
0x1d5: {  	[sflag:s15] =	ssyncadd.s32 $0xFFFFE780;
	s8 =	rddreg [dreg:$0x1d]  }
0x1d6: {  	_ =	sfence.sel $0x180000  }
0x1d7: {  	[bflag:$0x0] =	sbarrier.arrive $0xFFFF  }
0x1d8: {  	_ =	strace $0x9000004D  }
0x1d9: {  	s0 =	stileid.u32;
	[bflag:$0x2] =	sbarrier.arrive $0xFFFF  }
0x1da: {  	p0 =	sne.s32 s0, $0x0;
	s0 =	rddreg [dreg:$0x4]  }
0x1db: {  	s0 =	sadd.s32 @!p0 $0x100000, s0  }
0x1dc: {  	[sflag:s0] =	ssyncadd.tile.s32 @!p0 $0x1;
	_ =	shalt  }
.Lfunc_end2:
_tile_overlayer_lowered:
.L_overlay_start_2:
0x1dd: {  	(tag) =	ssettag $0x2  }
0x1de: {  	s0 =	rddreg [dreg:$0x0];
	s2 =	stileid.u32  }
0x1df: {  	s1 =	rddreg [dreg:$0x1];
	p0 =	sne.s32 s2, $0x0  }
0x1e0: {  	s3 =	rddreg [dreg:$0x2];
	[bflag:$0x3] =	sbarrier.arrive $0xFFFF;
	s2 =	simm.s32 @!p0 $0x1C05  }
0x1e1: {  	[timem:s3], [sflag:s2] =	dma.local @!p0 [hbm:s0], s1  }
0x1e2: {  	s0 =	simm.s32 @!p0 $0x5  }
0x1e3: {  	_ =	swait.ge @!p0 [sflag:s0], s1  }
0x1e4: {  	s1 =	ssub.s32 @!p0 $0x0, s1;
	[sflag:s0] =	ssyncset.done @!p0 $0x0  }
0x1e5: {  	[sflag:s0] =	ssyncadd.s32 @!p0 s1  }
0x1e6: {  	[bflag:$0x3] =	sbarrier.arrive $0xFFFF  }
0x1e7: {  	_ =	shalt  }

// kernel: scatter_offload_async_start
scs
__scs_entry_jumppad:
0x0: {  	(pc) =	sbr.rel $0x88, $3  }
0x1: {  	(tag) =	ssettag $0x0;
	lr =	simm.s32 $0x1  }
0x2: {  	[smem:$0x3F9E] =	sst lr;
	_ =	strace $0xD0000000  }
0x3: {  	_ = 	snop  }
0x4: {  	_ = 	snop  }
0x5: {  	_ = 	snop  }
0x6: {  	_ = 	snop  }
0x7: {  	_ = 	snop  }
__scs_overlays_trampoline_lowered:
0x8: {  	[smem:$0x3FAD] =	sst s0  }
0x9: {  	[smem:$0x3FAE] =	sst s1  }
0xa: {  	[smem:$0x3FAF] =	sst s2  }
0xb: {  	[smem:$0x3FB0] =	sst s3  }
0xc: {  	[smem:$0x3FB1] =	sst s4  }
0xd: {  	[smem:$0x3FB2] =	sst s5  }
0xe: {  	[smem:$0x3FB3] =	sst s6  }
0xf: {  	[smem:$0x3FB4] =	sst s7  }
0x10: {  	[smem:$0x3FB5] =	sst s8  }
0x11: {  	[smem:$0x3FB6] =	sst s9;
	s0 =	simm.s32 @!p0 $0x0  }
0x12: {  	s1 =	sld [smem:$0x3F9C];
	s0 =	simm.s32 @p0 $0x1  }
0x13: {  	[smem:$0x3FB7] =	sst s0;
	s0 =	simm.s32 @!p1 $0x0  }
0x14: {  	s2 =	sld [smem:$0x3F9B];
	s0 =	simm.s32 @p1 $0x1  }
0x15: {  	[smem:$0x3FB8] =	sst s0;
	s0 =	simm.s32 @!p2 $0x0  }
0x16: {  	s3 =	sld [smem:$0x3FDB];
	s0 =	simm.s32 @p2 $0x1  }
0x17: {  	s4 =	simm.s32 $0x1BF5;
	[smem:$0x3FBA] =	sst s0  }
0x18: {  	s0 =	sld [smem:$0x3F9D];
	_ =	swait.ge [sflag:s4], $0x0  }
0x19: {  	s7 =	sld [smem:$0x3F9E]  }
0x1a: {  	s8 =	sadd.s32 $0xFFFFE003, lr  }
0x1b: {  	s9 =	sadd.s32 $0xFFFFFEF7, lr;
	s5 =	simm.s32 $0xFFFFFFFF;
	p2 =	slt.u32 s8, $0xFFFFF086  }
0x1c: {  	p1 =	slt.u32 s9, $0xF7A;
	s5 =	simm.s32 @!p2 $0x0  }
0x1d: {  	s5 =	simm.s32 @p1 $0x1;
	p0 =	seq.s32 s7, s2  }
0x1e: {  	s7 =	smul.u32 @!p0 $0xF7A, s2;
	p2 =	seq.s32 @!p0 s5, $0x0  }
0x1f: {  	s9 =	smul.u32 $0xF7A, s1;
	s8 =	simm.s32 @!p0 $0x1BF5;
	p2 =	por !p2, p0  }
0x20: {  	[sflag:s8] =	ssyncset.s32 @!p0 $0xFFFFF086;
	s6 =	sadd.s32 @!p0 s3, s7;
	s7 =	simm.s32 @!p0 $0x108  }
0x21: {  	s3 =	sadd.s32 s3, s9;
	s6 =	sadd.s32 @!p0 $0x88, s6;
	s7 =	simm.s32 @p2 $0x1082  }
0x22: {  	[simem:s7], [sflag:s8] =	dma.local @!p0 [hbm:s6], $0xF7A  }
0x23: {  	s9 =	sor.u32 $0xD0000000, s2;
	s6 =	simm.s32 $0x108;
	_ =	swait.ge @!p0 [sflag:s8], $0x0  }
0x24: {  	s3 =	sadd.s32 $0x88, s3;
	s6 =	simm.s32 @!p1 $0x1082;
	[sflag:s4] =	ssyncset.s32 $0xFFFFF086  }
0x25: {  	[simem:s6], [sflag:s4] =	dma.local [hbm:s3], $0xF7A  }
0x26: {  	[smem:$0x3F9E] =	sst s1;
	(tag) =	ssettag s2;
	_ =	strace s9  }
0x27: {  	s1 =	sld [smem:$0x3FAE]  }
0x28: {  	s2 =	sld [smem:$0x3FAF]  }
0x29: {  	s4 =	sld [smem:$0x3FB1]  }
0x2a: {  	p0 =	seq.s32 s5, $0x0;
	s5 =	sld [smem:$0x3FB2]  }
0x2b: {  	s6 =	sld [smem:$0x3FB3]  }
0x2c: {  	s7 =	sld [smem:$0x3FB4]  }
0x2d: {  	s3 =	simm.s32 $0x108;
	s8 =	sld [smem:$0x3FB5]  }
0x2e: {  	s3 =	simm.s32 @!p0 $0x1082;
	s9 =	sld [smem:$0x3FB6]  }
0x2f: {  	lr =	sadd.s32 s0, s3;
	s0 =	sld [smem:$0x3FAD]  }
0x30: {  	s3 =	sld [smem:$0x3FB0]  }
0x31: {  	[smem:$0x3FB9] =	sst s10  }
0x32: {  	s10 =	sld [smem:$0x3FB7];
	_ =	sdelay $0x3  }
0x33: {  	p0 =	seq.s32 s10, $0x1;
	s10 =	sld [smem:$0x3FB9];
	_ =	sdelay $0x3  }
0x34: {  	[smem:$0x3FB9] =	sst s10  }
0x35: {  	s10 =	sld [smem:$0x3FB8];
	_ =	sdelay $0x3  }
0x36: {  	p1 =	seq.s32 s10, $0x1;
	s10 =	sld [smem:$0x3FB9];
	_ =	sdelay $0x3  }
0x37: {  	[smem:$0x3FB9] =	sst s10  }
0x38: {  	s10 =	sld [smem:$0x3FBA]  }
0x39: {  	_ = 	snop;
	(pc) =	sbr.ind lr, $3  }
0x3a: {  	_ = 	snop  }
0x3b: {  	_ = 	snop  }
0x3c: {  	p2 =	seq.s32 s10, $0x1;
	s10 =	sld [smem:$0x3FB9]  }
0x3d: {  	_ =	shalt  }
0x3e: {  	_ =	shalt  }
0x3f: {  	_ =	shalt  }
0x40: {  	_ =	shalt  }
0x41: {  	_ =	shalt  }
0x42: {  	_ =	shalt  }
0x43: {  	_ =	shalt  }
0x44: {  	_ =	shalt  }
0x45: {  	_ =	shalt  }
0x46: {  	_ =	shalt  }
0x47: {  	_ =	shalt  }
0x48: {  	_ =	shalt  }
0x49: {  	_ =	shalt  }
0x4a: {  	_ =	shalt  }
0x4b: {  	_ =	shalt  }
0x4c: {  	_ =	shalt  }
0x4d: {  	_ =	shalt  }
0x4e: {  	_ =	shalt  }
0x4f: {  	_ =	shalt  }
0x50: {  	_ =	shalt  }
0x51: {  	_ =	shalt  }
0x52: {  	_ =	shalt  }
0x53: {  	_ =	shalt  }
0x54: {  	_ =	shalt  }
0x55: {  	_ =	shalt  }
0x56: {  	_ =	shalt  }
0x57: {  	_ =	shalt  }
0x58: {  	_ =	shalt  }
0x59: {  	_ =	shalt  }
0x5a: {  	_ =	shalt  }
0x5b: {  	_ =	shalt  }
0x5c: {  	_ =	shalt  }
0x5d: {  	_ =	shalt  }
0x5e: {  	_ =	shalt  }
0x5f: {  	_ =	shalt  }
0x60: {  	_ =	shalt  }
0x61: {  	_ =	shalt  }
0x62: {  	_ =	shalt  }
0x63: {  	_ =	shalt  }
0x64: {  	_ =	shalt  }
0x65: {  	_ =	shalt  }
0x66: {  	_ =	shalt  }
0x67: {  	_ =	shalt  }
0x68: {  	_ =	shalt  }
0x69: {  	_ =	shalt  }
0x6a: {  	_ =	shalt  }
0x6b: {  	_ =	shalt  }
0x6c: {  	_ =	shalt  }
0x6d: {  	_ =	shalt  }
0x6e: {  	_ =	shalt  }
0x6f: {  	_ =	shalt  }
0x70: {  	_ =	shalt  }
0x71: {  	_ =	shalt  }
0x72: {  	_ =	shalt  }
0x73: {  	_ =	shalt  }
0x74: {  	_ =	shalt  }
0x75: {  	_ =	shalt  }
0x76: {  	_ =	shalt  }
0x77: {  	_ =	shalt  }
0x78: {  	_ =	shalt  }
0x79: {  	_ =	shalt  }
0x7a: {  	_ =	shalt  }
0x7b: {  	_ =	shalt  }
0x7c: {  	_ =	shalt  }
0x7d: {  	_ =	shalt  }
0x7e: {  	_ =	shalt  }
0x7f: {  	_ =	shalt  }
0x80: {  	_ =	shalt  }
0x81: {  	_ =	shalt  }
0x82: {  	_ =	shalt  }
0x83: {  	_ =	shalt  }
0x84: {  	_ =	shalt  }
0x85: {  	_ =	shalt  }
0x86: {  	_ =	shalt  }
0x87: {  	_ =	shalt  }
.Lfunc_end0:
.L_simem_size_0:
called_computation_lowered:
.L_overlay_start_0:
0x88: {  	s0 =	sld [smem:$0x3FD9]  }
0x89: {  	s1 =	sld [smem:$0x3FFE];
	_ =	sdelay $0x3  }
0x8a: {  	s0 =	sadd.s32 s1, s0  }
0x8b: {  	[smem:$0x3FC5] =	sst s0  }
0x8c: {  	_ = 	snop  }
0x8d: {  	(tm) =	ssettm $0x1  }
0x8e: {  	s15 =	sld [smem:$0x3FFB];
	_ =	sdelay $0x3  }
0x8f: {  	_ =	strace s15  }
0x90: {  	s0 =	sld [smem:$0x3FFC];
	_ =	sdelay $0x3  }
0x91: {  	_ =	strace s0  }
0x92: {  	s0 =	sld [smem:$0x3FFD];
	_ =	sdelay $0x3  }
0x93: {  	_ =	strace s0  }
0x94: {  	_ =	strace $0x8FFFFFFF  }
0x95: {  	s16 =	sld [smem:$0x3FDB];
	_ =	sdelay $0x1  }
0x96: {  	s17 =	simm.s32 $_scs_section_size  }
0x97: {  	s2 =	simm.s32 $_size__tile_overlayer_lowered;
	s3 =	simm.s32 $_tile_overlayer_lowered  }
0x98: {  	s20 =	simm.s32 $0x1BFF;
	s19 =	sshll.u32 s3, $0x1;
	s0 =	sadd.s32 s17, s16  }
0x99: {  	s4 =	simm.s32 $0x0;
	s18 =	sshll.u32 s2, $0x1;
	s2 =	sadd.s32 s19, s0  }
0x9a: {  	[timem:s4], [sflag:s20] =	dma.local [hbm:s2], s18  }
0x9b: {  	_ =	swait.ge [sflag:s20], s18  }
0x9c: {  	s1 =	ssub.s32 $0x0, s18;
	[sflag:s20] =	ssyncset.done $0x0  }
0x9d: {  	[sflag:s20] =	ssyncadd.s32 s1;
	_ =	sdelay $0x1  }
0x9e: {  	s21 =	simm.s32 $0x1B8B  }
0x9f: {  	_ =	swait.ge [sflag:s21], $0x1  }
0xa0: {  	[sflag:s21] =	ssyncset.done $0x0  }
0xa1: {  	s23 =	simm.s32 $0x1B8E;
	s22 =	sld [smem:$0x3FFE];
	[sflag:s21] =	ssyncadd.s32 $0xFFFFFFFF  }
0xa2: {  	s24 =	simm.s32 $execute0_lowered;
	[smem:$0x3FD2] =	sst s23  }
0xa3: {  	s2 =	sshll.u32 s24, $0x1;
	_ =	strace $0x80000046;
	[dreg:$0x1] =	wrdreg $0xFFFFFFFF  }
0xa4: {  	s25 =	simm.s32 $_size_execute0_lowered;
	s0 =	sadd.s32 s0, s2;
	[dreg:$0x0] =	wrdreg $0x0  }
0xa5: {  	s2 =	sshll.u32 s25, $0x1;
	[dreg:$0x2] =	wrdreg s0  }
0xa6: {  	[dreg:$0x3] =	wrdreg s2  }
0xa7: {  	[dreg:$0x4] =	wrdreg $0xC0  }
0xa8: {  	_ =	task [dreg:s4], $0x5FFFF  }
0xa9: {  	[dreg:$0x1] =	wrdreg $0xFFFFFFFF  }
0xaa: {  	[dreg:$0x0] =	wrdreg $0x60  }
0xab: {  	[dreg:$0x2] =	wrdreg s22  }
0xac: {  	[dreg:$0x3] =	wrdreg $0x9  }
0xad: {  	_ =	task.clear_ibuf [dreg:s4], $0x4FFFF;
	_ =	strace $0x90000046  }
0xae: {  	s26 =	simm.s32 $0x9;
	_ =	strace $0x80000048  }
0xaf: {  	_ =	swait.ge [sflag:s26], $0x1  }
0xb0: {  	[sflag:s26] =	ssyncadd.s32 $0xFFFFFFFF  }
0xb1: {  	_ =	strace $0x90000048  }
0xb2: {  	_ =	sfence  }
0xb3: {  	s28 =	sld [smem:$0x0];
	_ =	sdelay $0x1  }
0xb4: {  	s29 =	srdreg.scid  }
0xb5: {  	s30 =	sshll.u32 s29, $0xD;
	s31 =	sshrl.u32 s29, $0x2  }
0xb6: {  	s1 =	sand.u32 $0x1, s29;
	s2 =	sand.u32 $0x4000, s30;
	s0 =	sadd.s32 s31, s28  }
0xb7: {  	s1 =	sor.u32 s2, s1;
	s0 =	sshll.u32 s0, $0x11  }
0xb8: {  	s0 =	sor.u32 s0, s1  }
0xb9: {  	s0 =	sadd.s32 $0x8F2B, s0  }
0xba: {  	[sflag:s0] =	ssyncadd.remote.s32 $0x1  }
0xbb: {  	_ =	sfence.sel $0xFFFF  }
0xbc: {  	[dreg:$0x0] =	wrdreg $0xFFFFFFFF;
	(pc) =	sbr.abs _section_cstart, $3  }
0xbd: {  	[dreg:$0x1] =	wrdreg $0xFFFFFFFF  }
0xbe: {  	_ =	task.clear_ibuf [dreg:s4], $0x2FFFF;
	_ =	strace $0x9FFFFFFF  }
0xbf: {  	(tm) =	ssettm $0x7FFFFFFF  }
tec
execute0_lowered:
.L_overlay_start_1:
0x0: {  	(tag) =	ssettag $0x1  }
0x1: {  	s7 =	rddreg [dreg:$0x0]  }
0x2: {  	s0 =	rddreg [dreg:$0x1];
	_ =	strace $0x80000047  }
0x3: {  	s3 =	stileid.u32;
	s4 =	simm.s32 $0x3E;
	s1 =	sadd.s32 $0xF8C00, s7  }
0x4: {  	p0 =	sne.s32 s3, $0x0;
	[sflag:s4] =	ssyncpa.u1 $0x0;
	s29 =	smul.u32 $0x6, s3  }
0x5: {  	s30 =	smin.u32 s3, $0x4;
	s2 =	simm.s32 @!p0 $0x1C3E;
	s5 =	simm.s32 @!p0 $0x0  }
0x6: {  	[spmem:s5], [sflag:s2] =	dma.local @!p0 [hbm:s1], $0x1880  }
0x7: {  	s2 =	sadd.s32 s30, s29  }
0x8: {  	p1 =	slt.u32 s3, $0x4;
	s3 =	simm.s32 $0xDAC0;
	s2 =	smul.u32 $0x1F40, s2  }
0x9: {  	s3 =	simm.s32 @!p1 $0xBB80  }
0xa: {  	s3 =	sadd.s32 s3, s2  }
0xb: {  	s3 =	smin.u32 s3, $0xC3500  }
0xc: {  	s8 =	ssub.s32 s3, s2  }
0xd: {  	p1 =	sgt.s32 s8, $0x0  }
0xe: {  	s8 =	simm.s32 @!p1 $0x0  }
0xf: {  	s5 =	simm.s32 @!p0 $0x3E;
	s31 =	smulhi.u32 $0x10624DD3, s8  }
0x10: {  	_ =	swait.ge @!p0 [sflag:s5], $0x1880  }
0x11: {  	s6 =	simm.s32 $0x2;
	[sflag:s5] =	ssyncset.done @!p0 $0x0;
	s9 =	sshrl.u32 s31, $0x9  }
0x12: {  	s11 =	simm.s32 $0x0;
	[sflag:s5] =	ssyncadd.s32 @!p0 $0xFFFFE780;
	s10 =	smul.u32 $0x1F40, s9  }
.Ltmp0:
0x13: {  	s5 =	sadd.s32 $0x4400, s7;
	[bflag:$0x0] =	sbarrier.arrive $0xFFFF;
	(pc) =	sbr.rel .LBB2_1-.Ltmp0, $4  }
0x14: {  	s7 =	sadd.s32 $0xFA600, s7;
	[sflag:s4] =	ssyncpa.u1 $0x1;
	s4 =	simm.s32 $0x1  }
0x15: {  	[sflag:s4] =	ssyncpa.u1 $0x0;
	p1 =	sne.s32 s8, s10;
	s8 =	simm.s32 $0x1  }
0x16: {  	(ifvalue) =	ssetifvalue $0xC400;
	[sflag:s6] =	ssyncpa.u1 $0x0;
	s8 =	simm.s32 @!p1 $0x0  }
0x17: {  	vm0 =	vmmov $0xffff;
	s10 =	smov.u32 s2;
	s8 =	sadd.s32 s8, s9;
	s9 =	simm.s32 $0x0  }
.LBB2_5:
0x18: {  	p2 =	sne.s32 s11, s8  }
.Ltmp1:
0x19: {  	_ = 	snop;
	(pc) =	sbr.rel @!p2 .LBB2_6-.Ltmp1, $4  }
0x1a: {  	_ = 	snop  }
0x1b: {  	s12 =	sadd.s32 $0x1F40, s10  }
0x1c: {  	s10 =	smov.u32 s2;
	s13 =	sadd.s32 $0x1, s11;
	p1 =	slt.s32 s12, s3  }
0x1d: {  	s11 =	smov.u32 s13;
	s10 =	smov.u32 @p1 s12  }
.LBB2_1:
0x1e: {  	p1 =	sge.u32 s11, s8  }
0x1f: {  	s12 =	sxor.u32 @!p1 $0xFFFFFFFF, s11  }
0x20: {  	s12 =	sand.u32 @!p1 $0x1, s12  }
0x21: {  	s12 =	smul.u32 @!p1 $0x1F40, s12  }
0x22: {  	s13 =	sshrl.u32 @!p1 s10, $0x3  }
0x23: {  	s16 =	sand.u32 @!p1 $0x7, s10;
	s14 =	sadd.s32 @!p1 s5, s13;
	s15 =	sadd.s32 @!p1 $0xC40, s12  }
0x24: {  	[tilespmem:s15], [sflag:$0x2] =	stream.linear.gather @!p1 [hbm4b:s14+s16], $0x1F40, $0x38;
	[tilespmem:$0x8940] =	vst v63  }
0x25: {  	s13 =	sadd.s32 @!p1 s7, s13;
	s12 =	sadd.s32 @!p1 $0x4AC0, s12  }
0x26: {  	[tilespmem:s12], [sflag:$0x2] =	stream.linear.gather @!p1 [hbm4b:s13+s16], $0x1F40, $0x38;
	[tilespmem:$0x8940] =	vst v63  }
0x27: {  	p1 =	seq.s32 s11, $0x0  }
.Ltmp2:
0x28: {  	_ = 	snop;
	(pc) =	sbr.rel @p1 .LBB2_5-.Ltmp2, $1  }
0x29: {  	_ =	sdelay $0x3  }
0x2a: {  	s12 =	sand.u32 $0x1, s11  }
0x2b: {  	_ =	swait.ge [sflag:s6], $0x3E80;
	p1 =	seq.s32 s12, $0x1;
	s12 =	simm.s32 $0x1F40  }
0x2c: {  	[sflag:s6] =	ssyncset.done $0x0;
	s12 =	simm.s32 @!p1 $0x0  }
0x2d: {  	[sflag:s6] =	ssyncadd.s32 $0xFFFFC180;
	s14 =	sadd.s32 $0xC40, s12  }
0x2e: {  	v0 =	vld.msk [tilespmem:s14+$0x0 ss:$0x1], $0xffff;
	_ =	sdelay $0x4  }
0x2f: {  	v0 =	vmin.u32 v0, $0xC400;
	_ =	sdelay $0x3  }
0x30: {  	s13 =	simm.s32 $0x0;
	s12 =	sadd.s32 $0x4AC0, s12;
	s14 =	sadd.s32 $0x10, s14  }
0x31: {  	[spmem:s9] =	stream.indirect_vreg.scatter.add.s32 [tilespmem:s12], [sflag:$0x1], $0x1, v0, vm0, $0x4038;
	[tilespmem:$0x8940] =	vst v63  }
.LBB2_3:
0x32: {  	v0 =	vld.msk [tilespmem:s14+$0x0 ss:$0x1], $0xffff;
	s13 =	sadd.s32 $0x10, s13  }
0x33: {  	p1 =	slt.u32 s13, $0x1F30;
	_ =	sdelay $0x4  }
0x34: {  	v0 =	vmin.u32 v0, $0xC400  }
.Ltmp3:
0x35: {  	(pc) =	sbr.rel @p1 .LBB2_3-.Ltmp3, $3  }
0x36: {  	_ =	sdelay $0x1  }
0x37: {  	s14 =	sadd.s32 $0x10, s14;
	s12 =	sadd.s32 $0x10, s12  }
0x38: {  	[spmem:s9] =	stream.indirect_vreg.scatter.add.s32 [tilespmem:s12], [sflag:$0x1], $0x1, v0, vm0, $0x4038;
	[tilespmem:$0x8940] =	vst v63  }
.Ltmp4:
0x39: {  	(pc) =	sbr.rel .LBB2_5-.Ltmp4, $4  }
0x3a: {  	_ = 	snop  }
0x3b: {  	_ =	swait.ge [sflag:s4], $0x1F40  }
0x3c: {  	[sflag:s4] =	ssyncset.done $0x0  }
0x3d: {  	[sflag:s4] =	ssyncadd.s32 $0xFFFFE0C0  }
.LBB2_6:
0x3e: {  	_ =	sfence.sel $0x180000  }
0x3f: {  	s2 =	simm.s32 $0x2;
	[bflag:$0x0] =	sbarrier.arrive $0xFFFF  }
0x40: {  	s30 =	simm.s32 $0x1;
	[sflag:s2] =	ssyncpa.u1 $0x1  }
0x41: {  	[sflag:s30] =	ssyncpa.u1 $0x1  }
0x42: {  	_ =	sfence.stream.spmem  }
0x43: {  	s31 =	simm.s32 $0x3D;
	[bflag:$0x0] =	sbarrier.arrive $0xFFFF  }
0x44: {  	s2 =	simm.s32 @p0 $0x3D;
	[sflag:s31] =	ssyncpa.u1 $0x0  }
0x45: {  	[sflag:s2] =	ssyncpa.u1 @p0 $0x1  }
0x46: {  	[bflag:$0x0] =	sbarrier.arrive @p0 $0xFFFF  }
0x47: {  	_ =	strace @p0 $0x90000047  }
0x48: {  	s3 =	simm.s32 @!p0 $0x1C3D;
	s2 =	simm.s32 @!p0 $0x0;
	[bflag:$0x2] =	sbarrier.arrive @p0 $0xFFFF  }
0x49: {  	[hbm:s1], [sflag:s3] =	dma.local @!p0 [spmem:s2], $0x1880  }
0x4a: {  	s1 =	simm.s32 @!p0 $0x3D  }
0x4b: {  	_ =	swait.ge @!p0 [sflag:s1], $0x1880  }
0x4c: {  	[sflag:s1] =	ssyncset.done @!p0 $0x0  }
0x4d: {  	[sflag:s1] =	ssyncadd.s32 @!p0 $0xFFFFE780  }
0x4e: {  	[sflag:s1] =	ssyncpa.u1 @!p0 $0x1  }
0x4f: {  	[bflag:$0x0] =	sbarrier.arrive @!p0 $0xFFFF  }
0x50: {  	_ =	strace @!p0 $0x90000047  }
0x51: {  	s0 =	sadd.s32 @!p0 $0x100000, s0;
	[bflag:$0x2] =	sbarrier.arrive @!p0 $0xFFFF  }
0x52: {  	[sflag:s0] =	ssyncadd.tile.s32 @!p0 $0x1;
	_ =	shalt  }
.Lfunc_end2:
_tile_overlayer_lowered:
.L_overlay_start_2:
0x53: {  	(tag) =	ssettag $0x2  }
0x54: {  	s0 =	rddreg [dreg:$0x0];
	s2 =	stileid.u32  }
0x55: {  	s1 =	rddreg [dreg:$0x1];
	p0 =	sne.s32 s2, $0x0  }
0x56: {  	s3 =	rddreg [dreg:$0x2];
	[bflag:$0x3] =	sbarrier.arrive $0xFFFF;
	s2 =	simm.s32 @!p0 $0x1C01  }
0x57: {  	[timem:s3], [sflag:s2] =	dma.local @!p0 [hbm:s0], s1  }
0x58: {  	s0 =	simm.s32 @!p0 $0x1  }
0x59: {  	_ =	swait.ge @!p0 [sflag:s0], s1  }
0x5a: {  	s1 =	ssub.s32 @!p0 $0x0, s1;
	[sflag:s0] =	ssyncset.done @!p0 $0x0  }
0x5b: {  	[sflag:s0] =	ssyncadd.s32 @!p0 s1  }
0x5c: {  	[bflag:$0x3] =	sbarrier.arrive $0xFFFF  }
0x5d: {  	_ =	shalt  }

</sc_bundles>
